<compile_context>
chip_gen: v7x
topology: tpu7x:2x2x1
jax: 0.10.2.dev20260603
libtpu: 0.0.44.dev20260713+nightly
codegen_flags: <defaults>
</compile_context>

<pallas_src>
import functools

import jax
import jax.numpy as jnp
from jax import lax
from jax.experimental import pallas as pl
from jax.experimental.pallas import tpu as pltpu
from jax.experimental.pallas import tpu_sc as plsc

N_NODES = 10000
N_EDGES = 320000
NC = 2
NS = 16
NW = NC * NS
CHUNK = 128
EPW = 10240
EPAD = EPW * NW
NCHUNK = EPW // CHUNK
ACC_ROWS = 10240
RPT = ACC_ROWS // NS


def _make_sc_aggregate(d, with_cnt):
  mesh = plsc.VectorSubcoreMesh(
      core_axis_name="c", subcore_axis_name="s",
      num_cores=NC, num_subcores=NS)

  kb = 1 if d == 128 else 4
  nsup = NCHUNK // kb
  assert (nsup - 2) % 6 == 0

  out_type = [jax.ShapeDtypeStruct((NC, ACC_ROWS, d), jnp.float32)]
  scratch = [
      pltpu.VMEM((3, kb, CHUNK), jnp.int32),
      pltpu.VMEM((3, kb, CHUNK), jnp.int32),
      pltpu.VMEM((2, kb * CHUNK, d), jnp.float32),
      pltpu.VMEM_SHARED((ACC_ROWS, d), jnp.float32),
      pltpu.SemaphoreType.DMA,
      pltpu.SemaphoreType.DMA,
      pltpu.SemaphoreType.DMA,
  ]
  if with_cnt:
    out_type.append(jax.ShapeDtypeStruct((NC, ACC_ROWS), jnp.float32))
    scratch += [
        pltpu.VMEM((CHUNK,), jnp.float32),
        pltpu.VMEM_SHARED((ACC_ROWS,), jnp.float32),
        pltpu.SemaphoreType.DMA,
    ]

  @functools.partial(
      pl.kernel, out_type=out_type, mesh=mesh, scratch_types=scratch,
      compiler_params=pltpu.CompilerParams(use_tc_tiling_on_sc=False))
  def agg_kernel(x_hbm, src_hbm, dst_hbm, z2d_hbm, z1d_hbm, ones_hbm, *rest):
    if with_cnt:
      (acc_out, cnt_out, srcv, dstv, rows, acc_s, gsem, isem, ssem, ones,
       cnt_s, csem) = rest
    else:
      acc_out, srcv, dstv, rows, acc_s, gsem, isem, ssem = rest
    c = lax.axis_index("c")
    s = lax.axis_index("s")
    w = c * NS + s
    rbase = pl.multiple_of(s * RPT, 8)

    pltpu.sync_copy(z2d_hbm, acc_s.at[pl.ds(rbase, RPT)])
    if with_cnt:
      pltpu.sync_copy(z1d_hbm, cnt_s.at[pl.ds(rbase, RPT)])
      pltpu.sync_copy(ones_hbm, ones)
    plsc.subcore_barrier()

    wrow = w * NCHUNK

    def idx_desc(sup, islot):
      row = wrow + sup * kb
      return [
          pltpu.make_async_copy(src_hbm.at[pl.ds(row, kb)], srcv.at[islot],
                                isem),
          pltpu.make_async_copy(dst_hbm.at[pl.ds(row, kb)], dstv.at[islot],
                                isem),
      ]

    def idx_start(sup, islot):
      for dsc in idx_desc(sup, islot):
        dsc.start()

    def idx_wait(sup, islot):
      for dsc in idx_desc(sup, islot):
        dsc.wait()

    def gath_desc(islot, slot):
      return [pltpu.make_async_copy(
          x_hbm.at[srcv.at[islot, b]],
          rows.at[slot, pl.ds(b * CHUNK, CHUNK)], gsem) for b in range(kb)]

    def gath_start(islot, slot):
      for dsc in gath_desc(islot, slot):
        dsc.start()

    def gath_wait(islot, slot):
      for dsc in gath_desc(islot, slot):
        dsc.wait()

    def scat_desc(islot, slot):
      out = []
      for b in range(kb):
        out.append(pltpu.make_async_copy(
            rows.at[slot, pl.ds(b * CHUNK, CHUNK)],
            acc_s.at[dstv.at[islot, b]], ssem))
        if with_cnt:
          out.append(pltpu.make_async_copy(
              ones, cnt_s.at[dstv.at[islot, b]], csem))
      return out

    def scat_start(islot, slot):
      for dsc in scat_desc(islot, slot):
        dsc.start(add=True)

    def scat_wait(islot, slot):
      for dsc in scat_desc(islot, slot):
        dsc.wait()

    idx_start(0, 0)
    idx_start(1, 1)
    idx_wait(0, 0)
    gath_start(0, 0)
    idx_start(2, 2)
    idx_wait(1, 1)
    gath_start(1, 1)
    gath_wait(0, 0)
    scat_start(0, 0)

    def stage(i, k):
      scat_wait((k + 2) % 3, (k + 1) % 2)
      idx_start(i + 2, (k + 2) % 3)
      idx_wait(i + 1, (k + 1) % 3)
      gath_start((k + 1) % 3, (k + 1) % 2)
      gath_wait(k % 3, k % 2)
      scat_start(k % 3, k % 2)

    def body(t, carry):
      i0 = t * 6 + 1
      for k in range(6):
        stage(i0 + k, (1 + k) % 6)
      return carry

    lax.fori_loop(0, (nsup - 2) // 6, body, 0)
    idx_wait(nsup, 2)
    scat_wait(0, 0)
    gath_wait(1, 1)
    scat_start(1, 1)
    scat_wait(1, 1)
    plsc.subcore_barrier()

    pltpu.sync_copy(acc_s.at[pl.ds(rbase, RPT)],
                    acc_out.at[c, pl.ds(rbase, RPT)])
    if with_cnt:
      pltpu.sync_copy(cnt_s.at[pl.ds(rbase, RPT)],
                      cnt_out.at[c, pl.ds(rbase, RPT)])

  return agg_kernel


_get_sc_aggregate = functools.lru_cache(maxsize=None)(_make_sc_aggregate)

BLK = 1000


def _tc1_body(a0, a1, c0, c1, xr, wl, bl, wr, w2l, w2r, hp, hq):
  cnt = c0[...] + c1[...]
  inv = 1.0 / jnp.maximum(cnt, 1.0)
  mean = (a0[...] + a1[...]) * inv
  h = jnp.maximum(
      jnp.dot(mean, wl[...], preferred_element_type=jnp.float32) + bl[...]
      + jnp.dot(xr[...], wr[...], preferred_element_type=jnp.float32), 0.0)
  hp[...] = jnp.dot(h, w2l[...], preferred_element_type=jnp.float32)
  hq[...] = jnp.dot(h, w2r[...], preferred_element_type=jnp.float32)


_tc1 = pl.pallas_call(
    _tc1_body,
    grid=(N_NODES // BLK,),
    in_specs=[
        pl.BlockSpec((BLK, 128), lambda i: (i, 0)),
        pl.BlockSpec((BLK, 128), lambda i: (i, 0)),
        pl.BlockSpec((BLK, 1), lambda i: (i, 0)),
        pl.BlockSpec((BLK, 1), lambda i: (i, 0)),
        pl.BlockSpec((BLK, 128), lambda i: (i, 0)),
        pl.BlockSpec((128, 128), lambda i: (0, 0)),
        pl.BlockSpec((1, 128), lambda i: (0, 0)),
        pl.BlockSpec((128, 128), lambda i: (0, 0)),
        pl.BlockSpec((128, 64), lambda i: (0, 0)),
        pl.BlockSpec((128, 64), lambda i: (0, 0)),
    ],
    out_specs=[
        pl.BlockSpec((BLK, 64), lambda i: (i, 0)),
        pl.BlockSpec((BLK, 64), lambda i: (i, 0)),
    ],
    out_shape=[jax.ShapeDtypeStruct((N_NODES, 64), jnp.float32)] * 2,
)


def _tc2_body(a0, a1, c0, c1, hqr, bl, out):
  cnt = c0[...] + c1[...]
  inv = 1.0 / jnp.maximum(cnt, 1.0)
  out[...] = jnp.maximum((a0[...] + a1[...]) * inv + bl[...] + hqr[...], 0.0)


_tc2 = pl.pallas_call(
    _tc2_body,
    grid=(N_NODES // BLK,),
    in_specs=[
        pl.BlockSpec((BLK, 64), lambda i: (i, 0)),
        pl.BlockSpec((BLK, 64), lambda i: (i, 0)),
        pl.BlockSpec((BLK, 1), lambda i: (i, 0)),
        pl.BlockSpec((BLK, 1), lambda i: (i, 0)),
        pl.BlockSpec((BLK, 64), lambda i: (i, 0)),
        pl.BlockSpec((1, 64), lambda i: (0, 0)),
    ],
    out_specs=pl.BlockSpec((BLK, 64), lambda i: (i, 0)),
    out_shape=jax.ShapeDtypeStruct((N_NODES, 64), jnp.float32),
)


@jax.jit
def kernel(x, edge_index, W1l, b1l, W1r, W2l, b2l, W2r):
  src = edge_index[0]
  dst = edge_index[1]
  pad = (NW * NCHUNK + 8) * CHUNK - N_EDGES
  srcp = jnp.concatenate([src, jnp.zeros((pad,), jnp.int32)])
  srcp = srcp.reshape(NW * NCHUNK + 8, CHUNK)
  dstp = jnp.concatenate([dst, jnp.full((pad,), N_NODES, jnp.int32)])
  dstp = dstp.reshape(NW * NCHUNK + 8, CHUNK)
  z2d128 = jnp.zeros((RPT, 128), jnp.float32)
  z2d64 = jnp.zeros((RPT, 64), jnp.float32)
  z1d = jnp.zeros((RPT,), jnp.float32)
  ones1 = jnp.ones((CHUNK,), jnp.float32)

  aggp1, cntp = _get_sc_aggregate(128, True)(x, srcp, dstp, z2d128, z1d, ones1)
  cnt0 = cntp[0, :N_NODES, None]
  cnt1 = cntp[1, :N_NODES, None]
  hp, hq = _tc1(aggp1[0, :N_NODES], aggp1[1, :N_NODES], cnt0, cnt1, x,
                W1l.T, b1l[None, :], W1r.T, W2l.T, W2r.T)

  res2 = _get_sc_aggregate(64, False)(hp, srcp, dstp, z2d64, z1d, ones1)
  aggp2 = res2[0] if isinstance(res2, (list, tuple)) else res2
  out = _tc2(aggp2[0, :N_NODES], aggp2[1, :N_NODES], cnt0, cnt1, hq,
             b2l[None, :])
  return out

# --- scband reference (transcript-rebuilt; emitter-appended) ---
"""Pipeline reference for scband-graph-sage-32719060861012 (READ-ONLY COPY).

The authoritative reference and input builder live on the scoring server;
editing this copy changes nothing except your own understanding.
"""

import jax, jax.numpy as jnp
import numpy as np

N = 10000
E = 320000
D_IN = 128
HID = 64  # hidden_dim -> conv1 out = 2*HID = 128, conv2 out = HID = 64
H1 = 2 * HID


def setup_inputs(seed: int = 0) -> dict:
    key = jax.random.key(seed)
    ks = jax.random.split(key, 10)
    x = jax.random.normal(ks[0], (N, D_IN), dtype=jnp.float32)
    edge_index = jax.random.randint(ks[1], (2, E), 0, N, dtype=jnp.int32)
    # SAGEConv params: lin_l (applied to aggregated neighbors, with bias), lin_r (root, no bias)
    W1l = jax.random.normal(ks[2], (H1, D_IN), dtype=jnp.float32) / np.sqrt(D_IN)
    b1l = jnp.zeros((H1,), dtype=jnp.float32)
    W1r = jax.random.normal(ks[3], (H1, D_IN), dtype=jnp.float32) / np.sqrt(D_IN)
    W2l = jax.random.normal(ks[4], (HID, H1), dtype=jnp.float32) / np.sqrt(H1)
    b2l = jnp.zeros((HID,), dtype=jnp.float32)
    W2r = jax.random.normal(ks[5], (HID, H1), dtype=jnp.float32) / np.sqrt(H1)
    return {"x": x, "edge_index": edge_index, "W1l": W1l, "b1l": b1l, "W1r": W1r,
            "W2l": W2l, "b2l": b2l, "W2r": W2r}


def _sage_conv(x, edge_index, Wl, bl, Wr):
    # PyG SAGEConv, aggr='mean': out = lin_l(mean_{j in N(i)} x_j) + lin_r(x_i)
    src = edge_index[0]
    dst = edge_index[1]
    msg = jnp.take(x, src, axis=0)                                    # gather  [E, d]
    agg = jax.ops.segment_sum(msg, dst, num_segments=N)               # scatter-add [N, d]
    cnt = jax.ops.segment_sum(jnp.ones((edge_index.shape[1],), x.dtype), dst, num_segments=N)
    mean = agg / jnp.clip(cnt, 1.0)[:, None]
    return mean @ Wl.T + bl + x @ Wr.T


def reference(x, edge_index, W1l, b1l, W1r, W2l, b2l, W2r):
    h = jax.nn.relu(_sage_conv(x, edge_index, W1l, b1l, W1r))
    # dropout is identity in eval/reference mode
    out = jax.nn.relu(_sage_conv(h, edge_index, W2l, b2l, W2r))
    return out

if __name__ == "__main__":
    import jax
    _d = setup_inputs()
    print(jax.jit(kernel)(*tuple(_d.values())))

</pallas_src>

<mosaic_0001>
#map = affine_map<(d0, d1) -> (0, 0)>
#map1 = affine_map<(d0, d1) -> (0)>
#map2 = affine_map<(d0, d1) -> (0, 0, 0)>
module attributes {stable_mosaic.version = 14 : i64} {
  func.func @agg_kernel(%arg0: i32, %arg1: i32, %arg2: memref<10000x64xf32, #tpu.memory_space<hbm>>, %arg3: memref<2568x128xi32, #tpu.memory_space<hbm>>, %arg4: memref<2568x128xi32, #tpu.memory_space<hbm>>, %arg5: memref<640x64xf32, #tpu.memory_space<hbm>>, %arg6: memref<640xf32, #tpu.memory_space<hbm>>, %arg7: memref<128xf32, #tpu.memory_space<hbm>>, %arg8: memref<2x10240x64xf32, #tpu.memory_space<hbm>>, %arg9: memref<3x4x128xi32, #tpu.memory_space<vmem>>, %arg10: memref<3x4x128xi32, #tpu.memory_space<vmem>>, %arg11: memref<2x512x64xf32, #tpu.memory_space<vmem>>, %arg12: memref<10240x64xf32, #tpu.memory_space<vmem_shared>>, %arg13: memref<!tpu.dma_semaphore, #tpu.memory_space<semaphore_mem>>, %arg14: memref<!tpu.dma_semaphore, #tpu.memory_space<semaphore_mem>>, %arg15: memref<!tpu.dma_semaphore, #tpu.memory_space<semaphore_mem>>) attributes {dimension_semantics = [#tpu.dimension_semantics<core_parallel>, #tpu.dimension_semantics<subcore_parallel>], iteration_bounds = array<i64: 2, 16>, scalar_prefetch = 0 : i64, scratch_operands = 7 : i64, tpu.core_type = #tpu.core_type<sc_vector_subcore>, window_params = [{transform_indices = #map}, {transform_indices = #map}, {transform_indices = #map}, {transform_indices = #map}, {transform_indices = #map1}, {transform_indices = #map1}, {transform_indices = #map2}]} {
    %mul3A = arith.constant 16 : i32
    %mul3A_0 = arith.muli %arg0, %mul3A : i32
    %add3A = arith.addi %mul3A_0, %arg1 : i32
    %mul3A_1 = arith.constant 640 : i32
    %mul3A_2 = arith.muli %arg1, %mul3A_1 : i32
    %multiple_of3A = tpu.assume_multiple %mul3A_2, 8 : i32
    "tpu.region"() ({
      %run_scoped3A = tpu.sem_alloc : memref<!tpu.dma_semaphore, #tpu.memory_space<semaphore_mem>>
      %dma_start3A_593 = arith.constant 0 : i32
      %dma_start3A_594 = tpu.memref_slice %arg12[%multiple_of3A, %dma_start3A_593] : memref<10240x64xf32, #tpu.memory_space<vmem_shared>> -> memref<640x64xf32, #tpu.memory_space<vmem_shared>>
      tpu.enqueue_dma source(%arg5 : memref<640x64xf32, #tpu.memory_space<hbm>>) target(%dma_start3A_594 : memref<640x64xf32, #tpu.memory_space<vmem_shared>>) target_semaphore(%run_scoped3A : memref<!tpu.dma_semaphore, #tpu.memory_space<semaphore_mem>>)
      %dma_wait3A_595 = arith.constant 0 : i32
      %dma_wait3A_596 = tpu.memref_slice %arg12[%multiple_of3A, %dma_wait3A_595] : memref<10240x64xf32, #tpu.memory_space<vmem_shared>> -> memref<640x64xf32, #tpu.memory_space<vmem_shared>>
      tpu.wait_dma2 semaphore(%run_scoped3A : memref<!tpu.dma_semaphore, #tpu.memory_space<semaphore_mem>>) src(%arg5 : memref<640x64xf32, #tpu.memory_space<hbm>>) dst(%dma_wait3A_596 : memref<640x64xf32, #tpu.memory_space<vmem_shared>>)
      tpu.yield
    }) : () -> ()
    %barrier3A = arith.constant 0 : index
    tpu.barrier barrier_id(%barrier3A)
    %mul3A_3 = arith.constant 80 : i32
    %mul3A_4 = arith.muli %add3A, %mul3A_3 : i32
    %add3A_5 = arith.constant 0 : i32
    %add3A_6 = arith.addi %mul3A_4, %add3A_5 : i32
    %dma_start3A = arith.constant 0 : i32
    %dma_start3A_7 = arith.constant 0 : i32
    %dma_start3A_8 = arith.constant 0 : i32
    %dma_start3A_9 = tpu.memref_slice %arg9[%dma_start3A, %dma_start3A_7, %dma_start3A_8] : memref<3x4x128xi32, #tpu.memory_space<vmem>> -> memref<1x4x128xi32, #tpu.memory_space<vmem>>
    %dma_start3A_10 = tpu.memref_squeeze %dma_start3A_9 : memref<1x4x128xi32, #tpu.memory_space<vmem>> -> memref<4x128xi32, #tpu.memory_space<vmem>>
    %dma_start3A_11 = arith.constant 0 : i32
    %dma_start3A_12 = tpu.memref_slice %arg3[%add3A_6, %dma_start3A_11] : memref<2568x128xi32, #tpu.memory_space<hbm>> -> memref<4x128xi32, #tpu.memory_space<hbm>>
    %dma_start3A_13 = arith.constant 0 : i32
    %dma_start3A_14 = arith.constant 0 : i32
    %dma_start3A_15 = tpu.memref_slice %arg9[%dma_start3A, %dma_start3A_13, %dma_start3A_14] : memref<3x4x128xi32, #tpu.memory_space<vmem>> -> memref<1x4x128xi32, #tpu.memory_space<vmem>>
    %dma_start3A_16 = tpu.memref_squeeze %dma_start3A_15 : memref<1x4x128xi32, #tpu.memory_space<vmem>> -> memref<4x128xi32, #tpu.memory_space<vmem>>
    %dma_start3A_17 = arith.constant 0 : i32
    %dma_start3A_18 = tpu.memref_slice %arg3[%add3A_6, %dma_start3A_17] : memref<2568x128xi32, #tpu.memory_space<hbm>> -> memref<4x128xi32, #tpu.memory_space<hbm>>
    tpu.enqueue_dma source(%dma_start3A_18 : memref<4x128xi32, #tpu.memory_space<hbm>>) target(%dma_start3A_16 : memref<4x128xi32, #tpu.memory_space<vmem>>) target_semaphore(%arg14 : memref<!tpu.dma_semaphore, #tpu.memory_space<semaphore_mem>>)
    %dma_start3A_19 = arith.constant 0 : i32
    %dma_start3A_20 = arith.constant 0 : i32
    %dma_start3A_21 = arith.constant 0 : i32
    %dma_start3A_22 = tpu.memref_slice %arg10[%dma_start3A_19, %dma_start3A_20, %dma_start3A_21] : memref<3x4x128xi32, #tpu.memory_space<vmem>> -> memref<1x4x128xi32, #tpu.memory_space<vmem>>
    %dma_start3A_23 = tpu.memref_squeeze %dma_start3A_22 : memref<1x4x128xi32, #tpu.memory_space<vmem>> -> memref<4x128xi32, #tpu.memory_space<vmem>>
    %dma_start3A_24 = arith.constant 0 : i32
    %dma_start3A_25 = tpu.memref_slice %arg4[%add3A_6, %dma_start3A_24] : memref<2568x128xi32, #tpu.memory_space<hbm>> -> memref<4x128xi32, #tpu.memory_space<hbm>>
    %dma_start3A_26 = arith.constant 0 : i32
    %dma_start3A_27 = arith.constant 0 : i32
    %dma_start3A_28 = tpu.memref_slice %arg10[%dma_start3A_19, %dma_start3A_26, %dma_start3A_27] : memref<3x4x128xi32, #tpu.memory_space<vmem>> -> memref<1x4x128xi32, #tpu.memory_space<vmem>>
    %dma_start3A_29 = tpu.memref_squeeze %dma_start3A_28 : memref<1x4x128xi32, #tpu.memory_space<vmem>> -> memref<4x128xi32, #tpu.memory_space<vmem>>
    %dma_start3A_30 = arith.constant 0 : i32
    %dma_start3A_31 = tpu.memref_slice %arg4[%add3A_6, %dma_start3A_30] : memref<2568x128xi32, #tpu.memory_space<hbm>> -> memref<4x128xi32, #tpu.memory_space<hbm>>
    tpu.enqueue_dma source(%dma_start3A_31 : memref<4x128xi32, #tpu.memory_space<hbm>>) target(%dma_start3A_29 : memref<4x128xi32, #tpu.memory_space<vmem>>) target_semaphore(%arg14 : memref<!tpu.dma_semaphore, #tpu.memory_space<semaphore_mem>>)
    %add3A_32 = arith.constant 4 : i32
    %add3A_33 = arith.addi %mul3A_4, %add3A_32 : i32
    %dma_start3A_34 = arith.constant 1 : i32
    %dma_start3A_35 = arith.constant 0 : i32
    %dma_start3A_36 = arith.constant 0 : i32
    %dma_start3A_37 = tpu.memref_slice %arg9[%dma_start3A_34, %dma_start3A_35, %dma_start3A_36] : memref<3x4x128xi32, #tpu.memory_space<vmem>> -> memref<1x4x128xi32, #tpu.memory_space<vmem>>
    %dma_start3A_38 = tpu.memref_squeeze %dma_start3A_37 : memref<1x4x128xi32, #tpu.memory_space<vmem>> -> memref<4x128xi32, #tpu.memory_space<vmem>>
    %dma_start3A_39 = arith.constant 0 : i32
    %dma_start3A_40 = tpu.memref_slice %arg3[%add3A_33, %dma_start3A_39] : memref<2568x128xi32, #tpu.memory_space<hbm>> -> memref<4x128xi32, #tpu.memory_space<hbm>>
    %dma_start3A_41 = arith.constant 0 : i32
    %dma_start3A_42 = arith.constant 0 : i32
    %dma_start3A_43 = tpu.memref_slice %arg9[%dma_start3A_34, %dma_start3A_41, %dma_start3A_42] : memref<3x4x128xi32, #tpu.memory_space<vmem>> -> memref<1x4x128xi32, #tpu.memory_space<vmem>>
    %dma_start3A_44 = tpu.memref_squeeze %dma_start3A_43 : memref<1x4x128xi32, #tpu.memory_space<vmem>> -> memref<4x128xi32, #tpu.memory_space<vmem>>
    %dma_start3A_45 = arith.constant 0 : i32
    %dma_start3A_46 = tpu.memref_slice %arg3[%add3A_33, %dma_start3A_45] : memref<2568x128xi32, #tpu.memory_space<hbm>> -> memref<4x128xi32, #tpu.memory_space<hbm>>
    tpu.enqueue_dma source(%dma_start3A_46 : memref<4x128xi32, #tpu.memory_space<hbm>>) target(%dma_start3A_44 : memref<4x128xi32, #tpu.memory_space<vmem>>) target_semaphore(%arg14 : memref<!tpu.dma_semaphore, #tpu.memory_space<semaphore_mem>>)
    %dma_start3A_47 = arith.constant 1 : i32
    %dma_start3A_48 = arith.constant 0 : i32
    %dma_start3A_49 = arith.constant 0 : i32
    %dma_start3A_50 = tpu.memref_slice %arg10[%dma_start3A_47, %dma_start3A_48, %dma_start3A_49] : memref<3x4x128xi32, #tpu.memory_space<vmem>> -> memref<1x4x128xi32, #tpu.memory_space<vmem>>
    %dma_start3A_51 = tpu.memref_squeeze %dma_start3A_50 : memref<1x4x128xi32, #tpu.memory_space<vmem>> -> memref<4x128xi32, #tpu.memory_space<vmem>>
    %dma_start3A_52 = arith.constant 0 : i32
    %dma_start3A_53 = tpu.memref_slice %arg4[%add3A_33, %dma_start3A_52] : memref<2568x128xi32, #tpu.memory_space<hbm>> -> memref<4x128xi32, #tpu.memory_space<hbm>>
    %dma_start3A_54 = arith.constant 0 : i32
    %dma_start3A_55 = arith.constant 0 : i32
    %dma_start3A_56 = tpu.memref_slice %arg10[%dma_start3A_47, %dma_start3A_54, %dma_start3A_55] : memref<3x4x128xi32, #tpu.memory_space<vmem>> -> memref<1x4x128xi32, #tpu.memory_space<vmem>>
    %dma_start3A_57 = tpu.memref_squeeze %dma_start3A_56 : memref<1x4x128xi32, #tpu.memory_space<vmem>> -> memref<4x128xi32, #tpu.memory_space<vmem>>
    %dma_start3A_58 = arith.constant 0 : i32
    %dma_start3A_59 = tpu.memref_slice %arg4[%add3A_33, %dma_start3A_58] : memref<2568x128xi32, #tpu.memory_space<hbm>> -> memref<4x128xi32, #tpu.memory_space<hbm>>
    tpu.enqueue_dma source(%dma_start3A_59 : memref<4x128xi32, #tpu.memory_space<hbm>>) target(%dma_start3A_57 : memref<4x128xi32, #tpu.memory_space<vmem>>) target_semaphore(%arg14 : memref<!tpu.dma_semaphore, #tpu.memory_space<semaphore_mem>>)
    %add3A_60 = arith.constant 0 : i32
    %add3A_61 = arith.addi %mul3A_4, %add3A_60 : i32
    %dma_wait3A = arith.constant 0 : i32
    %dma_wait3A_62 = arith.constant 0 : i32
    %dma_wait3A_63 = arith.constant 0 : i32
    %dma_wait3A_64 = tpu.memref_slice %arg9[%dma_wait3A, %dma_wait3A_62, %dma_wait3A_63] : memref<3x4x128xi32, #tpu.memory_space<vmem>> -> memref<1x4x128xi32, #tpu.memory_space<vmem>>
    %dma_wait3A_65 = tpu.memref_squeeze %dma_wait3A_64 : memref<1x4x128xi32, #tpu.memory_space<vmem>> -> memref<4x128xi32, #tpu.memory_space<vmem>>
    %dma_wait3A_66 = arith.constant 0 : i32
    %dma_wait3A_67 = tpu.memref_slice %arg3[%add3A_61, %dma_wait3A_66] : memref<2568x128xi32, #tpu.memory_space<hbm>> -> memref<4x128xi32, #tpu.memory_space<hbm>>
    %dma_wait3A_68 = arith.constant 0 : i32
    %dma_wait3A_69 = arith.constant 0 : i32
    %dma_wait3A_70 = tpu.memref_slice %arg9[%dma_wait3A, %dma_wait3A_68, %dma_wait3A_69] : memref<3x4x128xi32, #tpu.memory_space<vmem>> -> memref<1x4x128xi32, #tpu.memory_space<vmem>>
    %dma_wait3A_71 = tpu.memref_squeeze %dma_wait3A_70 : memref<1x4x128xi32, #tpu.memory_space<vmem>> -> memref<4x128xi32, #tpu.memory_space<vmem>>
    %dma_wait3A_72 = arith.constant 0 : i32
    %dma_wait3A_73 = tpu.memref_slice %arg3[%add3A_61, %dma_wait3A_72] : memref<2568x128xi32, #tpu.memory_space<hbm>> -> memref<4x128xi32, #tpu.memory_space<hbm>>
    tpu.wait_dma2 semaphore(%arg14 : memref<!tpu.dma_semaphore, #tpu.memory_space<semaphore_mem>>) src(%dma_wait3A_73 : memref<4x128xi32, #tpu.memory_space<hbm>>) dst(%dma_wait3A_71 : memref<4x128xi32, #tpu.memory_space<vmem>>)
    %dma_wait3A_74 = arith.constant 0 : i32
    %dma_wait3A_75 = arith.constant 0 : i32
    %dma_wait3A_76 = arith.constant 0 : i32
    %dma_wait3A_77 = tpu.memref_slice %arg10[%dma_wait3A_74, %dma_wait3A_75, %dma_wait3A_76] : memref<3x4x128xi32, #tpu.memory_space<vmem>> -> memref<1x4x128xi32, #tpu.memory_space<vmem>>
    %dma_wait3A_78 = tpu.memref_squeeze %dma_wait3A_77 : memref<1x4x128xi32, #tpu.memory_space<vmem>> -> memref<4x128xi32, #tpu.memory_space<vmem>>
    %dma_wait3A_79 = arith.constant 0 : i32
    %dma_wait3A_80 = tpu.memref_slice %arg4[%add3A_61, %dma_wait3A_79] : memref<2568x128xi32, #tpu.memory_space<hbm>> -> memref<4x128xi32, #tpu.memory_space<hbm>>
    %dma_wait3A_81 = arith.constant 0 : i32
    %dma_wait3A_82 = arith.constant 0 : i32
    %dma_wait3A_83 = tpu.memref_slice %arg10[%dma_wait3A_74, %dma_wait3A_81, %dma_wait3A_82] : memref<3x4x128xi32, #tpu.memory_space<vmem>> -> memref<1x4x128xi32, #tpu.memory_space<vmem>>
    %dma_wait3A_84 = tpu.memref_squeeze %dma_wait3A_83 : memref<1x4x128xi32, #tpu.memory_space<vmem>> -> memref<4x128xi32, #tpu.memory_space<vmem>>
    %dma_wait3A_85 = arith.constant 0 : i32
    %dma_wait3A_86 = tpu.memref_slice %arg4[%add3A_61, %dma_wait3A_85] : memref<2568x128xi32, #tpu.memory_space<hbm>> -> memref<4x128xi32, #tpu.memory_space<hbm>>
    tpu.wait_dma2 semaphore(%arg14 : memref<!tpu.dma_semaphore, #tpu.memory_space<semaphore_mem>>) src(%dma_wait3A_86 : memref<4x128xi32, #tpu.memory_space<hbm>>) dst(%dma_wait3A_84 : memref<4x128xi32, #tpu.memory_space<vmem>>)
    %dma_start3A_87 = arith.constant 0 : i32
    %dma_start3A_88 = arith.constant 0 : i32
    %dma_start3A_89 = arith.constant 0 : i32
    %dma_start3A_90 = arith.constant 0 : i32
    %dma_start3A_91 = arith.constant 0 : i32
    %dma_start3A_92 = tpu.memref_slice %arg11[%dma_start3A_89, %dma_start3A_90, %dma_start3A_91] : memref<2x512x64xf32, #tpu.memory_space<vmem>> -> memref<1x128x64xf32, #tpu.memory_space<vmem>>
    %dma_start3A_93 = tpu.memref_squeeze %dma_start3A_92 : memref<1x128x64xf32, #tpu.memory_space<vmem>> -> memref<128x64xf32, #tpu.memory_space<vmem>>
    %dma_start3A_94 = arith.constant 0 : i32
    %dma_start3A_95 = tpu.memref_slice %arg9[%dma_start3A_87, %dma_start3A_88, %dma_start3A_94] : memref<3x4x128xi32, #tpu.memory_space<vmem>> -> memref<1x1x128xi32, #tpu.memory_space<vmem>>
    %dma_start3A_96 = tpu.memref_squeeze %dma_start3A_95 : memref<1x1x128xi32, #tpu.memory_space<vmem>> -> memref<128xi32, #tpu.memory_space<vmem>>
    %dma_start3A_97 = arith.constant 0 : i32
    %dma_start3A_98 = arith.constant 0 : i32
    %dma_start3A_99 = tpu.memref_slice %arg2[%dma_start3A_97, %dma_start3A_98] : memref<10000x64xf32, #tpu.memory_space<hbm>> -> memref<10000x64xf32, #tpu.memory_space<hbm>>
    tpu.enqueue_indirect_dma source(%dma_start3A_99 : memref<10000x64xf32, #tpu.memory_space<hbm>>) target(%dma_start3A_93 : memref<128x64xf32, #tpu.memory_space<vmem>>) offsets(%dma_start3A_96 : memref<128xi32, #tpu.memory_space<vmem>>) semaphore(%arg13 : memref<!tpu.dma_semaphore, #tpu.memory_space<semaphore_mem>>)
    %dma_start3A_100 = arith.constant 0 : i32
    %dma_start3A_101 = arith.constant 1 : i32
    %dma_start3A_102 = arith.constant 0 : i32
    %dma_start3A_103 = arith.constant 128 : i32
    %dma_start3A_104 = arith.constant 0 : i32
    %dma_start3A_105 = tpu.memref_slice %arg11[%dma_start3A_102, %dma_start3A_103, %dma_start3A_104] : memref<2x512x64xf32, #tpu.memory_space<vmem>> -> memref<1x128x64xf32, #tpu.memory_space<vmem>>
    %dma_start3A_106 = tpu.memref_squeeze %dma_start3A_105 : memref<1x128x64xf32, #tpu.memory_space<vmem>> -> memref<128x64xf32, #tpu.memory_space<vmem>>
    %dma_start3A_107 = arith.constant 0 : i32
    %dma_start3A_108 = tpu.memref_slice %arg9[%dma_start3A_100, %dma_start3A_101, %dma_start3A_107] : memref<3x4x128xi32, #tpu.memory_space<vmem>> -> memref<1x1x128xi32, #tpu.memory_space<vmem>>
    %dma_start3A_109 = tpu.memref_squeeze %dma_start3A_108 : memref<1x1x128xi32, #tpu.memory_space<vmem>> -> memref<128xi32, #tpu.memory_space<vmem>>
    %dma_start3A_110 = arith.constant 0 : i32
    %dma_start3A_111 = arith.constant 0 : i32
    %dma_start3A_112 = tpu.memref_slice %arg2[%dma_start3A_110, %dma_start3A_111] : memref<10000x64xf32, #tpu.memory_space<hbm>> -> memref<10000x64xf32, #tpu.memory_space<hbm>>
    tpu.enqueue_indirect_dma source(%dma_start3A_112 : memref<10000x64xf32, #tpu.memory_space<hbm>>) target(%dma_start3A_106 : memref<128x64xf32, #tpu.memory_space<vmem>>) offsets(%dma_start3A_109 : memref<128xi32, #tpu.memory_space<vmem>>) semaphore(%arg13 : memref<!tpu.dma_semaphore, #tpu.memory_space<semaphore_mem>>)
    %dma_start3A_113 = arith.constant 0 : i32
    %dma_start3A_114 = arith.constant 2 : i32
    %dma_start3A_115 = arith.constant 0 : i32
    %dma_start3A_116 = arith.constant 256 : i32
    %dma_start3A_117 = arith.constant 0 : i32
    %dma_start3A_118 = tpu.memref_slice %arg11[%dma_start3A_115, %dma_start3A_116, %dma_start3A_117] : memref<2x512x64xf32, #tpu.memory_space<vmem>> -> memref<1x128x64xf32, #tpu.memory_space<vmem>>
    %dma_start3A_119 = tpu.memref_squeeze %dma_start3A_118 : memref<1x128x64xf32, #tpu.memory_space<vmem>> -> memref<128x64xf32, #tpu.memory_space<vmem>>
    %dma_start3A_120 = arith.constant 0 : i32
    %dma_start3A_121 = tpu.memref_slice %arg9[%dma_start3A_113, %dma_start3A_114, %dma_start3A_120] : memref<3x4x128xi32, #tpu.memory_space<vmem>> -> memref<1x1x128xi32, #tpu.memory_space<vmem>>
    %dma_start3A_122 = tpu.memref_squeeze %dma_start3A_121 : memref<1x1x128xi32, #tpu.memory_space<vmem>> -> memref<128xi32, #tpu.memory_space<vmem>>
    %dma_start3A_123 = arith.constant 0 : i32
    %dma_start3A_124 = arith.constant 0 : i32
    %dma_start3A_125 = tpu.memref_slice %arg2[%dma_start3A_123, %dma_start3A_124] : memref<10000x64xf32, #tpu.memory_space<hbm>> -> memref<10000x64xf32, #tpu.memory_space<hbm>>
    tpu.enqueue_indirect_dma source(%dma_start3A_125 : memref<10000x64xf32, #tpu.memory_space<hbm>>) target(%dma_start3A_119 : memref<128x64xf32, #tpu.memory_space<vmem>>) offsets(%dma_start3A_122 : memref<128xi32, #tpu.memory_space<vmem>>) semaphore(%arg13 : memref<!tpu.dma_semaphore, #tpu.memory_space<semaphore_mem>>)
    %dma_start3A_126 = arith.constant 0 : i32
    %dma_start3A_127 = arith.constant 3 : i32
    %dma_start3A_128 = arith.constant 0 : i32
    %dma_start3A_129 = arith.constant 384 : i32
    %dma_start3A_130 = arith.constant 0 : i32
    %dma_start3A_131 = tpu.memref_slice %arg11[%dma_start3A_128, %dma_start3A_129, %dma_start3A_130] : memref<2x512x64xf32, #tpu.memory_space<vmem>> -> memref<1x128x64xf32, #tpu.memory_space<vmem>>
    %dma_start3A_132 = tpu.memref_squeeze %dma_start3A_131 : memref<1x128x64xf32, #tpu.memory_space<vmem>> -> memref<128x64xf32, #tpu.memory_space<vmem>>
    %dma_start3A_133 = arith.constant 0 : i32
    %dma_start3A_134 = tpu.memref_slice %arg9[%dma_start3A_126, %dma_start3A_127, %dma_start3A_133] : memref<3x4x128xi32, #tpu.memory_space<vmem>> -> memref<1x1x128xi32, #tpu.memory_space<vmem>>
    %dma_start3A_135 = tpu.memref_squeeze %dma_start3A_134 : memref<1x1x128xi32, #tpu.memory_space<vmem>> -> memref<128xi32, #tpu.memory_space<vmem>>
    %dma_start3A_136 = arith.constant 0 : i32
    %dma_start3A_137 = arith.constant 0 : i32
    %dma_start3A_138 = tpu.memref_slice %arg2[%dma_start3A_136, %dma_start3A_137] : memref<10000x64xf32, #tpu.memory_space<hbm>> -> memref<10000x64xf32, #tpu.memory_space<hbm>>
    tpu.enqueue_indirect_dma source(%dma_start3A_138 : memref<10000x64xf32, #tpu.memory_space<hbm>>) target(%dma_start3A_132 : memref<128x64xf32, #tpu.memory_space<vmem>>) offsets(%dma_start3A_135 : memref<128xi32, #tpu.memory_space<vmem>>) semaphore(%arg13 : memref<!tpu.dma_semaphore, #tpu.memory_space<semaphore_mem>>)
    %add3A_139 = arith.constant 8 : i32
    %add3A_140 = arith.addi %mul3A_4, %add3A_139 : i32
    %dma_start3A_141 = arith.constant 2 : i32
    %dma_start3A_142 = arith.constant 0 : i32
    %dma_start3A_143 = arith.constant 0 : i32
    %dma_start3A_144 = tpu.memref_slice %arg9[%dma_start3A_141, %dma_start3A_142, %dma_start3A_143] : memref<3x4x128xi32, #tpu.memory_space<vmem>> -> memref<1x4x128xi32, #tpu.memory_space<vmem>>
    %dma_start3A_145 = tpu.memref_squeeze %dma_start3A_144 : memref<1x4x128xi32, #tpu.memory_space<vmem>> -> memref<4x128xi32, #tpu.memory_space<vmem>>
    %dma_start3A_146 = arith.constant 0 : i32
    %dma_start3A_147 = tpu.memref_slice %arg3[%add3A_140, %dma_start3A_146] : memref<2568x128xi32, #tpu.memory_space<hbm>> -> memref<4x128xi32, #tpu.memory_space<hbm>>
    %dma_start3A_148 = arith.constant 0 : i32
    %dma_start3A_149 = arith.constant 0 : i32
    %dma_start3A_150 = tpu.memref_slice %arg9[%dma_start3A_141, %dma_start3A_148, %dma_start3A_149] : memref<3x4x128xi32, #tpu.memory_space<vmem>> -> memref<1x4x128xi32, #tpu.memory_space<vmem>>
    %dma_start3A_151 = tpu.memref_squeeze %dma_start3A_150 : memref<1x4x128xi32, #tpu.memory_space<vmem>> -> memref<4x128xi32, #tpu.memory_space<vmem>>
    %dma_start3A_152 = arith.constant 0 : i32
    %dma_start3A_153 = tpu.memref_slice %arg3[%add3A_140, %dma_start3A_152] : memref<2568x128xi32, #tpu.memory_space<hbm>> -> memref<4x128xi32, #tpu.memory_space<hbm>>
    tpu.enqueue_dma source(%dma_start3A_153 : memref<4x128xi32, #tpu.memory_space<hbm>>) target(%dma_start3A_151 : memref<4x128xi32, #tpu.memory_space<vmem>>) target_semaphore(%arg14 : memref<!tpu.dma_semaphore, #tpu.memory_space<semaphore_mem>>)
    %dma_start3A_154 = arith.constant 2 : i32
    %dma_start3A_155 = arith.constant 0 : i32
    %dma_start3A_156 = arith.constant 0 : i32
    %dma_start3A_157 = tpu.memref_slice %arg10[%dma_start3A_154, %dma_start3A_155, %dma_start3A_156] : memref<3x4x128xi32, #tpu.memory_space<vmem>> -> memref<1x4x128xi32, #tpu.memory_space<vmem>>
    %dma_start3A_158 = tpu.memref_squeeze %dma_start3A_157 : memref<1x4x128xi32, #tpu.memory_space<vmem>> -> memref<4x128xi32, #tpu.memory_space<vmem>>
    %dma_start3A_159 = arith.constant 0 : i32
    %dma_start3A_160 = tpu.memref_slice %arg4[%add3A_140, %dma_start3A_159] : memref<2568x128xi32, #tpu.memory_space<hbm>> -> memref<4x128xi32, #tpu.memory_space<hbm>>
    %dma_start3A_161 = arith.constant 0 : i32
    %dma_start3A_162 = arith.constant 0 : i32
    %dma_start3A_163 = tpu.memref_slice %arg10[%dma_start3A_154, %dma_start3A_161, %dma_start3A_162] : memref<3x4x128xi32, #tpu.memory_space<vmem>> -> memref<1x4x128xi32, #tpu.memory_space<vmem>>
    %dma_start3A_164 = tpu.memref_squeeze %dma_start3A_163 : memref<1x4x128xi32, #tpu.memory_space<vmem>> -> memref<4x128xi32, #tpu.memory_space<vmem>>
    %dma_start3A_165 = arith.constant 0 : i32
    %dma_start3A_166 = tpu.memref_slice %arg4[%add3A_140, %dma_start3A_165] : memref<2568x128xi32, #tpu.memory_space<hbm>> -> memref<4x128xi32, #tpu.memory_space<hbm>>
    tpu.enqueue_dma source(%dma_start3A_166 : memref<4x128xi32, #tpu.memory_space<hbm>>) target(%dma_start3A_164 : memref<4x128xi32, #tpu.memory_space<vmem>>) target_semaphore(%arg14 : memref<!tpu.dma_semaphore, #tpu.memory_space<semaphore_mem>>)
    %add3A_167 = arith.constant 4 : i32
    %add3A_168 = arith.addi %mul3A_4, %add3A_167 : i32
    %dma_wait3A_169 = arith.constant 1 : i32
    %dma_wait3A_170 = arith.constant 0 : i32
    %dma_wait3A_171 = arith.constant 0 : i32
    %dma_wait3A_172 = tpu.memref_slice %arg9[%dma_wait3A_169, %dma_wait3A_170, %dma_wait3A_171] : memref<3x4x128xi32, #tpu.memory_space<vmem>> -> memref<1x4x128xi32, #tpu.memory_space<vmem>>
    %dma_wait3A_173 = tpu.memref_squeeze %dma_wait3A_172 : memref<1x4x128xi32, #tpu.memory_space<vmem>> -> memref<4x128xi32, #tpu.memory_space<vmem>>
    %dma_wait3A_174 = arith.constant 0 : i32
    %dma_wait3A_175 = tpu.memref_slice %arg3[%add3A_168, %dma_wait3A_174] : memref<2568x128xi32, #tpu.memory_space<hbm>> -> memref<4x128xi32, #tpu.memory_space<hbm>>
    %dma_wait3A_176 = arith.constant 0 : i32
    %dma_wait3A_177 = arith.constant 0 : i32
    %dma_wait3A_178 = tpu.memref_slice %arg9[%dma_wait3A_169, %dma_wait3A_176, %dma_wait3A_177] : memref<3x4x128xi32, #tpu.memory_space<vmem>> -> memref<1x4x128xi32, #tpu.memory_space<vmem>>
    %dma_wait3A_179 = tpu.memref_squeeze %dma_wait3A_178 : memref<1x4x128xi32, #tpu.memory_space<vmem>> -> memref<4x128xi32, #tpu.memory_space<vmem>>
    %dma_wait3A_180 = arith.constant 0 : i32
    %dma_wait3A_181 = tpu.memref_slice %arg3[%add3A_168, %dma_wait3A_180] : memref<2568x128xi32, #tpu.memory_space<hbm>> -> memref<4x128xi32, #tpu.memory_space<hbm>>
    tpu.wait_dma2 semaphore(%arg14 : memref<!tpu.dma_semaphore, #tpu.memory_space<semaphore_mem>>) src(%dma_wait3A_181 : memref<4x128xi32, #tpu.memory_space<hbm>>) dst(%dma_wait3A_179 : memref<4x128xi32, #tpu.memory_space<vmem>>)
    %dma_wait3A_182 = arith.constant 1 : i32
    %dma_wait3A_183 = arith.constant 0 : i32
    %dma_wait3A_184 = arith.constant 0 : i32
    %dma_wait3A_185 = tpu.memref_slice %arg10[%dma_wait3A_182, %dma_wait3A_183, %dma_wait3A_184] : memref<3x4x128xi32, #tpu.memory_space<vmem>> -> memref<1x4x128xi32, #tpu.memory_space<vmem>>
    %dma_wait3A_186 = tpu.memref_squeeze %dma_wait3A_185 : memref<1x4x128xi32, #tpu.memory_space<vmem>> -> memref<4x128xi32, #tpu.memory_space<vmem>>
    %dma_wait3A_187 = arith.constant 0 : i32
    %dma_wait3A_188 = tpu.memref_slice %arg4[%add3A_168, %dma_wait3A_187] : memref<2568x128xi32, #tpu.memory_space<hbm>> -> memref<4x128xi32, #tpu.memory_space<hbm>>
    %dma_wait3A_189 = arith.constant 0 : i32
    %dma_wait3A_190 = arith.constant 0 : i32
    %dma_wait3A_191 = tpu.memref_slice %arg10[%dma_wait3A_182, %dma_wait3A_189, %dma_wait3A_190] : memref<3x4x128xi32, #tpu.memory_space<vmem>> -> memref<1x4x128xi32, #tpu.memory_space<vmem>>
    %dma_wait3A_192 = tpu.memref_squeeze %dma_wait3A_191 : memref<1x4x128xi32, #tpu.memory_space<vmem>> -> memref<4x128xi32, #tpu.memory_space<vmem>>
    %dma_wait3A_193 = arith.constant 0 : i32
    %dma_wait3A_194 = tpu.memref_slice %arg4[%add3A_168, %dma_wait3A_193] : memref<2568x128xi32, #tpu.memory_space<hbm>> -> memref<4x128xi32, #tpu.memory_space<hbm>>
    tpu.wait_dma2 semaphore(%arg14 : memref<!tpu.dma_semaphore, #tpu.memory_space<semaphore_mem>>) src(%dma_wait3A_194 : memref<4x128xi32, #tpu.memory_space<hbm>>) dst(%dma_wait3A_192 : memref<4x128xi32, #tpu.memory_space<vmem>>)
    %dma_start3A_195 = arith.constant 1 : i32
    %dma_start3A_196 = arith.constant 0 : i32
    %dma_start3A_197 = arith.constant 1 : i32
    %dma_start3A_198 = arith.constant 0 : i32
    %dma_start3A_199 = arith.constant 0 : i32
    %dma_start3A_200 = tpu.memref_slice %arg11[%dma_start3A_197, %dma_start3A_198, %dma_start3A_199] : memref<2x512x64xf32, #tpu.memory_space<vmem>> -> memref<1x128x64xf32, #tpu.memory_space<vmem>>
    %dma_start3A_201 = tpu.memref_squeeze %dma_start3A_200 : memref<1x128x64xf32, #tpu.memory_space<vmem>> -> memref<128x64xf32, #tpu.memory_space<vmem>>
    %dma_start3A_202 = arith.constant 0 : i32
    %dma_start3A_203 = tpu.memref_slice %arg9[%dma_start3A_195, %dma_start3A_196, %dma_start3A_202] : memref<3x4x128xi32, #tpu.memory_space<vmem>> -> memref<1x1x128xi32, #tpu.memory_space<vmem>>
    %dma_start3A_204 = tpu.memref_squeeze %dma_start3A_203 : memref<1x1x128xi32, #tpu.memory_space<vmem>> -> memref<128xi32, #tpu.memory_space<vmem>>
    %dma_start3A_205 = arith.constant 0 : i32
    %dma_start3A_206 = arith.constant 0 : i32
    %dma_start3A_207 = tpu.memref_slice %arg2[%dma_start3A_205, %dma_start3A_206] : memref<10000x64xf32, #tpu.memory_space<hbm>> -> memref<10000x64xf32, #tpu.memory_space<hbm>>
    tpu.enqueue_indirect_dma source(%dma_start3A_207 : memref<10000x64xf32, #tpu.memory_space<hbm>>) target(%dma_start3A_201 : memref<128x64xf32, #tpu.memory_space<vmem>>) offsets(%dma_start3A_204 : memref<128xi32, #tpu.memory_space<vmem>>) semaphore(%arg13 : memref<!tpu.dma_semaphore, #tpu.memory_space<semaphore_mem>>)
    %dma_start3A_208 = arith.constant 1 : i32
    %dma_start3A_209 = arith.constant 1 : i32
    %dma_start3A_210 = arith.constant 1 : i32
    %dma_start3A_211 = arith.constant 128 : i32
    %dma_start3A_212 = arith.constant 0 : i32
    %dma_start3A_213 = tpu.memref_slice %arg11[%dma_start3A_210, %dma_start3A_211, %dma_start3A_212] : memref<2x512x64xf32, #tpu.memory_space<vmem>> -> memref<1x128x64xf32, #tpu.memory_space<vmem>>
    %dma_start3A_214 = tpu.memref_squeeze %dma_start3A_213 : memref<1x128x64xf32, #tpu.memory_space<vmem>> -> memref<128x64xf32, #tpu.memory_space<vmem>>
    %dma_start3A_215 = arith.constant 0 : i32
    %dma_start3A_216 = tpu.memref_slice %arg9[%dma_start3A_208, %dma_start3A_209, %dma_start3A_215] : memref<3x4x128xi32, #tpu.memory_space<vmem>> -> memref<1x1x128xi32, #tpu.memory_space<vmem>>
    %dma_start3A_217 = tpu.memref_squeeze %dma_start3A_216 : memref<1x1x128xi32, #tpu.memory_space<vmem>> -> memref<128xi32, #tpu.memory_space<vmem>>
    %dma_start3A_218 = arith.constant 0 : i32
    %dma_start3A_219 = arith.constant 0 : i32
    %dma_start3A_220 = tpu.memref_slice %arg2[%dma_start3A_218, %dma_start3A_219] : memref<10000x64xf32, #tpu.memory_space<hbm>> -> memref<10000x64xf32, #tpu.memory_space<hbm>>
    tpu.enqueue_indirect_dma source(%dma_start3A_220 : memref<10000x64xf32, #tpu.memory_space<hbm>>) target(%dma_start3A_214 : memref<128x64xf32, #tpu.memory_space<vmem>>) offsets(%dma_start3A_217 : memref<128xi32, #tpu.memory_space<vmem>>) semaphore(%arg13 : memref<!tpu.dma_semaphore, #tpu.memory_space<semaphore_mem>>)
    %dma_start3A_221 = arith.constant 1 : i32
    %dma_start3A_222 = arith.constant 2 : i32
    %dma_start3A_223 = arith.constant 1 : i32
    %dma_start3A_224 = arith.constant 256 : i32
    %dma_start3A_225 = arith.constant 0 : i32
    %dma_start3A_226 = tpu.memref_slice %arg11[%dma_start3A_223, %dma_start3A_224, %dma_start3A_225] : memref<2x512x64xf32, #tpu.memory_space<vmem>> -> memref<1x128x64xf32, #tpu.memory_space<vmem>>
    %dma_start3A_227 = tpu.memref_squeeze %dma_start3A_226 : memref<1x128x64xf32, #tpu.memory_space<vmem>> -> memref<128x64xf32, #tpu.memory_space<vmem>>
    %dma_start3A_228 = arith.constant 0 : i32
    %dma_start3A_229 = tpu.memref_slice %arg9[%dma_start3A_221, %dma_start3A_222, %dma_start3A_228] : memref<3x4x128xi32, #tpu.memory_space<vmem>> -> memref<1x1x128xi32, #tpu.memory_space<vmem>>
    %dma_start3A_230 = tpu.memref_squeeze %dma_start3A_229 : memref<1x1x128xi32, #tpu.memory_space<vmem>> -> memref<128xi32, #tpu.memory_space<vmem>>
    %dma_start3A_231 = arith.constant 0 : i32
    %dma_start3A_232 = arith.constant 0 : i32
    %dma_start3A_233 = tpu.memref_slice %arg2[%dma_start3A_231, %dma_start3A_232] : memref<10000x64xf32, #tpu.memory_space<hbm>> -> memref<10000x64xf32, #tpu.memory_space<hbm>>
    tpu.enqueue_indirect_dma source(%dma_start3A_233 : memref<10000x64xf32, #tpu.memory_space<hbm>>) target(%dma_start3A_227 : memref<128x64xf32, #tpu.memory_space<vmem>>) offsets(%dma_start3A_230 : memref<128xi32, #tpu.memory_space<vmem>>) semaphore(%arg13 : memref<!tpu.dma_semaphore, #tpu.memory_space<semaphore_mem>>)
    %dma_start3A_234 = arith.constant 1 : i32
    %dma_start3A_235 = arith.constant 3 : i32
    %dma_start3A_236 = arith.constant 1 : i32
    %dma_start3A_237 = arith.constant 384 : i32
    %dma_start3A_238 = arith.constant 0 : i32
    %dma_start3A_239 = tpu.memref_slice %arg11[%dma_start3A_236, %dma_start3A_237, %dma_start3A_238] : memref<2x512x64xf32, #tpu.memory_space<vmem>> -> memref<1x128x64xf32, #tpu.memory_space<vmem>>
    %dma_start3A_240 = tpu.memref_squeeze %dma_start3A_239 : memref<1x128x64xf32, #tpu.memory_space<vmem>> -> memref<128x64xf32, #tpu.memory_space<vmem>>
    %dma_start3A_241 = arith.constant 0 : i32
    %dma_start3A_242 = tpu.memref_slice %arg9[%dma_start3A_234, %dma_start3A_235, %dma_start3A_241] : memref<3x4x128xi32, #tpu.memory_space<vmem>> -> memref<1x1x128xi32, #tpu.memory_space<vmem>>
    %dma_start3A_243 = tpu.memref_squeeze %dma_start3A_242 : memref<1x1x128xi32, #tpu.memory_space<vmem>> -> memref<128xi32, #tpu.memory_space<vmem>>
    %dma_start3A_244 = arith.constant 0 : i32
    %dma_start3A_245 = arith.constant 0 : i32
    %dma_start3A_246 = tpu.memref_slice %arg2[%dma_start3A_244, %dma_start3A_245] : memref<10000x64xf32, #tpu.memory_space<hbm>> -> memref<10000x64xf32, #tpu.memory_space<hbm>>
    tpu.enqueue_indirect_dma source(%dma_start3A_246 : memref<10000x64xf32, #tpu.memory_space<hbm>>) target(%dma_start3A_240 : memref<128x64xf32, #tpu.memory_space<vmem>>) offsets(%dma_start3A_243 : memref<128xi32, #tpu.memory_space<vmem>>) semaphore(%arg13 : memref<!tpu.dma_semaphore, #tpu.memory_space<semaphore_mem>>)
    %dma_wait3A_247 = arith.constant 0 : i32
    %dma_wait3A_248 = arith.constant 0 : i32
    %dma_wait3A_249 = arith.constant 0 : i32
    %dma_wait3A_250 = arith.constant 0 : i32
    %dma_wait3A_251 = arith.constant 0 : i32
    %dma_wait3A_252 = tpu.memref_slice %arg11[%dma_wait3A_249, %dma_wait3A_250, %dma_wait3A_251] : memref<2x512x64xf32, #tpu.memory_space<vmem>> -> memref<1x128x64xf32, #tpu.memory_space<vmem>>
    %dma_wait3A_253 = tpu.memref_squeeze %dma_wait3A_252 : memref<1x128x64xf32, #tpu.memory_space<vmem>> -> memref<128x64xf32, #tpu.memory_space<vmem>>
    %dma_wait3A_254 = arith.constant 0 : i32
    %dma_wait3A_255 = tpu.memref_slice %arg9[%dma_wait3A_247, %dma_wait3A_248, %dma_wait3A_254] : memref<3x4x128xi32, #tpu.memory_space<vmem>> -> memref<1x1x128xi32, #tpu.memory_space<vmem>>
    %dma_wait3A_256 = tpu.memref_squeeze %dma_wait3A_255 : memref<1x1x128xi32, #tpu.memory_space<vmem>> -> memref<128xi32, #tpu.memory_space<vmem>>
    %dma_wait3A_257 = arith.constant 0 : i32
    %dma_wait3A_258 = arith.constant 0 : i32
    %dma_wait3A_259 = tpu.memref_slice %arg2[%dma_wait3A_257, %dma_wait3A_258] : memref<10000x64xf32, #tpu.memory_space<hbm>> -> memref<10000x64xf32, #tpu.memory_space<hbm>>
    tpu.wait_indirect_dma semaphore(%arg13 : memref<!tpu.dma_semaphore, #tpu.memory_space<semaphore_mem>>) src(%dma_wait3A_259 : memref<10000x64xf32, #tpu.memory_space<hbm>>) dst(%dma_wait3A_253 : memref<128x64xf32, #tpu.memory_space<vmem>>)
    %dma_wait3A_260 = arith.constant 0 : i32
    %dma_wait3A_261 = arith.constant 1 : i32
    %dma_wait3A_262 = arith.constant 0 : i32
    %dma_wait3A_263 = arith.constant 128 : i32
    %dma_wait3A_264 = arith.constant 0 : i32
    %dma_wait3A_265 = tpu.memref_slice %arg11[%dma_wait3A_262, %dma_wait3A_263, %dma_wait3A_264] : memref<2x512x64xf32, #tpu.memory_space<vmem>> -> memref<1x128x64xf32, #tpu.memory_space<vmem>>
    %dma_wait3A_266 = tpu.memref_squeeze %dma_wait3A_265 : memref<1x128x64xf32, #tpu.memory_space<vmem>> -> memref<128x64xf32, #tpu.memory_space<vmem>>
    %dma_wait3A_267 = arith.constant 0 : i32
    %dma_wait3A_268 = tpu.memref_slice %arg9[%dma_wait3A_260, %dma_wait3A_261, %dma_wait3A_267] : memref<3x4x128xi32, #tpu.memory_space<vmem>> -> memref<1x1x128xi32, #tpu.memory_space<vmem>>
    %dma_wait3A_269 = tpu.memref_squeeze %dma_wait3A_268 : memref<1x1x128xi32, #tpu.memory_space<vmem>> -> memref<128xi32, #tpu.memory_space<vmem>>
    %dma_wait3A_270 = arith.constant 0 : i32
    %dma_wait3A_271 = arith.constant 0 : i32
    %dma_wait3A_272 = tpu.memref_slice %arg2[%dma_wait3A_270, %dma_wait3A_271] : memref<10000x64xf32, #tpu.memory_space<hbm>> -> memref<10000x64xf32, #tpu.memory_space<hbm>>
    tpu.wait_indirect_dma semaphore(%arg13 : memref<!tpu.dma_semaphore, #tpu.memory_space<semaphore_mem>>) src(%dma_wait3A_272 : memref<10000x64xf32, #tpu.memory_space<hbm>>) dst(%dma_wait3A_266 : memref<128x64xf32, #tpu.memory_space<vmem>>)
    %dma_wait3A_273 = arith.constant 0 : i32
    %dma_wait3A_274 = arith.constant 2 : i32
    %dma_wait3A_275 = arith.constant 0 : i32
    %dma_wait3A_276 = arith.constant 256 : i32
    %dma_wait3A_277 = arith.constant 0 : i32
    %dma_wait3A_278 = tpu.memref_slice %arg11[%dma_wait3A_275, %dma_wait3A_276, %dma_wait3A_277] : memref<2x512x64xf32, #tpu.memory_space<vmem>> -> memref<1x128x64xf32, #tpu.memory_space<vmem>>
    %dma_wait3A_279 = tpu.memref_squeeze %dma_wait3A_278 : memref<1x128x64xf32, #tpu.memory_space<vmem>> -> memref<128x64xf32, #tpu.memory_space<vmem>>
    %dma_wait3A_280 = arith.constant 0 : i32
    %dma_wait3A_281 = tpu.memref_slice %arg9[%dma_wait3A_273, %dma_wait3A_274, %dma_wait3A_280] : memref<3x4x128xi32, #tpu.memory_space<vmem>> -> memref<1x1x128xi32, #tpu.memory_space<vmem>>
    %dma_wait3A_282 = tpu.memref_squeeze %dma_wait3A_281 : memref<1x1x128xi32, #tpu.memory_space<vmem>> -> memref<128xi32, #tpu.memory_space<vmem>>
    %dma_wait3A_283 = arith.constant 0 : i32
    %dma_wait3A_284 = arith.constant 0 : i32
    %dma_wait3A_285 = tpu.memref_slice %arg2[%dma_wait3A_283, %dma_wait3A_284] : memref<10000x64xf32, #tpu.memory_space<hbm>> -> memref<10000x64xf32, #tpu.memory_space<hbm>>
    tpu.wait_indirect_dma semaphore(%arg13 : memref<!tpu.dma_semaphore, #tpu.memory_space<semaphore_mem>>) src(%dma_wait3A_285 : memref<10000x64xf32, #tpu.memory_space<hbm>>) dst(%dma_wait3A_279 : memref<128x64xf32, #tpu.memory_space<vmem>>)
    %dma_wait3A_286 = arith.constant 0 : i32
    %dma_wait3A_287 = arith.constant 3 : i32
    %dma_wait3A_288 = arith.constant 0 : i32
    %dma_wait3A_289 = arith.constant 384 : i32
    %dma_wait3A_290 = arith.constant 0 : i32
    %dma_wait3A_291 = tpu.memref_slice %arg11[%dma_wait3A_288, %dma_wait3A_289, %dma_wait3A_290] : memref<2x512x64xf32, #tpu.memory_space<vmem>> -> memref<1x128x64xf32, #tpu.memory_space<vmem>>
    %dma_wait3A_292 = tpu.memref_squeeze %dma_wait3A_291 : memref<1x128x64xf32, #tpu.memory_space<vmem>> -> memref<128x64xf32, #tpu.memory_space<vmem>>
    %dma_wait3A_293 = arith.constant 0 : i32
    %dma_wait3A_294 = tpu.memref_slice %arg9[%dma_wait3A_286, %dma_wait3A_287, %dma_wait3A_293] : memref<3x4x128xi32, #tpu.memory_space<vmem>> -> memref<1x1x128xi32, #tpu.memory_space<vmem>>
    %dma_wait3A_295 = tpu.memref_squeeze %dma_wait3A_294 : memref<1x1x128xi32, #tpu.memory_space<vmem>> -> memref<128xi32, #tpu.memory_space<vmem>>
    %dma_wait3A_296 = arith.constant 0 : i32
    %dma_wait3A_297 = arith.constant 0 : i32
    %dma_wait3A_298 = tpu.memref_slice %arg2[%dma_wait3A_296, %dma_wait3A_297] : memref<10000x64xf32, #tpu.memory_space<hbm>> -> memref<10000x64xf32, #tpu.memory_space<hbm>>
    tpu.wait_indirect_dma semaphore(%arg13 : memref<!tpu.dma_semaphore, #tpu.memory_space<semaphore_mem>>) src(%dma_wait3A_298 : memref<10000x64xf32, #tpu.memory_space<hbm>>) dst(%dma_wait3A_292 : memref<128x64xf32, #tpu.memory_space<vmem>>)
    %dma_start3A_299 = arith.constant 0 : i32
    %dma_start3A_300 = arith.constant 0 : i32
    %dma_start3A_301 = arith.constant 0 : i32
    %dma_start3A_302 = arith.constant 0 : i32
    %dma_start3A_303 = arith.constant 0 : i32
    %dma_start3A_304 = tpu.memref_slice %arg11[%dma_start3A_299, %dma_start3A_302, %dma_start3A_303] : memref<2x512x64xf32, #tpu.memory_space<vmem>> -> memref<1x128x64xf32, #tpu.memory_space<vmem>>
    %dma_start3A_305 = tpu.memref_squeeze %dma_start3A_304 : memref<1x128x64xf32, #tpu.memory_space<vmem>> -> memref<128x64xf32, #tpu.memory_space<vmem>>
    %dma_start3A_306 = arith.constant 0 : i32
    %dma_start3A_307 = tpu.memref_slice %arg10[%dma_start3A_300, %dma_start3A_301, %dma_start3A_306] : memref<3x4x128xi32, #tpu.memory_space<vmem>> -> memref<1x1x128xi32, #tpu.memory_space<vmem>>
    %dma_start3A_308 = tpu.memref_squeeze %dma_start3A_307 : memref<1x1x128xi32, #tpu.memory_space<vmem>> -> memref<128xi32, #tpu.memory_space<vmem>>
    %dma_start3A_309 = arith.constant 0 : i32
    %dma_start3A_310 = arith.constant 0 : i32
    %dma_start3A_311 = tpu.memref_slice %arg12[%dma_start3A_309, %dma_start3A_310] : memref<10240x64xf32, #tpu.memory_space<vmem_shared>> -> memref<10240x64xf32, #tpu.memory_space<vmem_shared>>
    tpu.enqueue_indirect_dma source(%dma_start3A_305 : memref<128x64xf32, #tpu.memory_space<vmem>>) target(%dma_start3A_311 : memref<10240x64xf32, #tpu.memory_space<vmem_shared>>) offsets(%dma_start3A_308 : memref<128xi32, #tpu.memory_space<vmem>>) semaphore(%arg15 : memref<!tpu.dma_semaphore, #tpu.memory_space<semaphore_mem>>) {add = true}
    %dma_start3A_312 = arith.constant 0 : i32
    %dma_start3A_313 = arith.constant 0 : i32
    %dma_start3A_314 = arith.constant 1 : i32
    %dma_start3A_315 = arith.constant 128 : i32
    %dma_start3A_316 = arith.constant 0 : i32
    %dma_start3A_317 = tpu.memref_slice %arg11[%dma_start3A_312, %dma_start3A_315, %dma_start3A_316] : memref<2x512x64xf32, #tpu.memory_space<vmem>> -> memref<1x128x64xf32, #tpu.memory_space<vmem>>
    %dma_start3A_318 = tpu.memref_squeeze %dma_start3A_317 : memref<1x128x64xf32, #tpu.memory_space<vmem>> -> memref<128x64xf32, #tpu.memory_space<vmem>>
    %dma_start3A_319 = arith.constant 0 : i32
    %dma_start3A_320 = tpu.memref_slice %arg10[%dma_start3A_313, %dma_start3A_314, %dma_start3A_319] : memref<3x4x128xi32, #tpu.memory_space<vmem>> -> memref<1x1x128xi32, #tpu.memory_space<vmem>>
    %dma_start3A_321 = tpu.memref_squeeze %dma_start3A_320 : memref<1x1x128xi32, #tpu.memory_space<vmem>> -> memref<128xi32, #tpu.memory_space<vmem>>
    %dma_start3A_322 = arith.constant 0 : i32
    %dma_start3A_323 = arith.constant 0 : i32
    %dma_start3A_324 = tpu.memref_slice %arg12[%dma_start3A_322, %dma_start3A_323] : memref<10240x64xf32, #tpu.memory_space<vmem_shared>> -> memref<10240x64xf32, #tpu.memory_space<vmem_shared>>
    tpu.enqueue_indirect_dma source(%dma_start3A_318 : memref<128x64xf32, #tpu.memory_space<vmem>>) target(%dma_start3A_324 : memref<10240x64xf32, #tpu.memory_space<vmem_shared>>) offsets(%dma_start3A_321 : memref<128xi32, #tpu.memory_space<vmem>>) semaphore(%arg15 : memref<!tpu.dma_semaphore, #tpu.memory_space<semaphore_mem>>) {add = true}
    %dma_start3A_325 = arith.constant 0 : i32
    %dma_start3A_326 = arith.constant 0 : i32
    %dma_start3A_327 = arith.constant 2 : i32
    %dma_start3A_328 = arith.constant 256 : i32
    %dma_start3A_329 = arith.constant 0 : i32
    %dma_start3A_330 = tpu.memref_slice %arg11[%dma_start3A_325, %dma_start3A_328, %dma_start3A_329] : memref<2x512x64xf32, #tpu.memory_space<vmem>> -> memref<1x128x64xf32, #tpu.memory_space<vmem>>
    %dma_start3A_331 = tpu.memref_squeeze %dma_start3A_330 : memref<1x128x64xf32, #tpu.memory_space<vmem>> -> memref<128x64xf32, #tpu.memory_space<vmem>>
    %dma_start3A_332 = arith.constant 0 : i32
    %dma_start3A_333 = tpu.memref_slice %arg10[%dma_start3A_326, %dma_start3A_327, %dma_start3A_332] : memref<3x4x128xi32, #tpu.memory_space<vmem>> -> memref<1x1x128xi32, #tpu.memory_space<vmem>>
    %dma_start3A_334 = tpu.memref_squeeze %dma_start3A_333 : memref<1x1x128xi32, #tpu.memory_space<vmem>> -> memref<128xi32, #tpu.memory_space<vmem>>
    %dma_start3A_335 = arith.constant 0 : i32
    %dma_start3A_336 = arith.constant 0 : i32
    %dma_start3A_337 = tpu.memref_slice %arg12[%dma_start3A_335, %dma_start3A_336] : memref<10240x64xf32, #tpu.memory_space<vmem_shared>> -> memref<10240x64xf32, #tpu.memory_space<vmem_shared>>
    tpu.enqueue_indirect_dma source(%dma_start3A_331 : memref<128x64xf32, #tpu.memory_space<vmem>>) target(%dma_start3A_337 : memref<10240x64xf32, #tpu.memory_space<vmem_shared>>) offsets(%dma_start3A_334 : memref<128xi32, #tpu.memory_space<vmem>>) semaphore(%arg15 : memref<!tpu.dma_semaphore, #tpu.memory_space<semaphore_mem>>) {add = true}
    %dma_start3A_338 = arith.constant 0 : i32
    %dma_start3A_339 = arith.constant 0 : i32
    %dma_start3A_340 = arith.constant 3 : i32
    %dma_start3A_341 = arith.constant 384 : i32
    %dma_start3A_342 = arith.constant 0 : i32
    %dma_start3A_343 = tpu.memref_slice %arg11[%dma_start3A_338, %dma_start3A_341, %dma_start3A_342] : memref<2x512x64xf32, #tpu.memory_space<vmem>> -> memref<1x128x64xf32, #tpu.memory_space<vmem>>
    %dma_start3A_344 = tpu.memref_squeeze %dma_start3A_343 : memref<1x128x64xf32, #tpu.memory_space<vmem>> -> memref<128x64xf32, #tpu.memory_space<vmem>>
    %dma_start3A_345 = arith.constant 0 : i32
    %dma_start3A_346 = tpu.memref_slice %arg10[%dma_start3A_339, %dma_start3A_340, %dma_start3A_345] : memref<3x4x128xi32, #tpu.memory_space<vmem>> -> memref<1x1x128xi32, #tpu.memory_space<vmem>>
    %dma_start3A_347 = tpu.memref_squeeze %dma_start3A_346 : memref<1x1x128xi32, #tpu.memory_space<vmem>> -> memref<128xi32, #tpu.memory_space<vmem>>
    %dma_start3A_348 = arith.constant 0 : i32
    %dma_start3A_349 = arith.constant 0 : i32
    %dma_start3A_350 = tpu.memref_slice %arg12[%dma_start3A_348, %dma_start3A_349] : memref<10240x64xf32, #tpu.memory_space<vmem_shared>> -> memref<10240x64xf32, #tpu.memory_space<vmem_shared>>
    tpu.enqueue_indirect_dma source(%dma_start3A_344 : memref<128x64xf32, #tpu.memory_space<vmem>>) target(%dma_start3A_350 : memref<10240x64xf32, #tpu.memory_space<vmem_shared>>) offsets(%dma_start3A_347 : memref<128xi32, #tpu.memory_space<vmem>>) semaphore(%arg15 : memref<!tpu.dma_semaphore, #tpu.memory_space<semaphore_mem>>) {add = true}
    %scan3A = arith.constant 0 : i32
    %scan3A_351 = arith.constant 0 : i32
    %scan3A_352 = arith.constant 3 : i32
    %scan3A_353 = arith.addi %scan3A_351, %scan3A_352 : i32
    %scan3A_354 = arith.constant 1 : i32
    scf.for %scan3A_593 = %scan3A_351 to %scan3A_353 step %scan3A_354  : i32 {
      %mul3A_594 = arith.constant 6 : i32
      %mul3A_595 = arith.muli %scan3A_593, %mul3A_594 : i32
      %add3A_596 = arith.constant 1 : i32
      %add3A_597 = arith.addi %mul3A_595, %add3A_596 : i32
      %add3A_598 = arith.constant 0 : i32
      %add3A_599 = arith.addi %add3A_597, %add3A_598 : i32
      %dma_wait3A_600 = arith.constant 0 : i32
      %dma_wait3A_601 = arith.constant 0 : i32
      %dma_wait3A_602 = arith.constant 0 : i32
      %dma_wait3A_603 = arith.constant 0 : i32
      %dma_wait3A_604 = arith.constant 0 : i32
      %dma_wait3A_605 = tpu.memref_slice %arg11[%dma_wait3A_600, %dma_wait3A_603, %dma_wait3A_604] : memref<2x512x64xf32, #tpu.memory_space<vmem>> -> memref<1x128x64xf32, #tpu.memory_space<vmem>>
      %dma_wait3A_606 = tpu.memref_squeeze %dma_wait3A_605 : memref<1x128x64xf32, #tpu.memory_space<vmem>> -> memref<128x64xf32, #tpu.memory_space<vmem>>
      %dma_wait3A_607 = arith.constant 0 : i32
      %dma_wait3A_608 = tpu.memref_slice %arg10[%dma_wait3A_601, %dma_wait3A_602, %dma_wait3A_607] : memref<3x4x128xi32, #tpu.memory_space<vmem>> -> memref<1x1x128xi32, #tpu.memory_space<vmem>>
      %dma_wait3A_609 = tpu.memref_squeeze %dma_wait3A_608 : memref<1x1x128xi32, #tpu.memory_space<vmem>> -> memref<128xi32, #tpu.memory_space<vmem>>
      %dma_wait3A_610 = arith.constant 0 : i32
      %dma_wait3A_611 = arith.constant 0 : i32
      %dma_wait3A_612 = tpu.memref_slice %arg12[%dma_wait3A_610, %dma_wait3A_611] : memref<10240x64xf32, #tpu.memory_space<vmem_shared>> -> memref<10240x64xf32, #tpu.memory_space<vmem_shared>>
      tpu.wait_indirect_dma semaphore(%arg15 : memref<!tpu.dma_semaphore, #tpu.memory_space<semaphore_mem>>) src(%dma_wait3A_606 : memref<128x64xf32, #tpu.memory_space<vmem>>) dst(%dma_wait3A_612 : memref<10240x64xf32, #tpu.memory_space<vmem_shared>>)
      %dma_wait3A_613 = arith.constant 0 : i32
      %dma_wait3A_614 = arith.constant 0 : i32
      %dma_wait3A_615 = arith.constant 1 : i32
      %dma_wait3A_616 = arith.constant 128 : i32
      %dma_wait3A_617 = arith.constant 0 : i32
      %dma_wait3A_618 = tpu.memref_slice %arg11[%dma_wait3A_613, %dma_wait3A_616, %dma_wait3A_617] : memref<2x512x64xf32, #tpu.memory_space<vmem>> -> memref<1x128x64xf32, #tpu.memory_space<vmem>>
      %dma_wait3A_619 = tpu.memref_squeeze %dma_wait3A_618 : memref<1x128x64xf32, #tpu.memory_space<vmem>> -> memref<128x64xf32, #tpu.memory_space<vmem>>
      %dma_wait3A_620 = arith.constant 0 : i32
      %dma_wait3A_621 = tpu.memref_slice %arg10[%dma_wait3A_614, %dma_wait3A_615, %dma_wait3A_620] : memref<3x4x128xi32, #tpu.memory_space<vmem>> -> memref<1x1x128xi32, #tpu.memory_space<vmem>>
      %dma_wait3A_622 = tpu.memref_squeeze %dma_wait3A_621 : memref<1x1x128xi32, #tpu.memory_space<vmem>> -> memref<128xi32, #tpu.memory_space<vmem>>
      %dma_wait3A_623 = arith.constant 0 : i32
      %dma_wait3A_624 = arith.constant 0 : i32
      %dma_wait3A_625 = tpu.memref_slice %arg12[%dma_wait3A_623, %dma_wait3A_624] : memref<10240x64xf32, #tpu.memory_space<vmem_shared>> -> memref<10240x64xf32, #tpu.memory_space<vmem_shared>>
      tpu.wait_indirect_dma semaphore(%arg15 : memref<!tpu.dma_semaphore, #tpu.memory_space<semaphore_mem>>) src(%dma_wait3A_619 : memref<128x64xf32, #tpu.memory_space<vmem>>) dst(%dma_wait3A_625 : memref<10240x64xf32, #tpu.memory_space<vmem_shared>>)
      %dma_wait3A_626 = arith.constant 0 : i32
      %dma_wait3A_627 = arith.constant 0 : i32
      %dma_wait3A_628 = arith.constant 2 : i32
      %dma_wait3A_629 = arith.constant 256 : i32
      %dma_wait3A_630 = arith.constant 0 : i32
      %dma_wait3A_631 = tpu.memref_slice %arg11[%dma_wait3A_626, %dma_wait3A_629, %dma_wait3A_630] : memref<2x512x64xf32, #tpu.memory_space<vmem>> -> memref<1x128x64xf32, #tpu.memory_space<vmem>>
      %dma_wait3A_632 = tpu.memref_squeeze %dma_wait3A_631 : memref<1x128x64xf32, #tpu.memory_space<vmem>> -> memref<128x64xf32, #tpu.memory_space<vmem>>
      %dma_wait3A_633 = arith.constant 0 : i32
      %dma_wait3A_634 = tpu.memref_slice %arg10[%dma_wait3A_627, %dma_wait3A_628, %dma_wait3A_633] : memref<3x4x128xi32, #tpu.memory_space<vmem>> -> memref<1x1x128xi32, #tpu.memory_space<vmem>>
      %dma_wait3A_635 = tpu.memref_squeeze %dma_wait3A_634 : memref<1x1x128xi32, #tpu.memory_space<vmem>> -> memref<128xi32, #tpu.memory_space<vmem>>
      %dma_wait3A_636 = arith.constant 0 : i32
      %dma_wait3A_637 = arith.constant 0 : i32
      %dma_wait3A_638 = tpu.memref_slice %arg12[%dma_wait3A_636, %dma_wait3A_637] : memref<10240x64xf32, #tpu.memory_space<vmem_shared>> -> memref<10240x64xf32, #tpu.memory_space<vmem_shared>>
      tpu.wait_indirect_dma semaphore(%arg15 : memref<!tpu.dma_semaphore, #tpu.memory_space<semaphore_mem>>) src(%dma_wait3A_632 : memref<128x64xf32, #tpu.memory_space<vmem>>) dst(%dma_wait3A_638 : memref<10240x64xf32, #tpu.memory_space<vmem_shared>>)
      %dma_wait3A_639 = arith.constant 0 : i32
      %dma_wait3A_640 = arith.constant 0 : i32
      %dma_wait3A_641 = arith.constant 3 : i32
      %dma_wait3A_642 = arith.constant 384 : i32
      %dma_wait3A_643 = arith.constant 0 : i32
      %dma_wait3A_644 = tpu.memref_slice %arg11[%dma_wait3A_639, %dma_wait3A_642, %dma_wait3A_643] : memref<2x512x64xf32, #tpu.memory_space<vmem>> -> memref<1x128x64xf32, #tpu.memory_space<vmem>>
      %dma_wait3A_645 = tpu.memref_squeeze %dma_wait3A_644 : memref<1x128x64xf32, #tpu.memory_space<vmem>> -> memref<128x64xf32, #tpu.memory_space<vmem>>
      %dma_wait3A_646 = arith.constant 0 : i32
      %dma_wait3A_647 = tpu.memref_slice %arg10[%dma_wait3A_640, %dma_wait3A_641, %dma_wait3A_646] : memref<3x4x128xi32, #tpu.memory_space<vmem>> -> memref<1x1x128xi32, #tpu.memory_space<vmem>>
      %dma_wait3A_648 = tpu.memref_squeeze %dma_wait3A_647 : memref<1x1x128xi32, #tpu.memory_space<vmem>> -> memref<128xi32, #tpu.memory_space<vmem>>
      %dma_wait3A_649 = arith.constant 0 : i32
      %dma_wait3A_650 = arith.constant 0 : i32
      %dma_wait3A_651 = tpu.memref_slice %arg12[%dma_wait3A_649, %dma_wait3A_650] : memref<10240x64xf32, #tpu.memory_space<vmem_shared>> -> memref<10240x64xf32, #tpu.memory_space<vmem_shared>>
      tpu.wait_indirect_dma semaphore(%arg15 : memref<!tpu.dma_semaphore, #tpu.memory_space<semaphore_mem>>) src(%dma_wait3A_645 : memref<128x64xf32, #tpu.memory_space<vmem>>) dst(%dma_wait3A_651 : memref<10240x64xf32, #tpu.memory_space<vmem_shared>>)
      %add3A_652 = arith.constant 2 : i32
      %add3A_653 = arith.addi %add3A_599, %add3A_652 : i32
      %mul3A_654 = arith.constant 4 : i32
      %mul3A_655 = arith.muli %add3A_653, %mul3A_654 : i32
      %add3A_656 = arith.addi %mul3A_4, %mul3A_655 : i32
      %dma_start3A_657 = arith.constant 0 : i32
      %dma_start3A_658 = arith.constant 0 : i32
      %dma_start3A_659 = arith.constant 0 : i32
      %dma_start3A_660 = tpu.memref_slice %arg9[%dma_start3A_657, %dma_start3A_658, %dma_start3A_659] : memref<3x4x128xi32, #tpu.memory_space<vmem>> -> memref<1x4x128xi32, #tpu.memory_space<vmem>>
      %dma_start3A_661 = tpu.memref_squeeze %dma_start3A_660 : memref<1x4x128xi32, #tpu.memory_space<vmem>> -> memref<4x128xi32, #tpu.memory_space<vmem>>
      %dma_start3A_662 = arith.constant 0 : i32
      %dma_start3A_663 = tpu.memref_slice %arg3[%add3A_656, %dma_start3A_662] : memref<2568x128xi32, #tpu.memory_space<hbm>> -> memref<4x128xi32, #tpu.memory_space<hbm>>
      %dma_start3A_664 = arith.constant 0 : i32
      %dma_start3A_665 = arith.constant 0 : i32
      %dma_start3A_666 = tpu.memref_slice %arg9[%dma_start3A_657, %dma_start3A_664, %dma_start3A_665] : memref<3x4x128xi32, #tpu.memory_space<vmem>> -> memref<1x4x128xi32, #tpu.memory_space<vmem>>
      %dma_start3A_667 = tpu.memref_squeeze %dma_start3A_666 : memref<1x4x128xi32, #tpu.memory_space<vmem>> -> memref<4x128xi32, #tpu.memory_space<vmem>>
      %dma_start3A_668 = arith.constant 0 : i32
      %dma_start3A_669 = tpu.memref_slice %arg3[%add3A_656, %dma_start3A_668] : memref<2568x128xi32, #tpu.memory_space<hbm>> -> memref<4x128xi32, #tpu.memory_space<hbm>>
      tpu.enqueue_dma source(%dma_start3A_669 : memref<4x128xi32, #tpu.memory_space<hbm>>) target(%dma_start3A_667 : memref<4x128xi32, #tpu.memory_space<vmem>>) target_semaphore(%arg14 : memref<!tpu.dma_semaphore, #tpu.memory_space<semaphore_mem>>)
      %dma_start3A_670 = arith.constant 0 : i32
      %dma_start3A_671 = arith.constant 0 : i32
      %dma_start3A_672 = arith.constant 0 : i32
      %dma_start3A_673 = tpu.memref_slice %arg10[%dma_start3A_670, %dma_start3A_671, %dma_start3A_672] : memref<3x4x128xi32, #tpu.memory_space<vmem>> -> memref<1x4x128xi32, #tpu.memory_space<vmem>>
      %dma_start3A_674 = tpu.memref_squeeze %dma_start3A_673 : memref<1x4x128xi32, #tpu.memory_space<vmem>> -> memref<4x128xi32, #tpu.memory_space<vmem>>
      %dma_start3A_675 = arith.constant 0 : i32
      %dma_start3A_676 = tpu.memref_slice %arg4[%add3A_656, %dma_start3A_675] : memref<2568x128xi32, #tpu.memory_space<hbm>> -> memref<4x128xi32, #tpu.memory_space<hbm>>
      %dma_start3A_677 = arith.constant 0 : i32
      %dma_start3A_678 = arith.constant 0 : i32
      %dma_start3A_679 = tpu.memref_slice %arg10[%dma_start3A_670, %dma_start3A_677, %dma_start3A_678] : memref<3x4x128xi32, #tpu.memory_space<vmem>> -> memref<1x4x128xi32, #tpu.memory_space<vmem>>
      %dma_start3A_680 = tpu.memref_squeeze %dma_start3A_679 : memref<1x4x128xi32, #tpu.memory_space<vmem>> -> memref<4x128xi32, #tpu.memory_space<vmem>>
      %dma_start3A_681 = arith.constant 0 : i32
      %dma_start3A_682 = tpu.memref_slice %arg4[%add3A_656, %dma_start3A_681] : memref<2568x128xi32, #tpu.memory_space<hbm>> -> memref<4x128xi32, #tpu.memory_space<hbm>>
      tpu.enqueue_dma source(%dma_start3A_682 : memref<4x128xi32, #tpu.memory_space<hbm>>) target(%dma_start3A_680 : memref<4x128xi32, #tpu.memory_space<vmem>>) target_semaphore(%arg14 : memref<!tpu.dma_semaphore, #tpu.memory_space<semaphore_mem>>)
      %add3A_683 = arith.constant 1 : i32
      %add3A_684 = arith.addi %add3A_599, %add3A_683 : i32
      %mul3A_685 = arith.constant 4 : i32
      %mul3A_686 = arith.muli %add3A_684, %mul3A_685 : i32
      %add3A_687 = arith.addi %mul3A_4, %mul3A_686 : i32
      %dma_wait3A_688 = arith.constant 2 : i32
      %dma_wait3A_689 = arith.constant 0 : i32
      %dma_wait3A_690 = arith.constant 0 : i32
      %dma_wait3A_691 = tpu.memref_slice %arg9[%dma_wait3A_688, %dma_wait3A_689, %dma_wait3A_690] : memref<3x4x128xi32, #tpu.memory_space<vmem>> -> memref<1x4x128xi32, #tpu.memory_space<vmem>>
      %dma_wait3A_692 = tpu.memref_squeeze %dma_wait3A_691 : memref<1x4x128xi32, #tpu.memory_space<vmem>> -> memref<4x128xi32, #tpu.memory_space<vmem>>
      %dma_wait3A_693 = arith.constant 0 : i32
      %dma_wait3A_694 = tpu.memref_slice %arg3[%add3A_687, %dma_wait3A_693] : memref<2568x128xi32, #tpu.memory_space<hbm>> -> memref<4x128xi32, #tpu.memory_space<hbm>>
      %dma_wait3A_695 = arith.constant 0 : i32
      %dma_wait3A_696 = arith.constant 0 : i32
      %dma_wait3A_697 = tpu.memref_slice %arg9[%dma_wait3A_688, %dma_wait3A_695, %dma_wait3A_696] : memref<3x4x128xi32, #tpu.memory_space<vmem>> -> memref<1x4x128xi32, #tpu.memory_space<vmem>>
      %dma_wait3A_698 = tpu.memref_squeeze %dma_wait3A_697 : memref<1x4x128xi32, #tpu.memory_space<vmem>> -> memref<4x128xi32, #tpu.memory_space<vmem>>
      %dma_wait3A_699 = arith.constant 0 : i32
      %dma_wait3A_700 = tpu.memref_slice %arg3[%add3A_687, %dma_wait3A_699] : memref<2568x128xi32, #tpu.memory_space<hbm>> -> memref<4x128xi32, #tpu.memory_space<hbm>>
      tpu.wait_dma2 semaphore(%arg14 : memref<!tpu.dma_semaphore, #tpu.memory_space<semaphore_mem>>) src(%dma_wait3A_700 : memref<4x128xi32, #tpu.memory_space<hbm>>) dst(%dma_wait3A_698 : memref<4x128xi32, #tpu.memory_space<vmem>>)
      %dma_wait3A_701 = arith.constant 2 : i32
      %dma_wait3A_702 = arith.constant 0 : i32
      %dma_wait3A_703 = arith.constant 0 : i32
      %dma_wait3A_704 = tpu.memref_slice %arg10[%dma_wait3A_701, %dma_wait3A_702, %dma_wait3A_703] : memref<3x4x128xi32, #tpu.memory_space<vmem>> -> memref<1x4x128xi32, #tpu.memory_space<vmem>>
      %dma_wait3A_705 = tpu.memref_squeeze %dma_wait3A_704 : memref<1x4x128xi32, #tpu.memory_space<vmem>> -> memref<4x128xi32, #tpu.memory_space<vmem>>
      %dma_wait3A_706 = arith.constant 0 : i32
      %dma_wait3A_707 = tpu.memref_slice %arg4[%add3A_687, %dma_wait3A_706] : memref<2568x128xi32, #tpu.memory_space<hbm>> -> memref<4x128xi32, #tpu.memory_space<hbm>>
      %dma_wait3A_708 = arith.constant 0 : i32
      %dma_wait3A_709 = arith.constant 0 : i32
      %dma_wait3A_710 = tpu.memref_slice %arg10[%dma_wait3A_701, %dma_wait3A_708, %dma_wait3A_709] : memref<3x4x128xi32, #tpu.memory_space<vmem>> -> memref<1x4x128xi32, #tpu.memory_space<vmem>>
      %dma_wait3A_711 = tpu.memref_squeeze %dma_wait3A_710 : memref<1x4x128xi32, #tpu.memory_space<vmem>> -> memref<4x128xi32, #tpu.memory_space<vmem>>
      %dma_wait3A_712 = arith.constant 0 : i32
      %dma_wait3A_713 = tpu.memref_slice %arg4[%add3A_687, %dma_wait3A_712] : memref<2568x128xi32, #tpu.memory_space<hbm>> -> memref<4x128xi32, #tpu.memory_space<hbm>>
      tpu.wait_dma2 semaphore(%arg14 : memref<!tpu.dma_semaphore, #tpu.memory_space<semaphore_mem>>) src(%dma_wait3A_713 : memref<4x128xi32, #tpu.memory_space<hbm>>) dst(%dma_wait3A_711 : memref<4x128xi32, #tpu.memory_space<vmem>>)
      %dma_start3A_714 = arith.constant 2 : i32
      %dma_start3A_715 = arith.constant 0 : i32
      %dma_start3A_716 = arith.constant 0 : i32
      %dma_start3A_717 = arith.constant 0 : i32
      %dma_start3A_718 = arith.constant 0 : i32
      %dma_start3A_719 = tpu.memref_slice %arg11[%dma_start3A_716, %dma_start3A_717, %dma_start3A_718] : memref<2x512x64xf32, #tpu.memory_space<vmem>> -> memref<1x128x64xf32, #tpu.memory_space<vmem>>
      %dma_start3A_720 = tpu.memref_squeeze %dma_start3A_719 : memref<1x128x64xf32, #tpu.memory_space<vmem>> -> memref<128x64xf32, #tpu.memory_space<vmem>>
      %dma_start3A_721 = arith.constant 0 : i32
      %dma_start3A_722 = tpu.memref_slice %arg9[%dma_start3A_714, %dma_start3A_715, %dma_start3A_721] : memref<3x4x128xi32, #tpu.memory_space<vmem>> -> memref<1x1x128xi32, #tpu.memory_space<vmem>>
      %dma_start3A_723 = tpu.memref_squeeze %dma_start3A_722 : memref<1x1x128xi32, #tpu.memory_space<vmem>> -> memref<128xi32, #tpu.memory_space<vmem>>
      %dma_start3A_724 = arith.constant 0 : i32
      %dma_start3A_725 = arith.constant 0 : i32
      %dma_start3A_726 = tpu.memref_slice %arg2[%dma_start3A_724, %dma_start3A_725] : memref<10000x64xf32, #tpu.memory_space<hbm>> -> memref<10000x64xf32, #tpu.memory_space<hbm>>
      tpu.enqueue_indirect_dma source(%dma_start3A_726 : memref<10000x64xf32, #tpu.memory_space<hbm>>) target(%dma_start3A_720 : memref<128x64xf32, #tpu.memory_space<vmem>>) offsets(%dma_start3A_723 : memref<128xi32, #tpu.memory_space<vmem>>) semaphore(%arg13 : memref<!tpu.dma_semaphore, #tpu.memory_space<semaphore_mem>>)
      %dma_start3A_727 = arith.constant 2 : i32
      %dma_start3A_728 = arith.constant 1 : i32
      %dma_start3A_729 = arith.constant 0 : i32
      %dma_start3A_730 = arith.constant 128 : i32
      %dma_start3A_731 = arith.constant 0 : i32
      %dma_start3A_732 = tpu.memref_slice %arg11[%dma_start3A_729, %dma_start3A_730, %dma_start3A_731] : memref<2x512x64xf32, #tpu.memory_space<vmem>> -> memref<1x128x64xf32, #tpu.memory_space<vmem>>
      %dma_start3A_733 = tpu.memref_squeeze %dma_start3A_732 : memref<1x128x64xf32, #tpu.memory_space<vmem>> -> memref<128x64xf32, #tpu.memory_space<vmem>>
      %dma_start3A_734 = arith.constant 0 : i32
      %dma_start3A_735 = tpu.memref_slice %arg9[%dma_start3A_727, %dma_start3A_728, %dma_start3A_734] : memref<3x4x128xi32, #tpu.memory_space<vmem>> -> memref<1x1x128xi32, #tpu.memory_space<vmem>>
      %dma_start3A_736 = tpu.memref_squeeze %dma_start3A_735 : memref<1x1x128xi32, #tpu.memory_space<vmem>> -> memref<128xi32, #tpu.memory_space<vmem>>
      %dma_start3A_737 = arith.constant 0 : i32
      %dma_start3A_738 = arith.constant 0 : i32
      %dma_start3A_739 = tpu.memref_slice %arg2[%dma_start3A_737, %dma_start3A_738] : memref<10000x64xf32, #tpu.memory_space<hbm>> -> memref<10000x64xf32, #tpu.memory_space<hbm>>
      tpu.enqueue_indirect_dma source(%dma_start3A_739 : memref<10000x64xf32, #tpu.memory_space<hbm>>) target(%dma_start3A_733 : memref<128x64xf32, #tpu.memory_space<vmem>>) offsets(%dma_start3A_736 : memref<128xi32, #tpu.memory_space<vmem>>) semaphore(%arg13 : memref<!tpu.dma_semaphore, #tpu.memory_space<semaphore_mem>>)
      %dma_start3A_740 = arith.constant 2 : i32
      %dma_start3A_741 = arith.constant 2 : i32
      %dma_start3A_742 = arith.constant 0 : i32
      %dma_start3A_743 = arith.constant 256 : i32
      %dma_start3A_744 = arith.constant 0 : i32
      %dma_start3A_745 = tpu.memref_slice %arg11[%dma_start3A_742, %dma_start3A_743, %dma_start3A_744] : memref<2x512x64xf32, #tpu.memory_space<vmem>> -> memref<1x128x64xf32, #tpu.memory_space<vmem>>
      %dma_start3A_746 = tpu.memref_squeeze %dma_start3A_745 : memref<1x128x64xf32, #tpu.memory_space<vmem>> -> memref<128x64xf32, #tpu.memory_space<vmem>>
      %dma_start3A_747 = arith.constant 0 : i32
      %dma_start3A_748 = tpu.memref_slice %arg9[%dma_start3A_740, %dma_start3A_741, %dma_start3A_747] : memref<3x4x128xi32, #tpu.memory_space<vmem>> -> memref<1x1x128xi32, #tpu.memory_space<vmem>>
      %dma_start3A_749 = tpu.memref_squeeze %dma_start3A_748 : memref<1x1x128xi32, #tpu.memory_space<vmem>> -> memref<128xi32, #tpu.memory_space<vmem>>
      %dma_start3A_750 = arith.constant 0 : i32
      %dma_start3A_751 = arith.constant 0 : i32
      %dma_start3A_752 = tpu.memref_slice %arg2[%dma_start3A_750, %dma_start3A_751] : memref<10000x64xf32, #tpu.memory_space<hbm>> -> memref<10000x64xf32, #tpu.memory_space<hbm>>
      tpu.enqueue_indirect_dma source(%dma_start3A_752 : memref<10000x64xf32, #tpu.memory_space<hbm>>) target(%dma_start3A_746 : memref<128x64xf32, #tpu.memory_space<vmem>>) offsets(%dma_start3A_749 : memref<128xi32, #tpu.memory_space<vmem>>) semaphore(%arg13 : memref<!tpu.dma_semaphore, #tpu.memory_space<semaphore_mem>>)
      %dma_start3A_753 = arith.constant 2 : i32
      %dma_start3A_754 = arith.constant 3 : i32
      %dma_start3A_755 = arith.constant 0 : i32
      %dma_start3A_756 = arith.constant 384 : i32
      %dma_start3A_757 = arith.constant 0 : i32
      %dma_start3A_758 = tpu.memref_slice %arg11[%dma_start3A_755, %dma_start3A_756, %dma_start3A_757] : memref<2x512x64xf32, #tpu.memory_space<vmem>> -> memref<1x128x64xf32, #tpu.memory_space<vmem>>
      %dma_start3A_759 = tpu.memref_squeeze %dma_start3A_758 : memref<1x128x64xf32, #tpu.memory_space<vmem>> -> memref<128x64xf32, #tpu.memory_space<vmem>>
      %dma_start3A_760 = arith.constant 0 : i32
      %dma_start3A_761 = tpu.memref_slice %arg9[%dma_start3A_753, %dma_start3A_754, %dma_start3A_760] : memref<3x4x128xi32, #tpu.memory_space<vmem>> -> memref<1x1x128xi32, #tpu.memory_space<vmem>>
      %dma_start3A_762 = tpu.memref_squeeze %dma_start3A_761 : memref<1x1x128xi32, #tpu.memory_space<vmem>> -> memref<128xi32, #tpu.memory_space<vmem>>
      %dma_start3A_763 = arith.constant 0 : i32
      %dma_start3A_764 = arith.constant 0 : i32
      %dma_start3A_765 = tpu.memref_slice %arg2[%dma_start3A_763, %dma_start3A_764] : memref<10000x64xf32, #tpu.memory_space<hbm>> -> memref<10000x64xf32, #tpu.memory_space<hbm>>
      tpu.enqueue_indirect_dma source(%dma_start3A_765 : memref<10000x64xf32, #tpu.memory_space<hbm>>) target(%dma_start3A_759 : memref<128x64xf32, #tpu.memory_space<vmem>>) offsets(%dma_start3A_762 : memref<128xi32, #tpu.memory_space<vmem>>) semaphore(%arg13 : memref<!tpu.dma_semaphore, #tpu.memory_space<semaphore_mem>>)
      %dma_wait3A_766 = arith.constant 1 : i32
      %dma_wait3A_767 = arith.constant 0 : i32
      %dma_wait3A_768 = arith.constant 1 : i32
      %dma_wait3A_769 = arith.constant 0 : i32
      %dma_wait3A_770 = arith.constant 0 : i32
      %dma_wait3A_771 = tpu.memref_slice %arg11[%dma_wait3A_768, %dma_wait3A_769, %dma_wait3A_770] : memref<2x512x64xf32, #tpu.memory_space<vmem>> -> memref<1x128x64xf32, #tpu.memory_space<vmem>>
      %dma_wait3A_772 = tpu.memref_squeeze %dma_wait3A_771 : memref<1x128x64xf32, #tpu.memory_space<vmem>> -> memref<128x64xf32, #tpu.memory_space<vmem>>
      %dma_wait3A_773 = arith.constant 0 : i32
      %dma_wait3A_774 = tpu.memref_slice %arg9[%dma_wait3A_766, %dma_wait3A_767, %dma_wait3A_773] : memref<3x4x128xi32, #tpu.memory_space<vmem>> -> memref<1x1x128xi32, #tpu.memory_space<vmem>>
      %dma_wait3A_775 = tpu.memref_squeeze %dma_wait3A_774 : memref<1x1x128xi32, #tpu.memory_space<vmem>> -> memref<128xi32, #tpu.memory_space<vmem>>
      %dma_wait3A_776 = arith.constant 0 : i32
      %dma_wait3A_777 = arith.constant 0 : i32
      %dma_wait3A_778 = tpu.memref_slice %arg2[%dma_wait3A_776, %dma_wait3A_777] : memref<10000x64xf32, #tpu.memory_space<hbm>> -> memref<10000x64xf32, #tpu.memory_space<hbm>>
      tpu.wait_indirect_dma semaphore(%arg13 : memref<!tpu.dma_semaphore, #tpu.memory_space<semaphore_mem>>) src(%dma_wait3A_778 : memref<10000x64xf32, #tpu.memory_space<hbm>>) dst(%dma_wait3A_772 : memref<128x64xf32, #tpu.memory_space<vmem>>)
      %dma_wait3A_779 = arith.constant 1 : i32
      %dma_wait3A_780 = arith.constant 1 : i32
      %dma_wait3A_781 = arith.constant 1 : i32
      %dma_wait3A_782 = arith.constant 128 : i32
      %dma_wait3A_783 = arith.constant 0 : i32
      %dma_wait3A_784 = tpu.memref_slice %arg11[%dma_wait3A_781, %dma_wait3A_782, %dma_wait3A_783] : memref<2x512x64xf32, #tpu.memory_space<vmem>> -> memref<1x128x64xf32, #tpu.memory_space<vmem>>
      %dma_wait3A_785 = tpu.memref_squeeze %dma_wait3A_784 : memref<1x128x64xf32, #tpu.memory_space<vmem>> -> memref<128x64xf32, #tpu.memory_space<vmem>>
      %dma_wait3A_786 = arith.constant 0 : i32
      %dma_wait3A_787 = tpu.memref_slice %arg9[%dma_wait3A_779, %dma_wait3A_780, %dma_wait3A_786] : memref<3x4x128xi32, #tpu.memory_space<vmem>> -> memref<1x1x128xi32, #tpu.memory_space<vmem>>
      %dma_wait3A_788 = tpu.memref_squeeze %dma_wait3A_787 : memref<1x1x128xi32, #tpu.memory_space<vmem>> -> memref<128xi32, #tpu.memory_space<vmem>>
      %dma_wait3A_789 = arith.constant 0 : i32
      %dma_wait3A_790 = arith.constant 0 : i32
      %dma_wait3A_791 = tpu.memref_slice %arg2[%dma_wait3A_789, %dma_wait3A_790] : memref<10000x64xf32, #tpu.memory_space<hbm>> -> memref<10000x64xf32, #tpu.memory_space<hbm>>
      tpu.wait_indirect_dma semaphore(%arg13 : memref<!tpu.dma_semaphore, #tpu.memory_space<semaphore_mem>>) src(%dma_wait3A_791 : memref<10000x64xf32, #tpu.memory_space<hbm>>) dst(%dma_wait3A_785 : memref<128x64xf32, #tpu.memory_space<vmem>>)
      %dma_wait3A_792 = arith.constant 1 : i32
      %dma_wait3A_793 = arith.constant 2 : i32
      %dma_wait3A_794 = arith.constant 1 : i32
      %dma_wait3A_795 = arith.constant 256 : i32
      %dma_wait3A_796 = arith.constant 0 : i32
      %dma_wait3A_797 = tpu.memref_slice %arg11[%dma_wait3A_794, %dma_wait3A_795, %dma_wait3A_796] : memref<2x512x64xf32, #tpu.memory_space<vmem>> -> memref<1x128x64xf32, #tpu.memory_space<vmem>>
      %dma_wait3A_798 = tpu.memref_squeeze %dma_wait3A_797 : memref<1x128x64xf32, #tpu.memory_space<vmem>> -> memref<128x64xf32, #tpu.memory_space<vmem>>
      %dma_wait3A_799 = arith.constant 0 : i32
      %dma_wait3A_800 = tpu.memref_slice %arg9[%dma_wait3A_792, %dma_wait3A_793, %dma_wait3A_799] : memref<3x4x128xi32, #tpu.memory_space<vmem>> -> memref<1x1x128xi32, #tpu.memory_space<vmem>>
      %dma_wait3A_801 = tpu.memref_squeeze %dma_wait3A_800 : memref<1x1x128xi32, #tpu.memory_space<vmem>> -> memref<128xi32, #tpu.memory_space<vmem>>
      %dma_wait3A_802 = arith.constant 0 : i32
      %dma_wait3A_803 = arith.constant 0 : i32
      %dma_wait3A_804 = tpu.memref_slice %arg2[%dma_wait3A_802, %dma_wait3A_803] : memref<10000x64xf32, #tpu.memory_space<hbm>> -> memref<10000x64xf32, #tpu.memory_space<hbm>>
      tpu.wait_indirect_dma semaphore(%arg13 : memref<!tpu.dma_semaphore, #tpu.memory_space<semaphore_mem>>) src(%dma_wait3A_804 : memref<10000x64xf32, #tpu.memory_space<hbm>>) dst(%dma_wait3A_798 : memref<128x64xf32, #tpu.memory_space<vmem>>)
      %dma_wait3A_805 = arith.constant 1 : i32
      %dma_wait3A_806 = arith.constant 3 : i32
      %dma_wait3A_807 = arith.constant 1 : i32
      %dma_wait3A_808 = arith.constant 384 : i32
      %dma_wait3A_809 = arith.constant 0 : i32
      %dma_wait3A_810 = tpu.memref_slice %arg11[%dma_wait3A_807, %dma_wait3A_808, %dma_wait3A_809] : memref<2x512x64xf32, #tpu.memory_space<vmem>> -> memref<1x128x64xf32, #tpu.memory_space<vmem>>
      %dma_wait3A_811 = tpu.memref_squeeze %dma_wait3A_810 : memref<1x128x64xf32, #tpu.memory_space<vmem>> -> memref<128x64xf32, #tpu.memory_space<vmem>>
      %dma_wait3A_812 = arith.constant 0 : i32
      %dma_wait3A_813 = tpu.memref_slice %arg9[%dma_wait3A_805, %dma_wait3A_806, %dma_wait3A_812] : memref<3x4x128xi32, #tpu.memory_space<vmem>> -> memref<1x1x128xi32, #tpu.memory_space<vmem>>
      %dma_wait3A_814 = tpu.memref_squeeze %dma_wait3A_813 : memref<1x1x128xi32, #tpu.memory_space<vmem>> -> memref<128xi32, #tpu.memory_space<vmem>>
      %dma_wait3A_815 = arith.constant 0 : i32
      %dma_wait3A_816 = arith.constant 0 : i32
      %dma_wait3A_817 = tpu.memref_slice %arg2[%dma_wait3A_815, %dma_wait3A_816] : memref<10000x64xf32, #tpu.memory_space<hbm>> -> memref<10000x64xf32, #tpu.memory_space<hbm>>
      tpu.wait_indirect_dma semaphore(%arg13 : memref<!tpu.dma_semaphore, #tpu.memory_space<semaphore_mem>>) src(%dma_wait3A_817 : memref<10000x64xf32, #tpu.memory_space<hbm>>) dst(%dma_wait3A_811 : memref<128x64xf32, #tpu.memory_space<vmem>>)
      %dma_start3A_818 = arith.constant 1 : i32
      %dma_start3A_819 = arith.constant 1 : i32
      %dma_start3A_820 = arith.constant 0 : i32
      %dma_start3A_821 = arith.constant 0 : i32
      %dma_start3A_822 = arith.constant 0 : i32
      %dma_start3A_823 = tpu.memref_slice %arg11[%dma_start3A_818, %dma_start3A_821, %dma_start3A_822] : memref<2x512x64xf32, #tpu.memory_space<vmem>> -> memref<1x128x64xf32, #tpu.memory_space<vmem>>
      %dma_start3A_824 = tpu.memref_squeeze %dma_start3A_823 : memref<1x128x64xf32, #tpu.memory_space<vmem>> -> memref<128x64xf32, #tpu.memory_space<vmem>>
      %dma_start3A_825 = arith.constant 0 : i32
      %dma_start3A_826 = tpu.memref_slice %arg10[%dma_start3A_819, %dma_start3A_820, %dma_start3A_825] : memref<3x4x128xi32, #tpu.memory_space<vmem>> -> memref<1x1x128xi32, #tpu.memory_space<vmem>>
      %dma_start3A_827 = tpu.memref_squeeze %dma_start3A_826 : memref<1x1x128xi32, #tpu.memory_space<vmem>> -> memref<128xi32, #tpu.memory_space<vmem>>
      %dma_start3A_828 = arith.constant 0 : i32
      %dma_start3A_829 = arith.constant 0 : i32
      %dma_start3A_830 = tpu.memref_slice %arg12[%dma_start3A_828, %dma_start3A_829] : memref<10240x64xf32, #tpu.memory_space<vmem_shared>> -> memref<10240x64xf32, #tpu.memory_space<vmem_shared>>
      tpu.enqueue_indirect_dma source(%dma_start3A_824 : memref<128x64xf32, #tpu.memory_space<vmem>>) target(%dma_start3A_830 : memref<10240x64xf32, #tpu.memory_space<vmem_shared>>) offsets(%dma_start3A_827 : memref<128xi32, #tpu.memory_space<vmem>>) semaphore(%arg15 : memref<!tpu.dma_semaphore, #tpu.memory_space<semaphore_mem>>) {add = true}
      %dma_start3A_831 = arith.constant 1 : i32
      %dma_start3A_832 = arith.constant 1 : i32
      %dma_start3A_833 = arith.constant 1 : i32
      %dma_start3A_834 = arith.constant 128 : i32
      %dma_start3A_835 = arith.constant 0 : i32
      %dma_start3A_836 = tpu.memref_slice %arg11[%dma_start3A_831, %dma_start3A_834, %dma_start3A_835] : memref<2x512x64xf32, #tpu.memory_space<vmem>> -> memref<1x128x64xf32, #tpu.memory_space<vmem>>
      %dma_start3A_837 = tpu.memref_squeeze %dma_start3A_836 : memref<1x128x64xf32, #tpu.memory_space<vmem>> -> memref<128x64xf32, #tpu.memory_space<vmem>>
      %dma_start3A_838 = arith.constant 0 : i32
      %dma_start3A_839 = tpu.memref_slice %arg10[%dma_start3A_832, %dma_start3A_833, %dma_start3A_838] : memref<3x4x128xi32, #tpu.memory_space<vmem>> -> memref<1x1x128xi32, #tpu.memory_space<vmem>>
      %dma_start3A_840 = tpu.memref_squeeze %dma_start3A_839 : memref<1x1x128xi32, #tpu.memory_space<vmem>> -> memref<128xi32, #tpu.memory_space<vmem>>
      %dma_start3A_841 = arith.constant 0 : i32
      %dma_start3A_842 = arith.constant 0 : i32
      %dma_start3A_843 = tpu.memref_slice %arg12[%dma_start3A_841, %dma_start3A_842] : memref<10240x64xf32, #tpu.memory_space<vmem_shared>> -> memref<10240x64xf32, #tpu.memory_space<vmem_shared>>
      tpu.enqueue_indirect_dma source(%dma_start3A_837 : memref<128x64xf32, #tpu.memory_space<vmem>>) target(%dma_start3A_843 : memref<10240x64xf32, #tpu.memory_space<vmem_shared>>) offsets(%dma_start3A_840 : memref<128xi32, #tpu.memory_space<vmem>>) semaphore(%arg15 : memref<!tpu.dma_semaphore, #tpu.memory_space<semaphore_mem>>) {add = true}
      %dma_start3A_844 = arith.constant 1 : i32
      %dma_start3A_845 = arith.constant 1 : i32
      %dma_start3A_846 = arith.constant 2 : i32
      %dma_start3A_847 = arith.constant 256 : i32
      %dma_start3A_848 = arith.constant 0 : i32
      %dma_start3A_849 = tpu.memref_slice %arg11[%dma_start3A_844, %dma_start3A_847, %dma_start3A_848] : memref<2x512x64xf32, #tpu.memory_space<vmem>> -> memref<1x128x64xf32, #tpu.memory_space<vmem>>
      %dma_start3A_850 = tpu.memref_squeeze %dma_start3A_849 : memref<1x128x64xf32, #tpu.memory_space<vmem>> -> memref<128x64xf32, #tpu.memory_space<vmem>>
      %dma_start3A_851 = arith.constant 0 : i32
      %dma_start3A_852 = tpu.memref_slice %arg10[%dma_start3A_845, %dma_start3A_846, %dma_start3A_851] : memref<3x4x128xi32, #tpu.memory_space<vmem>> -> memref<1x1x128xi32, #tpu.memory_space<vmem>>
      %dma_start3A_853 = tpu.memref_squeeze %dma_start3A_852 : memref<1x1x128xi32, #tpu.memory_space<vmem>> -> memref<128xi32, #tpu.memory_space<vmem>>
      %dma_start3A_854 = arith.constant 0 : i32
      %dma_start3A_855 = arith.constant 0 : i32
      %dma_start3A_856 = tpu.memref_slice %arg12[%dma_start3A_854, %dma_start3A_855] : memref<10240x64xf32, #tpu.memory_space<vmem_shared>> -> memref<10240x64xf32, #tpu.memory_space<vmem_shared>>
      tpu.enqueue_indirect_dma source(%dma_start3A_850 : memref<128x64xf32, #tpu.memory_space<vmem>>) target(%dma_start3A_856 : memref<10240x64xf32, #tpu.memory_space<vmem_shared>>) offsets(%dma_start3A_853 : memref<128xi32, #tpu.memory_space<vmem>>) semaphore(%arg15 : memref<!tpu.dma_semaphore, #tpu.memory_space<semaphore_mem>>) {add = true}
      %dma_start3A_857 = arith.constant 1 : i32
      %dma_start3A_858 = arith.constant 1 : i32
      %dma_start3A_859 = arith.constant 3 : i32
      %dma_start3A_860 = arith.constant 384 : i32
      %dma_start3A_861 = arith.constant 0 : i32
      %dma_start3A_862 = tpu.memref_slice %arg11[%dma_start3A_857, %dma_start3A_860, %dma_start3A_861] : memref<2x512x64xf32, #tpu.memory_space<vmem>> -> memref<1x128x64xf32, #tpu.memory_space<vmem>>
      %dma_start3A_863 = tpu.memref_squeeze %dma_start3A_862 : memref<1x128x64xf32, #tpu.memory_space<vmem>> -> memref<128x64xf32, #tpu.memory_space<vmem>>
      %dma_start3A_864 = arith.constant 0 : i32
      %dma_start3A_865 = tpu.memref_slice %arg10[%dma_start3A_858, %dma_start3A_859, %dma_start3A_864] : memref<3x4x128xi32, #tpu.memory_space<vmem>> -> memref<1x1x128xi32, #tpu.memory_space<vmem>>
      %dma_start3A_866 = tpu.memref_squeeze %dma_start3A_865 : memref<1x1x128xi32, #tpu.memory_space<vmem>> -> memref<128xi32, #tpu.memory_space<vmem>>
      %dma_start3A_867 = arith.constant 0 : i32
      %dma_start3A_868 = arith.constant 0 : i32
      %dma_start3A_869 = tpu.memref_slice %arg12[%dma_start3A_867, %dma_start3A_868] : memref<10240x64xf32, #tpu.memory_space<vmem_shared>> -> memref<10240x64xf32, #tpu.memory_space<vmem_shared>>
      tpu.enqueue_indirect_dma source(%dma_start3A_863 : memref<128x64xf32, #tpu.memory_space<vmem>>) target(%dma_start3A_869 : memref<10240x64xf32, #tpu.memory_space<vmem_shared>>) offsets(%dma_start3A_866 : memref<128xi32, #tpu.memory_space<vmem>>) semaphore(%arg15 : memref<!tpu.dma_semaphore, #tpu.memory_space<semaphore_mem>>) {add = true}
      %add3A_870 = arith.constant 1 : i32
      %add3A_871 = arith.addi %add3A_597, %add3A_870 : i32
      %dma_wait3A_872 = arith.constant 1 : i32
      %dma_wait3A_873 = arith.constant 1 : i32
      %dma_wait3A_874 = arith.constant 0 : i32
      %dma_wait3A_875 = arith.constant 0 : i32
      %dma_wait3A_876 = arith.constant 0 : i32
      %dma_wait3A_877 = tpu.memref_slice %arg11[%dma_wait3A_872, %dma_wait3A_875, %dma_wait3A_876] : memref<2x512x64xf32, #tpu.memory_space<vmem>> -> memref<1x128x64xf32, #tpu.memory_space<vmem>>
      %dma_wait3A_878 = tpu.memref_squeeze %dma_wait3A_877 : memref<1x128x64xf32, #tpu.memory_space<vmem>> -> memref<128x64xf32, #tpu.memory_space<vmem>>
      %dma_wait3A_879 = arith.constant 0 : i32
      %dma_wait3A_880 = tpu.memref_slice %arg10[%dma_wait3A_873, %dma_wait3A_874, %dma_wait3A_879] : memref<3x4x128xi32, #tpu.memory_space<vmem>> -> memref<1x1x128xi32, #tpu.memory_space<vmem>>
      %dma_wait3A_881 = tpu.memref_squeeze %dma_wait3A_880 : memref<1x1x128xi32, #tpu.memory_space<vmem>> -> memref<128xi32, #tpu.memory_space<vmem>>
      %dma_wait3A_882 = arith.constant 0 : i32
      %dma_wait3A_883 = arith.constant 0 : i32
      %dma_wait3A_884 = tpu.memref_slice %arg12[%dma_wait3A_882, %dma_wait3A_883] : memref<10240x64xf32, #tpu.memory_space<vmem_shared>> -> memref<10240x64xf32, #tpu.memory_space<vmem_shared>>
      tpu.wait_indirect_dma semaphore(%arg15 : memref<!tpu.dma_semaphore, #tpu.memory_space<semaphore_mem>>) src(%dma_wait3A_878 : memref<128x64xf32, #tpu.memory_space<vmem>>) dst(%dma_wait3A_884 : memref<10240x64xf32, #tpu.memory_space<vmem_shared>>)
      %dma_wait3A_885 = arith.constant 1 : i32
      %dma_wait3A_886 = arith.constant 1 : i32
      %dma_wait3A_887 = arith.constant 1 : i32
      %dma_wait3A_888 = arith.constant 128 : i32
      %dma_wait3A_889 = arith.constant 0 : i32
      %dma_wait3A_890 = tpu.memref_slice %arg11[%dma_wait3A_885, %dma_wait3A_888, %dma_wait3A_889] : memref<2x512x64xf32, #tpu.memory_space<vmem>> -> memref<1x128x64xf32, #tpu.memory_space<vmem>>
      %dma_wait3A_891 = tpu.memref_squeeze %dma_wait3A_890 : memref<1x128x64xf32, #tpu.memory_space<vmem>> -> memref<128x64xf32, #tpu.memory_space<vmem>>
      %dma_wait3A_892 = arith.constant 0 : i32
      %dma_wait3A_893 = tpu.memref_slice %arg10[%dma_wait3A_886, %dma_wait3A_887, %dma_wait3A_892] : memref<3x4x128xi32, #tpu.memory_space<vmem>> -> memref<1x1x128xi32, #tpu.memory_space<vmem>>
      %dma_wait3A_894 = tpu.memref_squeeze %dma_wait3A_893 : memref<1x1x128xi32, #tpu.memory_space<vmem>> -> memref<128xi32, #tpu.memory_space<vmem>>
      %dma_wait3A_895 = arith.constant 0 : i32
      %dma_wait3A_896 = arith.constant 0 : i32
      %dma_wait3A_897 = tpu.memref_slice %arg12[%dma_wait3A_895, %dma_wait3A_896] : memref<10240x64xf32, #tpu.memory_space<vmem_shared>> -> memref<10240x64xf32, #tpu.memory_space<vmem_shared>>
      tpu.wait_indirect_dma semaphore(%arg15 : memref<!tpu.dma_semaphore, #tpu.memory_space<semaphore_mem>>) src(%dma_wait3A_891 : memref<128x64xf32, #tpu.memory_space<vmem>>) dst(%dma_wait3A_897 : memref<10240x64xf32, #tpu.memory_space<vmem_shared>>)
      %dma_wait3A_898 = arith.constant 1 : i32
      %dma_wait3A_899 = arith.constant 1 : i32
      %dma_wait3A_900 = arith.constant 2 : i32
      %dma_wait3A_901 = arith.constant 256 : i32
      %dma_wait3A_902 = arith.constant 0 : i32
      %dma_wait3A_903 = tpu.memref_slice %arg11[%dma_wait3A_898, %dma_wait3A_901, %dma_wait3A_902] : memref<2x512x64xf32, #tpu.memory_space<vmem>> -> memref<1x128x64xf32, #tpu.memory_space<vmem>>
      %dma_wait3A_904 = tpu.memref_squeeze %dma_wait3A_903 : memref<1x128x64xf32, #tpu.memory_space<vmem>> -> memref<128x64xf32, #tpu.memory_space<vmem>>
      %dma_wait3A_905 = arith.constant 0 : i32
      %dma_wait3A_906 = tpu.memref_slice %arg10[%dma_wait3A_899, %dma_wait3A_900, %dma_wait3A_905] : memref<3x4x128xi32, #tpu.memory_space<vmem>> -> memref<1x1x128xi32, #tpu.memory_space<vmem>>
      %dma_wait3A_907 = tpu.memref_squeeze %dma_wait3A_906 : memref<1x1x128xi32, #tpu.memory_space<vmem>> -> memref<128xi32, #tpu.memory_space<vmem>>
      %dma_wait3A_908 = arith.constant 0 : i32
      %dma_wait3A_909 = arith.constant 0 : i32
      %dma_wait3A_910 = tpu.memref_slice %arg12[%dma_wait3A_908, %dma_wait3A_909] : memref<10240x64xf32, #tpu.memory_space<vmem_shared>> -> memref<10240x64xf32, #tpu.memory_space<vmem_shared>>
      tpu.wait_indirect_dma semaphore(%arg15 : memref<!tpu.dma_semaphore, #tpu.memory_space<semaphore_mem>>) src(%dma_wait3A_904 : memref<128x64xf32, #tpu.memory_space<vmem>>) dst(%dma_wait3A_910 : memref<10240x64xf32, #tpu.memory_space<vmem_shared>>)
      %dma_wait3A_911 = arith.constant 1 : i32
      %dma_wait3A_912 = arith.constant 1 : i32
      %dma_wait3A_913 = arith.constant 3 : i32
      %dma_wait3A_914 = arith.constant 384 : i32
      %dma_wait3A_915 = arith.constant 0 : i32
      %dma_wait3A_916 = tpu.memref_slice %arg11[%dma_wait3A_911, %dma_wait3A_914, %dma_wait3A_915] : memref<2x512x64xf32, #tpu.memory_space<vmem>> -> memref<1x128x64xf32, #tpu.memory_space<vmem>>
      %dma_wait3A_917 = tpu.memref_squeeze %dma_wait3A_916 : memref<1x128x64xf32, #tpu.memory_space<vmem>> -> memref<128x64xf32, #tpu.memory_space<vmem>>
      %dma_wait3A_918 = arith.constant 0 : i32
      %dma_wait3A_919 = tpu.memref_slice %arg10[%dma_wait3A_912, %dma_wait3A_913, %dma_wait3A_918] : memref<3x4x128xi32, #tpu.memory_space<vmem>> -> memref<1x1x128xi32, #tpu.memory_space<vmem>>
      %dma_wait3A_920 = tpu.memref_squeeze %dma_wait3A_919 : memref<1x1x128xi32, #tpu.memory_space<vmem>> -> memref<128xi32, #tpu.memory_space<vmem>>
      %dma_wait3A_921 = arith.constant 0 : i32
      %dma_wait3A_922 = arith.constant 0 : i32
      %dma_wait3A_923 = tpu.memref_slice %arg12[%dma_wait3A_921, %dma_wait3A_922] : memref<10240x64xf32, #tpu.memory_space<vmem_shared>> -> memref<10240x64xf32, #tpu.memory_space<vmem_shared>>
      tpu.wait_indirect_dma semaphore(%arg15 : memref<!tpu.dma_semaphore, #tpu.memory_space<semaphore_mem>>) src(%dma_wait3A_917 : memref<128x64xf32, #tpu.memory_space<vmem>>) dst(%dma_wait3A_923 : memref<10240x64xf32, #tpu.memory_space<vmem_shared>>)
      %add3A_924 = arith.constant 2 : i32
      %add3A_925 = arith.addi %add3A_871, %add3A_924 : i32
      %mul3A_926 = arith.constant 4 : i32
      %mul3A_927 = arith.muli %add3A_925, %mul3A_926 : i32
      %add3A_928 = arith.addi %mul3A_4, %mul3A_927 : i32
      %dma_start3A_929 = arith.constant 1 : i32
      %dma_start3A_930 = arith.constant 0 : i32
      %dma_start3A_931 = arith.constant 0 : i32
      %dma_start3A_932 = tpu.memref_slice %arg9[%dma_start3A_929, %dma_start3A_930, %dma_start3A_931] : memref<3x4x128xi32, #tpu.memory_space<vmem>> -> memref<1x4x128xi32, #tpu.memory_space<vmem>>
      %dma_start3A_933 = tpu.memref_squeeze %dma_start3A_932 : memref<1x4x128xi32, #tpu.memory_space<vmem>> -> memref<4x128xi32, #tpu.memory_space<vmem>>
      %dma_start3A_934 = arith.constant 0 : i32
      %dma_start3A_935 = tpu.memref_slice %arg3[%add3A_928, %dma_start3A_934] : memref<2568x128xi32, #tpu.memory_space<hbm>> -> memref<4x128xi32, #tpu.memory_space<hbm>>
      %dma_start3A_936 = arith.constant 0 : i32
      %dma_start3A_937 = arith.constant 0 : i32
      %dma_start3A_938 = tpu.memref_slice %arg9[%dma_start3A_929, %dma_start3A_936, %dma_start3A_937] : memref<3x4x128xi32, #tpu.memory_space<vmem>> -> memref<1x4x128xi32, #tpu.memory_space<vmem>>
      %dma_start3A_939 = tpu.memref_squeeze %dma_start3A_938 : memref<1x4x128xi32, #tpu.memory_space<vmem>> -> memref<4x128xi32, #tpu.memory_space<vmem>>
      %dma_start3A_940 = arith.constant 0 : i32
      %dma_start3A_941 = tpu.memref_slice %arg3[%add3A_928, %dma_start3A_940] : memref<2568x128xi32, #tpu.memory_space<hbm>> -> memref<4x128xi32, #tpu.memory_space<hbm>>
      tpu.enqueue_dma source(%dma_start3A_941 : memref<4x128xi32, #tpu.memory_space<hbm>>) target(%dma_start3A_939 : memref<4x128xi32, #tpu.memory_space<vmem>>) target_semaphore(%arg14 : memref<!tpu.dma_semaphore, #tpu.memory_space<semaphore_mem>>)
      %dma_start3A_942 = arith.constant 1 : i32
      %dma_start3A_943 = arith.constant 0 : i32
      %dma_start3A_944 = arith.constant 0 : i32
      %dma_start3A_945 = tpu.memref_slice %arg10[%dma_start3A_942, %dma_start3A_943, %dma_start3A_944] : memref<3x4x128xi32, #tpu.memory_space<vmem>> -> memref<1x4x128xi32, #tpu.memory_space<vmem>>
      %dma_start3A_946 = tpu.memref_squeeze %dma_start3A_945 : memref<1x4x128xi32, #tpu.memory_space<vmem>> -> memref<4x128xi32, #tpu.memory_space<vmem>>
      %dma_start3A_947 = arith.constant 0 : i32
      %dma_start3A_948 = tpu.memref_slice %arg4[%add3A_928, %dma_start3A_947] : memref<2568x128xi32, #tpu.memory_space<hbm>> -> memref<4x128xi32, #tpu.memory_space<hbm>>
      %dma_start3A_949 = arith.constant 0 : i32
      %dma_start3A_950 = arith.constant 0 : i32
      %dma_start3A_951 = tpu.memref_slice %arg10[%dma_start3A_942, %dma_start3A_949, %dma_start3A_950] : memref<3x4x128xi32, #tpu.memory_space<vmem>> -> memref<1x4x128xi32, #tpu.memory_space<vmem>>
      %dma_start3A_952 = tpu.memref_squeeze %dma_start3A_951 : memref<1x4x128xi32, #tpu.memory_space<vmem>> -> memref<4x128xi32, #tpu.memory_space<vmem>>
      %dma_start3A_953 = arith.constant 0 : i32
      %dma_start3A_954 = tpu.memref_slice %arg4[%add3A_928, %dma_start3A_953] : memref<2568x128xi32, #tpu.memory_space<hbm>> -> memref<4x128xi32, #tpu.memory_space<hbm>>
      tpu.enqueue_dma source(%dma_start3A_954 : memref<4x128xi32, #tpu.memory_space<hbm>>) target(%dma_start3A_952 : memref<4x128xi32, #tpu.memory_space<vmem>>) target_semaphore(%arg14 : memref<!tpu.dma_semaphore, #tpu.memory_space<semaphore_mem>>)
      %add3A_955 = arith.constant 1 : i32
      %add3A_956 = arith.addi %add3A_871, %add3A_955 : i32
      %mul3A_957 = arith.constant 4 : i32
      %mul3A_958 = arith.muli %add3A_956, %mul3A_957 : i32
      %add3A_959 = arith.addi %mul3A_4, %mul3A_958 : i32
      %dma_wait3A_960 = arith.constant 0 : i32
      %dma_wait3A_961 = arith.constant 0 : i32
      %dma_wait3A_962 = arith.constant 0 : i32
      %dma_wait3A_963 = tpu.memref_slice %arg9[%dma_wait3A_960, %dma_wait3A_961, %dma_wait3A_962] : memref<3x4x128xi32, #tpu.memory_space<vmem>> -> memref<1x4x128xi32, #tpu.memory_space<vmem>>
      %dma_wait3A_964 = tpu.memref_squeeze %dma_wait3A_963 : memref<1x4x128xi32, #tpu.memory_space<vmem>> -> memref<4x128xi32, #tpu.memory_space<vmem>>
      %dma_wait3A_965 = arith.constant 0 : i32
      %dma_wait3A_966 = tpu.memref_slice %arg3[%add3A_959, %dma_wait3A_965] : memref<2568x128xi32, #tpu.memory_space<hbm>> -> memref<4x128xi32, #tpu.memory_space<hbm>>
      %dma_wait3A_967 = arith.constant 0 : i32
      %dma_wait3A_968 = arith.constant 0 : i32
      %dma_wait3A_969 = tpu.memref_slice %arg9[%dma_wait3A_960, %dma_wait3A_967, %dma_wait3A_968] : memref<3x4x128xi32, #tpu.memory_space<vmem>> -> memref<1x4x128xi32, #tpu.memory_space<vmem>>
      %dma_wait3A_970 = tpu.memref_squeeze %dma_wait3A_969 : memref<1x4x128xi32, #tpu.memory_space<vmem>> -> memref<4x128xi32, #tpu.memory_space<vmem>>
      %dma_wait3A_971 = arith.constant 0 : i32
      %dma_wait3A_972 = tpu.memref_slice %arg3[%add3A_959, %dma_wait3A_971] : memref<2568x128xi32, #tpu.memory_space<hbm>> -> memref<4x128xi32, #tpu.memory_space<hbm>>
      tpu.wait_dma2 semaphore(%arg14 : memref<!tpu.dma_semaphore, #tpu.memory_space<semaphore_mem>>) src(%dma_wait3A_972 : memref<4x128xi32, #tpu.memory_space<hbm>>) dst(%dma_wait3A_970 : memref<4x128xi32, #tpu.memory_space<vmem>>)
      %dma_wait3A_973 = arith.constant 0 : i32
      %dma_wait3A_974 = arith.constant 0 : i32
      %dma_wait3A_975 = arith.constant 0 : i32
      %dma_wait3A_976 = tpu.memref_slice %arg10[%dma_wait3A_973, %dma_wait3A_974, %dma_wait3A_975] : memref<3x4x128xi32, #tpu.memory_space<vmem>> -> memref<1x4x128xi32, #tpu.memory_space<vmem>>
      %dma_wait3A_977 = tpu.memref_squeeze %dma_wait3A_976 : memref<1x4x128xi32, #tpu.memory_space<vmem>> -> memref<4x128xi32, #tpu.memory_space<vmem>>
      %dma_wait3A_978 = arith.constant 0 : i32
      %dma_wait3A_979 = tpu.memref_slice %arg4[%add3A_959, %dma_wait3A_978] : memref<2568x128xi32, #tpu.memory_space<hbm>> -> memref<4x128xi32, #tpu.memory_space<hbm>>
      %dma_wait3A_980 = arith.constant 0 : i32
      %dma_wait3A_981 = arith.constant 0 : i32
      %dma_wait3A_982 = tpu.memref_slice %arg10[%dma_wait3A_973, %dma_wait3A_980, %dma_wait3A_981] : memref<3x4x128xi32, #tpu.memory_space<vmem>> -> memref<1x4x128xi32, #tpu.memory_space<vmem>>
      %dma_wait3A_983 = tpu.memref_squeeze %dma_wait3A_982 : memref<1x4x128xi32, #tpu.memory_space<vmem>> -> memref<4x128xi32, #tpu.memory_space<vmem>>
      %dma_wait3A_984 = arith.constant 0 : i32
      %dma_wait3A_985 = tpu.memref_slice %arg4[%add3A_959, %dma_wait3A_984] : memref<2568x128xi32, #tpu.memory_space<hbm>> -> memref<4x128xi32, #tpu.memory_space<hbm>>
      tpu.wait_dma2 semaphore(%arg14 : memref<!tpu.dma_semaphore, #tpu.memory_space<semaphore_mem>>) src(%dma_wait3A_985 : memref<4x128xi32, #tpu.memory_space<hbm>>) dst(%dma_wait3A_983 : memref<4x128xi32, #tpu.memory_space<vmem>>)
      %dma_start3A_986 = arith.constant 0 : i32
      %dma_start3A_987 = arith.constant 0 : i32
      %dma_start3A_988 = arith.constant 1 : i32
      %dma_start3A_989 = arith.constant 0 : i32
      %dma_start3A_990 = arith.constant 0 : i32
      %dma_start3A_991 = tpu.memref_slice %arg11[%dma_start3A_988, %dma_start3A_989, %dma_start3A_990] : memref<2x512x64xf32, #tpu.memory_space<vmem>> -> memref<1x128x64xf32, #tpu.memory_space<vmem>>
      %dma_start3A_992 = tpu.memref_squeeze %dma_start3A_991 : memref<1x128x64xf32, #tpu.memory_space<vmem>> -> memref<128x64xf32, #tpu.memory_space<vmem>>
      %dma_start3A_993 = arith.constant 0 : i32
      %dma_start3A_994 = tpu.memref_slice %arg9[%dma_start3A_986, %dma_start3A_987, %dma_start3A_993] : memref<3x4x128xi32, #tpu.memory_space<vmem>> -> memref<1x1x128xi32, #tpu.memory_space<vmem>>
      %dma_start3A_995 = tpu.memref_squeeze %dma_start3A_994 : memref<1x1x128xi32, #tpu.memory_space<vmem>> -> memref<128xi32, #tpu.memory_space<vmem>>
      %dma_start3A_996 = arith.constant 0 : i32
      %dma_start3A_997 = arith.constant 0 : i32
      %dma_start3A_998 = tpu.memref_slice %arg2[%dma_start3A_996, %dma_start3A_997] : memref<10000x64xf32, #tpu.memory_space<hbm>> -> memref<10000x64xf32, #tpu.memory_space<hbm>>
      tpu.enqueue_indirect_dma source(%dma_start3A_998 : memref<10000x64xf32, #tpu.memory_space<hbm>>) target(%dma_start3A_992 : memref<128x64xf32, #tpu.memory_space<vmem>>) offsets(%dma_start3A_995 : memref<128xi32, #tpu.memory_space<vmem>>) semaphore(%arg13 : memref<!tpu.dma_semaphore, #tpu.memory_space<semaphore_mem>>)
      %dma_start3A_999 = arith.constant 0 : i32
      %dma_start3A_1000 = arith.constant 1 : i32
      %dma_start3A_1001 = arith.constant 1 : i32
      %dma_start3A_1002 = arith.constant 128 : i32
      %dma_start3A_1003 = arith.constant 0 : i32
      %dma_start3A_1004 = tpu.memref_slice %arg11[%dma_start3A_1001, %dma_start3A_1002, %dma_start3A_1003] : memref<2x512x64xf32, #tpu.memory_space<vmem>> -> memref<1x128x64xf32, #tpu.memory_space<vmem>>
      %dma_start3A_1005 = tpu.memref_squeeze %dma_start3A_1004 : memref<1x128x64xf32, #tpu.memory_space<vmem>> -> memref<128x64xf32, #tpu.memory_space<vmem>>
      %dma_start3A_1006 = arith.constant 0 : i32
      %dma_start3A_1007 = tpu.memref_slice %arg9[%dma_start3A_999, %dma_start3A_1000, %dma_start3A_1006] : memref<3x4x128xi32, #tpu.memory_space<vmem>> -> memref<1x1x128xi32, #tpu.memory_space<vmem>>
      %dma_start3A_1008 = tpu.memref_squeeze %dma_start3A_1007 : memref<1x1x128xi32, #tpu.memory_space<vmem>> -> memref<128xi32, #tpu.memory_space<vmem>>
      %dma_start3A_1009 = arith.constant 0 : i32
      %dma_start3A_1010 = arith.constant 0 : i32
      %dma_start3A_1011 = tpu.memref_slice %arg2[%dma_start3A_1009, %dma_start3A_1010] : memref<10000x64xf32, #tpu.memory_space<hbm>> -> memref<10000x64xf32, #tpu.memory_space<hbm>>
      tpu.enqueue_indirect_dma source(%dma_start3A_1011 : memref<10000x64xf32, #tpu.memory_space<hbm>>) target(%dma_start3A_1005 : memref<128x64xf32, #tpu.memory_space<vmem>>) offsets(%dma_start3A_1008 : memref<128xi32, #tpu.memory_space<vmem>>) semaphore(%arg13 : memref<!tpu.dma_semaphore, #tpu.memory_space<semaphore_mem>>)
      %dma_start3A_1012 = arith.constant 0 : i32
      %dma_start3A_1013 = arith.constant 2 : i32
      %dma_start3A_1014 = arith.constant 1 : i32
      %dma_start3A_1015 = arith.constant 256 : i32
      %dma_start3A_1016 = arith.constant 0 : i32
      %dma_start3A_1017 = tpu.memref_slice %arg11[%dma_start3A_1014, %dma_start3A_1015, %dma_start3A_1016] : memref<2x512x64xf32, #tpu.memory_space<vmem>> -> memref<1x128x64xf32, #tpu.memory_space<vmem>>
      %dma_start3A_1018 = tpu.memref_squeeze %dma_start3A_1017 : memref<1x128x64xf32, #tpu.memory_space<vmem>> -> memref<128x64xf32, #tpu.memory_space<vmem>>
      %dma_start3A_1019 = arith.constant 0 : i32
      %dma_start3A_1020 = tpu.memref_slice %arg9[%dma_start3A_1012, %dma_start3A_1013, %dma_start3A_1019] : memref<3x4x128xi32, #tpu.memory_space<vmem>> -> memref<1x1x128xi32, #tpu.memory_space<vmem>>
      %dma_start3A_1021 = tpu.memref_squeeze %dma_start3A_1020 : memref<1x1x128xi32, #tpu.memory_space<vmem>> -> memref<128xi32, #tpu.memory_space<vmem>>
      %dma_start3A_1022 = arith.constant 0 : i32
      %dma_start3A_1023 = arith.constant 0 : i32
      %dma_start3A_1024 = tpu.memref_slice %arg2[%dma_start3A_1022, %dma_start3A_1023] : memref<10000x64xf32, #tpu.memory_space<hbm>> -> memref<10000x64xf32, #tpu.memory_space<hbm>>
      tpu.enqueue_indirect_dma source(%dma_start3A_1024 : memref<10000x64xf32, #tpu.memory_space<hbm>>) target(%dma_start3A_1018 : memref<128x64xf32, #tpu.memory_space<vmem>>) offsets(%dma_start3A_1021 : memref<128xi32, #tpu.memory_space<vmem>>) semaphore(%arg13 : memref<!tpu.dma_semaphore, #tpu.memory_space<semaphore_mem>>)
      %dma_start3A_1025 = arith.constant 0 : i32
      %dma_start3A_1026 = arith.constant 3 : i32
      %dma_start3A_1027 = arith.constant 1 : i32
      %dma_start3A_1028 = arith.constant 384 : i32
      %dma_start3A_1029 = arith.constant 0 : i32
      %dma_start3A_1030 = tpu.memref_slice %arg11[%dma_start3A_1027, %dma_start3A_1028, %dma_start3A_1029] : memref<2x512x64xf32, #tpu.memory_space<vmem>> -> memref<1x128x64xf32, #tpu.memory_space<vmem>>
      %dma_start3A_1031 = tpu.memref_squeeze %dma_start3A_1030 : memref<1x128x64xf32, #tpu.memory_space<vmem>> -> memref<128x64xf32, #tpu.memory_space<vmem>>
      %dma_start3A_1032 = arith.constant 0 : i32
      %dma_start3A_1033 = tpu.memref_slice %arg9[%dma_start3A_1025, %dma_start3A_1026, %dma_start3A_1032] : memref<3x4x128xi32, #tpu.memory_space<vmem>> -> memref<1x1x128xi32, #tpu.memory_space<vmem>>
      %dma_start3A_1034 = tpu.memref_squeeze %dma_start3A_1033 : memref<1x1x128xi32, #tpu.memory_space<vmem>> -> memref<128xi32, #tpu.memory_space<vmem>>
      %dma_start3A_1035 = arith.constant 0 : i32
      %dma_start3A_1036 = arith.constant 0 : i32
      %dma_start3A_1037 = tpu.memref_slice %arg2[%dma_start3A_1035, %dma_start3A_1036] : memref<10000x64xf32, #tpu.memory_space<hbm>> -> memref<10000x64xf32, #tpu.memory_space<hbm>>
      tpu.enqueue_indirect_dma source(%dma_start3A_1037 : memref<10000x64xf32, #tpu.memory_space<hbm>>) target(%dma_start3A_1031 : memref<128x64xf32, #tpu.memory_space<vmem>>) offsets(%dma_start3A_1034 : memref<128xi32, #tpu.memory_space<vmem>>) semaphore(%arg13 : memref<!tpu.dma_semaphore, #tpu.memory_space<semaphore_mem>>)
      %dma_wait3A_1038 = arith.constant 2 : i32
      %dma_wait3A_1039 = arith.constant 0 : i32
      %dma_wait3A_1040 = arith.constant 0 : i32
      %dma_wait3A_1041 = arith.constant 0 : i32
      %dma_wait3A_1042 = arith.constant 0 : i32
      %dma_wait3A_1043 = tpu.memref_slice %arg11[%dma_wait3A_1040, %dma_wait3A_1041, %dma_wait3A_1042] : memref<2x512x64xf32, #tpu.memory_space<vmem>> -> memref<1x128x64xf32, #tpu.memory_space<vmem>>
      %dma_wait3A_1044 = tpu.memref_squeeze %dma_wait3A_1043 : memref<1x128x64xf32, #tpu.memory_space<vmem>> -> memref<128x64xf32, #tpu.memory_space<vmem>>
      %dma_wait3A_1045 = arith.constant 0 : i32
      %dma_wait3A_1046 = tpu.memref_slice %arg9[%dma_wait3A_1038, %dma_wait3A_1039, %dma_wait3A_1045] : memref<3x4x128xi32, #tpu.memory_space<vmem>> -> memref<1x1x128xi32, #tpu.memory_space<vmem>>
      %dma_wait3A_1047 = tpu.memref_squeeze %dma_wait3A_1046 : memref<1x1x128xi32, #tpu.memory_space<vmem>> -> memref<128xi32, #tpu.memory_space<vmem>>
      %dma_wait3A_1048 = arith.constant 0 : i32
      %dma_wait3A_1049 = arith.constant 0 : i32
      %dma_wait3A_1050 = tpu.memref_slice %arg2[%dma_wait3A_1048, %dma_wait3A_1049] : memref<10000x64xf32, #tpu.memory_space<hbm>> -> memref<10000x64xf32, #tpu.memory_space<hbm>>
      tpu.wait_indirect_dma semaphore(%arg13 : memref<!tpu.dma_semaphore, #tpu.memory_space<semaphore_mem>>) src(%dma_wait3A_1050 : memref<10000x64xf32, #tpu.memory_space<hbm>>) dst(%dma_wait3A_1044 : memref<128x64xf32, #tpu.memory_space<vmem>>)
      %dma_wait3A_1051 = arith.constant 2 : i32
      %dma_wait3A_1052 = arith.constant 1 : i32
      %dma_wait3A_1053 = arith.constant 0 : i32
      %dma_wait3A_1054 = arith.constant 128 : i32
      %dma_wait3A_1055 = arith.constant 0 : i32
      %dma_wait3A_1056 = tpu.memref_slice %arg11[%dma_wait3A_1053, %dma_wait3A_1054, %dma_wait3A_1055] : memref<2x512x64xf32, #tpu.memory_space<vmem>> -> memref<1x128x64xf32, #tpu.memory_space<vmem>>
      %dma_wait3A_1057 = tpu.memref_squeeze %dma_wait3A_1056 : memref<1x128x64xf32, #tpu.memory_space<vmem>> -> memref<128x64xf32, #tpu.memory_space<vmem>>
      %dma_wait3A_1058 = arith.constant 0 : i32
      %dma_wait3A_1059 = tpu.memref_slice %arg9[%dma_wait3A_1051, %dma_wait3A_1052, %dma_wait3A_1058] : memref<3x4x128xi32, #tpu.memory_space<vmem>> -> memref<1x1x128xi32, #tpu.memory_space<vmem>>
      %dma_wait3A_1060 = tpu.memref_squeeze %dma_wait3A_1059 : memref<1x1x128xi32, #tpu.memory_space<vmem>> -> memref<128xi32, #tpu.memory_space<vmem>>
      %dma_wait3A_1061 = arith.constant 0 : i32
      %dma_wait3A_1062 = arith.constant 0 : i32
      %dma_wait3A_1063 = tpu.memref_slice %arg2[%dma_wait3A_1061, %dma_wait3A_1062] : memref<10000x64xf32, #tpu.memory_space<hbm>> -> memref<10000x64xf32, #tpu.memory_space<hbm>>
      tpu.wait_indirect_dma semaphore(%arg13 : memref<!tpu.dma_semaphore, #tpu.memory_space<semaphore_mem>>) src(%dma_wait3A_1063 : memref<10000x64xf32, #tpu.memory_space<hbm>>) dst(%dma_wait3A_1057 : memref<128x64xf32, #tpu.memory_space<vmem>>)
      %dma_wait3A_1064 = arith.constant 2 : i32
      %dma_wait3A_1065 = arith.constant 2 : i32
      %dma_wait3A_1066 = arith.constant 0 : i32
      %dma_wait3A_1067 = arith.constant 256 : i32
      %dma_wait3A_1068 = arith.constant 0 : i32
      %dma_wait3A_1069 = tpu.memref_slice %arg11[%dma_wait3A_1066, %dma_wait3A_1067, %dma_wait3A_1068] : memref<2x512x64xf32, #tpu.memory_space<vmem>> -> memref<1x128x64xf32, #tpu.memory_space<vmem>>
      %dma_wait3A_1070 = tpu.memref_squeeze %dma_wait3A_1069 : memref<1x128x64xf32, #tpu.memory_space<vmem>> -> memref<128x64xf32, #tpu.memory_space<vmem>>
      %dma_wait3A_1071 = arith.constant 0 : i32
      %dma_wait3A_1072 = tpu.memref_slice %arg9[%dma_wait3A_1064, %dma_wait3A_1065, %dma_wait3A_1071] : memref<3x4x128xi32, #tpu.memory_space<vmem>> -> memref<1x1x128xi32, #tpu.memory_space<vmem>>
      %dma_wait3A_1073 = tpu.memref_squeeze %dma_wait3A_1072 : memref<1x1x128xi32, #tpu.memory_space<vmem>> -> memref<128xi32, #tpu.memory_space<vmem>>
      %dma_wait3A_1074 = arith.constant 0 : i32
      %dma_wait3A_1075 = arith.constant 0 : i32
      %dma_wait3A_1076 = tpu.memref_slice %arg2[%dma_wait3A_1074, %dma_wait3A_1075] : memref<10000x64xf32, #tpu.memory_space<hbm>> -> memref<10000x64xf32, #tpu.memory_space<hbm>>
      tpu.wait_indirect_dma semaphore(%arg13 : memref<!tpu.dma_semaphore, #tpu.memory_space<semaphore_mem>>) src(%dma_wait3A_1076 : memref<10000x64xf32, #tpu.memory_space<hbm>>) dst(%dma_wait3A_1070 : memref<128x64xf32, #tpu.memory_space<vmem>>)
      %dma_wait3A_1077 = arith.constant 2 : i32
      %dma_wait3A_1078 = arith.constant 3 : i32
      %dma_wait3A_1079 = arith.constant 0 : i32
      %dma_wait3A_1080 = arith.constant 384 : i32
      %dma_wait3A_1081 = arith.constant 0 : i32
      %dma_wait3A_1082 = tpu.memref_slice %arg11[%dma_wait3A_1079, %dma_wait3A_1080, %dma_wait3A_1081] : memref<2x512x64xf32, #tpu.memory_space<vmem>> -> memref<1x128x64xf32, #tpu.memory_space<vmem>>
      %dma_wait3A_1083 = tpu.memref_squeeze %dma_wait3A_1082 : memref<1x128x64xf32, #tpu.memory_space<vmem>> -> memref<128x64xf32, #tpu.memory_space<vmem>>
      %dma_wait3A_1084 = arith.constant 0 : i32
      %dma_wait3A_1085 = tpu.memref_slice %arg9[%dma_wait3A_1077, %dma_wait3A_1078, %dma_wait3A_1084] : memref<3x4x128xi32, #tpu.memory_space<vmem>> -> memref<1x1x128xi32, #tpu.memory_space<vmem>>
      %dma_wait3A_1086 = tpu.memref_squeeze %dma_wait3A_1085 : memref<1x1x128xi32, #tpu.memory_space<vmem>> -> memref<128xi32, #tpu.memory_space<vmem>>
      %dma_wait3A_1087 = arith.constant 0 : i32
      %dma_wait3A_1088 = arith.constant 0 : i32
      %dma_wait3A_1089 = tpu.memref_slice %arg2[%dma_wait3A_1087, %dma_wait3A_1088] : memref<10000x64xf32, #tpu.memory_space<hbm>> -> memref<10000x64xf32, #tpu.memory_space<hbm>>
      tpu.wait_indirect_dma semaphore(%arg13 : memref<!tpu.dma_semaphore, #tpu.memory_space<semaphore_mem>>) src(%dma_wait3A_1089 : memref<10000x64xf32, #tpu.memory_space<hbm>>) dst(%dma_wait3A_1083 : memref<128x64xf32, #tpu.memory_space<vmem>>)
      %dma_start3A_1090 = arith.constant 0 : i32
      %dma_start3A_1091 = arith.constant 2 : i32
      %dma_start3A_1092 = arith.constant 0 : i32
      %dma_start3A_1093 = arith.constant 0 : i32
      %dma_start3A_1094 = arith.constant 0 : i32
      %dma_start3A_1095 = tpu.memref_slice %arg11[%dma_start3A_1090, %dma_start3A_1093, %dma_start3A_1094] : memref<2x512x64xf32, #tpu.memory_space<vmem>> -> memref<1x128x64xf32, #tpu.memory_space<vmem>>
      %dma_start3A_1096 = tpu.memref_squeeze %dma_start3A_1095 : memref<1x128x64xf32, #tpu.memory_space<vmem>> -> memref<128x64xf32, #tpu.memory_space<vmem>>
      %dma_start3A_1097 = arith.constant 0 : i32
      %dma_start3A_1098 = tpu.memref_slice %arg10[%dma_start3A_1091, %dma_start3A_1092, %dma_start3A_1097] : memref<3x4x128xi32, #tpu.memory_space<vmem>> -> memref<1x1x128xi32, #tpu.memory_space<vmem>>
      %dma_start3A_1099 = tpu.memref_squeeze %dma_start3A_1098 : memref<1x1x128xi32, #tpu.memory_space<vmem>> -> memref<128xi32, #tpu.memory_space<vmem>>
      %dma_start3A_1100 = arith.constant 0 : i32
      %dma_start3A_1101 = arith.constant 0 : i32
      %dma_start3A_1102 = tpu.memref_slice %arg12[%dma_start3A_1100, %dma_start3A_1101] : memref<10240x64xf32, #tpu.memory_space<vmem_shared>> -> memref<10240x64xf32, #tpu.memory_space<vmem_shared>>
      tpu.enqueue_indirect_dma source(%dma_start3A_1096 : memref<128x64xf32, #tpu.memory_space<vmem>>) target(%dma_start3A_1102 : memref<10240x64xf32, #tpu.memory_space<vmem_shared>>) offsets(%dma_start3A_1099 : memref<128xi32, #tpu.memory_space<vmem>>) semaphore(%arg15 : memref<!tpu.dma_semaphore, #tpu.memory_space<semaphore_mem>>) {add = true}
      %dma_start3A_1103 = arith.constant 0 : i32
      %dma_start3A_1104 = arith.constant 2 : i32
      %dma_start3A_1105 = arith.constant 1 : i32
      %dma_start3A_1106 = arith.constant 128 : i32
      %dma_start3A_1107 = arith.constant 0 : i32
      %dma_start3A_1108 = tpu.memref_slice %arg11[%dma_start3A_1103, %dma_start3A_1106, %dma_start3A_1107] : memref<2x512x64xf32, #tpu.memory_space<vmem>> -> memref<1x128x64xf32, #tpu.memory_space<vmem>>
      %dma_start3A_1109 = tpu.memref_squeeze %dma_start3A_1108 : memref<1x128x64xf32, #tpu.memory_space<vmem>> -> memref<128x64xf32, #tpu.memory_space<vmem>>
      %dma_start3A_1110 = arith.constant 0 : i32
      %dma_start3A_1111 = tpu.memref_slice %arg10[%dma_start3A_1104, %dma_start3A_1105, %dma_start3A_1110] : memref<3x4x128xi32, #tpu.memory_space<vmem>> -> memref<1x1x128xi32, #tpu.memory_space<vmem>>
      %dma_start3A_1112 = tpu.memref_squeeze %dma_start3A_1111 : memref<1x1x128xi32, #tpu.memory_space<vmem>> -> memref<128xi32, #tpu.memory_space<vmem>>
      %dma_start3A_1113 = arith.constant 0 : i32
      %dma_start3A_1114 = arith.constant 0 : i32
      %dma_start3A_1115 = tpu.memref_slice %arg12[%dma_start3A_1113, %dma_start3A_1114] : memref<10240x64xf32, #tpu.memory_space<vmem_shared>> -> memref<10240x64xf32, #tpu.memory_space<vmem_shared>>
      tpu.enqueue_indirect_dma source(%dma_start3A_1109 : memref<128x64xf32, #tpu.memory_space<vmem>>) target(%dma_start3A_1115 : memref<10240x64xf32, #tpu.memory_space<vmem_shared>>) offsets(%dma_start3A_1112 : memref<128xi32, #tpu.memory_space<vmem>>) semaphore(%arg15 : memref<!tpu.dma_semaphore, #tpu.memory_space<semaphore_mem>>) {add = true}
      %dma_start3A_1116 = arith.constant 0 : i32
      %dma_start3A_1117 = arith.constant 2 : i32
      %dma_start3A_1118 = arith.constant 2 : i32
      %dma_start3A_1119 = arith.constant 256 : i32
      %dma_start3A_1120 = arith.constant 0 : i32
      %dma_start3A_1121 = tpu.memref_slice %arg11[%dma_start3A_1116, %dma_start3A_1119, %dma_start3A_1120] : memref<2x512x64xf32, #tpu.memory_space<vmem>> -> memref<1x128x64xf32, #tpu.memory_space<vmem>>
      %dma_start3A_1122 = tpu.memref_squeeze %dma_start3A_1121 : memref<1x128x64xf32, #tpu.memory_space<vmem>> -> memref<128x64xf32, #tpu.memory_space<vmem>>
      %dma_start3A_1123 = arith.constant 0 : i32
      %dma_start3A_1124 = tpu.memref_slice %arg10[%dma_start3A_1117, %dma_start3A_1118, %dma_start3A_1123] : memref<3x4x128xi32, #tpu.memory_space<vmem>> -> memref<1x1x128xi32, #tpu.memory_space<vmem>>
      %dma_start3A_1125 = tpu.memref_squeeze %dma_start3A_1124 : memref<1x1x128xi32, #tpu.memory_space<vmem>> -> memref<128xi32, #tpu.memory_space<vmem>>
      %dma_start3A_1126 = arith.constant 0 : i32
      %dma_start3A_1127 = arith.constant 0 : i32
      %dma_start3A_1128 = tpu.memref_slice %arg12[%dma_start3A_1126, %dma_start3A_1127] : memref<10240x64xf32, #tpu.memory_space<vmem_shared>> -> memref<10240x64xf32, #tpu.memory_space<vmem_shared>>
      tpu.enqueue_indirect_dma source(%dma_start3A_1122 : memref<128x64xf32, #tpu.memory_space<vmem>>) target(%dma_start3A_1128 : memref<10240x64xf32, #tpu.memory_space<vmem_shared>>) offsets(%dma_start3A_1125 : memref<128xi32, #tpu.memory_space<vmem>>) semaphore(%arg15 : memref<!tpu.dma_semaphore, #tpu.memory_space<semaphore_mem>>) {add = true}
      %dma_start3A_1129 = arith.constant 0 : i32
      %dma_start3A_1130 = arith.constant 2 : i32
      %dma_start3A_1131 = arith.constant 3 : i32
      %dma_start3A_1132 = arith.constant 384 : i32
      %dma_start3A_1133 = arith.constant 0 : i32
      %dma_start3A_1134 = tpu.memref_slice %arg11[%dma_start3A_1129, %dma_start3A_1132, %dma_start3A_1133] : memref<2x512x64xf32, #tpu.memory_space<vmem>> -> memref<1x128x64xf32, #tpu.memory_space<vmem>>
      %dma_start3A_1135 = tpu.memref_squeeze %dma_start3A_1134 : memref<1x128x64xf32, #tpu.memory_space<vmem>> -> memref<128x64xf32, #tpu.memory_space<vmem>>
      %dma_start3A_1136 = arith.constant 0 : i32
      %dma_start3A_1137 = tpu.memref_slice %arg10[%dma_start3A_1130, %dma_start3A_1131, %dma_start3A_1136] : memref<3x4x128xi32, #tpu.memory_space<vmem>> -> memref<1x1x128xi32, #tpu.memory_space<vmem>>
      %dma_start3A_1138 = tpu.memref_squeeze %dma_start3A_1137 : memref<1x1x128xi32, #tpu.memory_space<vmem>> -> memref<128xi32, #tpu.memory_space<vmem>>
      %dma_start3A_1139 = arith.constant 0 : i32
      %dma_start3A_1140 = arith.constant 0 : i32
      %dma_start3A_1141 = tpu.memref_slice %arg12[%dma_start3A_1139, %dma_start3A_1140] : memref<10240x64xf32, #tpu.memory_space<vmem_shared>> -> memref<10240x64xf32, #tpu.memory_space<vmem_shared>>
      tpu.enqueue_indirect_dma source(%dma_start3A_1135 : memref<128x64xf32, #tpu.memory_space<vmem>>) target(%dma_start3A_1141 : memref<10240x64xf32, #tpu.memory_space<vmem_shared>>) offsets(%dma_start3A_1138 : memref<128xi32, #tpu.memory_space<vmem>>) semaphore(%arg15 : memref<!tpu.dma_semaphore, #tpu.memory_space<semaphore_mem>>) {add = true}
      %add3A_1142 = arith.constant 2 : i32
      %add3A_1143 = arith.addi %add3A_597, %add3A_1142 : i32
      %dma_wait3A_1144 = arith.constant 0 : i32
      %dma_wait3A_1145 = arith.constant 2 : i32
      %dma_wait3A_1146 = arith.constant 0 : i32
      %dma_wait3A_1147 = arith.constant 0 : i32
      %dma_wait3A_1148 = arith.constant 0 : i32
      %dma_wait3A_1149 = tpu.memref_slice %arg11[%dma_wait3A_1144, %dma_wait3A_1147, %dma_wait3A_1148] : memref<2x512x64xf32, #tpu.memory_space<vmem>> -> memref<1x128x64xf32, #tpu.memory_space<vmem>>
      %dma_wait3A_1150 = tpu.memref_squeeze %dma_wait3A_1149 : memref<1x128x64xf32, #tpu.memory_space<vmem>> -> memref<128x64xf32, #tpu.memory_space<vmem>>
      %dma_wait3A_1151 = arith.constant 0 : i32
      %dma_wait3A_1152 = tpu.memref_slice %arg10[%dma_wait3A_1145, %dma_wait3A_1146, %dma_wait3A_1151] : memref<3x4x128xi32, #tpu.memory_space<vmem>> -> memref<1x1x128xi32, #tpu.memory_space<vmem>>
      %dma_wait3A_1153 = tpu.memref_squeeze %dma_wait3A_1152 : memref<1x1x128xi32, #tpu.memory_space<vmem>> -> memref<128xi32, #tpu.memory_space<vmem>>
      %dma_wait3A_1154 = arith.constant 0 : i32
      %dma_wait3A_1155 = arith.constant 0 : i32
      %dma_wait3A_1156 = tpu.memref_slice %arg12[%dma_wait3A_1154, %dma_wait3A_1155] : memref<10240x64xf32, #tpu.memory_space<vmem_shared>> -> memref<10240x64xf32, #tpu.memory_space<vmem_shared>>
      tpu.wait_indirect_dma semaphore(%arg15 : memref<!tpu.dma_semaphore, #tpu.memory_space<semaphore_mem>>) src(%dma_wait3A_1150 : memref<128x64xf32, #tpu.memory_space<vmem>>) dst(%dma_wait3A_1156 : memref<10240x64xf32, #tpu.memory_space<vmem_shared>>)
      %dma_wait3A_1157 = arith.constant 0 : i32
      %dma_wait3A_1158 = arith.constant 2 : i32
      %dma_wait3A_1159 = arith.constant 1 : i32
      %dma_wait3A_1160 = arith.constant 128 : i32
      %dma_wait3A_1161 = arith.constant 0 : i32
      %dma_wait3A_1162 = tpu.memref_slice %arg11[%dma_wait3A_1157, %dma_wait3A_1160, %dma_wait3A_1161] : memref<2x512x64xf32, #tpu.memory_space<vmem>> -> memref<1x128x64xf32, #tpu.memory_space<vmem>>
      %dma_wait3A_1163 = tpu.memref_squeeze %dma_wait3A_1162 : memref<1x128x64xf32, #tpu.memory_space<vmem>> -> memref<128x64xf32, #tpu.memory_space<vmem>>
      %dma_wait3A_1164 = arith.constant 0 : i32
      %dma_wait3A_1165 = tpu.memref_slice %arg10[%dma_wait3A_1158, %dma_wait3A_1159, %dma_wait3A_1164] : memref<3x4x128xi32, #tpu.memory_space<vmem>> -> memref<1x1x128xi32, #tpu.memory_space<vmem>>
      %dma_wait3A_1166 = tpu.memref_squeeze %dma_wait3A_1165 : memref<1x1x128xi32, #tpu.memory_space<vmem>> -> memref<128xi32, #tpu.memory_space<vmem>>
      %dma_wait3A_1167 = arith.constant 0 : i32
      %dma_wait3A_1168 = arith.constant 0 : i32
      %dma_wait3A_1169 = tpu.memref_slice %arg12[%dma_wait3A_1167, %dma_wait3A_1168] : memref<10240x64xf32, #tpu.memory_space<vmem_shared>> -> memref<10240x64xf32, #tpu.memory_space<vmem_shared>>
      tpu.wait_indirect_dma semaphore(%arg15 : memref<!tpu.dma_semaphore, #tpu.memory_space<semaphore_mem>>) src(%dma_wait3A_1163 : memref<128x64xf32, #tpu.memory_space<vmem>>) dst(%dma_wait3A_1169 : memref<10240x64xf32, #tpu.memory_space<vmem_shared>>)
      %dma_wait3A_1170 = arith.constant 0 : i32
      %dma_wait3A_1171 = arith.constant 2 : i32
      %dma_wait3A_1172 = arith.constant 2 : i32
      %dma_wait3A_1173 = arith.constant 256 : i32
      %dma_wait3A_1174 = arith.constant 0 : i32
      %dma_wait3A_1175 = tpu.memref_slice %arg11[%dma_wait3A_1170, %dma_wait3A_1173, %dma_wait3A_1174] : memref<2x512x64xf32, #tpu.memory_space<vmem>> -> memref<1x128x64xf32, #tpu.memory_space<vmem>>
      %dma_wait3A_1176 = tpu.memref_squeeze %dma_wait3A_1175 : memref<1x128x64xf32, #tpu.memory_space<vmem>> -> memref<128x64xf32, #tpu.memory_space<vmem>>
      %dma_wait3A_1177 = arith.constant 0 : i32
      %dma_wait3A_1178 = tpu.memref_slice %arg10[%dma_wait3A_1171, %dma_wait3A_1172, %dma_wait3A_1177] : memref<3x4x128xi32, #tpu.memory_space<vmem>> -> memref<1x1x128xi32, #tpu.memory_space<vmem>>
      %dma_wait3A_1179 = tpu.memref_squeeze %dma_wait3A_1178 : memref<1x1x128xi32, #tpu.memory_space<vmem>> -> memref<128xi32, #tpu.memory_space<vmem>>
      %dma_wait3A_1180 = arith.constant 0 : i32
      %dma_wait3A_1181 = arith.constant 0 : i32
      %dma_wait3A_1182 = tpu.memref_slice %arg12[%dma_wait3A_1180, %dma_wait3A_1181] : memref<10240x64xf32, #tpu.memory_space<vmem_shared>> -> memref<10240x64xf32, #tpu.memory_space<vmem_shared>>
      tpu.wait_indirect_dma semaphore(%arg15 : memref<!tpu.dma_semaphore, #tpu.memory_space<semaphore_mem>>) src(%dma_wait3A_1176 : memref<128x64xf32, #tpu.memory_space<vmem>>) dst(%dma_wait3A_1182 : memref<10240x64xf32, #tpu.memory_space<vmem_shared>>)
      %dma_wait3A_1183 = arith.constant 0 : i32
      %dma_wait3A_1184 = arith.constant 2 : i32
      %dma_wait3A_1185 = arith.constant 3 : i32
      %dma_wait3A_1186 = arith.constant 384 : i32
      %dma_wait3A_1187 = arith.constant 0 : i32
      %dma_wait3A_1188 = tpu.memref_slice %arg11[%dma_wait3A_1183, %dma_wait3A_1186, %dma_wait3A_1187] : memref<2x512x64xf32, #tpu.memory_space<vmem>> -> memref<1x128x64xf32, #tpu.memory_space<vmem>>
      %dma_wait3A_1189 = tpu.memref_squeeze %dma_wait3A_1188 : memref<1x128x64xf32, #tpu.memory_space<vmem>> -> memref<128x64xf32, #tpu.memory_space<vmem>>
      %dma_wait3A_1190 = arith.constant 0 : i32
      %dma_wait3A_1191 = tpu.memref_slice %arg10[%dma_wait3A_1184, %dma_wait3A_1185, %dma_wait3A_1190] : memref<3x4x128xi32, #tpu.memory_space<vmem>> -> memref<1x1x128xi32, #tpu.memory_space<vmem>>
      %dma_wait3A_1192 = tpu.memref_squeeze %dma_wait3A_1191 : memref<1x1x128xi32, #tpu.memory_space<vmem>> -> memref<128xi32, #tpu.memory_space<vmem>>
      %dma_wait3A_1193 = arith.constant 0 : i32
      %dma_wait3A_1194 = arith.constant 0 : i32
      %dma_wait3A_1195 = tpu.memref_slice %arg12[%dma_wait3A_1193, %dma_wait3A_1194] : memref<10240x64xf32, #tpu.memory_space<vmem_shared>> -> memref<10240x64xf32, #tpu.memory_space<vmem_shared>>
      tpu.wait_indirect_dma semaphore(%arg15 : memref<!tpu.dma_semaphore, #tpu.memory_space<semaphore_mem>>) src(%dma_wait3A_1189 : memref<128x64xf32, #tpu.memory_space<vmem>>) dst(%dma_wait3A_1195 : memref<10240x64xf32, #tpu.memory_space<vmem_shared>>)
      %add3A_1196 = arith.constant 2 : i32
      %add3A_1197 = arith.addi %add3A_1143, %add3A_1196 : i32
      %mul3A_1198 = arith.constant 4 : i32
      %mul3A_1199 = arith.muli %add3A_1197, %mul3A_1198 : i32
      %add3A_1200 = arith.addi %mul3A_4, %mul3A_1199 : i32
      %dma_start3A_1201 = arith.constant 2 : i32
      %dma_start3A_1202 = arith.constant 0 : i32
      %dma_start3A_1203 = arith.constant 0 : i32
      %dma_start3A_1204 = tpu.memref_slice %arg9[%dma_start3A_1201, %dma_start3A_1202, %dma_start3A_1203] : memref<3x4x128xi32, #tpu.memory_space<vmem>> -> memref<1x4x128xi32, #tpu.memory_space<vmem>>
      %dma_start3A_1205 = tpu.memref_squeeze %dma_start3A_1204 : memref<1x4x128xi32, #tpu.memory_space<vmem>> -> memref<4x128xi32, #tpu.memory_space<vmem>>
      %dma_start3A_1206 = arith.constant 0 : i32
      %dma_start3A_1207 = tpu.memref_slice %arg3[%add3A_1200, %dma_start3A_1206] : memref<2568x128xi32, #tpu.memory_space<hbm>> -> memref<4x128xi32, #tpu.memory_space<hbm>>
      %dma_start3A_1208 = arith.constant 0 : i32
      %dma_start3A_1209 = arith.constant 0 : i32
      %dma_start3A_1210 = tpu.memref_slice %arg9[%dma_start3A_1201, %dma_start3A_1208, %dma_start3A_1209] : memref<3x4x128xi32, #tpu.memory_space<vmem>> -> memref<1x4x128xi32, #tpu.memory_space<vmem>>
      %dma_start3A_1211 = tpu.memref_squeeze %dma_start3A_1210 : memref<1x4x128xi32, #tpu.memory_space<vmem>> -> memref<4x128xi32, #tpu.memory_space<vmem>>
      %dma_start3A_1212 = arith.constant 0 : i32
      %dma_start3A_1213 = tpu.memref_slice %arg3[%add3A_1200, %dma_start3A_1212] : memref<2568x128xi32, #tpu.memory_space<hbm>> -> memref<4x128xi32, #tpu.memory_space<hbm>>
      tpu.enqueue_dma source(%dma_start3A_1213 : memref<4x128xi32, #tpu.memory_space<hbm>>) target(%dma_start3A_1211 : memref<4x128xi32, #tpu.memory_space<vmem>>) target_semaphore(%arg14 : memref<!tpu.dma_semaphore, #tpu.memory_space<semaphore_mem>>)
      %dma_start3A_1214 = arith.constant 2 : i32
      %dma_start3A_1215 = arith.constant 0 : i32
      %dma_start3A_1216 = arith.constant 0 : i32
      %dma_start3A_1217 = tpu.memref_slice %arg10[%dma_start3A_1214, %dma_start3A_1215, %dma_start3A_1216] : memref<3x4x128xi32, #tpu.memory_space<vmem>> -> memref<1x4x128xi32, #tpu.memory_space<vmem>>
      %dma_start3A_1218 = tpu.memref_squeeze %dma_start3A_1217 : memref<1x4x128xi32, #tpu.memory_space<vmem>> -> memref<4x128xi32, #tpu.memory_space<vmem>>
      %dma_start3A_1219 = arith.constant 0 : i32
      %dma_start3A_1220 = tpu.memref_slice %arg4[%add3A_1200, %dma_start3A_1219] : memref<2568x128xi32, #tpu.memory_space<hbm>> -> memref<4x128xi32, #tpu.memory_space<hbm>>
      %dma_start3A_1221 = arith.constant 0 : i32
      %dma_start3A_1222 = arith.constant 0 : i32
      %dma_start3A_1223 = tpu.memref_slice %arg10[%dma_start3A_1214, %dma_start3A_1221, %dma_start3A_1222] : memref<3x4x128xi32, #tpu.memory_space<vmem>> -> memref<1x4x128xi32, #tpu.memory_space<vmem>>
      %dma_start3A_1224 = tpu.memref_squeeze %dma_start3A_1223 : memref<1x4x128xi32, #tpu.memory_space<vmem>> -> memref<4x128xi32, #tpu.memory_space<vmem>>
      %dma_start3A_1225 = arith.constant 0 : i32
      %dma_start3A_1226 = tpu.memref_slice %arg4[%add3A_1200, %dma_start3A_1225] : memref<2568x128xi32, #tpu.memory_space<hbm>> -> memref<4x128xi32, #tpu.memory_space<hbm>>
      tpu.enqueue_dma source(%dma_start3A_1226 : memref<4x128xi32, #tpu.memory_space<hbm>>) target(%dma_start3A_1224 : memref<4x128xi32, #tpu.memory_space<vmem>>) target_semaphore(%arg14 : memref<!tpu.dma_semaphore, #tpu.memory_space<semaphore_mem>>)
      %add3A_1227 = arith.constant 1 : i32
      %add3A_1228 = arith.addi %add3A_1143, %add3A_1227 : i32
      %mul3A_1229 = arith.constant 4 : i32
      %mul3A_1230 = arith.muli %add3A_1228, %mul3A_1229 : i32
      %add3A_1231 = arith.addi %mul3A_4, %mul3A_1230 : i32
      %dma_wait3A_1232 = arith.constant 1 : i32
      %dma_wait3A_1233 = arith.constant 0 : i32
      %dma_wait3A_1234 = arith.constant 0 : i32
      %dma_wait3A_1235 = tpu.memref_slice %arg9[%dma_wait3A_1232, %dma_wait3A_1233, %dma_wait3A_1234] : memref<3x4x128xi32, #tpu.memory_space<vmem>> -> memref<1x4x128xi32, #tpu.memory_space<vmem>>
      %dma_wait3A_1236 = tpu.memref_squeeze %dma_wait3A_1235 : memref<1x4x128xi32, #tpu.memory_space<vmem>> -> memref<4x128xi32, #tpu.memory_space<vmem>>
      %dma_wait3A_1237 = arith.constant 0 : i32
      %dma_wait3A_1238 = tpu.memref_slice %arg3[%add3A_1231, %dma_wait3A_1237] : memref<2568x128xi32, #tpu.memory_space<hbm>> -> memref<4x128xi32, #tpu.memory_space<hbm>>
      %dma_wait3A_1239 = arith.constant 0 : i32
      %dma_wait3A_1240 = arith.constant 0 : i32
      %dma_wait3A_1241 = tpu.memref_slice %arg9[%dma_wait3A_1232, %dma_wait3A_1239, %dma_wait3A_1240] : memref<3x4x128xi32, #tpu.memory_space<vmem>> -> memref<1x4x128xi32, #tpu.memory_space<vmem>>
      %dma_wait3A_1242 = tpu.memref_squeeze %dma_wait3A_1241 : memref<1x4x128xi32, #tpu.memory_space<vmem>> -> memref<4x128xi32, #tpu.memory_space<vmem>>
      %dma_wait3A_1243 = arith.constant 0 : i32
      %dma_wait3A_1244 = tpu.memref_slice %arg3[%add3A_1231, %dma_wait3A_1243] : memref<2568x128xi32, #tpu.memory_space<hbm>> -> memref<4x128xi32, #tpu.memory_space<hbm>>
      tpu.wait_dma2 semaphore(%arg14 : memref<!tpu.dma_semaphore, #tpu.memory_space<semaphore_mem>>) src(%dma_wait3A_1244 : memref<4x128xi32, #tpu.memory_space<hbm>>) dst(%dma_wait3A_1242 : memref<4x128xi32, #tpu.memory_space<vmem>>)
      %dma_wait3A_1245 = arith.constant 1 : i32
      %dma_wait3A_1246 = arith.constant 0 : i32
      %dma_wait3A_1247 = arith.constant 0 : i32
      %dma_wait3A_1248 = tpu.memref_slice %arg10[%dma_wait3A_1245, %dma_wait3A_1246, %dma_wait3A_1247] : memref<3x4x128xi32, #tpu.memory_space<vmem>> -> memref<1x4x128xi32, #tpu.memory_space<vmem>>
      %dma_wait3A_1249 = tpu.memref_squeeze %dma_wait3A_1248 : memref<1x4x128xi32, #tpu.memory_space<vmem>> -> memref<4x128xi32, #tpu.memory_space<vmem>>
      %dma_wait3A_1250 = arith.constant 0 : i32
      %dma_wait3A_1251 = tpu.memref_slice %arg4[%add3A_1231, %dma_wait3A_1250] : memref<2568x128xi32, #tpu.memory_space<hbm>> -> memref<4x128xi32, #tpu.memory_space<hbm>>
      %dma_wait3A_1252 = arith.constant 0 : i32
      %dma_wait3A_1253 = arith.constant 0 : i32
      %dma_wait3A_1254 = tpu.memref_slice %arg10[%dma_wait3A_1245, %dma_wait3A_1252, %dma_wait3A_1253] : memref<3x4x128xi32, #tpu.memory_space<vmem>> -> memref<1x4x128xi32, #tpu.memory_space<vmem>>
      %dma_wait3A_1255 = tpu.memref_squeeze %dma_wait3A_1254 : memref<1x4x128xi32, #tpu.memory_space<vmem>> -> memref<4x128xi32, #tpu.memory_space<vmem>>
      %dma_wait3A_1256 = arith.constant 0 : i32
      %dma_wait3A_1257 = tpu.memref_slice %arg4[%add3A_1231, %dma_wait3A_1256] : memref<2568x128xi32, #tpu.memory_space<hbm>> -> memref<4x128xi32, #tpu.memory_space<hbm>>
      tpu.wait_dma2 semaphore(%arg14 : memref<!tpu.dma_semaphore, #tpu.memory_space<semaphore_mem>>) src(%dma_wait3A_1257 : memref<4x128xi32, #tpu.memory_space<hbm>>) dst(%dma_wait3A_1255 : memref<4x128xi32, #tpu.memory_space<vmem>>)
      %dma_start3A_1258 = arith.constant 1 : i32
      %dma_start3A_1259 = arith.constant 0 : i32
      %dma_start3A_1260 = arith.constant 0 : i32
      %dma_start3A_1261 = arith.constant 0 : i32
      %dma_start3A_1262 = arith.constant 0 : i32
      %dma_start3A_1263 = tpu.memref_slice %arg11[%dma_start3A_1260, %dma_start3A_1261, %dma_start3A_1262] : memref<2x512x64xf32, #tpu.memory_space<vmem>> -> memref<1x128x64xf32, #tpu.memory_space<vmem>>
      %dma_start3A_1264 = tpu.memref_squeeze %dma_start3A_1263 : memref<1x128x64xf32, #tpu.memory_space<vmem>> -> memref<128x64xf32, #tpu.memory_space<vmem>>
      %dma_start3A_1265 = arith.constant 0 : i32
      %dma_start3A_1266 = tpu.memref_slice %arg9[%dma_start3A_1258, %dma_start3A_1259, %dma_start3A_1265] : memref<3x4x128xi32, #tpu.memory_space<vmem>> -> memref<1x1x128xi32, #tpu.memory_space<vmem>>
      %dma_start3A_1267 = tpu.memref_squeeze %dma_start3A_1266 : memref<1x1x128xi32, #tpu.memory_space<vmem>> -> memref<128xi32, #tpu.memory_space<vmem>>
      %dma_start3A_1268 = arith.constant 0 : i32
      %dma_start3A_1269 = arith.constant 0 : i32
      %dma_start3A_1270 = tpu.memref_slice %arg2[%dma_start3A_1268, %dma_start3A_1269] : memref<10000x64xf32, #tpu.memory_space<hbm>> -> memref<10000x64xf32, #tpu.memory_space<hbm>>
      tpu.enqueue_indirect_dma source(%dma_start3A_1270 : memref<10000x64xf32, #tpu.memory_space<hbm>>) target(%dma_start3A_1264 : memref<128x64xf32, #tpu.memory_space<vmem>>) offsets(%dma_start3A_1267 : memref<128xi32, #tpu.memory_space<vmem>>) semaphore(%arg13 : memref<!tpu.dma_semaphore, #tpu.memory_space<semaphore_mem>>)
      %dma_start3A_1271 = arith.constant 1 : i32
      %dma_start3A_1272 = arith.constant 1 : i32
      %dma_start3A_1273 = arith.constant 0 : i32
      %dma_start3A_1274 = arith.constant 128 : i32
      %dma_start3A_1275 = arith.constant 0 : i32
      %dma_start3A_1276 = tpu.memref_slice %arg11[%dma_start3A_1273, %dma_start3A_1274, %dma_start3A_1275] : memref<2x512x64xf32, #tpu.memory_space<vmem>> -> memref<1x128x64xf32, #tpu.memory_space<vmem>>
      %dma_start3A_1277 = tpu.memref_squeeze %dma_start3A_1276 : memref<1x128x64xf32, #tpu.memory_space<vmem>> -> memref<128x64xf32, #tpu.memory_space<vmem>>
      %dma_start3A_1278 = arith.constant 0 : i32
      %dma_start3A_1279 = tpu.memref_slice %arg9[%dma_start3A_1271, %dma_start3A_1272, %dma_start3A_1278] : memref<3x4x128xi32, #tpu.memory_space<vmem>> -> memref<1x1x128xi32, #tpu.memory_space<vmem>>
      %dma_start3A_1280 = tpu.memref_squeeze %dma_start3A_1279 : memref<1x1x128xi32, #tpu.memory_space<vmem>> -> memref<128xi32, #tpu.memory_space<vmem>>
      %dma_start3A_1281 = arith.constant 0 : i32
      %dma_start3A_1282 = arith.constant 0 : i32
      %dma_start3A_1283 = tpu.memref_slice %arg2[%dma_start3A_1281, %dma_start3A_1282] : memref<10000x64xf32, #tpu.memory_space<hbm>> -> memref<10000x64xf32, #tpu.memory_space<hbm>>
      tpu.enqueue_indirect_dma source(%dma_start3A_1283 : memref<10000x64xf32, #tpu.memory_space<hbm>>) target(%dma_start3A_1277 : memref<128x64xf32, #tpu.memory_space<vmem>>) offsets(%dma_start3A_1280 : memref<128xi32, #tpu.memory_space<vmem>>) semaphore(%arg13 : memref<!tpu.dma_semaphore, #tpu.memory_space<semaphore_mem>>)
      %dma_start3A_1284 = arith.constant 1 : i32
      %dma_start3A_1285 = arith.constant 2 : i32
      %dma_start3A_1286 = arith.constant 0 : i32
      %dma_start3A_1287 = arith.constant 256 : i32
      %dma_start3A_1288 = arith.constant 0 : i32
      %dma_start3A_1289 = tpu.memref_slice %arg11[%dma_start3A_1286, %dma_start3A_1287, %dma_start3A_1288] : memref<2x512x64xf32, #tpu.memory_space<vmem>> -> memref<1x128x64xf32, #tpu.memory_space<vmem>>
      %dma_start3A_1290 = tpu.memref_squeeze %dma_start3A_1289 : memref<1x128x64xf32, #tpu.memory_space<vmem>> -> memref<128x64xf32, #tpu.memory_space<vmem>>
      %dma_start3A_1291 = arith.constant 0 : i32
      %dma_start3A_1292 = tpu.memref_slice %arg9[%dma_start3A_1284, %dma_start3A_1285, %dma_start3A_1291] : memref<3x4x128xi32, #tpu.memory_space<vmem>> -> memref<1x1x128xi32, #tpu.memory_space<vmem>>
      %dma_start3A_1293 = tpu.memref_squeeze %dma_start3A_1292 : memref<1x1x128xi32, #tpu.memory_space<vmem>> -> memref<128xi32, #tpu.memory_space<vmem>>
      %dma_start3A_1294 = arith.constant 0 : i32
      %dma_start3A_1295 = arith.constant 0 : i32
      %dma_start3A_1296 = tpu.memref_slice %arg2[%dma_start3A_1294, %dma_start3A_1295] : memref<10000x64xf32, #tpu.memory_space<hbm>> -> memref<10000x64xf32, #tpu.memory_space<hbm>>
      tpu.enqueue_indirect_dma source(%dma_start3A_1296 : memref<10000x64xf32, #tpu.memory_space<hbm>>) target(%dma_start3A_1290 : memref<128x64xf32, #tpu.memory_space<vmem>>) offsets(%dma_start3A_1293 : memref<128xi32, #tpu.memory_space<vmem>>) semaphore(%arg13 : memref<!tpu.dma_semaphore, #tpu.memory_space<semaphore_mem>>)
      %dma_start3A_1297 = arith.constant 1 : i32
      %dma_start3A_1298 = arith.constant 3 : i32
      %dma_start3A_1299 = arith.constant 0 : i32
      %dma_start3A_1300 = arith.constant 384 : i32
      %dma_start3A_1301 = arith.constant 0 : i32
      %dma_start3A_1302 = tpu.memref_slice %arg11[%dma_start3A_1299, %dma_start3A_1300, %dma_start3A_1301] : memref<2x512x64xf32, #tpu.memory_space<vmem>> -> memref<1x128x64xf32, #tpu.memory_space<vmem>>
      %dma_start3A_1303 = tpu.memref_squeeze %dma_start3A_1302 : memref<1x128x64xf32, #tpu.memory_space<vmem>> -> memref<128x64xf32, #tpu.memory_space<vmem>>
      %dma_start3A_1304 = arith.constant 0 : i32
      %dma_start3A_1305 = tpu.memref_slice %arg9[%dma_start3A_1297, %dma_start3A_1298, %dma_start3A_1304] : memref<3x4x128xi32, #tpu.memory_space<vmem>> -> memref<1x1x128xi32, #tpu.memory_space<vmem>>
      %dma_start3A_1306 = tpu.memref_squeeze %dma_start3A_1305 : memref<1x1x128xi32, #tpu.memory_space<vmem>> -> memref<128xi32, #tpu.memory_space<vmem>>
      %dma_start3A_1307 = arith.constant 0 : i32
      %dma_start3A_1308 = arith.constant 0 : i32
      %dma_start3A_1309 = tpu.memref_slice %arg2[%dma_start3A_1307, %dma_start3A_1308] : memref<10000x64xf32, #tpu.memory_space<hbm>> -> memref<10000x64xf32, #tpu.memory_space<hbm>>
      tpu.enqueue_indirect_dma source(%dma_start3A_1309 : memref<10000x64xf32, #tpu.memory_space<hbm>>) target(%dma_start3A_1303 : memref<128x64xf32, #tpu.memory_space<vmem>>) offsets(%dma_start3A_1306 : memref<128xi32, #tpu.memory_space<vmem>>) semaphore(%arg13 : memref<!tpu.dma_semaphore, #tpu.memory_space<semaphore_mem>>)
      %dma_wait3A_1310 = arith.constant 0 : i32
      %dma_wait3A_1311 = arith.constant 0 : i32
      %dma_wait3A_1312 = arith.constant 1 : i32
      %dma_wait3A_1313 = arith.constant 0 : i32
      %dma_wait3A_1314 = arith.constant 0 : i32
      %dma_wait3A_1315 = tpu.memref_slice %arg11[%dma_wait3A_1312, %dma_wait3A_1313, %dma_wait3A_1314] : memref<2x512x64xf32, #tpu.memory_space<vmem>> -> memref<1x128x64xf32, #tpu.memory_space<vmem>>
      %dma_wait3A_1316 = tpu.memref_squeeze %dma_wait3A_1315 : memref<1x128x64xf32, #tpu.memory_space<vmem>> -> memref<128x64xf32, #tpu.memory_space<vmem>>
      %dma_wait3A_1317 = arith.constant 0 : i32
      %dma_wait3A_1318 = tpu.memref_slice %arg9[%dma_wait3A_1310, %dma_wait3A_1311, %dma_wait3A_1317] : memref<3x4x128xi32, #tpu.memory_space<vmem>> -> memref<1x1x128xi32, #tpu.memory_space<vmem>>
      %dma_wait3A_1319 = tpu.memref_squeeze %dma_wait3A_1318 : memref<1x1x128xi32, #tpu.memory_space<vmem>> -> memref<128xi32, #tpu.memory_space<vmem>>
      %dma_wait3A_1320 = arith.constant 0 : i32
      %dma_wait3A_1321 = arith.constant 0 : i32
      %dma_wait3A_1322 = tpu.memref_slice %arg2[%dma_wait3A_1320, %dma_wait3A_1321] : memref<10000x64xf32, #tpu.memory_space<hbm>> -> memref<10000x64xf32, #tpu.memory_space<hbm>>
      tpu.wait_indirect_dma semaphore(%arg13 : memref<!tpu.dma_semaphore, #tpu.memory_space<semaphore_mem>>) src(%dma_wait3A_1322 : memref<10000x64xf32, #tpu.memory_space<hbm>>) dst(%dma_wait3A_1316 : memref<128x64xf32, #tpu.memory_space<vmem>>)
      %dma_wait3A_1323 = arith.constant 0 : i32
      %dma_wait3A_1324 = arith.constant 1 : i32
      %dma_wait3A_1325 = arith.constant 1 : i32
      %dma_wait3A_1326 = arith.constant 128 : i32
      %dma_wait3A_1327 = arith.constant 0 : i32
      %dma_wait3A_1328 = tpu.memref_slice %arg11[%dma_wait3A_1325, %dma_wait3A_1326, %dma_wait3A_1327] : memref<2x512x64xf32, #tpu.memory_space<vmem>> -> memref<1x128x64xf32, #tpu.memory_space<vmem>>
      %dma_wait3A_1329 = tpu.memref_squeeze %dma_wait3A_1328 : memref<1x128x64xf32, #tpu.memory_space<vmem>> -> memref<128x64xf32, #tpu.memory_space<vmem>>
      %dma_wait3A_1330 = arith.constant 0 : i32
      %dma_wait3A_1331 = tpu.memref_slice %arg9[%dma_wait3A_1323, %dma_wait3A_1324, %dma_wait3A_1330] : memref<3x4x128xi32, #tpu.memory_space<vmem>> -> memref<1x1x128xi32, #tpu.memory_space<vmem>>
      %dma_wait3A_1332 = tpu.memref_squeeze %dma_wait3A_1331 : memref<1x1x128xi32, #tpu.memory_space<vmem>> -> memref<128xi32, #tpu.memory_space<vmem>>
      %dma_wait3A_1333 = arith.constant 0 : i32
      %dma_wait3A_1334 = arith.constant 0 : i32
      %dma_wait3A_1335 = tpu.memref_slice %arg2[%dma_wait3A_1333, %dma_wait3A_1334] : memref<10000x64xf32, #tpu.memory_space<hbm>> -> memref<10000x64xf32, #tpu.memory_space<hbm>>
      tpu.wait_indirect_dma semaphore(%arg13 : memref<!tpu.dma_semaphore, #tpu.memory_space<semaphore_mem>>) src(%dma_wait3A_1335 : memref<10000x64xf32, #tpu.memory_space<hbm>>) dst(%dma_wait3A_1329 : memref<128x64xf32, #tpu.memory_space<vmem>>)
      %dma_wait3A_1336 = arith.constant 0 : i32
      %dma_wait3A_1337 = arith.constant 2 : i32
      %dma_wait3A_1338 = arith.constant 1 : i32
      %dma_wait3A_1339 = arith.constant 256 : i32
      %dma_wait3A_1340 = arith.constant 0 : i32
      %dma_wait3A_1341 = tpu.memref_slice %arg11[%dma_wait3A_1338, %dma_wait3A_1339, %dma_wait3A_1340] : memref<2x512x64xf32, #tpu.memory_space<vmem>> -> memref<1x128x64xf32, #tpu.memory_space<vmem>>
      %dma_wait3A_1342 = tpu.memref_squeeze %dma_wait3A_1341 : memref<1x128x64xf32, #tpu.memory_space<vmem>> -> memref<128x64xf32, #tpu.memory_space<vmem>>
      %dma_wait3A_1343 = arith.constant 0 : i32
      %dma_wait3A_1344 = tpu.memref_slice %arg9[%dma_wait3A_1336, %dma_wait3A_1337, %dma_wait3A_1343] : memref<3x4x128xi32, #tpu.memory_space<vmem>> -> memref<1x1x128xi32, #tpu.memory_space<vmem>>
      %dma_wait3A_1345 = tpu.memref_squeeze %dma_wait3A_1344 : memref<1x1x128xi32, #tpu.memory_space<vmem>> -> memref<128xi32, #tpu.memory_space<vmem>>
      %dma_wait3A_1346 = arith.constant 0 : i32
      %dma_wait3A_1347 = arith.constant 0 : i32
      %dma_wait3A_1348 = tpu.memref_slice %arg2[%dma_wait3A_1346, %dma_wait3A_1347] : memref<10000x64xf32, #tpu.memory_space<hbm>> -> memref<10000x64xf32, #tpu.memory_space<hbm>>
      tpu.wait_indirect_dma semaphore(%arg13 : memref<!tpu.dma_semaphore, #tpu.memory_space<semaphore_mem>>) src(%dma_wait3A_1348 : memref<10000x64xf32, #tpu.memory_space<hbm>>) dst(%dma_wait3A_1342 : memref<128x64xf32, #tpu.memory_space<vmem>>)
      %dma_wait3A_1349 = arith.constant 0 : i32
      %dma_wait3A_1350 = arith.constant 3 : i32
      %dma_wait3A_1351 = arith.constant 1 : i32
      %dma_wait3A_1352 = arith.constant 384 : i32
      %dma_wait3A_1353 = arith.constant 0 : i32
      %dma_wait3A_1354 = tpu.memref_slice %arg11[%dma_wait3A_1351, %dma_wait3A_1352, %dma_wait3A_1353] : memref<2x512x64xf32, #tpu.memory_space<vmem>> -> memref<1x128x64xf32, #tpu.memory_space<vmem>>
      %dma_wait3A_1355 = tpu.memref_squeeze %dma_wait3A_1354 : memref<1x128x64xf32, #tpu.memory_space<vmem>> -> memref<128x64xf32, #tpu.memory_space<vmem>>
      %dma_wait3A_1356 = arith.constant 0 : i32
      %dma_wait3A_1357 = tpu.memref_slice %arg9[%dma_wait3A_1349, %dma_wait3A_1350, %dma_wait3A_1356] : memref<3x4x128xi32, #tpu.memory_space<vmem>> -> memref<1x1x128xi32, #tpu.memory_space<vmem>>
      %dma_wait3A_1358 = tpu.memref_squeeze %dma_wait3A_1357 : memref<1x1x128xi32, #tpu.memory_space<vmem>> -> memref<128xi32, #tpu.memory_space<vmem>>
      %dma_wait3A_1359 = arith.constant 0 : i32
      %dma_wait3A_1360 = arith.constant 0 : i32
      %dma_wait3A_1361 = tpu.memref_slice %arg2[%dma_wait3A_1359, %dma_wait3A_1360] : memref<10000x64xf32, #tpu.memory_space<hbm>> -> memref<10000x64xf32, #tpu.memory_space<hbm>>
      tpu.wait_indirect_dma semaphore(%arg13 : memref<!tpu.dma_semaphore, #tpu.memory_space<semaphore_mem>>) src(%dma_wait3A_1361 : memref<10000x64xf32, #tpu.memory_space<hbm>>) dst(%dma_wait3A_1355 : memref<128x64xf32, #tpu.memory_space<vmem>>)
      %dma_start3A_1362 = arith.constant 1 : i32
      %dma_start3A_1363 = arith.constant 0 : i32
      %dma_start3A_1364 = arith.constant 0 : i32
      %dma_start3A_1365 = arith.constant 0 : i32
      %dma_start3A_1366 = arith.constant 0 : i32
      %dma_start3A_1367 = tpu.memref_slice %arg11[%dma_start3A_1362, %dma_start3A_1365, %dma_start3A_1366] : memref<2x512x64xf32, #tpu.memory_space<vmem>> -> memref<1x128x64xf32, #tpu.memory_space<vmem>>
      %dma_start3A_1368 = tpu.memref_squeeze %dma_start3A_1367 : memref<1x128x64xf32, #tpu.memory_space<vmem>> -> memref<128x64xf32, #tpu.memory_space<vmem>>
      %dma_start3A_1369 = arith.constant 0 : i32
      %dma_start3A_1370 = tpu.memref_slice %arg10[%dma_start3A_1363, %dma_start3A_1364, %dma_start3A_1369] : memref<3x4x128xi32, #tpu.memory_space<vmem>> -> memref<1x1x128xi32, #tpu.memory_space<vmem>>
      %dma_start3A_1371 = tpu.memref_squeeze %dma_start3A_1370 : memref<1x1x128xi32, #tpu.memory_space<vmem>> -> memref<128xi32, #tpu.memory_space<vmem>>
      %dma_start3A_1372 = arith.constant 0 : i32
      %dma_start3A_1373 = arith.constant 0 : i32
      %dma_start3A_1374 = tpu.memref_slice %arg12[%dma_start3A_1372, %dma_start3A_1373] : memref<10240x64xf32, #tpu.memory_space<vmem_shared>> -> memref<10240x64xf32, #tpu.memory_space<vmem_shared>>
      tpu.enqueue_indirect_dma source(%dma_start3A_1368 : memref<128x64xf32, #tpu.memory_space<vmem>>) target(%dma_start3A_1374 : memref<10240x64xf32, #tpu.memory_space<vmem_shared>>) offsets(%dma_start3A_1371 : memref<128xi32, #tpu.memory_space<vmem>>) semaphore(%arg15 : memref<!tpu.dma_semaphore, #tpu.memory_space<semaphore_mem>>) {add = true}
      %dma_start3A_1375 = arith.constant 1 : i32
      %dma_start3A_1376 = arith.constant 0 : i32
      %dma_start3A_1377 = arith.constant 1 : i32
      %dma_start3A_1378 = arith.constant 128 : i32
      %dma_start3A_1379 = arith.constant 0 : i32
      %dma_start3A_1380 = tpu.memref_slice %arg11[%dma_start3A_1375, %dma_start3A_1378, %dma_start3A_1379] : memref<2x512x64xf32, #tpu.memory_space<vmem>> -> memref<1x128x64xf32, #tpu.memory_space<vmem>>
      %dma_start3A_1381 = tpu.memref_squeeze %dma_start3A_1380 : memref<1x128x64xf32, #tpu.memory_space<vmem>> -> memref<128x64xf32, #tpu.memory_space<vmem>>
      %dma_start3A_1382 = arith.constant 0 : i32
      %dma_start3A_1383 = tpu.memref_slice %arg10[%dma_start3A_1376, %dma_start3A_1377, %dma_start3A_1382] : memref<3x4x128xi32, #tpu.memory_space<vmem>> -> memref<1x1x128xi32, #tpu.memory_space<vmem>>
      %dma_start3A_1384 = tpu.memref_squeeze %dma_start3A_1383 : memref<1x1x128xi32, #tpu.memory_space<vmem>> -> memref<128xi32, #tpu.memory_space<vmem>>
      %dma_start3A_1385 = arith.constant 0 : i32
      %dma_start3A_1386 = arith.constant 0 : i32
      %dma_start3A_1387 = tpu.memref_slice %arg12[%dma_start3A_1385, %dma_start3A_1386] : memref<10240x64xf32, #tpu.memory_space<vmem_shared>> -> memref<10240x64xf32, #tpu.memory_space<vmem_shared>>
      tpu.enqueue_indirect_dma source(%dma_start3A_1381 : memref<128x64xf32, #tpu.memory_space<vmem>>) target(%dma_start3A_1387 : memref<10240x64xf32, #tpu.memory_space<vmem_shared>>) offsets(%dma_start3A_1384 : memref<128xi32, #tpu.memory_space<vmem>>) semaphore(%arg15 : memref<!tpu.dma_semaphore, #tpu.memory_space<semaphore_mem>>) {add = true}
      %dma_start3A_1388 = arith.constant 1 : i32
      %dma_start3A_1389 = arith.constant 0 : i32
      %dma_start3A_1390 = arith.constant 2 : i32
      %dma_start3A_1391 = arith.constant 256 : i32
      %dma_start3A_1392 = arith.constant 0 : i32
      %dma_start3A_1393 = tpu.memref_slice %arg11[%dma_start3A_1388, %dma_start3A_1391, %dma_start3A_1392] : memref<2x512x64xf32, #tpu.memory_space<vmem>> -> memref<1x128x64xf32, #tpu.memory_space<vmem>>
      %dma_start3A_1394 = tpu.memref_squeeze %dma_start3A_1393 : memref<1x128x64xf32, #tpu.memory_space<vmem>> -> memref<128x64xf32, #tpu.memory_space<vmem>>
      %dma_start3A_1395 = arith.constant 0 : i32
      %dma_start3A_1396 = tpu.memref_slice %arg10[%dma_start3A_1389, %dma_start3A_1390, %dma_start3A_1395] : memref<3x4x128xi32, #tpu.memory_space<vmem>> -> memref<1x1x128xi32, #tpu.memory_space<vmem>>
      %dma_start3A_1397 = tpu.memref_squeeze %dma_start3A_1396 : memref<1x1x128xi32, #tpu.memory_space<vmem>> -> memref<128xi32, #tpu.memory_space<vmem>>
      %dma_start3A_1398 = arith.constant 0 : i32
      %dma_start3A_1399 = arith.constant 0 : i32
      %dma_start3A_1400 = tpu.memref_slice %arg12[%dma_start3A_1398, %dma_start3A_1399] : memref<10240x64xf32, #tpu.memory_space<vmem_shared>> -> memref<10240x64xf32, #tpu.memory_space<vmem_shared>>
      tpu.enqueue_indirect_dma source(%dma_start3A_1394 : memref<128x64xf32, #tpu.memory_space<vmem>>) target(%dma_start3A_1400 : memref<10240x64xf32, #tpu.memory_space<vmem_shared>>) offsets(%dma_start3A_1397 : memref<128xi32, #tpu.memory_space<vmem>>) semaphore(%arg15 : memref<!tpu.dma_semaphore, #tpu.memory_space<semaphore_mem>>) {add = true}
      %dma_start3A_1401 = arith.constant 1 : i32
      %dma_start3A_1402 = arith.constant 0 : i32
      %dma_start3A_1403 = arith.constant 3 : i32
      %dma_start3A_1404 = arith.constant 384 : i32
      %dma_start3A_1405 = arith.constant 0 : i32
      %dma_start3A_1406 = tpu.memref_slice %arg11[%dma_start3A_1401, %dma_start3A_1404, %dma_start3A_1405] : memref<2x512x64xf32, #tpu.memory_space<vmem>> -> memref<1x128x64xf32, #tpu.memory_space<vmem>>
      %dma_start3A_1407 = tpu.memref_squeeze %dma_start3A_1406 : memref<1x128x64xf32, #tpu.memory_space<vmem>> -> memref<128x64xf32, #tpu.memory_space<vmem>>
      %dma_start3A_1408 = arith.constant 0 : i32
      %dma_start3A_1409 = tpu.memref_slice %arg10[%dma_start3A_1402, %dma_start3A_1403, %dma_start3A_1408] : memref<3x4x128xi32, #tpu.memory_space<vmem>> -> memref<1x1x128xi32, #tpu.memory_space<vmem>>
      %dma_start3A_1410 = tpu.memref_squeeze %dma_start3A_1409 : memref<1x1x128xi32, #tpu.memory_space<vmem>> -> memref<128xi32, #tpu.memory_space<vmem>>
      %dma_start3A_1411 = arith.constant 0 : i32
      %dma_start3A_1412 = arith.constant 0 : i32
      %dma_start3A_1413 = tpu.memref_slice %arg12[%dma_start3A_1411, %dma_start3A_1412] : memref<10240x64xf32, #tpu.memory_space<vmem_shared>> -> memref<10240x64xf32, #tpu.memory_space<vmem_shared>>
      tpu.enqueue_indirect_dma source(%dma_start3A_1407 : memref<128x64xf32, #tpu.memory_space<vmem>>) target(%dma_start3A_1413 : memref<10240x64xf32, #tpu.memory_space<vmem_shared>>) offsets(%dma_start3A_1410 : memref<128xi32, #tpu.memory_space<vmem>>) semaphore(%arg15 : memref<!tpu.dma_semaphore, #tpu.memory_space<semaphore_mem>>) {add = true}
      %add3A_1414 = arith.constant 3 : i32
      %add3A_1415 = arith.addi %add3A_597, %add3A_1414 : i32
      %dma_wait3A_1416 = arith.constant 1 : i32
      %dma_wait3A_1417 = arith.constant 0 : i32
      %dma_wait3A_1418 = arith.constant 0 : i32
      %dma_wait3A_1419 = arith.constant 0 : i32
      %dma_wait3A_1420 = arith.constant 0 : i32
      %dma_wait3A_1421 = tpu.memref_slice %arg11[%dma_wait3A_1416, %dma_wait3A_1419, %dma_wait3A_1420] : memref<2x512x64xf32, #tpu.memory_space<vmem>> -> memref<1x128x64xf32, #tpu.memory_space<vmem>>
      %dma_wait3A_1422 = tpu.memref_squeeze %dma_wait3A_1421 : memref<1x128x64xf32, #tpu.memory_space<vmem>> -> memref<128x64xf32, #tpu.memory_space<vmem>>
      %dma_wait3A_1423 = arith.constant 0 : i32
      %dma_wait3A_1424 = tpu.memref_slice %arg10[%dma_wait3A_1417, %dma_wait3A_1418, %dma_wait3A_1423] : memref<3x4x128xi32, #tpu.memory_space<vmem>> -> memref<1x1x128xi32, #tpu.memory_space<vmem>>
      %dma_wait3A_1425 = tpu.memref_squeeze %dma_wait3A_1424 : memref<1x1x128xi32, #tpu.memory_space<vmem>> -> memref<128xi32, #tpu.memory_space<vmem>>
      %dma_wait3A_1426 = arith.constant 0 : i32
      %dma_wait3A_1427 = arith.constant 0 : i32
      %dma_wait3A_1428 = tpu.memref_slice %arg12[%dma_wait3A_1426, %dma_wait3A_1427] : memref<10240x64xf32, #tpu.memory_space<vmem_shared>> -> memref<10240x64xf32, #tpu.memory_space<vmem_shared>>
      tpu.wait_indirect_dma semaphore(%arg15 : memref<!tpu.dma_semaphore, #tpu.memory_space<semaphore_mem>>) src(%dma_wait3A_1422 : memref<128x64xf32, #tpu.memory_space<vmem>>) dst(%dma_wait3A_1428 : memref<10240x64xf32, #tpu.memory_space<vmem_shared>>)
      %dma_wait3A_1429 = arith.constant 1 : i32
      %dma_wait3A_1430 = arith.constant 0 : i32
      %dma_wait3A_1431 = arith.constant 1 : i32
      %dma_wait3A_1432 = arith.constant 128 : i32
      %dma_wait3A_1433 = arith.constant 0 : i32
      %dma_wait3A_1434 = tpu.memref_slice %arg11[%dma_wait3A_1429, %dma_wait3A_1432, %dma_wait3A_1433] : memref<2x512x64xf32, #tpu.memory_space<vmem>> -> memref<1x128x64xf32, #tpu.memory_space<vmem>>
      %dma_wait3A_1435 = tpu.memref_squeeze %dma_wait3A_1434 : memref<1x128x64xf32, #tpu.memory_space<vmem>> -> memref<128x64xf32, #tpu.memory_space<vmem>>
      %dma_wait3A_1436 = arith.constant 0 : i32
      %dma_wait3A_1437 = tpu.memref_slice %arg10[%dma_wait3A_1430, %dma_wait3A_1431, %dma_wait3A_1436] : memref<3x4x128xi32, #tpu.memory_space<vmem>> -> memref<1x1x128xi32, #tpu.memory_space<vmem>>
      %dma_wait3A_1438 = tpu.memref_squeeze %dma_wait3A_1437 : memref<1x1x128xi32, #tpu.memory_space<vmem>> -> memref<128xi32, #tpu.memory_space<vmem>>
      %dma_wait3A_1439 = arith.constant 0 : i32
      %dma_wait3A_1440 = arith.constant 0 : i32
      %dma_wait3A_1441 = tpu.memref_slice %arg12[%dma_wait3A_1439, %dma_wait3A_1440] : memref<10240x64xf32, #tpu.memory_space<vmem_shared>> -> memref<10240x64xf32, #tpu.memory_space<vmem_shared>>
      tpu.wait_indirect_dma semaphore(%arg15 : memref<!tpu.dma_semaphore, #tpu.memory_space<semaphore_mem>>) src(%dma_wait3A_1435 : memref<128x64xf32, #tpu.memory_space<vmem>>) dst(%dma_wait3A_1441 : memref<10240x64xf32, #tpu.memory_space<vmem_shared>>)
      %dma_wait3A_1442 = arith.constant 1 : i32
      %dma_wait3A_1443 = arith.constant 0 : i32
      %dma_wait3A_1444 = arith.constant 2 : i32
      %dma_wait3A_1445 = arith.constant 256 : i32
      %dma_wait3A_1446 = arith.constant 0 : i32
      %dma_wait3A_1447 = tpu.memref_slice %arg11[%dma_wait3A_1442, %dma_wait3A_1445, %dma_wait3A_1446] : memref<2x512x64xf32, #tpu.memory_space<vmem>> -> memref<1x128x64xf32, #tpu.memory_space<vmem>>
      %dma_wait3A_1448 = tpu.memref_squeeze %dma_wait3A_1447 : memref<1x128x64xf32, #tpu.memory_space<vmem>> -> memref<128x64xf32, #tpu.memory_space<vmem>>
      %dma_wait3A_1449 = arith.constant 0 : i32
      %dma_wait3A_1450 = tpu.memref_slice %arg10[%dma_wait3A_1443, %dma_wait3A_1444, %dma_wait3A_1449] : memref<3x4x128xi32, #tpu.memory_space<vmem>> -> memref<1x1x128xi32, #tpu.memory_space<vmem>>
      %dma_wait3A_1451 = tpu.memref_squeeze %dma_wait3A_1450 : memref<1x1x128xi32, #tpu.memory_space<vmem>> -> memref<128xi32, #tpu.memory_space<vmem>>
      %dma_wait3A_1452 = arith.constant 0 : i32
      %dma_wait3A_1453 = arith.constant 0 : i32
      %dma_wait3A_1454 = tpu.memref_slice %arg12[%dma_wait3A_1452, %dma_wait3A_1453] : memref<10240x64xf32, #tpu.memory_space<vmem_shared>> -> memref<10240x64xf32, #tpu.memory_space<vmem_shared>>
      tpu.wait_indirect_dma semaphore(%arg15 : memref<!tpu.dma_semaphore, #tpu.memory_space<semaphore_mem>>) src(%dma_wait3A_1448 : memref<128x64xf32, #tpu.memory_space<vmem>>) dst(%dma_wait3A_1454 : memref<10240x64xf32, #tpu.memory_space<vmem_shared>>)
      %dma_wait3A_1455 = arith.constant 1 : i32
      %dma_wait3A_1456 = arith.constant 0 : i32
      %dma_wait3A_1457 = arith.constant 3 : i32
      %dma_wait3A_1458 = arith.constant 384 : i32
      %dma_wait3A_1459 = arith.constant 0 : i32
      %dma_wait3A_1460 = tpu.memref_slice %arg11[%dma_wait3A_1455, %dma_wait3A_1458, %dma_wait3A_1459] : memref<2x512x64xf32, #tpu.memory_space<vmem>> -> memref<1x128x64xf32, #tpu.memory_space<vmem>>
      %dma_wait3A_1461 = tpu.memref_squeeze %dma_wait3A_1460 : memref<1x128x64xf32, #tpu.memory_space<vmem>> -> memref<128x64xf32, #tpu.memory_space<vmem>>
      %dma_wait3A_1462 = arith.constant 0 : i32
      %dma_wait3A_1463 = tpu.memref_slice %arg10[%dma_wait3A_1456, %dma_wait3A_1457, %dma_wait3A_1462] : memref<3x4x128xi32, #tpu.memory_space<vmem>> -> memref<1x1x128xi32, #tpu.memory_space<vmem>>
      %dma_wait3A_1464 = tpu.memref_squeeze %dma_wait3A_1463 : memref<1x1x128xi32, #tpu.memory_space<vmem>> -> memref<128xi32, #tpu.memory_space<vmem>>
      %dma_wait3A_1465 = arith.constant 0 : i32
      %dma_wait3A_1466 = arith.constant 0 : i32
      %dma_wait3A_1467 = tpu.memref_slice %arg12[%dma_wait3A_1465, %dma_wait3A_1466] : memref<10240x64xf32, #tpu.memory_space<vmem_shared>> -> memref<10240x64xf32, #tpu.memory_space<vmem_shared>>
      tpu.wait_indirect_dma semaphore(%arg15 : memref<!tpu.dma_semaphore, #tpu.memory_space<semaphore_mem>>) src(%dma_wait3A_1461 : memref<128x64xf32, #tpu.memory_space<vmem>>) dst(%dma_wait3A_1467 : memref<10240x64xf32, #tpu.memory_space<vmem_shared>>)
      %add3A_1468 = arith.constant 2 : i32
      %add3A_1469 = arith.addi %add3A_1415, %add3A_1468 : i32
      %mul3A_1470 = arith.constant 4 : i32
      %mul3A_1471 = arith.muli %add3A_1469, %mul3A_1470 : i32
      %add3A_1472 = arith.addi %mul3A_4, %mul3A_1471 : i32
      %dma_start3A_1473 = arith.constant 0 : i32
      %dma_start3A_1474 = arith.constant 0 : i32
      %dma_start3A_1475 = arith.constant 0 : i32
      %dma_start3A_1476 = tpu.memref_slice %arg9[%dma_start3A_1473, %dma_start3A_1474, %dma_start3A_1475] : memref<3x4x128xi32, #tpu.memory_space<vmem>> -> memref<1x4x128xi32, #tpu.memory_space<vmem>>
      %dma_start3A_1477 = tpu.memref_squeeze %dma_start3A_1476 : memref<1x4x128xi32, #tpu.memory_space<vmem>> -> memref<4x128xi32, #tpu.memory_space<vmem>>
      %dma_start3A_1478 = arith.constant 0 : i32
      %dma_start3A_1479 = tpu.memref_slice %arg3[%add3A_1472, %dma_start3A_1478] : memref<2568x128xi32, #tpu.memory_space<hbm>> -> memref<4x128xi32, #tpu.memory_space<hbm>>
      %dma_start3A_1480 = arith.constant 0 : i32
      %dma_start3A_1481 = arith.constant 0 : i32
      %dma_start3A_1482 = tpu.memref_slice %arg9[%dma_start3A_1473, %dma_start3A_1480, %dma_start3A_1481] : memref<3x4x128xi32, #tpu.memory_space<vmem>> -> memref<1x4x128xi32, #tpu.memory_space<vmem>>
      %dma_start3A_1483 = tpu.memref_squeeze %dma_start3A_1482 : memref<1x4x128xi32, #tpu.memory_space<vmem>> -> memref<4x128xi32, #tpu.memory_space<vmem>>
      %dma_start3A_1484 = arith.constant 0 : i32
      %dma_start3A_1485 = tpu.memref_slice %arg3[%add3A_1472, %dma_start3A_1484] : memref<2568x128xi32, #tpu.memory_space<hbm>> -> memref<4x128xi32, #tpu.memory_space<hbm>>
      tpu.enqueue_dma source(%dma_start3A_1485 : memref<4x128xi32, #tpu.memory_space<hbm>>) target(%dma_start3A_1483 : memref<4x128xi32, #tpu.memory_space<vmem>>) target_semaphore(%arg14 : memref<!tpu.dma_semaphore, #tpu.memory_space<semaphore_mem>>)
      %dma_start3A_1486 = arith.constant 0 : i32
      %dma_start3A_1487 = arith.constant 0 : i32
      %dma_start3A_1488 = arith.constant 0 : i32
      %dma_start3A_1489 = tpu.memref_slice %arg10[%dma_start3A_1486, %dma_start3A_1487, %dma_start3A_1488] : memref<3x4x128xi32, #tpu.memory_space<vmem>> -> memref<1x4x128xi32, #tpu.memory_space<vmem>>
      %dma_start3A_1490 = tpu.memref_squeeze %dma_start3A_1489 : memref<1x4x128xi32, #tpu.memory_space<vmem>> -> memref<4x128xi32, #tpu.memory_space<vmem>>
      %dma_start3A_1491 = arith.constant 0 : i32
      %dma_start3A_1492 = tpu.memref_slice %arg4[%add3A_1472, %dma_start3A_1491] : memref<2568x128xi32, #tpu.memory_space<hbm>> -> memref<4x128xi32, #tpu.memory_space<hbm>>
      %dma_start3A_1493 = arith.constant 0 : i32
      %dma_start3A_1494 = arith.constant 0 : i32
      %dma_start3A_1495 = tpu.memref_slice %arg10[%dma_start3A_1486, %dma_start3A_1493, %dma_start3A_1494] : memref<3x4x128xi32, #tpu.memory_space<vmem>> -> memref<1x4x128xi32, #tpu.memory_space<vmem>>
      %dma_start3A_1496 = tpu.memref_squeeze %dma_start3A_1495 : memref<1x4x128xi32, #tpu.memory_space<vmem>> -> memref<4x128xi32, #tpu.memory_space<vmem>>
      %dma_start3A_1497 = arith.constant 0 : i32
      %dma_start3A_1498 = tpu.memref_slice %arg4[%add3A_1472, %dma_start3A_1497] : memref<2568x128xi32, #tpu.memory_space<hbm>> -> memref<4x128xi32, #tpu.memory_space<hbm>>
      tpu.enqueue_dma source(%dma_start3A_1498 : memref<4x128xi32, #tpu.memory_space<hbm>>) target(%dma_start3A_1496 : memref<4x128xi32, #tpu.memory_space<vmem>>) target_semaphore(%arg14 : memref<!tpu.dma_semaphore, #tpu.memory_space<semaphore_mem>>)
      %add3A_1499 = arith.constant 1 : i32
      %add3A_1500 = arith.addi %add3A_1415, %add3A_1499 : i32
      %mul3A_1501 = arith.constant 4 : i32
      %mul3A_1502 = arith.muli %add3A_1500, %mul3A_1501 : i32
      %add3A_1503 = arith.addi %mul3A_4, %mul3A_1502 : i32
      %dma_wait3A_1504 = arith.constant 2 : i32
      %dma_wait3A_1505 = arith.constant 0 : i32
      %dma_wait3A_1506 = arith.constant 0 : i32
      %dma_wait3A_1507 = tpu.memref_slice %arg9[%dma_wait3A_1504, %dma_wait3A_1505, %dma_wait3A_1506] : memref<3x4x128xi32, #tpu.memory_space<vmem>> -> memref<1x4x128xi32, #tpu.memory_space<vmem>>
      %dma_wait3A_1508 = tpu.memref_squeeze %dma_wait3A_1507 : memref<1x4x128xi32, #tpu.memory_space<vmem>> -> memref<4x128xi32, #tpu.memory_space<vmem>>
      %dma_wait3A_1509 = arith.constant 0 : i32
      %dma_wait3A_1510 = tpu.memref_slice %arg3[%add3A_1503, %dma_wait3A_1509] : memref<2568x128xi32, #tpu.memory_space<hbm>> -> memref<4x128xi32, #tpu.memory_space<hbm>>
      %dma_wait3A_1511 = arith.constant 0 : i32
      %dma_wait3A_1512 = arith.constant 0 : i32
      %dma_wait3A_1513 = tpu.memref_slice %arg9[%dma_wait3A_1504, %dma_wait3A_1511, %dma_wait3A_1512] : memref<3x4x128xi32, #tpu.memory_space<vmem>> -> memref<1x4x128xi32, #tpu.memory_space<vmem>>
      %dma_wait3A_1514 = tpu.memref_squeeze %dma_wait3A_1513 : memref<1x4x128xi32, #tpu.memory_space<vmem>> -> memref<4x128xi32, #tpu.memory_space<vmem>>
      %dma_wait3A_1515 = arith.constant 0 : i32
      %dma_wait3A_1516 = tpu.memref_slice %arg3[%add3A_1503, %dma_wait3A_1515] : memref<2568x128xi32, #tpu.memory_space<hbm>> -> memref<4x128xi32, #tpu.memory_space<hbm>>
      tpu.wait_dma2 semaphore(%arg14 : memref<!tpu.dma_semaphore, #tpu.memory_space<semaphore_mem>>) src(%dma_wait3A_1516 : memref<4x128xi32, #tpu.memory_space<hbm>>) dst(%dma_wait3A_1514 : memref<4x128xi32, #tpu.memory_space<vmem>>)
      %dma_wait3A_1517 = arith.constant 2 : i32
      %dma_wait3A_1518 = arith.constant 0 : i32
      %dma_wait3A_1519 = arith.constant 0 : i32
      %dma_wait3A_1520 = tpu.memref_slice %arg10[%dma_wait3A_1517, %dma_wait3A_1518, %dma_wait3A_1519] : memref<3x4x128xi32, #tpu.memory_space<vmem>> -> memref<1x4x128xi32, #tpu.memory_space<vmem>>
      %dma_wait3A_1521 = tpu.memref_squeeze %dma_wait3A_1520 : memref<1x4x128xi32, #tpu.memory_space<vmem>> -> memref<4x128xi32, #tpu.memory_space<vmem>>
      %dma_wait3A_1522 = arith.constant 0 : i32
      %dma_wait3A_1523 = tpu.memref_slice %arg4[%add3A_1503, %dma_wait3A_1522] : memref<2568x128xi32, #tpu.memory_space<hbm>> -> memref<4x128xi32, #tpu.memory_space<hbm>>
      %dma_wait3A_1524 = arith.constant 0 : i32
      %dma_wait3A_1525 = arith.constant 0 : i32
      %dma_wait3A_1526 = tpu.memref_slice %arg10[%dma_wait3A_1517, %dma_wait3A_1524, %dma_wait3A_1525] : memref<3x4x128xi32, #tpu.memory_space<vmem>> -> memref<1x4x128xi32, #tpu.memory_space<vmem>>
      %dma_wait3A_1527 = tpu.memref_squeeze %dma_wait3A_1526 : memref<1x4x128xi32, #tpu.memory_space<vmem>> -> memref<4x128xi32, #tpu.memory_space<vmem>>
      %dma_wait3A_1528 = arith.constant 0 : i32
      %dma_wait3A_1529 = tpu.memref_slice %arg4[%add3A_1503, %dma_wait3A_1528] : memref<2568x128xi32, #tpu.memory_space<hbm>> -> memref<4x128xi32, #tpu.memory_space<hbm>>
      tpu.wait_dma2 semaphore(%arg14 : memref<!tpu.dma_semaphore, #tpu.memory_space<semaphore_mem>>) src(%dma_wait3A_1529 : memref<4x128xi32, #tpu.memory_space<hbm>>) dst(%dma_wait3A_1527 : memref<4x128xi32, #tpu.memory_space<vmem>>)
      %dma_start3A_1530 = arith.constant 2 : i32
      %dma_start3A_1531 = arith.constant 0 : i32
      %dma_start3A_1532 = arith.constant 1 : i32
      %dma_start3A_1533 = arith.constant 0 : i32
      %dma_start3A_1534 = arith.constant 0 : i32
      %dma_start3A_1535 = tpu.memref_slice %arg11[%dma_start3A_1532, %dma_start3A_1533, %dma_start3A_1534] : memref<2x512x64xf32, #tpu.memory_space<vmem>> -> memref<1x128x64xf32, #tpu.memory_space<vmem>>
      %dma_start3A_1536 = tpu.memref_squeeze %dma_start3A_1535 : memref<1x128x64xf32, #tpu.memory_space<vmem>> -> memref<128x64xf32, #tpu.memory_space<vmem>>
      %dma_start3A_1537 = arith.constant 0 : i32
      %dma_start3A_1538 = tpu.memref_slice %arg9[%dma_start3A_1530, %dma_start3A_1531, %dma_start3A_1537] : memref<3x4x128xi32, #tpu.memory_space<vmem>> -> memref<1x1x128xi32, #tpu.memory_space<vmem>>
      %dma_start3A_1539 = tpu.memref_squeeze %dma_start3A_1538 : memref<1x1x128xi32, #tpu.memory_space<vmem>> -> memref<128xi32, #tpu.memory_space<vmem>>
      %dma_start3A_1540 = arith.constant 0 : i32
      %dma_start3A_1541 = arith.constant 0 : i32
      %dma_start3A_1542 = tpu.memref_slice %arg2[%dma_start3A_1540, %dma_start3A_1541] : memref<10000x64xf32, #tpu.memory_space<hbm>> -> memref<10000x64xf32, #tpu.memory_space<hbm>>
      tpu.enqueue_indirect_dma source(%dma_start3A_1542 : memref<10000x64xf32, #tpu.memory_space<hbm>>) target(%dma_start3A_1536 : memref<128x64xf32, #tpu.memory_space<vmem>>) offsets(%dma_start3A_1539 : memref<128xi32, #tpu.memory_space<vmem>>) semaphore(%arg13 : memref<!tpu.dma_semaphore, #tpu.memory_space<semaphore_mem>>)
      %dma_start3A_1543 = arith.constant 2 : i32
      %dma_start3A_1544 = arith.constant 1 : i32
      %dma_start3A_1545 = arith.constant 1 : i32
      %dma_start3A_1546 = arith.constant 128 : i32
      %dma_start3A_1547 = arith.constant 0 : i32
      %dma_start3A_1548 = tpu.memref_slice %arg11[%dma_start3A_1545, %dma_start3A_1546, %dma_start3A_1547] : memref<2x512x64xf32, #tpu.memory_space<vmem>> -> memref<1x128x64xf32, #tpu.memory_space<vmem>>
      %dma_start3A_1549 = tpu.memref_squeeze %dma_start3A_1548 : memref<1x128x64xf32, #tpu.memory_space<vmem>> -> memref<128x64xf32, #tpu.memory_space<vmem>>
      %dma_start3A_1550 = arith.constant 0 : i32
      %dma_start3A_1551 = tpu.memref_slice %arg9[%dma_start3A_1543, %dma_start3A_1544, %dma_start3A_1550] : memref<3x4x128xi32, #tpu.memory_space<vmem>> -> memref<1x1x128xi32, #tpu.memory_space<vmem>>
      %dma_start3A_1552 = tpu.memref_squeeze %dma_start3A_1551 : memref<1x1x128xi32, #tpu.memory_space<vmem>> -> memref<128xi32, #tpu.memory_space<vmem>>
      %dma_start3A_1553 = arith.constant 0 : i32
      %dma_start3A_1554 = arith.constant 0 : i32
      %dma_start3A_1555 = tpu.memref_slice %arg2[%dma_start3A_1553, %dma_start3A_1554] : memref<10000x64xf32, #tpu.memory_space<hbm>> -> memref<10000x64xf32, #tpu.memory_space<hbm>>
      tpu.enqueue_indirect_dma source(%dma_start3A_1555 : memref<10000x64xf32, #tpu.memory_space<hbm>>) target(%dma_start3A_1549 : memref<128x64xf32, #tpu.memory_space<vmem>>) offsets(%dma_start3A_1552 : memref<128xi32, #tpu.memory_space<vmem>>) semaphore(%arg13 : memref<!tpu.dma_semaphore, #tpu.memory_space<semaphore_mem>>)
      %dma_start3A_1556 = arith.constant 2 : i32
      %dma_start3A_1557 = arith.constant 2 : i32
      %dma_start3A_1558 = arith.constant 1 : i32
      %dma_start3A_1559 = arith.constant 256 : i32
      %dma_start3A_1560 = arith.constant 0 : i32
      %dma_start3A_1561 = tpu.memref_slice %arg11[%dma_start3A_1558, %dma_start3A_1559, %dma_start3A_1560] : memref<2x512x64xf32, #tpu.memory_space<vmem>> -> memref<1x128x64xf32, #tpu.memory_space<vmem>>
      %dma_start3A_1562 = tpu.memref_squeeze %dma_start3A_1561 : memref<1x128x64xf32, #tpu.memory_space<vmem>> -> memref<128x64xf32, #tpu.memory_space<vmem>>
      %dma_start3A_1563 = arith.constant 0 : i32
      %dma_start3A_1564 = tpu.memref_slice %arg9[%dma_start3A_1556, %dma_start3A_1557, %dma_start3A_1563] : memref<3x4x128xi32, #tpu.memory_space<vmem>> -> memref<1x1x128xi32, #tpu.memory_space<vmem>>
      %dma_start3A_1565 = tpu.memref_squeeze %dma_start3A_1564 : memref<1x1x128xi32, #tpu.memory_space<vmem>> -> memref<128xi32, #tpu.memory_space<vmem>>
      %dma_start3A_1566 = arith.constant 0 : i32
      %dma_start3A_1567 = arith.constant 0 : i32
      %dma_start3A_1568 = tpu.memref_slice %arg2[%dma_start3A_1566, %dma_start3A_1567] : memref<10000x64xf32, #tpu.memory_space<hbm>> -> memref<10000x64xf32, #tpu.memory_space<hbm>>
      tpu.enqueue_indirect_dma source(%dma_start3A_1568 : memref<10000x64xf32, #tpu.memory_space<hbm>>) target(%dma_start3A_1562 : memref<128x64xf32, #tpu.memory_space<vmem>>) offsets(%dma_start3A_1565 : memref<128xi32, #tpu.memory_space<vmem>>) semaphore(%arg13 : memref<!tpu.dma_semaphore, #tpu.memory_space<semaphore_mem>>)
      %dma_start3A_1569 = arith.constant 2 : i32
      %dma_start3A_1570 = arith.constant 3 : i32
      %dma_start3A_1571 = arith.constant 1 : i32
      %dma_start3A_1572 = arith.constant 384 : i32
      %dma_start3A_1573 = arith.constant 0 : i32
      %dma_start3A_1574 = tpu.memref_slice %arg11[%dma_start3A_1571, %dma_start3A_1572, %dma_start3A_1573] : memref<2x512x64xf32, #tpu.memory_space<vmem>> -> memref<1x128x64xf32, #tpu.memory_space<vmem>>
      %dma_start3A_1575 = tpu.memref_squeeze %dma_start3A_1574 : memref<1x128x64xf32, #tpu.memory_space<vmem>> -> memref<128x64xf32, #tpu.memory_space<vmem>>
      %dma_start3A_1576 = arith.constant 0 : i32
      %dma_start3A_1577 = tpu.memref_slice %arg9[%dma_start3A_1569, %dma_start3A_1570, %dma_start3A_1576] : memref<3x4x128xi32, #tpu.memory_space<vmem>> -> memref<1x1x128xi32, #tpu.memory_space<vmem>>
      %dma_start3A_1578 = tpu.memref_squeeze %dma_start3A_1577 : memref<1x1x128xi32, #tpu.memory_space<vmem>> -> memref<128xi32, #tpu.memory_space<vmem>>
      %dma_start3A_1579 = arith.constant 0 : i32
      %dma_start3A_1580 = arith.constant 0 : i32
      %dma_start3A_1581 = tpu.memref_slice %arg2[%dma_start3A_1579, %dma_start3A_1580] : memref<10000x64xf32, #tpu.memory_space<hbm>> -> memref<10000x64xf32, #tpu.memory_space<hbm>>
      tpu.enqueue_indirect_dma source(%dma_start3A_1581 : memref<10000x64xf32, #tpu.memory_space<hbm>>) target(%dma_start3A_1575 : memref<128x64xf32, #tpu.memory_space<vmem>>) offsets(%dma_start3A_1578 : memref<128xi32, #tpu.memory_space<vmem>>) semaphore(%arg13 : memref<!tpu.dma_semaphore, #tpu.memory_space<semaphore_mem>>)
      %dma_wait3A_1582 = arith.constant 1 : i32
      %dma_wait3A_1583 = arith.constant 0 : i32
      %dma_wait3A_1584 = arith.constant 0 : i32
      %dma_wait3A_1585 = arith.constant 0 : i32
      %dma_wait3A_1586 = arith.constant 0 : i32
      %dma_wait3A_1587 = tpu.memref_slice %arg11[%dma_wait3A_1584, %dma_wait3A_1585, %dma_wait3A_1586] : memref<2x512x64xf32, #tpu.memory_space<vmem>> -> memref<1x128x64xf32, #tpu.memory_space<vmem>>
      %dma_wait3A_1588 = tpu.memref_squeeze %dma_wait3A_1587 : memref<1x128x64xf32, #tpu.memory_space<vmem>> -> memref<128x64xf32, #tpu.memory_space<vmem>>
      %dma_wait3A_1589 = arith.constant 0 : i32
      %dma_wait3A_1590 = tpu.memref_slice %arg9[%dma_wait3A_1582, %dma_wait3A_1583, %dma_wait3A_1589] : memref<3x4x128xi32, #tpu.memory_space<vmem>> -> memref<1x1x128xi32, #tpu.memory_space<vmem>>
      %dma_wait3A_1591 = tpu.memref_squeeze %dma_wait3A_1590 : memref<1x1x128xi32, #tpu.memory_space<vmem>> -> memref<128xi32, #tpu.memory_space<vmem>>
      %dma_wait3A_1592 = arith.constant 0 : i32
      %dma_wait3A_1593 = arith.constant 0 : i32
      %dma_wait3A_1594 = tpu.memref_slice %arg2[%dma_wait3A_1592, %dma_wait3A_1593] : memref<10000x64xf32, #tpu.memory_space<hbm>> -> memref<10000x64xf32, #tpu.memory_space<hbm>>
      tpu.wait_indirect_dma semaphore(%arg13 : memref<!tpu.dma_semaphore, #tpu.memory_space<semaphore_mem>>) src(%dma_wait3A_1594 : memref<10000x64xf32, #tpu.memory_space<hbm>>) dst(%dma_wait3A_1588 : memref<128x64xf32, #tpu.memory_space<vmem>>)
      %dma_wait3A_1595 = arith.constant 1 : i32
      %dma_wait3A_1596 = arith.constant 1 : i32
      %dma_wait3A_1597 = arith.constant 0 : i32
      %dma_wait3A_1598 = arith.constant 128 : i32
      %dma_wait3A_1599 = arith.constant 0 : i32
      %dma_wait3A_1600 = tpu.memref_slice %arg11[%dma_wait3A_1597, %dma_wait3A_1598, %dma_wait3A_1599] : memref<2x512x64xf32, #tpu.memory_space<vmem>> -> memref<1x128x64xf32, #tpu.memory_space<vmem>>
      %dma_wait3A_1601 = tpu.memref_squeeze %dma_wait3A_1600 : memref<1x128x64xf32, #tpu.memory_space<vmem>> -> memref<128x64xf32, #tpu.memory_space<vmem>>
      %dma_wait3A_1602 = arith.constant 0 : i32
      %dma_wait3A_1603 = tpu.memref_slice %arg9[%dma_wait3A_1595, %dma_wait3A_1596, %dma_wait3A_1602] : memref<3x4x128xi32, #tpu.memory_space<vmem>> -> memref<1x1x128xi32, #tpu.memory_space<vmem>>
      %dma_wait3A_1604 = tpu.memref_squeeze %dma_wait3A_1603 : memref<1x1x128xi32, #tpu.memory_space<vmem>> -> memref<128xi32, #tpu.memory_space<vmem>>
      %dma_wait3A_1605 = arith.constant 0 : i32
      %dma_wait3A_1606 = arith.constant 0 : i32
      %dma_wait3A_1607 = tpu.memref_slice %arg2[%dma_wait3A_1605, %dma_wait3A_1606] : memref<10000x64xf32, #tpu.memory_space<hbm>> -> memref<10000x64xf32, #tpu.memory_space<hbm>>
      tpu.wait_indirect_dma semaphore(%arg13 : memref<!tpu.dma_semaphore, #tpu.memory_space<semaphore_mem>>) src(%dma_wait3A_1607 : memref<10000x64xf32, #tpu.memory_space<hbm>>) dst(%dma_wait3A_1601 : memref<128x64xf32, #tpu.memory_space<vmem>>)
      %dma_wait3A_1608 = arith.constant 1 : i32
      %dma_wait3A_1609 = arith.constant 2 : i32
      %dma_wait3A_1610 = arith.constant 0 : i32
      %dma_wait3A_1611 = arith.constant 256 : i32
      %dma_wait3A_1612 = arith.constant 0 : i32
      %dma_wait3A_1613 = tpu.memref_slice %arg11[%dma_wait3A_1610, %dma_wait3A_1611, %dma_wait3A_1612] : memref<2x512x64xf32, #tpu.memory_space<vmem>> -> memref<1x128x64xf32, #tpu.memory_space<vmem>>
      %dma_wait3A_1614 = tpu.memref_squeeze %dma_wait3A_1613 : memref<1x128x64xf32, #tpu.memory_space<vmem>> -> memref<128x64xf32, #tpu.memory_space<vmem>>
      %dma_wait3A_1615 = arith.constant 0 : i32
      %dma_wait3A_1616 = tpu.memref_slice %arg9[%dma_wait3A_1608, %dma_wait3A_1609, %dma_wait3A_1615] : memref<3x4x128xi32, #tpu.memory_space<vmem>> -> memref<1x1x128xi32, #tpu.memory_space<vmem>>
      %dma_wait3A_1617 = tpu.memref_squeeze %dma_wait3A_1616 : memref<1x1x128xi32, #tpu.memory_space<vmem>> -> memref<128xi32, #tpu.memory_space<vmem>>
      %dma_wait3A_1618 = arith.constant 0 : i32
      %dma_wait3A_1619 = arith.constant 0 : i32
      %dma_wait3A_1620 = tpu.memref_slice %arg2[%dma_wait3A_1618, %dma_wait3A_1619] : memref<10000x64xf32, #tpu.memory_space<hbm>> -> memref<10000x64xf32, #tpu.memory_space<hbm>>
      tpu.wait_indirect_dma semaphore(%arg13 : memref<!tpu.dma_semaphore, #tpu.memory_space<semaphore_mem>>) src(%dma_wait3A_1620 : memref<10000x64xf32, #tpu.memory_space<hbm>>) dst(%dma_wait3A_1614 : memref<128x64xf32, #tpu.memory_space<vmem>>)
      %dma_wait3A_1621 = arith.constant 1 : i32
      %dma_wait3A_1622 = arith.constant 3 : i32
      %dma_wait3A_1623 = arith.constant 0 : i32
      %dma_wait3A_1624 = arith.constant 384 : i32
      %dma_wait3A_1625 = arith.constant 0 : i32
      %dma_wait3A_1626 = tpu.memref_slice %arg11[%dma_wait3A_1623, %dma_wait3A_1624, %dma_wait3A_1625] : memref<2x512x64xf32, #tpu.memory_space<vmem>> -> memref<1x128x64xf32, #tpu.memory_space<vmem>>
      %dma_wait3A_1627 = tpu.memref_squeeze %dma_wait3A_1626 : memref<1x128x64xf32, #tpu.memory_space<vmem>> -> memref<128x64xf32, #tpu.memory_space<vmem>>
      %dma_wait3A_1628 = arith.constant 0 : i32
      %dma_wait3A_1629 = tpu.memref_slice %arg9[%dma_wait3A_1621, %dma_wait3A_1622, %dma_wait3A_1628] : memref<3x4x128xi32, #tpu.memory_space<vmem>> -> memref<1x1x128xi32, #tpu.memory_space<vmem>>
      %dma_wait3A_1630 = tpu.memref_squeeze %dma_wait3A_1629 : memref<1x1x128xi32, #tpu.memory_space<vmem>> -> memref<128xi32, #tpu.memory_space<vmem>>
      %dma_wait3A_1631 = arith.constant 0 : i32
      %dma_wait3A_1632 = arith.constant 0 : i32
      %dma_wait3A_1633 = tpu.memref_slice %arg2[%dma_wait3A_1631, %dma_wait3A_1632] : memref<10000x64xf32, #tpu.memory_space<hbm>> -> memref<10000x64xf32, #tpu.memory_space<hbm>>
      tpu.wait_indirect_dma semaphore(%arg13 : memref<!tpu.dma_semaphore, #tpu.memory_space<semaphore_mem>>) src(%dma_wait3A_1633 : memref<10000x64xf32, #tpu.memory_space<hbm>>) dst(%dma_wait3A_1627 : memref<128x64xf32, #tpu.memory_space<vmem>>)
      %dma_start3A_1634 = arith.constant 0 : i32
      %dma_start3A_1635 = arith.constant 1 : i32
      %dma_start3A_1636 = arith.constant 0 : i32
      %dma_start3A_1637 = arith.constant 0 : i32
      %dma_start3A_1638 = arith.constant 0 : i32
      %dma_start3A_1639 = tpu.memref_slice %arg11[%dma_start3A_1634, %dma_start3A_1637, %dma_start3A_1638] : memref<2x512x64xf32, #tpu.memory_space<vmem>> -> memref<1x128x64xf32, #tpu.memory_space<vmem>>
      %dma_start3A_1640 = tpu.memref_squeeze %dma_start3A_1639 : memref<1x128x64xf32, #tpu.memory_space<vmem>> -> memref<128x64xf32, #tpu.memory_space<vmem>>
      %dma_start3A_1641 = arith.constant 0 : i32
      %dma_start3A_1642 = tpu.memref_slice %arg10[%dma_start3A_1635, %dma_start3A_1636, %dma_start3A_1641] : memref<3x4x128xi32, #tpu.memory_space<vmem>> -> memref<1x1x128xi32, #tpu.memory_space<vmem>>
      %dma_start3A_1643 = tpu.memref_squeeze %dma_start3A_1642 : memref<1x1x128xi32, #tpu.memory_space<vmem>> -> memref<128xi32, #tpu.memory_space<vmem>>
      %dma_start3A_1644 = arith.constant 0 : i32
      %dma_start3A_1645 = arith.constant 0 : i32
      %dma_start3A_1646 = tpu.memref_slice %arg12[%dma_start3A_1644, %dma_start3A_1645] : memref<10240x64xf32, #tpu.memory_space<vmem_shared>> -> memref<10240x64xf32, #tpu.memory_space<vmem_shared>>
      tpu.enqueue_indirect_dma source(%dma_start3A_1640 : memref<128x64xf32, #tpu.memory_space<vmem>>) target(%dma_start3A_1646 : memref<10240x64xf32, #tpu.memory_space<vmem_shared>>) offsets(%dma_start3A_1643 : memref<128xi32, #tpu.memory_space<vmem>>) semaphore(%arg15 : memref<!tpu.dma_semaphore, #tpu.memory_space<semaphore_mem>>) {add = true}
      %dma_start3A_1647 = arith.constant 0 : i32
      %dma_start3A_1648 = arith.constant 1 : i32
      %dma_start3A_1649 = arith.constant 1 : i32
      %dma_start3A_1650 = arith.constant 128 : i32
      %dma_start3A_1651 = arith.constant 0 : i32
      %dma_start3A_1652 = tpu.memref_slice %arg11[%dma_start3A_1647, %dma_start3A_1650, %dma_start3A_1651] : memref<2x512x64xf32, #tpu.memory_space<vmem>> -> memref<1x128x64xf32, #tpu.memory_space<vmem>>
      %dma_start3A_1653 = tpu.memref_squeeze %dma_start3A_1652 : memref<1x128x64xf32, #tpu.memory_space<vmem>> -> memref<128x64xf32, #tpu.memory_space<vmem>>
      %dma_start3A_1654 = arith.constant 0 : i32
      %dma_start3A_1655 = tpu.memref_slice %arg10[%dma_start3A_1648, %dma_start3A_1649, %dma_start3A_1654] : memref<3x4x128xi32, #tpu.memory_space<vmem>> -> memref<1x1x128xi32, #tpu.memory_space<vmem>>
      %dma_start3A_1656 = tpu.memref_squeeze %dma_start3A_1655 : memref<1x1x128xi32, #tpu.memory_space<vmem>> -> memref<128xi32, #tpu.memory_space<vmem>>
      %dma_start3A_1657 = arith.constant 0 : i32
      %dma_start3A_1658 = arith.constant 0 : i32
      %dma_start3A_1659 = tpu.memref_slice %arg12[%dma_start3A_1657, %dma_start3A_1658] : memref<10240x64xf32, #tpu.memory_space<vmem_shared>> -> memref<10240x64xf32, #tpu.memory_space<vmem_shared>>
      tpu.enqueue_indirect_dma source(%dma_start3A_1653 : memref<128x64xf32, #tpu.memory_space<vmem>>) target(%dma_start3A_1659 : memref<10240x64xf32, #tpu.memory_space<vmem_shared>>) offsets(%dma_start3A_1656 : memref<128xi32, #tpu.memory_space<vmem>>) semaphore(%arg15 : memref<!tpu.dma_semaphore, #tpu.memory_space<semaphore_mem>>) {add = true}
      %dma_start3A_1660 = arith.constant 0 : i32
      %dma_start3A_1661 = arith.constant 1 : i32
      %dma_start3A_1662 = arith.constant 2 : i32
      %dma_start3A_1663 = arith.constant 256 : i32
      %dma_start3A_1664 = arith.constant 0 : i32
      %dma_start3A_1665 = tpu.memref_slice %arg11[%dma_start3A_1660, %dma_start3A_1663, %dma_start3A_1664] : memref<2x512x64xf32, #tpu.memory_space<vmem>> -> memref<1x128x64xf32, #tpu.memory_space<vmem>>
      %dma_start3A_1666 = tpu.memref_squeeze %dma_start3A_1665 : memref<1x128x64xf32, #tpu.memory_space<vmem>> -> memref<128x64xf32, #tpu.memory_space<vmem>>
      %dma_start3A_1667 = arith.constant 0 : i32
      %dma_start3A_1668 = tpu.memref_slice %arg10[%dma_start3A_1661, %dma_start3A_1662, %dma_start3A_1667] : memref<3x4x128xi32, #tpu.memory_space<vmem>> -> memref<1x1x128xi32, #tpu.memory_space<vmem>>
      %dma_start3A_1669 = tpu.memref_squeeze %dma_start3A_1668 : memref<1x1x128xi32, #tpu.memory_space<vmem>> -> memref<128xi32, #tpu.memory_space<vmem>>
      %dma_start3A_1670 = arith.constant 0 : i32
      %dma_start3A_1671 = arith.constant 0 : i32
      %dma_start3A_1672 = tpu.memref_slice %arg12[%dma_start3A_1670, %dma_start3A_1671] : memref<10240x64xf32, #tpu.memory_space<vmem_shared>> -> memref<10240x64xf32, #tpu.memory_space<vmem_shared>>
      tpu.enqueue_indirect_dma source(%dma_start3A_1666 : memref<128x64xf32, #tpu.memory_space<vmem>>) target(%dma_start3A_1672 : memref<10240x64xf32, #tpu.memory_space<vmem_shared>>) offsets(%dma_start3A_1669 : memref<128xi32, #tpu.memory_space<vmem>>) semaphore(%arg15 : memref<!tpu.dma_semaphore, #tpu.memory_space<semaphore_mem>>) {add = true}
      %dma_start3A_1673 = arith.constant 0 : i32
      %dma_start3A_1674 = arith.constant 1 : i32
      %dma_start3A_1675 = arith.constant 3 : i32
      %dma_start3A_1676 = arith.constant 384 : i32
      %dma_start3A_1677 = arith.constant 0 : i32
      %dma_start3A_1678 = tpu.memref_slice %arg11[%dma_start3A_1673, %dma_start3A_1676, %dma_start3A_1677] : memref<2x512x64xf32, #tpu.memory_space<vmem>> -> memref<1x128x64xf32, #tpu.memory_space<vmem>>
      %dma_start3A_1679 = tpu.memref_squeeze %dma_start3A_1678 : memref<1x128x64xf32, #tpu.memory_space<vmem>> -> memref<128x64xf32, #tpu.memory_space<vmem>>
      %dma_start3A_1680 = arith.constant 0 : i32
      %dma_start3A_1681 = tpu.memref_slice %arg10[%dma_start3A_1674, %dma_start3A_1675, %dma_start3A_1680] : memref<3x4x128xi32, #tpu.memory_space<vmem>> -> memref<1x1x128xi32, #tpu.memory_space<vmem>>
      %dma_start3A_1682 = tpu.memref_squeeze %dma_start3A_1681 : memref<1x1x128xi32, #tpu.memory_space<vmem>> -> memref<128xi32, #tpu.memory_space<vmem>>
      %dma_start3A_1683 = arith.constant 0 : i32
      %dma_start3A_1684 = arith.constant 0 : i32
      %dma_start3A_1685 = tpu.memref_slice %arg12[%dma_start3A_1683, %dma_start3A_1684] : memref<10240x64xf32, #tpu.memory_space<vmem_shared>> -> memref<10240x64xf32, #tpu.memory_space<vmem_shared>>
      tpu.enqueue_indirect_dma source(%dma_start3A_1679 : memref<128x64xf32, #tpu.memory_space<vmem>>) target(%dma_start3A_1685 : memref<10240x64xf32, #tpu.memory_space<vmem_shared>>) offsets(%dma_start3A_1682 : memref<128xi32, #tpu.memory_space<vmem>>) semaphore(%arg15 : memref<!tpu.dma_semaphore, #tpu.memory_space<semaphore_mem>>) {add = true}
      %add3A_1686 = arith.constant 4 : i32
      %add3A_1687 = arith.addi %add3A_597, %add3A_1686 : i32
      %dma_wait3A_1688 = arith.constant 0 : i32
      %dma_wait3A_1689 = arith.constant 1 : i32
      %dma_wait3A_1690 = arith.constant 0 : i32
      %dma_wait3A_1691 = arith.constant 0 : i32
      %dma_wait3A_1692 = arith.constant 0 : i32
      %dma_wait3A_1693 = tpu.memref_slice %arg11[%dma_wait3A_1688, %dma_wait3A_1691, %dma_wait3A_1692] : memref<2x512x64xf32, #tpu.memory_space<vmem>> -> memref<1x128x64xf32, #tpu.memory_space<vmem>>
      %dma_wait3A_1694 = tpu.memref_squeeze %dma_wait3A_1693 : memref<1x128x64xf32, #tpu.memory_space<vmem>> -> memref<128x64xf32, #tpu.memory_space<vmem>>
      %dma_wait3A_1695 = arith.constant 0 : i32
      %dma_wait3A_1696 = tpu.memref_slice %arg10[%dma_wait3A_1689, %dma_wait3A_1690, %dma_wait3A_1695] : memref<3x4x128xi32, #tpu.memory_space<vmem>> -> memref<1x1x128xi32, #tpu.memory_space<vmem>>
      %dma_wait3A_1697 = tpu.memref_squeeze %dma_wait3A_1696 : memref<1x1x128xi32, #tpu.memory_space<vmem>> -> memref<128xi32, #tpu.memory_space<vmem>>
      %dma_wait3A_1698 = arith.constant 0 : i32
      %dma_wait3A_1699 = arith.constant 0 : i32
      %dma_wait3A_1700 = tpu.memref_slice %arg12[%dma_wait3A_1698, %dma_wait3A_1699] : memref<10240x64xf32, #tpu.memory_space<vmem_shared>> -> memref<10240x64xf32, #tpu.memory_space<vmem_shared>>
      tpu.wait_indirect_dma semaphore(%arg15 : memref<!tpu.dma_semaphore, #tpu.memory_space<semaphore_mem>>) src(%dma_wait3A_1694 : memref<128x64xf32, #tpu.memory_space<vmem>>) dst(%dma_wait3A_1700 : memref<10240x64xf32, #tpu.memory_space<vmem_shared>>)
      %dma_wait3A_1701 = arith.constant 0 : i32
      %dma_wait3A_1702 = arith.constant 1 : i32
      %dma_wait3A_1703 = arith.constant 1 : i32
      %dma_wait3A_1704 = arith.constant 128 : i32
      %dma_wait3A_1705 = arith.constant 0 : i32
      %dma_wait3A_1706 = tpu.memref_slice %arg11[%dma_wait3A_1701, %dma_wait3A_1704, %dma_wait3A_1705] : memref<2x512x64xf32, #tpu.memory_space<vmem>> -> memref<1x128x64xf32, #tpu.memory_space<vmem>>
      %dma_wait3A_1707 = tpu.memref_squeeze %dma_wait3A_1706 : memref<1x128x64xf32, #tpu.memory_space<vmem>> -> memref<128x64xf32, #tpu.memory_space<vmem>>
      %dma_wait3A_1708 = arith.constant 0 : i32
      %dma_wait3A_1709 = tpu.memref_slice %arg10[%dma_wait3A_1702, %dma_wait3A_1703, %dma_wait3A_1708] : memref<3x4x128xi32, #tpu.memory_space<vmem>> -> memref<1x1x128xi32, #tpu.memory_space<vmem>>
      %dma_wait3A_1710 = tpu.memref_squeeze %dma_wait3A_1709 : memref<1x1x128xi32, #tpu.memory_space<vmem>> -> memref<128xi32, #tpu.memory_space<vmem>>
      %dma_wait3A_1711 = arith.constant 0 : i32
      %dma_wait3A_1712 = arith.constant 0 : i32
      %dma_wait3A_1713 = tpu.memref_slice %arg12[%dma_wait3A_1711, %dma_wait3A_1712] : memref<10240x64xf32, #tpu.memory_space<vmem_shared>> -> memref<10240x64xf32, #tpu.memory_space<vmem_shared>>
      tpu.wait_indirect_dma semaphore(%arg15 : memref<!tpu.dma_semaphore, #tpu.memory_space<semaphore_mem>>) src(%dma_wait3A_1707 : memref<128x64xf32, #tpu.memory_space<vmem>>) dst(%dma_wait3A_1713 : memref<10240x64xf32, #tpu.memory_space<vmem_shared>>)
      %dma_wait3A_1714 = arith.constant 0 : i32
      %dma_wait3A_1715 = arith.constant 1 : i32
      %dma_wait3A_1716 = arith.constant 2 : i32
      %dma_wait3A_1717 = arith.constant 256 : i32
      %dma_wait3A_1718 = arith.constant 0 : i32
      %dma_wait3A_1719 = tpu.memref_slice %arg11[%dma_wait3A_1714, %dma_wait3A_1717, %dma_wait3A_1718] : memref<2x512x64xf32, #tpu.memory_space<vmem>> -> memref<1x128x64xf32, #tpu.memory_space<vmem>>
      %dma_wait3A_1720 = tpu.memref_squeeze %dma_wait3A_1719 : memref<1x128x64xf32, #tpu.memory_space<vmem>> -> memref<128x64xf32, #tpu.memory_space<vmem>>
      %dma_wait3A_1721 = arith.constant 0 : i32
      %dma_wait3A_1722 = tpu.memref_slice %arg10[%dma_wait3A_1715, %dma_wait3A_1716, %dma_wait3A_1721] : memref<3x4x128xi32, #tpu.memory_space<vmem>> -> memref<1x1x128xi32, #tpu.memory_space<vmem>>
      %dma_wait3A_1723 = tpu.memref_squeeze %dma_wait3A_1722 : memref<1x1x128xi32, #tpu.memory_space<vmem>> -> memref<128xi32, #tpu.memory_space<vmem>>
      %dma_wait3A_1724 = arith.constant 0 : i32
      %dma_wait3A_1725 = arith.constant 0 : i32
      %dma_wait3A_1726 = tpu.memref_slice %arg12[%dma_wait3A_1724, %dma_wait3A_1725] : memref<10240x64xf32, #tpu.memory_space<vmem_shared>> -> memref<10240x64xf32, #tpu.memory_space<vmem_shared>>
      tpu.wait_indirect_dma semaphore(%arg15 : memref<!tpu.dma_semaphore, #tpu.memory_space<semaphore_mem>>) src(%dma_wait3A_1720 : memref<128x64xf32, #tpu.memory_space<vmem>>) dst(%dma_wait3A_1726 : memref<10240x64xf32, #tpu.memory_space<vmem_shared>>)
      %dma_wait3A_1727 = arith.constant 0 : i32
      %dma_wait3A_1728 = arith.constant 1 : i32
      %dma_wait3A_1729 = arith.constant 3 : i32
      %dma_wait3A_1730 = arith.constant 384 : i32
      %dma_wait3A_1731 = arith.constant 0 : i32
      %dma_wait3A_1732 = tpu.memref_slice %arg11[%dma_wait3A_1727, %dma_wait3A_1730, %dma_wait3A_1731] : memref<2x512x64xf32, #tpu.memory_space<vmem>> -> memref<1x128x64xf32, #tpu.memory_space<vmem>>
      %dma_wait3A_1733 = tpu.memref_squeeze %dma_wait3A_1732 : memref<1x128x64xf32, #tpu.memory_space<vmem>> -> memref<128x64xf32, #tpu.memory_space<vmem>>
      %dma_wait3A_1734 = arith.constant 0 : i32
      %dma_wait3A_1735 = tpu.memref_slice %arg10[%dma_wait3A_1728, %dma_wait3A_1729, %dma_wait3A_1734] : memref<3x4x128xi32, #tpu.memory_space<vmem>> -> memref<1x1x128xi32, #tpu.memory_space<vmem>>
      %dma_wait3A_1736 = tpu.memref_squeeze %dma_wait3A_1735 : memref<1x1x128xi32, #tpu.memory_space<vmem>> -> memref<128xi32, #tpu.memory_space<vmem>>
      %dma_wait3A_1737 = arith.constant 0 : i32
      %dma_wait3A_1738 = arith.constant 0 : i32
      %dma_wait3A_1739 = tpu.memref_slice %arg12[%dma_wait3A_1737, %dma_wait3A_1738] : memref<10240x64xf32, #tpu.memory_space<vmem_shared>> -> memref<10240x64xf32, #tpu.memory_space<vmem_shared>>
      tpu.wait_indirect_dma semaphore(%arg15 : memref<!tpu.dma_semaphore, #tpu.memory_space<semaphore_mem>>) src(%dma_wait3A_1733 : memref<128x64xf32, #tpu.memory_space<vmem>>) dst(%dma_wait3A_1739 : memref<10240x64xf32, #tpu.memory_space<vmem_shared>>)
      %add3A_1740 = arith.constant 2 : i32
      %add3A_1741 = arith.addi %add3A_1687, %add3A_1740 : i32
      %mul3A_1742 = arith.constant 4 : i32
      %mul3A_1743 = arith.muli %add3A_1741, %mul3A_1742 : i32
      %add3A_1744 = arith.addi %mul3A_4, %mul3A_1743 : i32
      %dma_start3A_1745 = arith.constant 1 : i32
      %dma_start3A_1746 = arith.constant 0 : i32
      %dma_start3A_1747 = arith.constant 0 : i32
      %dma_start3A_1748 = tpu.memref_slice %arg9[%dma_start3A_1745, %dma_start3A_1746, %dma_start3A_1747] : memref<3x4x128xi32, #tpu.memory_space<vmem>> -> memref<1x4x128xi32, #tpu.memory_space<vmem>>
      %dma_start3A_1749 = tpu.memref_squeeze %dma_start3A_1748 : memref<1x4x128xi32, #tpu.memory_space<vmem>> -> memref<4x128xi32, #tpu.memory_space<vmem>>
      %dma_start3A_1750 = arith.constant 0 : i32
      %dma_start3A_1751 = tpu.memref_slice %arg3[%add3A_1744, %dma_start3A_1750] : memref<2568x128xi32, #tpu.memory_space<hbm>> -> memref<4x128xi32, #tpu.memory_space<hbm>>
      %dma_start3A_1752 = arith.constant 0 : i32
      %dma_start3A_1753 = arith.constant 0 : i32
      %dma_start3A_1754 = tpu.memref_slice %arg9[%dma_start3A_1745, %dma_start3A_1752, %dma_start3A_1753] : memref<3x4x128xi32, #tpu.memory_space<vmem>> -> memref<1x4x128xi32, #tpu.memory_space<vmem>>
      %dma_start3A_1755 = tpu.memref_squeeze %dma_start3A_1754 : memref<1x4x128xi32, #tpu.memory_space<vmem>> -> memref<4x128xi32, #tpu.memory_space<vmem>>
      %dma_start3A_1756 = arith.constant 0 : i32
      %dma_start3A_1757 = tpu.memref_slice %arg3[%add3A_1744, %dma_start3A_1756] : memref<2568x128xi32, #tpu.memory_space<hbm>> -> memref<4x128xi32, #tpu.memory_space<hbm>>
      tpu.enqueue_dma source(%dma_start3A_1757 : memref<4x128xi32, #tpu.memory_space<hbm>>) target(%dma_start3A_1755 : memref<4x128xi32, #tpu.memory_space<vmem>>) target_semaphore(%arg14 : memref<!tpu.dma_semaphore, #tpu.memory_space<semaphore_mem>>)
      %dma_start3A_1758 = arith.constant 1 : i32
      %dma_start3A_1759 = arith.constant 0 : i32
      %dma_start3A_1760 = arith.constant 0 : i32
      %dma_start3A_1761 = tpu.memref_slice %arg10[%dma_start3A_1758, %dma_start3A_1759, %dma_start3A_1760] : memref<3x4x128xi32, #tpu.memory_space<vmem>> -> memref<1x4x128xi32, #tpu.memory_space<vmem>>
      %dma_start3A_1762 = tpu.memref_squeeze %dma_start3A_1761 : memref<1x4x128xi32, #tpu.memory_space<vmem>> -> memref<4x128xi32, #tpu.memory_space<vmem>>
      %dma_start3A_1763 = arith.constant 0 : i32
      %dma_start3A_1764 = tpu.memref_slice %arg4[%add3A_1744, %dma_start3A_1763] : memref<2568x128xi32, #tpu.memory_space<hbm>> -> memref<4x128xi32, #tpu.memory_space<hbm>>
      %dma_start3A_1765 = arith.constant 0 : i32
      %dma_start3A_1766 = arith.constant 0 : i32
      %dma_start3A_1767 = tpu.memref_slice %arg10[%dma_start3A_1758, %dma_start3A_1765, %dma_start3A_1766] : memref<3x4x128xi32, #tpu.memory_space<vmem>> -> memref<1x4x128xi32, #tpu.memory_space<vmem>>
      %dma_start3A_1768 = tpu.memref_squeeze %dma_start3A_1767 : memref<1x4x128xi32, #tpu.memory_space<vmem>> -> memref<4x128xi32, #tpu.memory_space<vmem>>
      %dma_start3A_1769 = arith.constant 0 : i32
      %dma_start3A_1770 = tpu.memref_slice %arg4[%add3A_1744, %dma_start3A_1769] : memref<2568x128xi32, #tpu.memory_space<hbm>> -> memref<4x128xi32, #tpu.memory_space<hbm>>
      tpu.enqueue_dma source(%dma_start3A_1770 : memref<4x128xi32, #tpu.memory_space<hbm>>) target(%dma_start3A_1768 : memref<4x128xi32, #tpu.memory_space<vmem>>) target_semaphore(%arg14 : memref<!tpu.dma_semaphore, #tpu.memory_space<semaphore_mem>>)
      %add3A_1771 = arith.constant 1 : i32
      %add3A_1772 = arith.addi %add3A_1687, %add3A_1771 : i32
      %mul3A_1773 = arith.constant 4 : i32
      %mul3A_1774 = arith.muli %add3A_1772, %mul3A_1773 : i32
      %add3A_1775 = arith.addi %mul3A_4, %mul3A_1774 : i32
      %dma_wait3A_1776 = arith.constant 0 : i32
      %dma_wait3A_1777 = arith.constant 0 : i32
      %dma_wait3A_1778 = arith.constant 0 : i32
      %dma_wait3A_1779 = tpu.memref_slice %arg9[%dma_wait3A_1776, %dma_wait3A_1777, %dma_wait3A_1778] : memref<3x4x128xi32, #tpu.memory_space<vmem>> -> memref<1x4x128xi32, #tpu.memory_space<vmem>>
      %dma_wait3A_1780 = tpu.memref_squeeze %dma_wait3A_1779 : memref<1x4x128xi32, #tpu.memory_space<vmem>> -> memref<4x128xi32, #tpu.memory_space<vmem>>
      %dma_wait3A_1781 = arith.constant 0 : i32
      %dma_wait3A_1782 = tpu.memref_slice %arg3[%add3A_1775, %dma_wait3A_1781] : memref<2568x128xi32, #tpu.memory_space<hbm>> -> memref<4x128xi32, #tpu.memory_space<hbm>>
      %dma_wait3A_1783 = arith.constant 0 : i32
      %dma_wait3A_1784 = arith.constant 0 : i32
      %dma_wait3A_1785 = tpu.memref_slice %arg9[%dma_wait3A_1776, %dma_wait3A_1783, %dma_wait3A_1784] : memref<3x4x128xi32, #tpu.memory_space<vmem>> -> memref<1x4x128xi32, #tpu.memory_space<vmem>>
      %dma_wait3A_1786 = tpu.memref_squeeze %dma_wait3A_1785 : memref<1x4x128xi32, #tpu.memory_space<vmem>> -> memref<4x128xi32, #tpu.memory_space<vmem>>
      %dma_wait3A_1787 = arith.constant 0 : i32
      %dma_wait3A_1788 = tpu.memref_slice %arg3[%add3A_1775, %dma_wait3A_1787] : memref<2568x128xi32, #tpu.memory_space<hbm>> -> memref<4x128xi32, #tpu.memory_space<hbm>>
      tpu.wait_dma2 semaphore(%arg14 : memref<!tpu.dma_semaphore, #tpu.memory_space<semaphore_mem>>) src(%dma_wait3A_1788 : memref<4x128xi32, #tpu.memory_space<hbm>>) dst(%dma_wait3A_1786 : memref<4x128xi32, #tpu.memory_space<vmem>>)
      %dma_wait3A_1789 = arith.constant 0 : i32
      %dma_wait3A_1790 = arith.constant 0 : i32
      %dma_wait3A_1791 = arith.constant 0 : i32
      %dma_wait3A_1792 = tpu.memref_slice %arg10[%dma_wait3A_1789, %dma_wait3A_1790, %dma_wait3A_1791] : memref<3x4x128xi32, #tpu.memory_space<vmem>> -> memref<1x4x128xi32, #tpu.memory_space<vmem>>
      %dma_wait3A_1793 = tpu.memref_squeeze %dma_wait3A_1792 : memref<1x4x128xi32, #tpu.memory_space<vmem>> -> memref<4x128xi32, #tpu.memory_space<vmem>>
      %dma_wait3A_1794 = arith.constant 0 : i32
      %dma_wait3A_1795 = tpu.memref_slice %arg4[%add3A_1775, %dma_wait3A_1794] : memref<2568x128xi32, #tpu.memory_space<hbm>> -> memref<4x128xi32, #tpu.memory_space<hbm>>
      %dma_wait3A_1796 = arith.constant 0 : i32
      %dma_wait3A_1797 = arith.constant 0 : i32
      %dma_wait3A_1798 = tpu.memref_slice %arg10[%dma_wait3A_1789, %dma_wait3A_1796, %dma_wait3A_1797] : memref<3x4x128xi32, #tpu.memory_space<vmem>> -> memref<1x4x128xi32, #tpu.memory_space<vmem>>
      %dma_wait3A_1799 = tpu.memref_squeeze %dma_wait3A_1798 : memref<1x4x128xi32, #tpu.memory_space<vmem>> -> memref<4x128xi32, #tpu.memory_space<vmem>>
      %dma_wait3A_1800 = arith.constant 0 : i32
      %dma_wait3A_1801 = tpu.memref_slice %arg4[%add3A_1775, %dma_wait3A_1800] : memref<2568x128xi32, #tpu.memory_space<hbm>> -> memref<4x128xi32, #tpu.memory_space<hbm>>
      tpu.wait_dma2 semaphore(%arg14 : memref<!tpu.dma_semaphore, #tpu.memory_space<semaphore_mem>>) src(%dma_wait3A_1801 : memref<4x128xi32, #tpu.memory_space<hbm>>) dst(%dma_wait3A_1799 : memref<4x128xi32, #tpu.memory_space<vmem>>)
      %dma_start3A_1802 = arith.constant 0 : i32
      %dma_start3A_1803 = arith.constant 0 : i32
      %dma_start3A_1804 = arith.constant 0 : i32
      %dma_start3A_1805 = arith.constant 0 : i32
      %dma_start3A_1806 = arith.constant 0 : i32
      %dma_start3A_1807 = tpu.memref_slice %arg11[%dma_start3A_1804, %dma_start3A_1805, %dma_start3A_1806] : memref<2x512x64xf32, #tpu.memory_space<vmem>> -> memref<1x128x64xf32, #tpu.memory_space<vmem>>
      %dma_start3A_1808 = tpu.memref_squeeze %dma_start3A_1807 : memref<1x128x64xf32, #tpu.memory_space<vmem>> -> memref<128x64xf32, #tpu.memory_space<vmem>>
      %dma_start3A_1809 = arith.constant 0 : i32
      %dma_start3A_1810 = tpu.memref_slice %arg9[%dma_start3A_1802, %dma_start3A_1803, %dma_start3A_1809] : memref<3x4x128xi32, #tpu.memory_space<vmem>> -> memref<1x1x128xi32, #tpu.memory_space<vmem>>
      %dma_start3A_1811 = tpu.memref_squeeze %dma_start3A_1810 : memref<1x1x128xi32, #tpu.memory_space<vmem>> -> memref<128xi32, #tpu.memory_space<vmem>>
      %dma_start3A_1812 = arith.constant 0 : i32
      %dma_start3A_1813 = arith.constant 0 : i32
      %dma_start3A_1814 = tpu.memref_slice %arg2[%dma_start3A_1812, %dma_start3A_1813] : memref<10000x64xf32, #tpu.memory_space<hbm>> -> memref<10000x64xf32, #tpu.memory_space<hbm>>
      tpu.enqueue_indirect_dma source(%dma_start3A_1814 : memref<10000x64xf32, #tpu.memory_space<hbm>>) target(%dma_start3A_1808 : memref<128x64xf32, #tpu.memory_space<vmem>>) offsets(%dma_start3A_1811 : memref<128xi32, #tpu.memory_space<vmem>>) semaphore(%arg13 : memref<!tpu.dma_semaphore, #tpu.memory_space<semaphore_mem>>)
      %dma_start3A_1815 = arith.constant 0 : i32
      %dma_start3A_1816 = arith.constant 1 : i32
      %dma_start3A_1817 = arith.constant 0 : i32
      %dma_start3A_1818 = arith.constant 128 : i32
      %dma_start3A_1819 = arith.constant 0 : i32
      %dma_start3A_1820 = tpu.memref_slice %arg11[%dma_start3A_1817, %dma_start3A_1818, %dma_start3A_1819] : memref<2x512x64xf32, #tpu.memory_space<vmem>> -> memref<1x128x64xf32, #tpu.memory_space<vmem>>
      %dma_start3A_1821 = tpu.memref_squeeze %dma_start3A_1820 : memref<1x128x64xf32, #tpu.memory_space<vmem>> -> memref<128x64xf32, #tpu.memory_space<vmem>>
      %dma_start3A_1822 = arith.constant 0 : i32
      %dma_start3A_1823 = tpu.memref_slice %arg9[%dma_start3A_1815, %dma_start3A_1816, %dma_start3A_1822] : memref<3x4x128xi32, #tpu.memory_space<vmem>> -> memref<1x1x128xi32, #tpu.memory_space<vmem>>
      %dma_start3A_1824 = tpu.memref_squeeze %dma_start3A_1823 : memref<1x1x128xi32, #tpu.memory_space<vmem>> -> memref<128xi32, #tpu.memory_space<vmem>>
      %dma_start3A_1825 = arith.constant 0 : i32
      %dma_start3A_1826 = arith.constant 0 : i32
      %dma_start3A_1827 = tpu.memref_slice %arg2[%dma_start3A_1825, %dma_start3A_1826] : memref<10000x64xf32, #tpu.memory_space<hbm>> -> memref<10000x64xf32, #tpu.memory_space<hbm>>
      tpu.enqueue_indirect_dma source(%dma_start3A_1827 : memref<10000x64xf32, #tpu.memory_space<hbm>>) target(%dma_start3A_1821 : memref<128x64xf32, #tpu.memory_space<vmem>>) offsets(%dma_start3A_1824 : memref<128xi32, #tpu.memory_space<vmem>>) semaphore(%arg13 : memref<!tpu.dma_semaphore, #tpu.memory_space<semaphore_mem>>)
      %dma_start3A_1828 = arith.constant 0 : i32
      %dma_start3A_1829 = arith.constant 2 : i32
      %dma_start3A_1830 = arith.constant 0 : i32
      %dma_start3A_1831 = arith.constant 256 : i32
      %dma_start3A_1832 = arith.constant 0 : i32
      %dma_start3A_1833 = tpu.memref_slice %arg11[%dma_start3A_1830, %dma_start3A_1831, %dma_start3A_1832] : memref<2x512x64xf32, #tpu.memory_space<vmem>> -> memref<1x128x64xf32, #tpu.memory_space<vmem>>
      %dma_start3A_1834 = tpu.memref_squeeze %dma_start3A_1833 : memref<1x128x64xf32, #tpu.memory_space<vmem>> -> memref<128x64xf32, #tpu.memory_space<vmem>>
      %dma_start3A_1835 = arith.constant 0 : i32
      %dma_start3A_1836 = tpu.memref_slice %arg9[%dma_start3A_1828, %dma_start3A_1829, %dma_start3A_1835] : memref<3x4x128xi32, #tpu.memory_space<vmem>> -> memref<1x1x128xi32, #tpu.memory_space<vmem>>
      %dma_start3A_1837 = tpu.memref_squeeze %dma_start3A_1836 : memref<1x1x128xi32, #tpu.memory_space<vmem>> -> memref<128xi32, #tpu.memory_space<vmem>>
      %dma_start3A_1838 = arith.constant 0 : i32
      %dma_start3A_1839 = arith.constant 0 : i32
      %dma_start3A_1840 = tpu.memref_slice %arg2[%dma_start3A_1838, %dma_start3A_1839] : memref<10000x64xf32, #tpu.memory_space<hbm>> -> memref<10000x64xf32, #tpu.memory_space<hbm>>
      tpu.enqueue_indirect_dma source(%dma_start3A_1840 : memref<10000x64xf32, #tpu.memory_space<hbm>>) target(%dma_start3A_1834 : memref<128x64xf32, #tpu.memory_space<vmem>>) offsets(%dma_start3A_1837 : memref<128xi32, #tpu.memory_space<vmem>>) semaphore(%arg13 : memref<!tpu.dma_semaphore, #tpu.memory_space<semaphore_mem>>)
      %dma_start3A_1841 = arith.constant 0 : i32
      %dma_start3A_1842 = arith.constant 3 : i32
      %dma_start3A_1843 = arith.constant 0 : i32
      %dma_start3A_1844 = arith.constant 384 : i32
      %dma_start3A_1845 = arith.constant 0 : i32
      %dma_start3A_1846 = tpu.memref_slice %arg11[%dma_start3A_1843, %dma_start3A_1844, %dma_start3A_1845] : memref<2x512x64xf32, #tpu.memory_space<vmem>> -> memref<1x128x64xf32, #tpu.memory_space<vmem>>
      %dma_start3A_1847 = tpu.memref_squeeze %dma_start3A_1846 : memref<1x128x64xf32, #tpu.memory_space<vmem>> -> memref<128x64xf32, #tpu.memory_space<vmem>>
      %dma_start3A_1848 = arith.constant 0 : i32
      %dma_start3A_1849 = tpu.memref_slice %arg9[%dma_start3A_1841, %dma_start3A_1842, %dma_start3A_1848] : memref<3x4x128xi32, #tpu.memory_space<vmem>> -> memref<1x1x128xi32, #tpu.memory_space<vmem>>
      %dma_start3A_1850 = tpu.memref_squeeze %dma_start3A_1849 : memref<1x1x128xi32, #tpu.memory_space<vmem>> -> memref<128xi32, #tpu.memory_space<vmem>>
      %dma_start3A_1851 = arith.constant 0 : i32
      %dma_start3A_1852 = arith.constant 0 : i32
      %dma_start3A_1853 = tpu.memref_slice %arg2[%dma_start3A_1851, %dma_start3A_1852] : memref<10000x64xf32, #tpu.memory_space<hbm>> -> memref<10000x64xf32, #tpu.memory_space<hbm>>
      tpu.enqueue_indirect_dma source(%dma_start3A_1853 : memref<10000x64xf32, #tpu.memory_space<hbm>>) target(%dma_start3A_1847 : memref<128x64xf32, #tpu.memory_space<vmem>>) offsets(%dma_start3A_1850 : memref<128xi32, #tpu.memory_space<vmem>>) semaphore(%arg13 : memref<!tpu.dma_semaphore, #tpu.memory_space<semaphore_mem>>)
      %dma_wait3A_1854 = arith.constant 2 : i32
      %dma_wait3A_1855 = arith.constant 0 : i32
      %dma_wait3A_1856 = arith.constant 1 : i32
      %dma_wait3A_1857 = arith.constant 0 : i32
      %dma_wait3A_1858 = arith.constant 0 : i32
      %dma_wait3A_1859 = tpu.memref_slice %arg11[%dma_wait3A_1856, %dma_wait3A_1857, %dma_wait3A_1858] : memref<2x512x64xf32, #tpu.memory_space<vmem>> -> memref<1x128x64xf32, #tpu.memory_space<vmem>>
      %dma_wait3A_1860 = tpu.memref_squeeze %dma_wait3A_1859 : memref<1x128x64xf32, #tpu.memory_space<vmem>> -> memref<128x64xf32, #tpu.memory_space<vmem>>
      %dma_wait3A_1861 = arith.constant 0 : i32
      %dma_wait3A_1862 = tpu.memref_slice %arg9[%dma_wait3A_1854, %dma_wait3A_1855, %dma_wait3A_1861] : memref<3x4x128xi32, #tpu.memory_space<vmem>> -> memref<1x1x128xi32, #tpu.memory_space<vmem>>
      %dma_wait3A_1863 = tpu.memref_squeeze %dma_wait3A_1862 : memref<1x1x128xi32, #tpu.memory_space<vmem>> -> memref<128xi32, #tpu.memory_space<vmem>>
      %dma_wait3A_1864 = arith.constant 0 : i32
      %dma_wait3A_1865 = arith.constant 0 : i32
      %dma_wait3A_1866 = tpu.memref_slice %arg2[%dma_wait3A_1864, %dma_wait3A_1865] : memref<10000x64xf32, #tpu.memory_space<hbm>> -> memref<10000x64xf32, #tpu.memory_space<hbm>>
      tpu.wait_indirect_dma semaphore(%arg13 : memref<!tpu.dma_semaphore, #tpu.memory_space<semaphore_mem>>) src(%dma_wait3A_1866 : memref<10000x64xf32, #tpu.memory_space<hbm>>) dst(%dma_wait3A_1860 : memref<128x64xf32, #tpu.memory_space<vmem>>)
      %dma_wait3A_1867 = arith.constant 2 : i32
      %dma_wait3A_1868 = arith.constant 1 : i32
      %dma_wait3A_1869 = arith.constant 1 : i32
      %dma_wait3A_1870 = arith.constant 128 : i32
      %dma_wait3A_1871 = arith.constant 0 : i32
      %dma_wait3A_1872 = tpu.memref_slice %arg11[%dma_wait3A_1869, %dma_wait3A_1870, %dma_wait3A_1871] : memref<2x512x64xf32, #tpu.memory_space<vmem>> -> memref<1x128x64xf32, #tpu.memory_space<vmem>>
      %dma_wait3A_1873 = tpu.memref_squeeze %dma_wait3A_1872 : memref<1x128x64xf32, #tpu.memory_space<vmem>> -> memref<128x64xf32, #tpu.memory_space<vmem>>
      %dma_wait3A_1874 = arith.constant 0 : i32
      %dma_wait3A_1875 = tpu.memref_slice %arg9[%dma_wait3A_1867, %dma_wait3A_1868, %dma_wait3A_1874] : memref<3x4x128xi32, #tpu.memory_space<vmem>> -> memref<1x1x128xi32, #tpu.memory_space<vmem>>
      %dma_wait3A_1876 = tpu.memref_squeeze %dma_wait3A_1875 : memref<1x1x128xi32, #tpu.memory_space<vmem>> -> memref<128xi32, #tpu.memory_space<vmem>>
      %dma_wait3A_1877 = arith.constant 0 : i32
      %dma_wait3A_1878 = arith.constant 0 : i32
      %dma_wait3A_1879 = tpu.memref_slice %arg2[%dma_wait3A_1877, %dma_wait3A_1878] : memref<10000x64xf32, #tpu.memory_space<hbm>> -> memref<10000x64xf32, #tpu.memory_space<hbm>>
      tpu.wait_indirect_dma semaphore(%arg13 : memref<!tpu.dma_semaphore, #tpu.memory_space<semaphore_mem>>) src(%dma_wait3A_1879 : memref<10000x64xf32, #tpu.memory_space<hbm>>) dst(%dma_wait3A_1873 : memref<128x64xf32, #tpu.memory_space<vmem>>)
      %dma_wait3A_1880 = arith.constant 2 : i32
      %dma_wait3A_1881 = arith.constant 2 : i32
      %dma_wait3A_1882 = arith.constant 1 : i32
      %dma_wait3A_1883 = arith.constant 256 : i32
      %dma_wait3A_1884 = arith.constant 0 : i32
      %dma_wait3A_1885 = tpu.memref_slice %arg11[%dma_wait3A_1882, %dma_wait3A_1883, %dma_wait3A_1884] : memref<2x512x64xf32, #tpu.memory_space<vmem>> -> memref<1x128x64xf32, #tpu.memory_space<vmem>>
      %dma_wait3A_1886 = tpu.memref_squeeze %dma_wait3A_1885 : memref<1x128x64xf32, #tpu.memory_space<vmem>> -> memref<128x64xf32, #tpu.memory_space<vmem>>
      %dma_wait3A_1887 = arith.constant 0 : i32
      %dma_wait3A_1888 = tpu.memref_slice %arg9[%dma_wait3A_1880, %dma_wait3A_1881, %dma_wait3A_1887] : memref<3x4x128xi32, #tpu.memory_space<vmem>> -> memref<1x1x128xi32, #tpu.memory_space<vmem>>
      %dma_wait3A_1889 = tpu.memref_squeeze %dma_wait3A_1888 : memref<1x1x128xi32, #tpu.memory_space<vmem>> -> memref<128xi32, #tpu.memory_space<vmem>>
      %dma_wait3A_1890 = arith.constant 0 : i32
      %dma_wait3A_1891 = arith.constant 0 : i32
      %dma_wait3A_1892 = tpu.memref_slice %arg2[%dma_wait3A_1890, %dma_wait3A_1891] : memref<10000x64xf32, #tpu.memory_space<hbm>> -> memref<10000x64xf32, #tpu.memory_space<hbm>>
      tpu.wait_indirect_dma semaphore(%arg13 : memref<!tpu.dma_semaphore, #tpu.memory_space<semaphore_mem>>) src(%dma_wait3A_1892 : memref<10000x64xf32, #tpu.memory_space<hbm>>) dst(%dma_wait3A_1886 : memref<128x64xf32, #tpu.memory_space<vmem>>)
      %dma_wait3A_1893 = arith.constant 2 : i32
      %dma_wait3A_1894 = arith.constant 3 : i32
      %dma_wait3A_1895 = arith.constant 1 : i32
      %dma_wait3A_1896 = arith.constant 384 : i32
      %dma_wait3A_1897 = arith.constant 0 : i32
      %dma_wait3A_1898 = tpu.memref_slice %arg11[%dma_wait3A_1895, %dma_wait3A_1896, %dma_wait3A_1897] : memref<2x512x64xf32, #tpu.memory_space<vmem>> -> memref<1x128x64xf32, #tpu.memory_space<vmem>>
      %dma_wait3A_1899 = tpu.memref_squeeze %dma_wait3A_1898 : memref<1x128x64xf32, #tpu.memory_space<vmem>> -> memref<128x64xf32, #tpu.memory_space<vmem>>
      %dma_wait3A_1900 = arith.constant 0 : i32
      %dma_wait3A_1901 = tpu.memref_slice %arg9[%dma_wait3A_1893, %dma_wait3A_1894, %dma_wait3A_1900] : memref<3x4x128xi32, #tpu.memory_space<vmem>> -> memref<1x1x128xi32, #tpu.memory_space<vmem>>
      %dma_wait3A_1902 = tpu.memref_squeeze %dma_wait3A_1901 : memref<1x1x128xi32, #tpu.memory_space<vmem>> -> memref<128xi32, #tpu.memory_space<vmem>>
      %dma_wait3A_1903 = arith.constant 0 : i32
      %dma_wait3A_1904 = arith.constant 0 : i32
      %dma_wait3A_1905 = tpu.memref_slice %arg2[%dma_wait3A_1903, %dma_wait3A_1904] : memref<10000x64xf32, #tpu.memory_space<hbm>> -> memref<10000x64xf32, #tpu.memory_space<hbm>>
      tpu.wait_indirect_dma semaphore(%arg13 : memref<!tpu.dma_semaphore, #tpu.memory_space<semaphore_mem>>) src(%dma_wait3A_1905 : memref<10000x64xf32, #tpu.memory_space<hbm>>) dst(%dma_wait3A_1899 : memref<128x64xf32, #tpu.memory_space<vmem>>)
      %dma_start3A_1906 = arith.constant 1 : i32
      %dma_start3A_1907 = arith.constant 2 : i32
      %dma_start3A_1908 = arith.constant 0 : i32
      %dma_start3A_1909 = arith.constant 0 : i32
      %dma_start3A_1910 = arith.constant 0 : i32
      %dma_start3A_1911 = tpu.memref_slice %arg11[%dma_start3A_1906, %dma_start3A_1909, %dma_start3A_1910] : memref<2x512x64xf32, #tpu.memory_space<vmem>> -> memref<1x128x64xf32, #tpu.memory_space<vmem>>
      %dma_start3A_1912 = tpu.memref_squeeze %dma_start3A_1911 : memref<1x128x64xf32, #tpu.memory_space<vmem>> -> memref<128x64xf32, #tpu.memory_space<vmem>>
      %dma_start3A_1913 = arith.constant 0 : i32
      %dma_start3A_1914 = tpu.memref_slice %arg10[%dma_start3A_1907, %dma_start3A_1908, %dma_start3A_1913] : memref<3x4x128xi32, #tpu.memory_space<vmem>> -> memref<1x1x128xi32, #tpu.memory_space<vmem>>
      %dma_start3A_1915 = tpu.memref_squeeze %dma_start3A_1914 : memref<1x1x128xi32, #tpu.memory_space<vmem>> -> memref<128xi32, #tpu.memory_space<vmem>>
      %dma_start3A_1916 = arith.constant 0 : i32
      %dma_start3A_1917 = arith.constant 0 : i32
      %dma_start3A_1918 = tpu.memref_slice %arg12[%dma_start3A_1916, %dma_start3A_1917] : memref<10240x64xf32, #tpu.memory_space<vmem_shared>> -> memref<10240x64xf32, #tpu.memory_space<vmem_shared>>
      tpu.enqueue_indirect_dma source(%dma_start3A_1912 : memref<128x64xf32, #tpu.memory_space<vmem>>) target(%dma_start3A_1918 : memref<10240x64xf32, #tpu.memory_space<vmem_shared>>) offsets(%dma_start3A_1915 : memref<128xi32, #tpu.memory_space<vmem>>) semaphore(%arg15 : memref<!tpu.dma_semaphore, #tpu.memory_space<semaphore_mem>>) {add = true}
      %dma_start3A_1919 = arith.constant 1 : i32
      %dma_start3A_1920 = arith.constant 2 : i32
      %dma_start3A_1921 = arith.constant 1 : i32
      %dma_start3A_1922 = arith.constant 128 : i32
      %dma_start3A_1923 = arith.constant 0 : i32
      %dma_start3A_1924 = tpu.memref_slice %arg11[%dma_start3A_1919, %dma_start3A_1922, %dma_start3A_1923] : memref<2x512x64xf32, #tpu.memory_space<vmem>> -> memref<1x128x64xf32, #tpu.memory_space<vmem>>
      %dma_start3A_1925 = tpu.memref_squeeze %dma_start3A_1924 : memref<1x128x64xf32, #tpu.memory_space<vmem>> -> memref<128x64xf32, #tpu.memory_space<vmem>>
      %dma_start3A_1926 = arith.constant 0 : i32
      %dma_start3A_1927 = tpu.memref_slice %arg10[%dma_start3A_1920, %dma_start3A_1921, %dma_start3A_1926] : memref<3x4x128xi32, #tpu.memory_space<vmem>> -> memref<1x1x128xi32, #tpu.memory_space<vmem>>
      %dma_start3A_1928 = tpu.memref_squeeze %dma_start3A_1927 : memref<1x1x128xi32, #tpu.memory_space<vmem>> -> memref<128xi32, #tpu.memory_space<vmem>>
      %dma_start3A_1929 = arith.constant 0 : i32
      %dma_start3A_1930 = arith.constant 0 : i32
      %dma_start3A_1931 = tpu.memref_slice %arg12[%dma_start3A_1929, %dma_start3A_1930] : memref<10240x64xf32, #tpu.memory_space<vmem_shared>> -> memref<10240x64xf32, #tpu.memory_space<vmem_shared>>
      tpu.enqueue_indirect_dma source(%dma_start3A_1925 : memref<128x64xf32, #tpu.memory_space<vmem>>) target(%dma_start3A_1931 : memref<10240x64xf32, #tpu.memory_space<vmem_shared>>) offsets(%dma_start3A_1928 : memref<128xi32, #tpu.memory_space<vmem>>) semaphore(%arg15 : memref<!tpu.dma_semaphore, #tpu.memory_space<semaphore_mem>>) {add = true}
      %dma_start3A_1932 = arith.constant 1 : i32
      %dma_start3A_1933 = arith.constant 2 : i32
      %dma_start3A_1934 = arith.constant 2 : i32
      %dma_start3A_1935 = arith.constant 256 : i32
      %dma_start3A_1936 = arith.constant 0 : i32
      %dma_start3A_1937 = tpu.memref_slice %arg11[%dma_start3A_1932, %dma_start3A_1935, %dma_start3A_1936] : memref<2x512x64xf32, #tpu.memory_space<vmem>> -> memref<1x128x64xf32, #tpu.memory_space<vmem>>
      %dma_start3A_1938 = tpu.memref_squeeze %dma_start3A_1937 : memref<1x128x64xf32, #tpu.memory_space<vmem>> -> memref<128x64xf32, #tpu.memory_space<vmem>>
      %dma_start3A_1939 = arith.constant 0 : i32
      %dma_start3A_1940 = tpu.memref_slice %arg10[%dma_start3A_1933, %dma_start3A_1934, %dma_start3A_1939] : memref<3x4x128xi32, #tpu.memory_space<vmem>> -> memref<1x1x128xi32, #tpu.memory_space<vmem>>
      %dma_start3A_1941 = tpu.memref_squeeze %dma_start3A_1940 : memref<1x1x128xi32, #tpu.memory_space<vmem>> -> memref<128xi32, #tpu.memory_space<vmem>>
      %dma_start3A_1942 = arith.constant 0 : i32
      %dma_start3A_1943 = arith.constant 0 : i32
      %dma_start3A_1944 = tpu.memref_slice %arg12[%dma_start3A_1942, %dma_start3A_1943] : memref<10240x64xf32, #tpu.memory_space<vmem_shared>> -> memref<10240x64xf32, #tpu.memory_space<vmem_shared>>
      tpu.enqueue_indirect_dma source(%dma_start3A_1938 : memref<128x64xf32, #tpu.memory_space<vmem>>) target(%dma_start3A_1944 : memref<10240x64xf32, #tpu.memory_space<vmem_shared>>) offsets(%dma_start3A_1941 : memref<128xi32, #tpu.memory_space<vmem>>) semaphore(%arg15 : memref<!tpu.dma_semaphore, #tpu.memory_space<semaphore_mem>>) {add = true}
      %dma_start3A_1945 = arith.constant 1 : i32
      %dma_start3A_1946 = arith.constant 2 : i32
      %dma_start3A_1947 = arith.constant 3 : i32
      %dma_start3A_1948 = arith.constant 384 : i32
      %dma_start3A_1949 = arith.constant 0 : i32
      %dma_start3A_1950 = tpu.memref_slice %arg11[%dma_start3A_1945, %dma_start3A_1948, %dma_start3A_1949] : memref<2x512x64xf32, #tpu.memory_space<vmem>> -> memref<1x128x64xf32, #tpu.memory_space<vmem>>
      %dma_start3A_1951 = tpu.memref_squeeze %dma_start3A_1950 : memref<1x128x64xf32, #tpu.memory_space<vmem>> -> memref<128x64xf32, #tpu.memory_space<vmem>>
      %dma_start3A_1952 = arith.constant 0 : i32
      %dma_start3A_1953 = tpu.memref_slice %arg10[%dma_start3A_1946, %dma_start3A_1947, %dma_start3A_1952] : memref<3x4x128xi32, #tpu.memory_space<vmem>> -> memref<1x1x128xi32, #tpu.memory_space<vmem>>
      %dma_start3A_1954 = tpu.memref_squeeze %dma_start3A_1953 : memref<1x1x128xi32, #tpu.memory_space<vmem>> -> memref<128xi32, #tpu.memory_space<vmem>>
      %dma_start3A_1955 = arith.constant 0 : i32
      %dma_start3A_1956 = arith.constant 0 : i32
      %dma_start3A_1957 = tpu.memref_slice %arg12[%dma_start3A_1955, %dma_start3A_1956] : memref<10240x64xf32, #tpu.memory_space<vmem_shared>> -> memref<10240x64xf32, #tpu.memory_space<vmem_shared>>
      tpu.enqueue_indirect_dma source(%dma_start3A_1951 : memref<128x64xf32, #tpu.memory_space<vmem>>) target(%dma_start3A_1957 : memref<10240x64xf32, #tpu.memory_space<vmem_shared>>) offsets(%dma_start3A_1954 : memref<128xi32, #tpu.memory_space<vmem>>) semaphore(%arg15 : memref<!tpu.dma_semaphore, #tpu.memory_space<semaphore_mem>>) {add = true}
      %add3A_1958 = arith.constant 5 : i32
      %add3A_1959 = arith.addi %add3A_597, %add3A_1958 : i32
      %dma_wait3A_1960 = arith.constant 1 : i32
      %dma_wait3A_1961 = arith.constant 2 : i32
      %dma_wait3A_1962 = arith.constant 0 : i32
      %dma_wait3A_1963 = arith.constant 0 : i32
      %dma_wait3A_1964 = arith.constant 0 : i32
      %dma_wait3A_1965 = tpu.memref_slice %arg11[%dma_wait3A_1960, %dma_wait3A_1963, %dma_wait3A_1964] : memref<2x512x64xf32, #tpu.memory_space<vmem>> -> memref<1x128x64xf32, #tpu.memory_space<vmem>>
      %dma_wait3A_1966 = tpu.memref_squeeze %dma_wait3A_1965 : memref<1x128x64xf32, #tpu.memory_space<vmem>> -> memref<128x64xf32, #tpu.memory_space<vmem>>
      %dma_wait3A_1967 = arith.constant 0 : i32
      %dma_wait3A_1968 = tpu.memref_slice %arg10[%dma_wait3A_1961, %dma_wait3A_1962, %dma_wait3A_1967] : memref<3x4x128xi32, #tpu.memory_space<vmem>> -> memref<1x1x128xi32, #tpu.memory_space<vmem>>
      %dma_wait3A_1969 = tpu.memref_squeeze %dma_wait3A_1968 : memref<1x1x128xi32, #tpu.memory_space<vmem>> -> memref<128xi32, #tpu.memory_space<vmem>>
      %dma_wait3A_1970 = arith.constant 0 : i32
      %dma_wait3A_1971 = arith.constant 0 : i32
      %dma_wait3A_1972 = tpu.memref_slice %arg12[%dma_wait3A_1970, %dma_wait3A_1971] : memref<10240x64xf32, #tpu.memory_space<vmem_shared>> -> memref<10240x64xf32, #tpu.memory_space<vmem_shared>>
      tpu.wait_indirect_dma semaphore(%arg15 : memref<!tpu.dma_semaphore, #tpu.memory_space<semaphore_mem>>) src(%dma_wait3A_1966 : memref<128x64xf32, #tpu.memory_space<vmem>>) dst(%dma_wait3A_1972 : memref<10240x64xf32, #tpu.memory_space<vmem_shared>>)
      %dma_wait3A_1973 = arith.constant 1 : i32
      %dma_wait3A_1974 = arith.constant 2 : i32
      %dma_wait3A_1975 = arith.constant 1 : i32
      %dma_wait3A_1976 = arith.constant 128 : i32
      %dma_wait3A_1977 = arith.constant 0 : i32
      %dma_wait3A_1978 = tpu.memref_slice %arg11[%dma_wait3A_1973, %dma_wait3A_1976, %dma_wait3A_1977] : memref<2x512x64xf32, #tpu.memory_space<vmem>> -> memref<1x128x64xf32, #tpu.memory_space<vmem>>
      %dma_wait3A_1979 = tpu.memref_squeeze %dma_wait3A_1978 : memref<1x128x64xf32, #tpu.memory_space<vmem>> -> memref<128x64xf32, #tpu.memory_space<vmem>>
      %dma_wait3A_1980 = arith.constant 0 : i32
      %dma_wait3A_1981 = tpu.memref_slice %arg10[%dma_wait3A_1974, %dma_wait3A_1975, %dma_wait3A_1980] : memref<3x4x128xi32, #tpu.memory_space<vmem>> -> memref<1x1x128xi32, #tpu.memory_space<vmem>>
      %dma_wait3A_1982 = tpu.memref_squeeze %dma_wait3A_1981 : memref<1x1x128xi32, #tpu.memory_space<vmem>> -> memref<128xi32, #tpu.memory_space<vmem>>
      %dma_wait3A_1983 = arith.constant 0 : i32
      %dma_wait3A_1984 = arith.constant 0 : i32
      %dma_wait3A_1985 = tpu.memref_slice %arg12[%dma_wait3A_1983, %dma_wait3A_1984] : memref<10240x64xf32, #tpu.memory_space<vmem_shared>> -> memref<10240x64xf32, #tpu.memory_space<vmem_shared>>
      tpu.wait_indirect_dma semaphore(%arg15 : memref<!tpu.dma_semaphore, #tpu.memory_space<semaphore_mem>>) src(%dma_wait3A_1979 : memref<128x64xf32, #tpu.memory_space<vmem>>) dst(%dma_wait3A_1985 : memref<10240x64xf32, #tpu.memory_space<vmem_shared>>)
      %dma_wait3A_1986 = arith.constant 1 : i32
      %dma_wait3A_1987 = arith.constant 2 : i32
      %dma_wait3A_1988 = arith.constant 2 : i32
      %dma_wait3A_1989 = arith.constant 256 : i32
      %dma_wait3A_1990 = arith.constant 0 : i32
      %dma_wait3A_1991 = tpu.memref_slice %arg11[%dma_wait3A_1986, %dma_wait3A_1989, %dma_wait3A_1990] : memref<2x512x64xf32, #tpu.memory_space<vmem>> -> memref<1x128x64xf32, #tpu.memory_space<vmem>>
      %dma_wait3A_1992 = tpu.memref_squeeze %dma_wait3A_1991 : memref<1x128x64xf32, #tpu.memory_space<vmem>> -> memref<128x64xf32, #tpu.memory_space<vmem>>
      %dma_wait3A_1993 = arith.constant 0 : i32
      %dma_wait3A_1994 = tpu.memref_slice %arg10[%dma_wait3A_1987, %dma_wait3A_1988, %dma_wait3A_1993] : memref<3x4x128xi32, #tpu.memory_space<vmem>> -> memref<1x1x128xi32, #tpu.memory_space<vmem>>
      %dma_wait3A_1995 = tpu.memref_squeeze %dma_wait3A_1994 : memref<1x1x128xi32, #tpu.memory_space<vmem>> -> memref<128xi32, #tpu.memory_space<vmem>>
      %dma_wait3A_1996 = arith.constant 0 : i32
      %dma_wait3A_1997 = arith.constant 0 : i32
      %dma_wait3A_1998 = tpu.memref_slice %arg12[%dma_wait3A_1996, %dma_wait3A_1997] : memref<10240x64xf32, #tpu.memory_space<vmem_shared>> -> memref<10240x64xf32, #tpu.memory_space<vmem_shared>>
      tpu.wait_indirect_dma semaphore(%arg15 : memref<!tpu.dma_semaphore, #tpu.memory_space<semaphore_mem>>) src(%dma_wait3A_1992 : memref<128x64xf32, #tpu.memory_space<vmem>>) dst(%dma_wait3A_1998 : memref<10240x64xf32, #tpu.memory_space<vmem_shared>>)
      %dma_wait3A_1999 = arith.constant 1 : i32
      %dma_wait3A_2000 = arith.constant 2 : i32
      %dma_wait3A_2001 = arith.constant 3 : i32
      %dma_wait3A_2002 = arith.constant 384 : i32
      %dma_wait3A_2003 = arith.constant 0 : i32
      %dma_wait3A_2004 = tpu.memref_slice %arg11[%dma_wait3A_1999, %dma_wait3A_2002, %dma_wait3A_2003] : memref<2x512x64xf32, #tpu.memory_space<vmem>> -> memref<1x128x64xf32, #tpu.memory_space<vmem>>
      %dma_wait3A_2005 = tpu.memref_squeeze %dma_wait3A_2004 : memref<1x128x64xf32, #tpu.memory_space<vmem>> -> memref<128x64xf32, #tpu.memory_space<vmem>>
      %dma_wait3A_2006 = arith.constant 0 : i32
      %dma_wait3A_2007 = tpu.memref_slice %arg10[%dma_wait3A_2000, %dma_wait3A_2001, %dma_wait3A_2006] : memref<3x4x128xi32, #tpu.memory_space<vmem>> -> memref<1x1x128xi32, #tpu.memory_space<vmem>>
      %dma_wait3A_2008 = tpu.memref_squeeze %dma_wait3A_2007 : memref<1x1x128xi32, #tpu.memory_space<vmem>> -> memref<128xi32, #tpu.memory_space<vmem>>
      %dma_wait3A_2009 = arith.constant 0 : i32
      %dma_wait3A_2010 = arith.constant 0 : i32
      %dma_wait3A_2011 = tpu.memref_slice %arg12[%dma_wait3A_2009, %dma_wait3A_2010] : memref<10240x64xf32, #tpu.memory_space<vmem_shared>> -> memref<10240x64xf32, #tpu.memory_space<vmem_shared>>
      tpu.wait_indirect_dma semaphore(%arg15 : memref<!tpu.dma_semaphore, #tpu.memory_space<semaphore_mem>>) src(%dma_wait3A_2005 : memref<128x64xf32, #tpu.memory_space<vmem>>) dst(%dma_wait3A_2011 : memref<10240x64xf32, #tpu.memory_space<vmem_shared>>)
      %add3A_2012 = arith.constant 2 : i32
      %add3A_2013 = arith.addi %add3A_1959, %add3A_2012 : i32
      %mul3A_2014 = arith.constant 4 : i32
      %mul3A_2015 = arith.muli %add3A_2013, %mul3A_2014 : i32
      %add3A_2016 = arith.addi %mul3A_4, %mul3A_2015 : i32
      %dma_start3A_2017 = arith.constant 2 : i32
      %dma_start3A_2018 = arith.constant 0 : i32
      %dma_start3A_2019 = arith.constant 0 : i32
      %dma_start3A_2020 = tpu.memref_slice %arg9[%dma_start3A_2017, %dma_start3A_2018, %dma_start3A_2019] : memref<3x4x128xi32, #tpu.memory_space<vmem>> -> memref<1x4x128xi32, #tpu.memory_space<vmem>>
      %dma_start3A_2021 = tpu.memref_squeeze %dma_start3A_2020 : memref<1x4x128xi32, #tpu.memory_space<vmem>> -> memref<4x128xi32, #tpu.memory_space<vmem>>
      %dma_start3A_2022 = arith.constant 0 : i32
      %dma_start3A_2023 = tpu.memref_slice %arg3[%add3A_2016, %dma_start3A_2022] : memref<2568x128xi32, #tpu.memory_space<hbm>> -> memref<4x128xi32, #tpu.memory_space<hbm>>
      %dma_start3A_2024 = arith.constant 0 : i32
      %dma_start3A_2025 = arith.constant 0 : i32
      %dma_start3A_2026 = tpu.memref_slice %arg9[%dma_start3A_2017, %dma_start3A_2024, %dma_start3A_2025] : memref<3x4x128xi32, #tpu.memory_space<vmem>> -> memref<1x4x128xi32, #tpu.memory_space<vmem>>
      %dma_start3A_2027 = tpu.memref_squeeze %dma_start3A_2026 : memref<1x4x128xi32, #tpu.memory_space<vmem>> -> memref<4x128xi32, #tpu.memory_space<vmem>>
      %dma_start3A_2028 = arith.constant 0 : i32
      %dma_start3A_2029 = tpu.memref_slice %arg3[%add3A_2016, %dma_start3A_2028] : memref<2568x128xi32, #tpu.memory_space<hbm>> -> memref<4x128xi32, #tpu.memory_space<hbm>>
      tpu.enqueue_dma source(%dma_start3A_2029 : memref<4x128xi32, #tpu.memory_space<hbm>>) target(%dma_start3A_2027 : memref<4x128xi32, #tpu.memory_space<vmem>>) target_semaphore(%arg14 : memref<!tpu.dma_semaphore, #tpu.memory_space<semaphore_mem>>)
      %dma_start3A_2030 = arith.constant 2 : i32
      %dma_start3A_2031 = arith.constant 0 : i32
      %dma_start3A_2032 = arith.constant 0 : i32
      %dma_start3A_2033 = tpu.memref_slice %arg10[%dma_start3A_2030, %dma_start3A_2031, %dma_start3A_2032] : memref<3x4x128xi32, #tpu.memory_space<vmem>> -> memref<1x4x128xi32, #tpu.memory_space<vmem>>
      %dma_start3A_2034 = tpu.memref_squeeze %dma_start3A_2033 : memref<1x4x128xi32, #tpu.memory_space<vmem>> -> memref<4x128xi32, #tpu.memory_space<vmem>>
      %dma_start3A_2035 = arith.constant 0 : i32
      %dma_start3A_2036 = tpu.memref_slice %arg4[%add3A_2016, %dma_start3A_2035] : memref<2568x128xi32, #tpu.memory_space<hbm>> -> memref<4x128xi32, #tpu.memory_space<hbm>>
      %dma_start3A_2037 = arith.constant 0 : i32
      %dma_start3A_2038 = arith.constant 0 : i32
      %dma_start3A_2039 = tpu.memref_slice %arg10[%dma_start3A_2030, %dma_start3A_2037, %dma_start3A_2038] : memref<3x4x128xi32, #tpu.memory_space<vmem>> -> memref<1x4x128xi32, #tpu.memory_space<vmem>>
      %dma_start3A_2040 = tpu.memref_squeeze %dma_start3A_2039 : memref<1x4x128xi32, #tpu.memory_space<vmem>> -> memref<4x128xi32, #tpu.memory_space<vmem>>
      %dma_start3A_2041 = arith.constant 0 : i32
      %dma_start3A_2042 = tpu.memref_slice %arg4[%add3A_2016, %dma_start3A_2041] : memref<2568x128xi32, #tpu.memory_space<hbm>> -> memref<4x128xi32, #tpu.memory_space<hbm>>
      tpu.enqueue_dma source(%dma_start3A_2042 : memref<4x128xi32, #tpu.memory_space<hbm>>) target(%dma_start3A_2040 : memref<4x128xi32, #tpu.memory_space<vmem>>) target_semaphore(%arg14 : memref<!tpu.dma_semaphore, #tpu.memory_space<semaphore_mem>>)
      %add3A_2043 = arith.constant 1 : i32
      %add3A_2044 = arith.addi %add3A_1959, %add3A_2043 : i32
      %mul3A_2045 = arith.constant 4 : i32
      %mul3A_2046 = arith.muli %add3A_2044, %mul3A_2045 : i32
      %add3A_2047 = arith.addi %mul3A_4, %mul3A_2046 : i32
      %dma_wait3A_2048 = arith.constant 1 : i32
      %dma_wait3A_2049 = arith.constant 0 : i32
      %dma_wait3A_2050 = arith.constant 0 : i32
      %dma_wait3A_2051 = tpu.memref_slice %arg9[%dma_wait3A_2048, %dma_wait3A_2049, %dma_wait3A_2050] : memref<3x4x128xi32, #tpu.memory_space<vmem>> -> memref<1x4x128xi32, #tpu.memory_space<vmem>>
      %dma_wait3A_2052 = tpu.memref_squeeze %dma_wait3A_2051 : memref<1x4x128xi32, #tpu.memory_space<vmem>> -> memref<4x128xi32, #tpu.memory_space<vmem>>
      %dma_wait3A_2053 = arith.constant 0 : i32
      %dma_wait3A_2054 = tpu.memref_slice %arg3[%add3A_2047, %dma_wait3A_2053] : memref<2568x128xi32, #tpu.memory_space<hbm>> -> memref<4x128xi32, #tpu.memory_space<hbm>>
      %dma_wait3A_2055 = arith.constant 0 : i32
      %dma_wait3A_2056 = arith.constant 0 : i32
      %dma_wait3A_2057 = tpu.memref_slice %arg9[%dma_wait3A_2048, %dma_wait3A_2055, %dma_wait3A_2056] : memref<3x4x128xi32, #tpu.memory_space<vmem>> -> memref<1x4x128xi32, #tpu.memory_space<vmem>>
      %dma_wait3A_2058 = tpu.memref_squeeze %dma_wait3A_2057 : memref<1x4x128xi32, #tpu.memory_space<vmem>> -> memref<4x128xi32, #tpu.memory_space<vmem>>
      %dma_wait3A_2059 = arith.constant 0 : i32
      %dma_wait3A_2060 = tpu.memref_slice %arg3[%add3A_2047, %dma_wait3A_2059] : memref<2568x128xi32, #tpu.memory_space<hbm>> -> memref<4x128xi32, #tpu.memory_space<hbm>>
      tpu.wait_dma2 semaphore(%arg14 : memref<!tpu.dma_semaphore, #tpu.memory_space<semaphore_mem>>) src(%dma_wait3A_2060 : memref<4x128xi32, #tpu.memory_space<hbm>>) dst(%dma_wait3A_2058 : memref<4x128xi32, #tpu.memory_space<vmem>>)
      %dma_wait3A_2061 = arith.constant 1 : i32
      %dma_wait3A_2062 = arith.constant 0 : i32
      %dma_wait3A_2063 = arith.constant 0 : i32
      %dma_wait3A_2064 = tpu.memref_slice %arg10[%dma_wait3A_2061, %dma_wait3A_2062, %dma_wait3A_2063] : memref<3x4x128xi32, #tpu.memory_space<vmem>> -> memref<1x4x128xi32, #tpu.memory_space<vmem>>
      %dma_wait3A_2065 = tpu.memref_squeeze %dma_wait3A_2064 : memref<1x4x128xi32, #tpu.memory_space<vmem>> -> memref<4x128xi32, #tpu.memory_space<vmem>>
      %dma_wait3A_2066 = arith.constant 0 : i32
      %dma_wait3A_2067 = tpu.memref_slice %arg4[%add3A_2047, %dma_wait3A_2066] : memref<2568x128xi32, #tpu.memory_space<hbm>> -> memref<4x128xi32, #tpu.memory_space<hbm>>
      %dma_wait3A_2068 = arith.constant 0 : i32
      %dma_wait3A_2069 = arith.constant 0 : i32
      %dma_wait3A_2070 = tpu.memref_slice %arg10[%dma_wait3A_2061, %dma_wait3A_2068, %dma_wait3A_2069] : memref<3x4x128xi32, #tpu.memory_space<vmem>> -> memref<1x4x128xi32, #tpu.memory_space<vmem>>
      %dma_wait3A_2071 = tpu.memref_squeeze %dma_wait3A_2070 : memref<1x4x128xi32, #tpu.memory_space<vmem>> -> memref<4x128xi32, #tpu.memory_space<vmem>>
      %dma_wait3A_2072 = arith.constant 0 : i32
      %dma_wait3A_2073 = tpu.memref_slice %arg4[%add3A_2047, %dma_wait3A_2072] : memref<2568x128xi32, #tpu.memory_space<hbm>> -> memref<4x128xi32, #tpu.memory_space<hbm>>
      tpu.wait_dma2 semaphore(%arg14 : memref<!tpu.dma_semaphore, #tpu.memory_space<semaphore_mem>>) src(%dma_wait3A_2073 : memref<4x128xi32, #tpu.memory_space<hbm>>) dst(%dma_wait3A_2071 : memref<4x128xi32, #tpu.memory_space<vmem>>)
      %dma_start3A_2074 = arith.constant 1 : i32
      %dma_start3A_2075 = arith.constant 0 : i32
      %dma_start3A_2076 = arith.constant 1 : i32
      %dma_start3A_2077 = arith.constant 0 : i32
      %dma_start3A_2078 = arith.constant 0 : i32
      %dma_start3A_2079 = tpu.memref_slice %arg11[%dma_start3A_2076, %dma_start3A_2077, %dma_start3A_2078] : memref<2x512x64xf32, #tpu.memory_space<vmem>> -> memref<1x128x64xf32, #tpu.memory_space<vmem>>
      %dma_start3A_2080 = tpu.memref_squeeze %dma_start3A_2079 : memref<1x128x64xf32, #tpu.memory_space<vmem>> -> memref<128x64xf32, #tpu.memory_space<vmem>>
      %dma_start3A_2081 = arith.constant 0 : i32
      %dma_start3A_2082 = tpu.memref_slice %arg9[%dma_start3A_2074, %dma_start3A_2075, %dma_start3A_2081] : memref<3x4x128xi32, #tpu.memory_space<vmem>> -> memref<1x1x128xi32, #tpu.memory_space<vmem>>
      %dma_start3A_2083 = tpu.memref_squeeze %dma_start3A_2082 : memref<1x1x128xi32, #tpu.memory_space<vmem>> -> memref<128xi32, #tpu.memory_space<vmem>>
      %dma_start3A_2084 = arith.constant 0 : i32
      %dma_start3A_2085 = arith.constant 0 : i32
      %dma_start3A_2086 = tpu.memref_slice %arg2[%dma_start3A_2084, %dma_start3A_2085] : memref<10000x64xf32, #tpu.memory_space<hbm>> -> memref<10000x64xf32, #tpu.memory_space<hbm>>
      tpu.enqueue_indirect_dma source(%dma_start3A_2086 : memref<10000x64xf32, #tpu.memory_space<hbm>>) target(%dma_start3A_2080 : memref<128x64xf32, #tpu.memory_space<vmem>>) offsets(%dma_start3A_2083 : memref<128xi32, #tpu.memory_space<vmem>>) semaphore(%arg13 : memref<!tpu.dma_semaphore, #tpu.memory_space<semaphore_mem>>)
      %dma_start3A_2087 = arith.constant 1 : i32
      %dma_start3A_2088 = arith.constant 1 : i32
      %dma_start3A_2089 = arith.constant 1 : i32
      %dma_start3A_2090 = arith.constant 128 : i32
      %dma_start3A_2091 = arith.constant 0 : i32
      %dma_start3A_2092 = tpu.memref_slice %arg11[%dma_start3A_2089, %dma_start3A_2090, %dma_start3A_2091] : memref<2x512x64xf32, #tpu.memory_space<vmem>> -> memref<1x128x64xf32, #tpu.memory_space<vmem>>
      %dma_start3A_2093 = tpu.memref_squeeze %dma_start3A_2092 : memref<1x128x64xf32, #tpu.memory_space<vmem>> -> memref<128x64xf32, #tpu.memory_space<vmem>>
      %dma_start3A_2094 = arith.constant 0 : i32
      %dma_start3A_2095 = tpu.memref_slice %arg9[%dma_start3A_2087, %dma_start3A_2088, %dma_start3A_2094] : memref<3x4x128xi32, #tpu.memory_space<vmem>> -> memref<1x1x128xi32, #tpu.memory_space<vmem>>
      %dma_start3A_2096 = tpu.memref_squeeze %dma_start3A_2095 : memref<1x1x128xi32, #tpu.memory_space<vmem>> -> memref<128xi32, #tpu.memory_space<vmem>>
      %dma_start3A_2097 = arith.constant 0 : i32
      %dma_start3A_2098 = arith.constant 0 : i32
      %dma_start3A_2099 = tpu.memref_slice %arg2[%dma_start3A_2097, %dma_start3A_2098] : memref<10000x64xf32, #tpu.memory_space<hbm>> -> memref<10000x64xf32, #tpu.memory_space<hbm>>
      tpu.enqueue_indirect_dma source(%dma_start3A_2099 : memref<10000x64xf32, #tpu.memory_space<hbm>>) target(%dma_start3A_2093 : memref<128x64xf32, #tpu.memory_space<vmem>>) offsets(%dma_start3A_2096 : memref<128xi32, #tpu.memory_space<vmem>>) semaphore(%arg13 : memref<!tpu.dma_semaphore, #tpu.memory_space<semaphore_mem>>)
      %dma_start3A_2100 = arith.constant 1 : i32
      %dma_start3A_2101 = arith.constant 2 : i32
      %dma_start3A_2102 = arith.constant 1 : i32
      %dma_start3A_2103 = arith.constant 256 : i32
      %dma_start3A_2104 = arith.constant 0 : i32
      %dma_start3A_2105 = tpu.memref_slice %arg11[%dma_start3A_2102, %dma_start3A_2103, %dma_start3A_2104] : memref<2x512x64xf32, #tpu.memory_space<vmem>> -> memref<1x128x64xf32, #tpu.memory_space<vmem>>
      %dma_start3A_2106 = tpu.memref_squeeze %dma_start3A_2105 : memref<1x128x64xf32, #tpu.memory_space<vmem>> -> memref<128x64xf32, #tpu.memory_space<vmem>>
      %dma_start3A_2107 = arith.constant 0 : i32
      %dma_start3A_2108 = tpu.memref_slice %arg9[%dma_start3A_2100, %dma_start3A_2101, %dma_start3A_2107] : memref<3x4x128xi32, #tpu.memory_space<vmem>> -> memref<1x1x128xi32, #tpu.memory_space<vmem>>
      %dma_start3A_2109 = tpu.memref_squeeze %dma_start3A_2108 : memref<1x1x128xi32, #tpu.memory_space<vmem>> -> memref<128xi32, #tpu.memory_space<vmem>>
      %dma_start3A_2110 = arith.constant 0 : i32
      %dma_start3A_2111 = arith.constant 0 : i32
      %dma_start3A_2112 = tpu.memref_slice %arg2[%dma_start3A_2110, %dma_start3A_2111] : memref<10000x64xf32, #tpu.memory_space<hbm>> -> memref<10000x64xf32, #tpu.memory_space<hbm>>
      tpu.enqueue_indirect_dma source(%dma_start3A_2112 : memref<10000x64xf32, #tpu.memory_space<hbm>>) target(%dma_start3A_2106 : memref<128x64xf32, #tpu.memory_space<vmem>>) offsets(%dma_start3A_2109 : memref<128xi32, #tpu.memory_space<vmem>>) semaphore(%arg13 : memref<!tpu.dma_semaphore, #tpu.memory_space<semaphore_mem>>)
      %dma_start3A_2113 = arith.constant 1 : i32
      %dma_start3A_2114 = arith.constant 3 : i32
      %dma_start3A_2115 = arith.constant 1 : i32
      %dma_start3A_2116 = arith.constant 384 : i32
      %dma_start3A_2117 = arith.constant 0 : i32
      %dma_start3A_2118 = tpu.memref_slice %arg11[%dma_start3A_2115, %dma_start3A_2116, %dma_start3A_2117] : memref<2x512x64xf32, #tpu.memory_space<vmem>> -> memref<1x128x64xf32, #tpu.memory_space<vmem>>
      %dma_start3A_2119 = tpu.memref_squeeze %dma_start3A_2118 : memref<1x128x64xf32, #tpu.memory_space<vmem>> -> memref<128x64xf32, #tpu.memory_space<vmem>>
      %dma_start3A_2120 = arith.constant 0 : i32
      %dma_start3A_2121 = tpu.memref_slice %arg9[%dma_start3A_2113, %dma_start3A_2114, %dma_start3A_2120] : memref<3x4x128xi32, #tpu.memory_space<vmem>> -> memref<1x1x128xi32, #tpu.memory_space<vmem>>
      %dma_start3A_2122 = tpu.memref_squeeze %dma_start3A_2121 : memref<1x1x128xi32, #tpu.memory_space<vmem>> -> memref<128xi32, #tpu.memory_space<vmem>>
      %dma_start3A_2123 = arith.constant 0 : i32
      %dma_start3A_2124 = arith.constant 0 : i32
      %dma_start3A_2125 = tpu.memref_slice %arg2[%dma_start3A_2123, %dma_start3A_2124] : memref<10000x64xf32, #tpu.memory_space<hbm>> -> memref<10000x64xf32, #tpu.memory_space<hbm>>
      tpu.enqueue_indirect_dma source(%dma_start3A_2125 : memref<10000x64xf32, #tpu.memory_space<hbm>>) target(%dma_start3A_2119 : memref<128x64xf32, #tpu.memory_space<vmem>>) offsets(%dma_start3A_2122 : memref<128xi32, #tpu.memory_space<vmem>>) semaphore(%arg13 : memref<!tpu.dma_semaphore, #tpu.memory_space<semaphore_mem>>)
      %dma_wait3A_2126 = arith.constant 0 : i32
      %dma_wait3A_2127 = arith.constant 0 : i32
      %dma_wait3A_2128 = arith.constant 0 : i32
      %dma_wait3A_2129 = arith.constant 0 : i32
      %dma_wait3A_2130 = arith.constant 0 : i32
      %dma_wait3A_2131 = tpu.memref_slice %arg11[%dma_wait3A_2128, %dma_wait3A_2129, %dma_wait3A_2130] : memref<2x512x64xf32, #tpu.memory_space<vmem>> -> memref<1x128x64xf32, #tpu.memory_space<vmem>>
      %dma_wait3A_2132 = tpu.memref_squeeze %dma_wait3A_2131 : memref<1x128x64xf32, #tpu.memory_space<vmem>> -> memref<128x64xf32, #tpu.memory_space<vmem>>
      %dma_wait3A_2133 = arith.constant 0 : i32
      %dma_wait3A_2134 = tpu.memref_slice %arg9[%dma_wait3A_2126, %dma_wait3A_2127, %dma_wait3A_2133] : memref<3x4x128xi32, #tpu.memory_space<vmem>> -> memref<1x1x128xi32, #tpu.memory_space<vmem>>
      %dma_wait3A_2135 = tpu.memref_squeeze %dma_wait3A_2134 : memref<1x1x128xi32, #tpu.memory_space<vmem>> -> memref<128xi32, #tpu.memory_space<vmem>>
      %dma_wait3A_2136 = arith.constant 0 : i32
      %dma_wait3A_2137 = arith.constant 0 : i32
      %dma_wait3A_2138 = tpu.memref_slice %arg2[%dma_wait3A_2136, %dma_wait3A_2137] : memref<10000x64xf32, #tpu.memory_space<hbm>> -> memref<10000x64xf32, #tpu.memory_space<hbm>>
      tpu.wait_indirect_dma semaphore(%arg13 : memref<!tpu.dma_semaphore, #tpu.memory_space<semaphore_mem>>) src(%dma_wait3A_2138 : memref<10000x64xf32, #tpu.memory_space<hbm>>) dst(%dma_wait3A_2132 : memref<128x64xf32, #tpu.memory_space<vmem>>)
      %dma_wait3A_2139 = arith.constant 0 : i32
      %dma_wait3A_2140 = arith.constant 1 : i32
      %dma_wait3A_2141 = arith.constant 0 : i32
      %dma_wait3A_2142 = arith.constant 128 : i32
      %dma_wait3A_2143 = arith.constant 0 : i32
      %dma_wait3A_2144 = tpu.memref_slice %arg11[%dma_wait3A_2141, %dma_wait3A_2142, %dma_wait3A_2143] : memref<2x512x64xf32, #tpu.memory_space<vmem>> -> memref<1x128x64xf32, #tpu.memory_space<vmem>>
      %dma_wait3A_2145 = tpu.memref_squeeze %dma_wait3A_2144 : memref<1x128x64xf32, #tpu.memory_space<vmem>> -> memref<128x64xf32, #tpu.memory_space<vmem>>
      %dma_wait3A_2146 = arith.constant 0 : i32
      %dma_wait3A_2147 = tpu.memref_slice %arg9[%dma_wait3A_2139, %dma_wait3A_2140, %dma_wait3A_2146] : memref<3x4x128xi32, #tpu.memory_space<vmem>> -> memref<1x1x128xi32, #tpu.memory_space<vmem>>
      %dma_wait3A_2148 = tpu.memref_squeeze %dma_wait3A_2147 : memref<1x1x128xi32, #tpu.memory_space<vmem>> -> memref<128xi32, #tpu.memory_space<vmem>>
      %dma_wait3A_2149 = arith.constant 0 : i32
      %dma_wait3A_2150 = arith.constant 0 : i32
      %dma_wait3A_2151 = tpu.memref_slice %arg2[%dma_wait3A_2149, %dma_wait3A_2150] : memref<10000x64xf32, #tpu.memory_space<hbm>> -> memref<10000x64xf32, #tpu.memory_space<hbm>>
      tpu.wait_indirect_dma semaphore(%arg13 : memref<!tpu.dma_semaphore, #tpu.memory_space<semaphore_mem>>) src(%dma_wait3A_2151 : memref<10000x64xf32, #tpu.memory_space<hbm>>) dst(%dma_wait3A_2145 : memref<128x64xf32, #tpu.memory_space<vmem>>)
      %dma_wait3A_2152 = arith.constant 0 : i32
      %dma_wait3A_2153 = arith.constant 2 : i32
      %dma_wait3A_2154 = arith.constant 0 : i32
      %dma_wait3A_2155 = arith.constant 256 : i32
      %dma_wait3A_2156 = arith.constant 0 : i32
      %dma_wait3A_2157 = tpu.memref_slice %arg11[%dma_wait3A_2154, %dma_wait3A_2155, %dma_wait3A_2156] : memref<2x512x64xf32, #tpu.memory_space<vmem>> -> memref<1x128x64xf32, #tpu.memory_space<vmem>>
      %dma_wait3A_2158 = tpu.memref_squeeze %dma_wait3A_2157 : memref<1x128x64xf32, #tpu.memory_space<vmem>> -> memref<128x64xf32, #tpu.memory_space<vmem>>
      %dma_wait3A_2159 = arith.constant 0 : i32
      %dma_wait3A_2160 = tpu.memref_slice %arg9[%dma_wait3A_2152, %dma_wait3A_2153, %dma_wait3A_2159] : memref<3x4x128xi32, #tpu.memory_space<vmem>> -> memref<1x1x128xi32, #tpu.memory_space<vmem>>
      %dma_wait3A_2161 = tpu.memref_squeeze %dma_wait3A_2160 : memref<1x1x128xi32, #tpu.memory_space<vmem>> -> memref<128xi32, #tpu.memory_space<vmem>>
      %dma_wait3A_2162 = arith.constant 0 : i32
      %dma_wait3A_2163 = arith.constant 0 : i32
      %dma_wait3A_2164 = tpu.memref_slice %arg2[%dma_wait3A_2162, %dma_wait3A_2163] : memref<10000x64xf32, #tpu.memory_space<hbm>> -> memref<10000x64xf32, #tpu.memory_space<hbm>>
      tpu.wait_indirect_dma semaphore(%arg13 : memref<!tpu.dma_semaphore, #tpu.memory_space<semaphore_mem>>) src(%dma_wait3A_2164 : memref<10000x64xf32, #tpu.memory_space<hbm>>) dst(%dma_wait3A_2158 : memref<128x64xf32, #tpu.memory_space<vmem>>)
      %dma_wait3A_2165 = arith.constant 0 : i32
      %dma_wait3A_2166 = arith.constant 3 : i32
      %dma_wait3A_2167 = arith.constant 0 : i32
      %dma_wait3A_2168 = arith.constant 384 : i32
      %dma_wait3A_2169 = arith.constant 0 : i32
      %dma_wait3A_2170 = tpu.memref_slice %arg11[%dma_wait3A_2167, %dma_wait3A_2168, %dma_wait3A_2169] : memref<2x512x64xf32, #tpu.memory_space<vmem>> -> memref<1x128x64xf32, #tpu.memory_space<vmem>>
      %dma_wait3A_2171 = tpu.memref_squeeze %dma_wait3A_2170 : memref<1x128x64xf32, #tpu.memory_space<vmem>> -> memref<128x64xf32, #tpu.memory_space<vmem>>
      %dma_wait3A_2172 = arith.constant 0 : i32
      %dma_wait3A_2173 = tpu.memref_slice %arg9[%dma_wait3A_2165, %dma_wait3A_2166, %dma_wait3A_2172] : memref<3x4x128xi32, #tpu.memory_space<vmem>> -> memref<1x1x128xi32, #tpu.memory_space<vmem>>
      %dma_wait3A_2174 = tpu.memref_squeeze %dma_wait3A_2173 : memref<1x1x128xi32, #tpu.memory_space<vmem>> -> memref<128xi32, #tpu.memory_space<vmem>>
      %dma_wait3A_2175 = arith.constant 0 : i32
      %dma_wait3A_2176 = arith.constant 0 : i32
      %dma_wait3A_2177 = tpu.memref_slice %arg2[%dma_wait3A_2175, %dma_wait3A_2176] : memref<10000x64xf32, #tpu.memory_space<hbm>> -> memref<10000x64xf32, #tpu.memory_space<hbm>>
      tpu.wait_indirect_dma semaphore(%arg13 : memref<!tpu.dma_semaphore, #tpu.memory_space<semaphore_mem>>) src(%dma_wait3A_2177 : memref<10000x64xf32, #tpu.memory_space<hbm>>) dst(%dma_wait3A_2171 : memref<128x64xf32, #tpu.memory_space<vmem>>)
      %dma_start3A_2178 = arith.constant 0 : i32
      %dma_start3A_2179 = arith.constant 0 : i32
      %dma_start3A_2180 = arith.constant 0 : i32
      %dma_start3A_2181 = arith.constant 0 : i32
      %dma_start3A_2182 = arith.constant 0 : i32
      %dma_start3A_2183 = tpu.memref_slice %arg11[%dma_start3A_2178, %dma_start3A_2181, %dma_start3A_2182] : memref<2x512x64xf32, #tpu.memory_space<vmem>> -> memref<1x128x64xf32, #tpu.memory_space<vmem>>
      %dma_start3A_2184 = tpu.memref_squeeze %dma_start3A_2183 : memref<1x128x64xf32, #tpu.memory_space<vmem>> -> memref<128x64xf32, #tpu.memory_space<vmem>>
      %dma_start3A_2185 = arith.constant 0 : i32
      %dma_start3A_2186 = tpu.memref_slice %arg10[%dma_start3A_2179, %dma_start3A_2180, %dma_start3A_2185] : memref<3x4x128xi32, #tpu.memory_space<vmem>> -> memref<1x1x128xi32, #tpu.memory_space<vmem>>
      %dma_start3A_2187 = tpu.memref_squeeze %dma_start3A_2186 : memref<1x1x128xi32, #tpu.memory_space<vmem>> -> memref<128xi32, #tpu.memory_space<vmem>>
      %dma_start3A_2188 = arith.constant 0 : i32
      %dma_start3A_2189 = arith.constant 0 : i32
      %dma_start3A_2190 = tpu.memref_slice %arg12[%dma_start3A_2188, %dma_start3A_2189] : memref<10240x64xf32, #tpu.memory_space<vmem_shared>> -> memref<10240x64xf32, #tpu.memory_space<vmem_shared>>
      tpu.enqueue_indirect_dma source(%dma_start3A_2184 : memref<128x64xf32, #tpu.memory_space<vmem>>) target(%dma_start3A_2190 : memref<10240x64xf32, #tpu.memory_space<vmem_shared>>) offsets(%dma_start3A_2187 : memref<128xi32, #tpu.memory_space<vmem>>) semaphore(%arg15 : memref<!tpu.dma_semaphore, #tpu.memory_space<semaphore_mem>>) {add = true}
      %dma_start3A_2191 = arith.constant 0 : i32
      %dma_start3A_2192 = arith.constant 0 : i32
      %dma_start3A_2193 = arith.constant 1 : i32
      %dma_start3A_2194 = arith.constant 128 : i32
      %dma_start3A_2195 = arith.constant 0 : i32
      %dma_start3A_2196 = tpu.memref_slice %arg11[%dma_start3A_2191, %dma_start3A_2194, %dma_start3A_2195] : memref<2x512x64xf32, #tpu.memory_space<vmem>> -> memref<1x128x64xf32, #tpu.memory_space<vmem>>
      %dma_start3A_2197 = tpu.memref_squeeze %dma_start3A_2196 : memref<1x128x64xf32, #tpu.memory_space<vmem>> -> memref<128x64xf32, #tpu.memory_space<vmem>>
      %dma_start3A_2198 = arith.constant 0 : i32
      %dma_start3A_2199 = tpu.memref_slice %arg10[%dma_start3A_2192, %dma_start3A_2193, %dma_start3A_2198] : memref<3x4x128xi32, #tpu.memory_space<vmem>> -> memref<1x1x128xi32, #tpu.memory_space<vmem>>
      %dma_start3A_2200 = tpu.memref_squeeze %dma_start3A_2199 : memref<1x1x128xi32, #tpu.memory_space<vmem>> -> memref<128xi32, #tpu.memory_space<vmem>>
      %dma_start3A_2201 = arith.constant 0 : i32
      %dma_start3A_2202 = arith.constant 0 : i32
      %dma_start3A_2203 = tpu.memref_slice %arg12[%dma_start3A_2201, %dma_start3A_2202] : memref<10240x64xf32, #tpu.memory_space<vmem_shared>> -> memref<10240x64xf32, #tpu.memory_space<vmem_shared>>
      tpu.enqueue_indirect_dma source(%dma_start3A_2197 : memref<128x64xf32, #tpu.memory_space<vmem>>) target(%dma_start3A_2203 : memref<10240x64xf32, #tpu.memory_space<vmem_shared>>) offsets(%dma_start3A_2200 : memref<128xi32, #tpu.memory_space<vmem>>) semaphore(%arg15 : memref<!tpu.dma_semaphore, #tpu.memory_space<semaphore_mem>>) {add = true}
      %dma_start3A_2204 = arith.constant 0 : i32
      %dma_start3A_2205 = arith.constant 0 : i32
      %dma_start3A_2206 = arith.constant 2 : i32
      %dma_start3A_2207 = arith.constant 256 : i32
      %dma_start3A_2208 = arith.constant 0 : i32
      %dma_start3A_2209 = tpu.memref_slice %arg11[%dma_start3A_2204, %dma_start3A_2207, %dma_start3A_2208] : memref<2x512x64xf32, #tpu.memory_space<vmem>> -> memref<1x128x64xf32, #tpu.memory_space<vmem>>
      %dma_start3A_2210 = tpu.memref_squeeze %dma_start3A_2209 : memref<1x128x64xf32, #tpu.memory_space<vmem>> -> memref<128x64xf32, #tpu.memory_space<vmem>>
      %dma_start3A_2211 = arith.constant 0 : i32
      %dma_start3A_2212 = tpu.memref_slice %arg10[%dma_start3A_2205, %dma_start3A_2206, %dma_start3A_2211] : memref<3x4x128xi32, #tpu.memory_space<vmem>> -> memref<1x1x128xi32, #tpu.memory_space<vmem>>
      %dma_start3A_2213 = tpu.memref_squeeze %dma_start3A_2212 : memref<1x1x128xi32, #tpu.memory_space<vmem>> -> memref<128xi32, #tpu.memory_space<vmem>>
      %dma_start3A_2214 = arith.constant 0 : i32
      %dma_start3A_2215 = arith.constant 0 : i32
      %dma_start3A_2216 = tpu.memref_slice %arg12[%dma_start3A_2214, %dma_start3A_2215] : memref<10240x64xf32, #tpu.memory_space<vmem_shared>> -> memref<10240x64xf32, #tpu.memory_space<vmem_shared>>
      tpu.enqueue_indirect_dma source(%dma_start3A_2210 : memref<128x64xf32, #tpu.memory_space<vmem>>) target(%dma_start3A_2216 : memref<10240x64xf32, #tpu.memory_space<vmem_shared>>) offsets(%dma_start3A_2213 : memref<128xi32, #tpu.memory_space<vmem>>) semaphore(%arg15 : memref<!tpu.dma_semaphore, #tpu.memory_space<semaphore_mem>>) {add = true}
      %dma_start3A_2217 = arith.constant 0 : i32
      %dma_start3A_2218 = arith.constant 0 : i32
      %dma_start3A_2219 = arith.constant 3 : i32
      %dma_start3A_2220 = arith.constant 384 : i32
      %dma_start3A_2221 = arith.constant 0 : i32
      %dma_start3A_2222 = tpu.memref_slice %arg11[%dma_start3A_2217, %dma_start3A_2220, %dma_start3A_2221] : memref<2x512x64xf32, #tpu.memory_space<vmem>> -> memref<1x128x64xf32, #tpu.memory_space<vmem>>
      %dma_start3A_2223 = tpu.memref_squeeze %dma_start3A_2222 : memref<1x128x64xf32, #tpu.memory_space<vmem>> -> memref<128x64xf32, #tpu.memory_space<vmem>>
      %dma_start3A_2224 = arith.constant 0 : i32
      %dma_start3A_2225 = tpu.memref_slice %arg10[%dma_start3A_2218, %dma_start3A_2219, %dma_start3A_2224] : memref<3x4x128xi32, #tpu.memory_space<vmem>> -> memref<1x1x128xi32, #tpu.memory_space<vmem>>
      %dma_start3A_2226 = tpu.memref_squeeze %dma_start3A_2225 : memref<1x1x128xi32, #tpu.memory_space<vmem>> -> memref<128xi32, #tpu.memory_space<vmem>>
      %dma_start3A_2227 = arith.constant 0 : i32
      %dma_start3A_2228 = arith.constant 0 : i32
      %dma_start3A_2229 = tpu.memref_slice %arg12[%dma_start3A_2227, %dma_start3A_2228] : memref<10240x64xf32, #tpu.memory_space<vmem_shared>> -> memref<10240x64xf32, #tpu.memory_space<vmem_shared>>
      tpu.enqueue_indirect_dma source(%dma_start3A_2223 : memref<128x64xf32, #tpu.memory_space<vmem>>) target(%dma_start3A_2229 : memref<10240x64xf32, #tpu.memory_space<vmem_shared>>) offsets(%dma_start3A_2226 : memref<128xi32, #tpu.memory_space<vmem>>) semaphore(%arg15 : memref<!tpu.dma_semaphore, #tpu.memory_space<semaphore_mem>>) {add = true}
    }
    %scan3A_355 = arith.constant 3 : i32
    %add3A_356 = arith.constant 80 : i32
    %add3A_357 = arith.addi %mul3A_4, %add3A_356 : i32
    %dma_wait3A_358 = arith.constant 2 : i32
    %dma_wait3A_359 = arith.constant 0 : i32
    %dma_wait3A_360 = arith.constant 0 : i32
    %dma_wait3A_361 = tpu.memref_slice %arg9[%dma_wait3A_358, %dma_wait3A_359, %dma_wait3A_360] : memref<3x4x128xi32, #tpu.memory_space<vmem>> -> memref<1x4x128xi32, #tpu.memory_space<vmem>>
    %dma_wait3A_362 = tpu.memref_squeeze %dma_wait3A_361 : memref<1x4x128xi32, #tpu.memory_space<vmem>> -> memref<4x128xi32, #tpu.memory_space<vmem>>
    %dma_wait3A_363 = arith.constant 0 : i32
    %dma_wait3A_364 = tpu.memref_slice %arg3[%add3A_357, %dma_wait3A_363] : memref<2568x128xi32, #tpu.memory_space<hbm>> -> memref<4x128xi32, #tpu.memory_space<hbm>>
    %dma_wait3A_365 = arith.constant 0 : i32
    %dma_wait3A_366 = arith.constant 0 : i32
    %dma_wait3A_367 = tpu.memref_slice %arg9[%dma_wait3A_358, %dma_wait3A_365, %dma_wait3A_366] : memref<3x4x128xi32, #tpu.memory_space<vmem>> -> memref<1x4x128xi32, #tpu.memory_space<vmem>>
    %dma_wait3A_368 = tpu.memref_squeeze %dma_wait3A_367 : memref<1x4x128xi32, #tpu.memory_space<vmem>> -> memref<4x128xi32, #tpu.memory_space<vmem>>
    %dma_wait3A_369 = arith.constant 0 : i32
    %dma_wait3A_370 = tpu.memref_slice %arg3[%add3A_357, %dma_wait3A_369] : memref<2568x128xi32, #tpu.memory_space<hbm>> -> memref<4x128xi32, #tpu.memory_space<hbm>>
    tpu.wait_dma2 semaphore(%arg14 : memref<!tpu.dma_semaphore, #tpu.memory_space<semaphore_mem>>) src(%dma_wait3A_370 : memref<4x128xi32, #tpu.memory_space<hbm>>) dst(%dma_wait3A_368 : memref<4x128xi32, #tpu.memory_space<vmem>>)
    %dma_wait3A_371 = arith.constant 2 : i32
    %dma_wait3A_372 = arith.constant 0 : i32
    %dma_wait3A_373 = arith.constant 0 : i32
    %dma_wait3A_374 = tpu.memref_slice %arg10[%dma_wait3A_371, %dma_wait3A_372, %dma_wait3A_373] : memref<3x4x128xi32, #tpu.memory_space<vmem>> -> memref<1x4x128xi32, #tpu.memory_space<vmem>>
    %dma_wait3A_375 = tpu.memref_squeeze %dma_wait3A_374 : memref<1x4x128xi32, #tpu.memory_space<vmem>> -> memref<4x128xi32, #tpu.memory_space<vmem>>
    %dma_wait3A_376 = arith.constant 0 : i32
    %dma_wait3A_377 = tpu.memref_slice %arg4[%add3A_357, %dma_wait3A_376] : memref<2568x128xi32, #tpu.memory_space<hbm>> -> memref<4x128xi32, #tpu.memory_space<hbm>>
    %dma_wait3A_378 = arith.constant 0 : i32
    %dma_wait3A_379 = arith.constant 0 : i32
    %dma_wait3A_380 = tpu.memref_slice %arg10[%dma_wait3A_371, %dma_wait3A_378, %dma_wait3A_379] : memref<3x4x128xi32, #tpu.memory_space<vmem>> -> memref<1x4x128xi32, #tpu.memory_space<vmem>>
    %dma_wait3A_381 = tpu.memref_squeeze %dma_wait3A_380 : memref<1x4x128xi32, #tpu.memory_space<vmem>> -> memref<4x128xi32, #tpu.memory_space<vmem>>
    %dma_wait3A_382 = arith.constant 0 : i32
    %dma_wait3A_383 = tpu.memref_slice %arg4[%add3A_357, %dma_wait3A_382] : memref<2568x128xi32, #tpu.memory_space<hbm>> -> memref<4x128xi32, #tpu.memory_space<hbm>>
    tpu.wait_dma2 semaphore(%arg14 : memref<!tpu.dma_semaphore, #tpu.memory_space<semaphore_mem>>) src(%dma_wait3A_383 : memref<4x128xi32, #tpu.memory_space<hbm>>) dst(%dma_wait3A_381 : memref<4x128xi32, #tpu.memory_space<vmem>>)
    %dma_wait3A_384 = arith.constant 0 : i32
    %dma_wait3A_385 = arith.constant 0 : i32
    %dma_wait3A_386 = arith.constant 0 : i32
    %dma_wait3A_387 = arith.constant 0 : i32
    %dma_wait3A_388 = arith.constant 0 : i32
    %dma_wait3A_389 = tpu.memref_slice %arg11[%dma_wait3A_384, %dma_wait3A_387, %dma_wait3A_388] : memref<2x512x64xf32, #tpu.memory_space<vmem>> -> memref<1x128x64xf32, #tpu.memory_space<vmem>>
    %dma_wait3A_390 = tpu.memref_squeeze %dma_wait3A_389 : memref<1x128x64xf32, #tpu.memory_space<vmem>> -> memref<128x64xf32, #tpu.memory_space<vmem>>
    %dma_wait3A_391 = arith.constant 0 : i32
    %dma_wait3A_392 = tpu.memref_slice %arg10[%dma_wait3A_385, %dma_wait3A_386, %dma_wait3A_391] : memref<3x4x128xi32, #tpu.memory_space<vmem>> -> memref<1x1x128xi32, #tpu.memory_space<vmem>>
    %dma_wait3A_393 = tpu.memref_squeeze %dma_wait3A_392 : memref<1x1x128xi32, #tpu.memory_space<vmem>> -> memref<128xi32, #tpu.memory_space<vmem>>
    %dma_wait3A_394 = arith.constant 0 : i32
    %dma_wait3A_395 = arith.constant 0 : i32
    %dma_wait3A_396 = tpu.memref_slice %arg12[%dma_wait3A_394, %dma_wait3A_395] : memref<10240x64xf32, #tpu.memory_space<vmem_shared>> -> memref<10240x64xf32, #tpu.memory_space<vmem_shared>>
    tpu.wait_indirect_dma semaphore(%arg15 : memref<!tpu.dma_semaphore, #tpu.memory_space<semaphore_mem>>) src(%dma_wait3A_390 : memref<128x64xf32, #tpu.memory_space<vmem>>) dst(%dma_wait3A_396 : memref<10240x64xf32, #tpu.memory_space<vmem_shared>>)
    %dma_wait3A_397 = arith.constant 0 : i32
    %dma_wait3A_398 = arith.constant 0 : i32
    %dma_wait3A_399 = arith.constant 1 : i32
    %dma_wait3A_400 = arith.constant 128 : i32
    %dma_wait3A_401 = arith.constant 0 : i32
    %dma_wait3A_402 = tpu.memref_slice %arg11[%dma_wait3A_397, %dma_wait3A_400, %dma_wait3A_401] : memref<2x512x64xf32, #tpu.memory_space<vmem>> -> memref<1x128x64xf32, #tpu.memory_space<vmem>>
    %dma_wait3A_403 = tpu.memref_squeeze %dma_wait3A_402 : memref<1x128x64xf32, #tpu.memory_space<vmem>> -> memref<128x64xf32, #tpu.memory_space<vmem>>
    %dma_wait3A_404 = arith.constant 0 : i32
    %dma_wait3A_405 = tpu.memref_slice %arg10[%dma_wait3A_398, %dma_wait3A_399, %dma_wait3A_404] : memref<3x4x128xi32, #tpu.memory_space<vmem>> -> memref<1x1x128xi32, #tpu.memory_space<vmem>>
    %dma_wait3A_406 = tpu.memref_squeeze %dma_wait3A_405 : memref<1x1x128xi32, #tpu.memory_space<vmem>> -> memref<128xi32, #tpu.memory_space<vmem>>
    %dma_wait3A_407 = arith.constant 0 : i32
    %dma_wait3A_408 = arith.constant 0 : i32
    %dma_wait3A_409 = tpu.memref_slice %arg12[%dma_wait3A_407, %dma_wait3A_408] : memref<10240x64xf32, #tpu.memory_space<vmem_shared>> -> memref<10240x64xf32, #tpu.memory_space<vmem_shared>>
    tpu.wait_indirect_dma semaphore(%arg15 : memref<!tpu.dma_semaphore, #tpu.memory_space<semaphore_mem>>) src(%dma_wait3A_403 : memref<128x64xf32, #tpu.memory_space<vmem>>) dst(%dma_wait3A_409 : memref<10240x64xf32, #tpu.memory_space<vmem_shared>>)
    %dma_wait3A_410 = arith.constant 0 : i32
    %dma_wait3A_411 = arith.constant 0 : i32
    %dma_wait3A_412 = arith.constant 2 : i32
    %dma_wait3A_413 = arith.constant 256 : i32
    %dma_wait3A_414 = arith.constant 0 : i32
    %dma_wait3A_415 = tpu.memref_slice %arg11[%dma_wait3A_410, %dma_wait3A_413, %dma_wait3A_414] : memref<2x512x64xf32, #tpu.memory_space<vmem>> -> memref<1x128x64xf32, #tpu.memory_space<vmem>>
    %dma_wait3A_416 = tpu.memref_squeeze %dma_wait3A_415 : memref<1x128x64xf32, #tpu.memory_space<vmem>> -> memref<128x64xf32, #tpu.memory_space<vmem>>
    %dma_wait3A_417 = arith.constant 0 : i32
    %dma_wait3A_418 = tpu.memref_slice %arg10[%dma_wait3A_411, %dma_wait3A_412, %dma_wait3A_417] : memref<3x4x128xi32, #tpu.memory_space<vmem>> -> memref<1x1x128xi32, #tpu.memory_space<vmem>>
    %dma_wait3A_419 = tpu.memref_squeeze %dma_wait3A_418 : memref<1x1x128xi32, #tpu.memory_space<vmem>> -> memref<128xi32, #tpu.memory_space<vmem>>
    %dma_wait3A_420 = arith.constant 0 : i32
    %dma_wait3A_421 = arith.constant 0 : i32
    %dma_wait3A_422 = tpu.memref_slice %arg12[%dma_wait3A_420, %dma_wait3A_421] : memref<10240x64xf32, #tpu.memory_space<vmem_shared>> -> memref<10240x64xf32, #tpu.memory_space<vmem_shared>>
    tpu.wait_indirect_dma semaphore(%arg15 : memref<!tpu.dma_semaphore, #tpu.memory_space<semaphore_mem>>) src(%dma_wait3A_416 : memref<128x64xf32, #tpu.memory_space<vmem>>) dst(%dma_wait3A_422 : memref<10240x64xf32, #tpu.memory_space<vmem_shared>>)
    %dma_wait3A_423 = arith.constant 0 : i32
    %dma_wait3A_424 = arith.constant 0 : i32
    %dma_wait3A_425 = arith.constant 3 : i32
    %dma_wait3A_426 = arith.constant 384 : i32
    %dma_wait3A_427 = arith.constant 0 : i32
    %dma_wait3A_428 = tpu.memref_slice %arg11[%dma_wait3A_423, %dma_wait3A_426, %dma_wait3A_427] : memref<2x512x64xf32, #tpu.memory_space<vmem>> -> memref<1x128x64xf32, #tpu.memory_space<vmem>>
    %dma_wait3A_429 = tpu.memref_squeeze %dma_wait3A_428 : memref<1x128x64xf32, #tpu.memory_space<vmem>> -> memref<128x64xf32, #tpu.memory_space<vmem>>
    %dma_wait3A_430 = arith.constant 0 : i32
    %dma_wait3A_431 = tpu.memref_slice %arg10[%dma_wait3A_424, %dma_wait3A_425, %dma_wait3A_430] : memref<3x4x128xi32, #tpu.memory_space<vmem>> -> memref<1x1x128xi32, #tpu.memory_space<vmem>>
    %dma_wait3A_432 = tpu.memref_squeeze %dma_wait3A_431 : memref<1x1x128xi32, #tpu.memory_space<vmem>> -> memref<128xi32, #tpu.memory_space<vmem>>
    %dma_wait3A_433 = arith.constant 0 : i32
    %dma_wait3A_434 = arith.constant 0 : i32
    %dma_wait3A_435 = tpu.memref_slice %arg12[%dma_wait3A_433, %dma_wait3A_434] : memref<10240x64xf32, #tpu.memory_space<vmem_shared>> -> memref<10240x64xf32, #tpu.memory_space<vmem_shared>>
    tpu.wait_indirect_dma semaphore(%arg15 : memref<!tpu.dma_semaphore, #tpu.memory_space<semaphore_mem>>) src(%dma_wait3A_429 : memref<128x64xf32, #tpu.memory_space<vmem>>) dst(%dma_wait3A_435 : memref<10240x64xf32, #tpu.memory_space<vmem_shared>>)
    %dma_wait3A_436 = arith.constant 1 : i32
    %dma_wait3A_437 = arith.constant 0 : i32
    %dma_wait3A_438 = arith.constant 1 : i32
    %dma_wait3A_439 = arith.constant 0 : i32
    %dma_wait3A_440 = arith.constant 0 : i32
    %dma_wait3A_441 = tpu.memref_slice %arg11[%dma_wait3A_438, %dma_wait3A_439, %dma_wait3A_440] : memref<2x512x64xf32, #tpu.memory_space<vmem>> -> memref<1x128x64xf32, #tpu.memory_space<vmem>>
    %dma_wait3A_442 = tpu.memref_squeeze %dma_wait3A_441 : memref<1x128x64xf32, #tpu.memory_space<vmem>> -> memref<128x64xf32, #tpu.memory_space<vmem>>
    %dma_wait3A_443 = arith.constant 0 : i32
    %dma_wait3A_444 = tpu.memref_slice %arg9[%dma_wait3A_436, %dma_wait3A_437, %dma_wait3A_443] : memref<3x4x128xi32, #tpu.memory_space<vmem>> -> memref<1x1x128xi32, #tpu.memory_space<vmem>>
    %dma_wait3A_445 = tpu.memref_squeeze %dma_wait3A_444 : memref<1x1x128xi32, #tpu.memory_space<vmem>> -> memref<128xi32, #tpu.memory_space<vmem>>
    %dma_wait3A_446 = arith.constant 0 : i32
    %dma_wait3A_447 = arith.constant 0 : i32
    %dma_wait3A_448 = tpu.memref_slice %arg2[%dma_wait3A_446, %dma_wait3A_447] : memref<10000x64xf32, #tpu.memory_space<hbm>> -> memref<10000x64xf32, #tpu.memory_space<hbm>>
    tpu.wait_indirect_dma semaphore(%arg13 : memref<!tpu.dma_semaphore, #tpu.memory_space<semaphore_mem>>) src(%dma_wait3A_448 : memref<10000x64xf32, #tpu.memory_space<hbm>>) dst(%dma_wait3A_442 : memref<128x64xf32, #tpu.memory_space<vmem>>)
    %dma_wait3A_449 = arith.constant 1 : i32
    %dma_wait3A_450 = arith.constant 1 : i32
    %dma_wait3A_451 = arith.constant 1 : i32
    %dma_wait3A_452 = arith.constant 128 : i32
    %dma_wait3A_453 = arith.constant 0 : i32
    %dma_wait3A_454 = tpu.memref_slice %arg11[%dma_wait3A_451, %dma_wait3A_452, %dma_wait3A_453] : memref<2x512x64xf32, #tpu.memory_space<vmem>> -> memref<1x128x64xf32, #tpu.memory_space<vmem>>
    %dma_wait3A_455 = tpu.memref_squeeze %dma_wait3A_454 : memref<1x128x64xf32, #tpu.memory_space<vmem>> -> memref<128x64xf32, #tpu.memory_space<vmem>>
    %dma_wait3A_456 = arith.constant 0 : i32
    %dma_wait3A_457 = tpu.memref_slice %arg9[%dma_wait3A_449, %dma_wait3A_450, %dma_wait3A_456] : memref<3x4x128xi32, #tpu.memory_space<vmem>> -> memref<1x1x128xi32, #tpu.memory_space<vmem>>
    %dma_wait3A_458 = tpu.memref_squeeze %dma_wait3A_457 : memref<1x1x128xi32, #tpu.memory_space<vmem>> -> memref<128xi32, #tpu.memory_space<vmem>>
    %dma_wait3A_459 = arith.constant 0 : i32
    %dma_wait3A_460 = arith.constant 0 : i32
    %dma_wait3A_461 = tpu.memref_slice %arg2[%dma_wait3A_459, %dma_wait3A_460] : memref<10000x64xf32, #tpu.memory_space<hbm>> -> memref<10000x64xf32, #tpu.memory_space<hbm>>
    tpu.wait_indirect_dma semaphore(%arg13 : memref<!tpu.dma_semaphore, #tpu.memory_space<semaphore_mem>>) src(%dma_wait3A_461 : memref<10000x64xf32, #tpu.memory_space<hbm>>) dst(%dma_wait3A_455 : memref<128x64xf32, #tpu.memory_space<vmem>>)
    %dma_wait3A_462 = arith.constant 1 : i32
    %dma_wait3A_463 = arith.constant 2 : i32
    %dma_wait3A_464 = arith.constant 1 : i32
    %dma_wait3A_465 = arith.constant 256 : i32
    %dma_wait3A_466 = arith.constant 0 : i32
    %dma_wait3A_467 = tpu.memref_slice %arg11[%dma_wait3A_464, %dma_wait3A_465, %dma_wait3A_466] : memref<2x512x64xf32, #tpu.memory_space<vmem>> -> memref<1x128x64xf32, #tpu.memory_space<vmem>>
    %dma_wait3A_468 = tpu.memref_squeeze %dma_wait3A_467 : memref<1x128x64xf32, #tpu.memory_space<vmem>> -> memref<128x64xf32, #tpu.memory_space<vmem>>
    %dma_wait3A_469 = arith.constant 0 : i32
    %dma_wait3A_470 = tpu.memref_slice %arg9[%dma_wait3A_462, %dma_wait3A_463, %dma_wait3A_469] : memref<3x4x128xi32, #tpu.memory_space<vmem>> -> memref<1x1x128xi32, #tpu.memory_space<vmem>>
    %dma_wait3A_471 = tpu.memref_squeeze %dma_wait3A_470 : memref<1x1x128xi32, #tpu.memory_space<vmem>> -> memref<128xi32, #tpu.memory_space<vmem>>
    %dma_wait3A_472 = arith.constant 0 : i32
    %dma_wait3A_473 = arith.constant 0 : i32
    %dma_wait3A_474 = tpu.memref_slice %arg2[%dma_wait3A_472, %dma_wait3A_473] : memref<10000x64xf32, #tpu.memory_space<hbm>> -> memref<10000x64xf32, #tpu.memory_space<hbm>>
    tpu.wait_indirect_dma semaphore(%arg13 : memref<!tpu.dma_semaphore, #tpu.memory_space<semaphore_mem>>) src(%dma_wait3A_474 : memref<10000x64xf32, #tpu.memory_space<hbm>>) dst(%dma_wait3A_468 : memref<128x64xf32, #tpu.memory_space<vmem>>)
    %dma_wait3A_475 = arith.constant 1 : i32
    %dma_wait3A_476 = arith.constant 3 : i32
    %dma_wait3A_477 = arith.constant 1 : i32
    %dma_wait3A_478 = arith.constant 384 : i32
    %dma_wait3A_479 = arith.constant 0 : i32
    %dma_wait3A_480 = tpu.memref_slice %arg11[%dma_wait3A_477, %dma_wait3A_478, %dma_wait3A_479] : memref<2x512x64xf32, #tpu.memory_space<vmem>> -> memref<1x128x64xf32, #tpu.memory_space<vmem>>
    %dma_wait3A_481 = tpu.memref_squeeze %dma_wait3A_480 : memref<1x128x64xf32, #tpu.memory_space<vmem>> -> memref<128x64xf32, #tpu.memory_space<vmem>>
    %dma_wait3A_482 = arith.constant 0 : i32
    %dma_wait3A_483 = tpu.memref_slice %arg9[%dma_wait3A_475, %dma_wait3A_476, %dma_wait3A_482] : memref<3x4x128xi32, #tpu.memory_space<vmem>> -> memref<1x1x128xi32, #tpu.memory_space<vmem>>
    %dma_wait3A_484 = tpu.memref_squeeze %dma_wait3A_483 : memref<1x1x128xi32, #tpu.memory_space<vmem>> -> memref<128xi32, #tpu.memory_space<vmem>>
    %dma_wait3A_485 = arith.constant 0 : i32
    %dma_wait3A_486 = arith.constant 0 : i32
    %dma_wait3A_487 = tpu.memref_slice %arg2[%dma_wait3A_485, %dma_wait3A_486] : memref<10000x64xf32, #tpu.memory_space<hbm>> -> memref<10000x64xf32, #tpu.memory_space<hbm>>
    tpu.wait_indirect_dma semaphore(%arg13 : memref<!tpu.dma_semaphore, #tpu.memory_space<semaphore_mem>>) src(%dma_wait3A_487 : memref<10000x64xf32, #tpu.memory_space<hbm>>) dst(%dma_wait3A_481 : memref<128x64xf32, #tpu.memory_space<vmem>>)
    %dma_start3A_488 = arith.constant 1 : i32
    %dma_start3A_489 = arith.constant 1 : i32
    %dma_start3A_490 = arith.constant 0 : i32
    %dma_start3A_491 = arith.constant 0 : i32
    %dma_start3A_492 = arith.constant 0 : i32
    %dma_start3A_493 = tpu.memref_slice %arg11[%dma_start3A_488, %dma_start3A_491, %dma_start3A_492] : memref<2x512x64xf32, #tpu.memory_space<vmem>> -> memref<1x128x64xf32, #tpu.memory_space<vmem>>
    %dma_start3A_494 = tpu.memref_squeeze %dma_start3A_493 : memref<1x128x64xf32, #tpu.memory_space<vmem>> -> memref<128x64xf32, #tpu.memory_space<vmem>>
    %dma_start3A_495 = arith.constant 0 : i32
    %dma_start3A_496 = tpu.memref_slice %arg10[%dma_start3A_489, %dma_start3A_490, %dma_start3A_495] : memref<3x4x128xi32, #tpu.memory_space<vmem>> -> memref<1x1x128xi32, #tpu.memory_space<vmem>>
    %dma_start3A_497 = tpu.memref_squeeze %dma_start3A_496 : memref<1x1x128xi32, #tpu.memory_space<vmem>> -> memref<128xi32, #tpu.memory_space<vmem>>
    %dma_start3A_498 = arith.constant 0 : i32
    %dma_start3A_499 = arith.constant 0 : i32
    %dma_start3A_500 = tpu.memref_slice %arg12[%dma_start3A_498, %dma_start3A_499] : memref<10240x64xf32, #tpu.memory_space<vmem_shared>> -> memref<10240x64xf32, #tpu.memory_space<vmem_shared>>
    tpu.enqueue_indirect_dma source(%dma_start3A_494 : memref<128x64xf32, #tpu.memory_space<vmem>>) target(%dma_start3A_500 : memref<10240x64xf32, #tpu.memory_space<vmem_shared>>) offsets(%dma_start3A_497 : memref<128xi32, #tpu.memory_space<vmem>>) semaphore(%arg15 : memref<!tpu.dma_semaphore, #tpu.memory_space<semaphore_mem>>) {add = true}
    %dma_start3A_501 = arith.constant 1 : i32
    %dma_start3A_502 = arith.constant 1 : i32
    %dma_start3A_503 = arith.constant 1 : i32
    %dma_start3A_504 = arith.constant 128 : i32
    %dma_start3A_505 = arith.constant 0 : i32
    %dma_start3A_506 = tpu.memref_slice %arg11[%dma_start3A_501, %dma_start3A_504, %dma_start3A_505] : memref<2x512x64xf32, #tpu.memory_space<vmem>> -> memref<1x128x64xf32, #tpu.memory_space<vmem>>
    %dma_start3A_507 = tpu.memref_squeeze %dma_start3A_506 : memref<1x128x64xf32, #tpu.memory_space<vmem>> -> memref<128x64xf32, #tpu.memory_space<vmem>>
    %dma_start3A_508 = arith.constant 0 : i32
    %dma_start3A_509 = tpu.memref_slice %arg10[%dma_start3A_502, %dma_start3A_503, %dma_start3A_508] : memref<3x4x128xi32, #tpu.memory_space<vmem>> -> memref<1x1x128xi32, #tpu.memory_space<vmem>>
    %dma_start3A_510 = tpu.memref_squeeze %dma_start3A_509 : memref<1x1x128xi32, #tpu.memory_space<vmem>> -> memref<128xi32, #tpu.memory_space<vmem>>
    %dma_start3A_511 = arith.constant 0 : i32
    %dma_start3A_512 = arith.constant 0 : i32
    %dma_start3A_513 = tpu.memref_slice %arg12[%dma_start3A_511, %dma_start3A_512] : memref<10240x64xf32, #tpu.memory_space<vmem_shared>> -> memref<10240x64xf32, #tpu.memory_space<vmem_shared>>
    tpu.enqueue_indirect_dma source(%dma_start3A_507 : memref<128x64xf32, #tpu.memory_space<vmem>>) target(%dma_start3A_513 : memref<10240x64xf32, #tpu.memory_space<vmem_shared>>) offsets(%dma_start3A_510 : memref<128xi32, #tpu.memory_space<vmem>>) semaphore(%arg15 : memref<!tpu.dma_semaphore, #tpu.memory_space<semaphore_mem>>) {add = true}
    %dma_start3A_514 = arith.constant 1 : i32
    %dma_start3A_515 = arith.constant 1 : i32
    %dma_start3A_516 = arith.constant 2 : i32
    %dma_start3A_517 = arith.constant 256 : i32
    %dma_start3A_518 = arith.constant 0 : i32
    %dma_start3A_519 = tpu.memref_slice %arg11[%dma_start3A_514, %dma_start3A_517, %dma_start3A_518] : memref<2x512x64xf32, #tpu.memory_space<vmem>> -> memref<1x128x64xf32, #tpu.memory_space<vmem>>
    %dma_start3A_520 = tpu.memref_squeeze %dma_start3A_519 : memref<1x128x64xf32, #tpu.memory_space<vmem>> -> memref<128x64xf32, #tpu.memory_space<vmem>>
    %dma_start3A_521 = arith.constant 0 : i32
    %dma_start3A_522 = tpu.memref_slice %arg10[%dma_start3A_515, %dma_start3A_516, %dma_start3A_521] : memref<3x4x128xi32, #tpu.memory_space<vmem>> -> memref<1x1x128xi32, #tpu.memory_space<vmem>>
    %dma_start3A_523 = tpu.memref_squeeze %dma_start3A_522 : memref<1x1x128xi32, #tpu.memory_space<vmem>> -> memref<128xi32, #tpu.memory_space<vmem>>
    %dma_start3A_524 = arith.constant 0 : i32
    %dma_start3A_525 = arith.constant 0 : i32
    %dma_start3A_526 = tpu.memref_slice %arg12[%dma_start3A_524, %dma_start3A_525] : memref<10240x64xf32, #tpu.memory_space<vmem_shared>> -> memref<10240x64xf32, #tpu.memory_space<vmem_shared>>
    tpu.enqueue_indirect_dma source(%dma_start3A_520 : memref<128x64xf32, #tpu.memory_space<vmem>>) target(%dma_start3A_526 : memref<10240x64xf32, #tpu.memory_space<vmem_shared>>) offsets(%dma_start3A_523 : memref<128xi32, #tpu.memory_space<vmem>>) semaphore(%arg15 : memref<!tpu.dma_semaphore, #tpu.memory_space<semaphore_mem>>) {add = true}
    %dma_start3A_527 = arith.constant 1 : i32
    %dma_start3A_528 = arith.constant 1 : i32
    %dma_start3A_529 = arith.constant 3 : i32
    %dma_start3A_530 = arith.constant 384 : i32
    %dma_start3A_531 = arith.constant 0 : i32
    %dma_start3A_532 = tpu.memref_slice %arg11[%dma_start3A_527, %dma_start3A_530, %dma_start3A_531] : memref<2x512x64xf32, #tpu.memory_space<vmem>> -> memref<1x128x64xf32, #tpu.memory_space<vmem>>
    %dma_start3A_533 = tpu.memref_squeeze %dma_start3A_532 : memref<1x128x64xf32, #tpu.memory_space<vmem>> -> memref<128x64xf32, #tpu.memory_space<vmem>>
    %dma_start3A_534 = arith.constant 0 : i32
    %dma_start3A_535 = tpu.memref_slice %arg10[%dma_start3A_528, %dma_start3A_529, %dma_start3A_534] : memref<3x4x128xi32, #tpu.memory_space<vmem>> -> memref<1x1x128xi32, #tpu.memory_space<vmem>>
    %dma_start3A_536 = tpu.memref_squeeze %dma_start3A_535 : memref<1x1x128xi32, #tpu.memory_space<vmem>> -> memref<128xi32, #tpu.memory_space<vmem>>
    %dma_start3A_537 = arith.constant 0 : i32
    %dma_start3A_538 = arith.constant 0 : i32
    %dma_start3A_539 = tpu.memref_slice %arg12[%dma_start3A_537, %dma_start3A_538] : memref<10240x64xf32, #tpu.memory_space<vmem_shared>> -> memref<10240x64xf32, #tpu.memory_space<vmem_shared>>
    tpu.enqueue_indirect_dma source(%dma_start3A_533 : memref<128x64xf32, #tpu.memory_space<vmem>>) target(%dma_start3A_539 : memref<10240x64xf32, #tpu.memory_space<vmem_shared>>) offsets(%dma_start3A_536 : memref<128xi32, #tpu.memory_space<vmem>>) semaphore(%arg15 : memref<!tpu.dma_semaphore, #tpu.memory_space<semaphore_mem>>) {add = true}
    %dma_wait3A_540 = arith.constant 1 : i32
    %dma_wait3A_541 = arith.constant 1 : i32
    %dma_wait3A_542 = arith.constant 0 : i32
    %dma_wait3A_543 = arith.constant 0 : i32
    %dma_wait3A_544 = arith.constant 0 : i32
    %dma_wait3A_545 = tpu.memref_slice %arg11[%dma_wait3A_540, %dma_wait3A_543, %dma_wait3A_544] : memref<2x512x64xf32, #tpu.memory_space<vmem>> -> memref<1x128x64xf32, #tpu.memory_space<vmem>>
    %dma_wait3A_546 = tpu.memref_squeeze %dma_wait3A_545 : memref<1x128x64xf32, #tpu.memory_space<vmem>> -> memref<128x64xf32, #tpu.memory_space<vmem>>
    %dma_wait3A_547 = arith.constant 0 : i32
    %dma_wait3A_548 = tpu.memref_slice %arg10[%dma_wait3A_541, %dma_wait3A_542, %dma_wait3A_547] : memref<3x4x128xi32, #tpu.memory_space<vmem>> -> memref<1x1x128xi32, #tpu.memory_space<vmem>>
    %dma_wait3A_549 = tpu.memref_squeeze %dma_wait3A_548 : memref<1x1x128xi32, #tpu.memory_space<vmem>> -> memref<128xi32, #tpu.memory_space<vmem>>
    %dma_wait3A_550 = arith.constant 0 : i32
    %dma_wait3A_551 = arith.constant 0 : i32
    %dma_wait3A_552 = tpu.memref_slice %arg12[%dma_wait3A_550, %dma_wait3A_551] : memref<10240x64xf32, #tpu.memory_space<vmem_shared>> -> memref<10240x64xf32, #tpu.memory_space<vmem_shared>>
    tpu.wait_indirect_dma semaphore(%arg15 : memref<!tpu.dma_semaphore, #tpu.memory_space<semaphore_mem>>) src(%dma_wait3A_546 : memref<128x64xf32, #tpu.memory_space<vmem>>) dst(%dma_wait3A_552 : memref<10240x64xf32, #tpu.memory_space<vmem_shared>>)
    %dma_wait3A_553 = arith.constant 1 : i32
    %dma_wait3A_554 = arith.constant 1 : i32
    %dma_wait3A_555 = arith.constant 1 : i32
    %dma_wait3A_556 = arith.constant 128 : i32
    %dma_wait3A_557 = arith.constant 0 : i32
    %dma_wait3A_558 = tpu.memref_slice %arg11[%dma_wait3A_553, %dma_wait3A_556, %dma_wait3A_557] : memref<2x512x64xf32, #tpu.memory_space<vmem>> -> memref<1x128x64xf32, #tpu.memory_space<vmem>>
    %dma_wait3A_559 = tpu.memref_squeeze %dma_wait3A_558 : memref<1x128x64xf32, #tpu.memory_space<vmem>> -> memref<128x64xf32, #tpu.memory_space<vmem>>
    %dma_wait3A_560 = arith.constant 0 : i32
    %dma_wait3A_561 = tpu.memref_slice %arg10[%dma_wait3A_554, %dma_wait3A_555, %dma_wait3A_560] : memref<3x4x128xi32, #tpu.memory_space<vmem>> -> memref<1x1x128xi32, #tpu.memory_space<vmem>>
    %dma_wait3A_562 = tpu.memref_squeeze %dma_wait3A_561 : memref<1x1x128xi32, #tpu.memory_space<vmem>> -> memref<128xi32, #tpu.memory_space<vmem>>
    %dma_wait3A_563 = arith.constant 0 : i32
    %dma_wait3A_564 = arith.constant 0 : i32
    %dma_wait3A_565 = tpu.memref_slice %arg12[%dma_wait3A_563, %dma_wait3A_564] : memref<10240x64xf32, #tpu.memory_space<vmem_shared>> -> memref<10240x64xf32, #tpu.memory_space<vmem_shared>>
    tpu.wait_indirect_dma semaphore(%arg15 : memref<!tpu.dma_semaphore, #tpu.memory_space<semaphore_mem>>) src(%dma_wait3A_559 : memref<128x64xf32, #tpu.memory_space<vmem>>) dst(%dma_wait3A_565 : memref<10240x64xf32, #tpu.memory_space<vmem_shared>>)
    %dma_wait3A_566 = arith.constant 1 : i32
    %dma_wait3A_567 = arith.constant 1 : i32
    %dma_wait3A_568 = arith.constant 2 : i32
    %dma_wait3A_569 = arith.constant 256 : i32
    %dma_wait3A_570 = arith.constant 0 : i32
    %dma_wait3A_571 = tpu.memref_slice %arg11[%dma_wait3A_566, %dma_wait3A_569, %dma_wait3A_570] : memref<2x512x64xf32, #tpu.memory_space<vmem>> -> memref<1x128x64xf32, #tpu.memory_space<vmem>>
    %dma_wait3A_572 = tpu.memref_squeeze %dma_wait3A_571 : memref<1x128x64xf32, #tpu.memory_space<vmem>> -> memref<128x64xf32, #tpu.memory_space<vmem>>
    %dma_wait3A_573 = arith.constant 0 : i32
    %dma_wait3A_574 = tpu.memref_slice %arg10[%dma_wait3A_567, %dma_wait3A_568, %dma_wait3A_573] : memref<3x4x128xi32, #tpu.memory_space<vmem>> -> memref<1x1x128xi32, #tpu.memory_space<vmem>>
    %dma_wait3A_575 = tpu.memref_squeeze %dma_wait3A_574 : memref<1x1x128xi32, #tpu.memory_space<vmem>> -> memref<128xi32, #tpu.memory_space<vmem>>
    %dma_wait3A_576 = arith.constant 0 : i32
    %dma_wait3A_577 = arith.constant 0 : i32
    %dma_wait3A_578 = tpu.memref_slice %arg12[%dma_wait3A_576, %dma_wait3A_577] : memref<10240x64xf32, #tpu.memory_space<vmem_shared>> -> memref<10240x64xf32, #tpu.memory_space<vmem_shared>>
    tpu.wait_indirect_dma semaphore(%arg15 : memref<!tpu.dma_semaphore, #tpu.memory_space<semaphore_mem>>) src(%dma_wait3A_572 : memref<128x64xf32, #tpu.memory_space<vmem>>) dst(%dma_wait3A_578 : memref<10240x64xf32, #tpu.memory_space<vmem_shared>>)
    %dma_wait3A_579 = arith.constant 1 : i32
    %dma_wait3A_580 = arith.constant 1 : i32
    %dma_wait3A_581 = arith.constant 3 : i32
    %dma_wait3A_582 = arith.constant 384 : i32
    %dma_wait3A_583 = arith.constant 0 : i32
    %dma_wait3A_584 = tpu.memref_slice %arg11[%dma_wait3A_579, %dma_wait3A_582, %dma_wait3A_583] : memref<2x512x64xf32, #tpu.memory_space<vmem>> -> memref<1x128x64xf32, #tpu.memory_space<vmem>>
    %dma_wait3A_585 = tpu.memref_squeeze %dma_wait3A_584 : memref<1x128x64xf32, #tpu.memory_space<vmem>> -> memref<128x64xf32, #tpu.memory_space<vmem>>
    %dma_wait3A_586 = arith.constant 0 : i32
    %dma_wait3A_587 = tpu.memref_slice %arg10[%dma_wait3A_580, %dma_wait3A_581, %dma_wait3A_586] : memref<3x4x128xi32, #tpu.memory_space<vmem>> -> memref<1x1x128xi32, #tpu.memory_space<vmem>>
    %dma_wait3A_588 = tpu.memref_squeeze %dma_wait3A_587 : memref<1x1x128xi32, #tpu.memory_space<vmem>> -> memref<128xi32, #tpu.memory_space<vmem>>
    %dma_wait3A_589 = arith.constant 0 : i32
    %dma_wait3A_590 = arith.constant 0 : i32
    %dma_wait3A_591 = tpu.memref_slice %arg12[%dma_wait3A_589, %dma_wait3A_590] : memref<10240x64xf32, #tpu.memory_space<vmem_shared>> -> memref<10240x64xf32, #tpu.memory_space<vmem_shared>>
    tpu.wait_indirect_dma semaphore(%arg15 : memref<!tpu.dma_semaphore, #tpu.memory_space<semaphore_mem>>) src(%dma_wait3A_585 : memref<128x64xf32, #tpu.memory_space<vmem>>) dst(%dma_wait3A_591 : memref<10240x64xf32, #tpu.memory_space<vmem_shared>>)
    %barrier3A_592 = arith.constant 0 : index
    tpu.barrier barrier_id(%barrier3A_592)
    "tpu.region"() ({
      %run_scoped3A = tpu.sem_alloc : memref<!tpu.dma_semaphore, #tpu.memory_space<semaphore_mem>>
      %dma_start3A_593 = arith.constant 0 : i32
      %dma_start3A_594 = tpu.memref_slice %arg8[%arg0, %multiple_of3A, %dma_start3A_593] : memref<2x10240x64xf32, #tpu.memory_space<hbm>> -> memref<1x640x64xf32, #tpu.memory_space<hbm>>
      %dma_start3A_595 = tpu.memref_squeeze %dma_start3A_594 : memref<1x640x64xf32, #tpu.memory_space<hbm>> -> memref<640x64xf32, #tpu.memory_space<hbm>>
      %dma_start3A_596 = arith.constant 0 : i32
      %dma_start3A_597 = tpu.memref_slice %arg12[%multiple_of3A, %dma_start3A_596] : memref<10240x64xf32, #tpu.memory_space<vmem_shared>> -> memref<640x64xf32, #tpu.memory_space<vmem_shared>>
      tpu.enqueue_dma source(%dma_start3A_597 : memref<640x64xf32, #tpu.memory_space<vmem_shared>>) target(%dma_start3A_595 : memref<640x64xf32, #tpu.memory_space<hbm>>) target_semaphore(%run_scoped3A : memref<!tpu.dma_semaphore, #tpu.memory_space<semaphore_mem>>)
      %dma_wait3A_598 = arith.constant 0 : i32
      %dma_wait3A_599 = tpu.memref_slice %arg8[%arg0, %multiple_of3A, %dma_wait3A_598] : memref<2x10240x64xf32, #tpu.memory_space<hbm>> -> memref<1x640x64xf32, #tpu.memory_space<hbm>>
      %dma_wait3A_600 = tpu.memref_squeeze %dma_wait3A_599 : memref<1x640x64xf32, #tpu.memory_space<hbm>> -> memref<640x64xf32, #tpu.memory_space<hbm>>
      %dma_wait3A_601 = arith.constant 0 : i32
      %dma_wait3A_602 = tpu.memref_slice %arg12[%multiple_of3A, %dma_wait3A_601] : memref<10240x64xf32, #tpu.memory_space<vmem_shared>> -> memref<640x64xf32, #tpu.memory_space<vmem_shared>>
      tpu.wait_dma2 semaphore(%run_scoped3A : memref<!tpu.dma_semaphore, #tpu.memory_space<semaphore_mem>>) src(%dma_wait3A_602 : memref<640x64xf32, #tpu.memory_space<vmem_shared>>) dst(%dma_wait3A_600 : memref<640x64xf32, #tpu.memory_space<hbm>>)
      tpu.yield
    }) : () -> ()
    return
  }
}

#map = affine_map<(d0, d1) -> (0, 0)>
#map1 = affine_map<(d0, d1) -> (0)>
#map2 = affine_map<(d0, d1) -> (0, 0, 0)>
module attributes {stable_mosaic.version = 14 : i64} {
  func.func @agg_kernel(%arg0: i32, %arg1: i32, %arg2: memref<10000x128xf32, #tpu.memory_space<hbm>>, %arg3: memref<2568x128xi32, #tpu.memory_space<hbm>>, %arg4: memref<2568x128xi32, #tpu.memory_space<hbm>>, %arg5: memref<640x128xf32, #tpu.memory_space<hbm>>, %arg6: memref<640xf32, #tpu.memory_space<hbm>>, %arg7: memref<128xf32, #tpu.memory_space<hbm>>, %arg8: memref<2x10240x128xf32, #tpu.memory_space<hbm>>, %arg9: memref<2x10240xf32, #tpu.memory_space<hbm>>, %arg10: memref<3x1x128xi32, #tpu.memory_space<vmem>>, %arg11: memref<3x1x128xi32, #tpu.memory_space<vmem>>, %arg12: memref<2x128x128xf32, #tpu.memory_space<vmem>>, %arg13: memref<10240x128xf32, #tpu.memory_space<vmem_shared>>, %arg14: memref<!tpu.dma_semaphore, #tpu.memory_space<semaphore_mem>>, %arg15: memref<!tpu.dma_semaphore, #tpu.memory_space<semaphore_mem>>, %arg16: memref<!tpu.dma_semaphore, #tpu.memory_space<semaphore_mem>>, %arg17: memref<128xf32, #tpu.memory_space<vmem>>, %arg18: memref<10240xf32, #tpu.memory_space<vmem_shared>>, %arg19: memref<!tpu.dma_semaphore, #tpu.memory_space<semaphore_mem>>) attributes {dimension_semantics = [#tpu.dimension_semantics<core_parallel>, #tpu.dimension_semantics<subcore_parallel>], iteration_bounds = array<i64: 2, 16>, scalar_prefetch = 0 : i64, scratch_operands = 10 : i64, tpu.core_type = #tpu.core_type<sc_vector_subcore>, window_params = [{transform_indices = #map}, {transform_indices = #map}, {transform_indices = #map}, {transform_indices = #map}, {transform_indices = #map1}, {transform_indices = #map1}, {transform_indices = #map2}, {transform_indices = #map}]} {
    %mul3A = arith.constant 16 : i32
    %mul3A_0 = arith.muli %arg0, %mul3A : i32
    %add3A = arith.addi %mul3A_0, %arg1 : i32
    %mul3A_1 = arith.constant 640 : i32
    %mul3A_2 = arith.muli %arg1, %mul3A_1 : i32
    %multiple_of3A = tpu.assume_multiple %mul3A_2, 8 : i32
    "tpu.region"() ({
      %run_scoped3A = tpu.sem_alloc : memref<!tpu.dma_semaphore, #tpu.memory_space<semaphore_mem>>
      %dma_start3A_309 = arith.constant 0 : i32
      %dma_start3A_310 = tpu.memref_slice %arg13[%multiple_of3A, %dma_start3A_309] : memref<10240x128xf32, #tpu.memory_space<vmem_shared>> -> memref<640x128xf32, #tpu.memory_space<vmem_shared>>
      tpu.enqueue_dma source(%arg5 : memref<640x128xf32, #tpu.memory_space<hbm>>) target(%dma_start3A_310 : memref<640x128xf32, #tpu.memory_space<vmem_shared>>) target_semaphore(%run_scoped3A : memref<!tpu.dma_semaphore, #tpu.memory_space<semaphore_mem>>)
      %dma_wait3A_311 = arith.constant 0 : i32
      %dma_wait3A_312 = tpu.memref_slice %arg13[%multiple_of3A, %dma_wait3A_311] : memref<10240x128xf32, #tpu.memory_space<vmem_shared>> -> memref<640x128xf32, #tpu.memory_space<vmem_shared>>
      tpu.wait_dma2 semaphore(%run_scoped3A : memref<!tpu.dma_semaphore, #tpu.memory_space<semaphore_mem>>) src(%arg5 : memref<640x128xf32, #tpu.memory_space<hbm>>) dst(%dma_wait3A_312 : memref<640x128xf32, #tpu.memory_space<vmem_shared>>)
      tpu.yield
    }) : () -> ()
    "tpu.region"() ({
      %run_scoped3A = tpu.sem_alloc : memref<!tpu.dma_semaphore, #tpu.memory_space<semaphore_mem>>
      %dma_start3A_309 = tpu.memref_slice %arg18[%multiple_of3A] : memref<10240xf32, #tpu.memory_space<vmem_shared>> -> memref<640xf32, #tpu.memory_space<vmem_shared>>
      tpu.enqueue_dma source(%arg6 : memref<640xf32, #tpu.memory_space<hbm>>) target(%dma_start3A_309 : memref<640xf32, #tpu.memory_space<vmem_shared>>) target_semaphore(%run_scoped3A : memref<!tpu.dma_semaphore, #tpu.memory_space<semaphore_mem>>)
      %dma_wait3A_310 = tpu.memref_slice %arg18[%multiple_of3A] : memref<10240xf32, #tpu.memory_space<vmem_shared>> -> memref<640xf32, #tpu.memory_space<vmem_shared>>
      tpu.wait_dma2 semaphore(%run_scoped3A : memref<!tpu.dma_semaphore, #tpu.memory_space<semaphore_mem>>) src(%arg6 : memref<640xf32, #tpu.memory_space<hbm>>) dst(%dma_wait3A_310 : memref<640xf32, #tpu.memory_space<vmem_shared>>)
      tpu.yield
    }) : () -> ()
    "tpu.region"() ({
      %run_scoped3A = tpu.sem_alloc : memref<!tpu.dma_semaphore, #tpu.memory_space<semaphore_mem>>
      tpu.enqueue_dma source(%arg7 : memref<128xf32, #tpu.memory_space<hbm>>) target(%arg17 : memref<128xf32, #tpu.memory_space<vmem>>) target_semaphore(%run_scoped3A : memref<!tpu.dma_semaphore, #tpu.memory_space<semaphore_mem>>)
      tpu.wait_dma2 semaphore(%run_scoped3A : memref<!tpu.dma_semaphore, #tpu.memory_space<semaphore_mem>>) src(%arg7 : memref<128xf32, #tpu.memory_space<hbm>>) dst(%arg17 : memref<128xf32, #tpu.memory_space<vmem>>)
      tpu.yield
    }) : () -> ()
    %barrier3A = arith.constant 0 : index
    tpu.barrier barrier_id(%barrier3A)
    %mul3A_3 = arith.constant 80 : i32
    %mul3A_4 = arith.muli %add3A, %mul3A_3 : i32
    %add3A_5 = arith.constant 0 : i32
    %add3A_6 = arith.addi %mul3A_4, %add3A_5 : i32
    %dma_start3A = arith.constant 0 : i32
    %dma_start3A_7 = arith.constant 0 : i32
    %dma_start3A_8 = arith.constant 0 : i32
    %dma_start3A_9 = tpu.memref_slice %arg10[%dma_start3A, %dma_start3A_7, %dma_start3A_8] : memref<3x1x128xi32, #tpu.memory_space<vmem>> -> memref<1x1x128xi32, #tpu.memory_space<vmem>>
    %dma_start3A_10 = tpu.memref_squeeze %dma_start3A_9 : memref<1x1x128xi32, #tpu.memory_space<vmem>> -> memref<1x128xi32, #tpu.memory_space<vmem>>
    %dma_start3A_11 = arith.constant 0 : i32
    %dma_start3A_12 = tpu.memref_slice %arg3[%add3A_6, %dma_start3A_11] : memref<2568x128xi32, #tpu.memory_space<hbm>> -> memref<1x128xi32, #tpu.memory_space<hbm>>
    %dma_start3A_13 = arith.constant 0 : i32
    %dma_start3A_14 = arith.constant 0 : i32
    %dma_start3A_15 = tpu.memref_slice %arg10[%dma_start3A, %dma_start3A_13, %dma_start3A_14] : memref<3x1x128xi32, #tpu.memory_space<vmem>> -> memref<1x1x128xi32, #tpu.memory_space<vmem>>
    %dma_start3A_16 = tpu.memref_squeeze %dma_start3A_15 : memref<1x1x128xi32, #tpu.memory_space<vmem>> -> memref<1x128xi32, #tpu.memory_space<vmem>>
    %dma_start3A_17 = arith.constant 0 : i32
    %dma_start3A_18 = tpu.memref_slice %arg3[%add3A_6, %dma_start3A_17] : memref<2568x128xi32, #tpu.memory_space<hbm>> -> memref<1x128xi32, #tpu.memory_space<hbm>>
    tpu.enqueue_dma source(%dma_start3A_18 : memref<1x128xi32, #tpu.memory_space<hbm>>) target(%dma_start3A_16 : memref<1x128xi32, #tpu.memory_space<vmem>>) target_semaphore(%arg15 : memref<!tpu.dma_semaphore, #tpu.memory_space<semaphore_mem>>)
    %dma_start3A_19 = arith.constant 0 : i32
    %dma_start3A_20 = arith.constant 0 : i32
    %dma_start3A_21 = arith.constant 0 : i32
    %dma_start3A_22 = tpu.memref_slice %arg11[%dma_start3A_19, %dma_start3A_20, %dma_start3A_21] : memref<3x1x128xi32, #tpu.memory_space<vmem>> -> memref<1x1x128xi32, #tpu.memory_space<vmem>>
    %dma_start3A_23 = tpu.memref_squeeze %dma_start3A_22 : memref<1x1x128xi32, #tpu.memory_space<vmem>> -> memref<1x128xi32, #tpu.memory_space<vmem>>
    %dma_start3A_24 = arith.constant 0 : i32
    %dma_start3A_25 = tpu.memref_slice %arg4[%add3A_6, %dma_start3A_24] : memref<2568x128xi32, #tpu.memory_space<hbm>> -> memref<1x128xi32, #tpu.memory_space<hbm>>
    %dma_start3A_26 = arith.constant 0 : i32
    %dma_start3A_27 = arith.constant 0 : i32
    %dma_start3A_28 = tpu.memref_slice %arg11[%dma_start3A_19, %dma_start3A_26, %dma_start3A_27] : memref<3x1x128xi32, #tpu.memory_space<vmem>> -> memref<1x1x128xi32, #tpu.memory_space<vmem>>
    %dma_start3A_29 = tpu.memref_squeeze %dma_start3A_28 : memref<1x1x128xi32, #tpu.memory_space<vmem>> -> memref<1x128xi32, #tpu.memory_space<vmem>>
    %dma_start3A_30 = arith.constant 0 : i32
    %dma_start3A_31 = tpu.memref_slice %arg4[%add3A_6, %dma_start3A_30] : memref<2568x128xi32, #tpu.memory_space<hbm>> -> memref<1x128xi32, #tpu.memory_space<hbm>>
    tpu.enqueue_dma source(%dma_start3A_31 : memref<1x128xi32, #tpu.memory_space<hbm>>) target(%dma_start3A_29 : memref<1x128xi32, #tpu.memory_space<vmem>>) target_semaphore(%arg15 : memref<!tpu.dma_semaphore, #tpu.memory_space<semaphore_mem>>)
    %add3A_32 = arith.constant 1 : i32
    %add3A_33 = arith.addi %mul3A_4, %add3A_32 : i32
    %dma_start3A_34 = arith.constant 1 : i32
    %dma_start3A_35 = arith.constant 0 : i32
    %dma_start3A_36 = arith.constant 0 : i32
    %dma_start3A_37 = tpu.memref_slice %arg10[%dma_start3A_34, %dma_start3A_35, %dma_start3A_36] : memref<3x1x128xi32, #tpu.memory_space<vmem>> -> memref<1x1x128xi32, #tpu.memory_space<vmem>>
    %dma_start3A_38 = tpu.memref_squeeze %dma_start3A_37 : memref<1x1x128xi32, #tpu.memory_space<vmem>> -> memref<1x128xi32, #tpu.memory_space<vmem>>
    %dma_start3A_39 = arith.constant 0 : i32
    %dma_start3A_40 = tpu.memref_slice %arg3[%add3A_33, %dma_start3A_39] : memref<2568x128xi32, #tpu.memory_space<hbm>> -> memref<1x128xi32, #tpu.memory_space<hbm>>
    %dma_start3A_41 = arith.constant 0 : i32
    %dma_start3A_42 = arith.constant 0 : i32
    %dma_start3A_43 = tpu.memref_slice %arg10[%dma_start3A_34, %dma_start3A_41, %dma_start3A_42] : memref<3x1x128xi32, #tpu.memory_space<vmem>> -> memref<1x1x128xi32, #tpu.memory_space<vmem>>
    %dma_start3A_44 = tpu.memref_squeeze %dma_start3A_43 : memref<1x1x128xi32, #tpu.memory_space<vmem>> -> memref<1x128xi32, #tpu.memory_space<vmem>>
    %dma_start3A_45 = arith.constant 0 : i32
    %dma_start3A_46 = tpu.memref_slice %arg3[%add3A_33, %dma_start3A_45] : memref<2568x128xi32, #tpu.memory_space<hbm>> -> memref<1x128xi32, #tpu.memory_space<hbm>>
    tpu.enqueue_dma source(%dma_start3A_46 : memref<1x128xi32, #tpu.memory_space<hbm>>) target(%dma_start3A_44 : memref<1x128xi32, #tpu.memory_space<vmem>>) target_semaphore(%arg15 : memref<!tpu.dma_semaphore, #tpu.memory_space<semaphore_mem>>)
    %dma_start3A_47 = arith.constant 1 : i32
    %dma_start3A_48 = arith.constant 0 : i32
    %dma_start3A_49 = arith.constant 0 : i32
    %dma_start3A_50 = tpu.memref_slice %arg11[%dma_start3A_47, %dma_start3A_48, %dma_start3A_49] : memref<3x1x128xi32, #tpu.memory_space<vmem>> -> memref<1x1x128xi32, #tpu.memory_space<vmem>>
    %dma_start3A_51 = tpu.memref_squeeze %dma_start3A_50 : memref<1x1x128xi32, #tpu.memory_space<vmem>> -> memref<1x128xi32, #tpu.memory_space<vmem>>
    %dma_start3A_52 = arith.constant 0 : i32
    %dma_start3A_53 = tpu.memref_slice %arg4[%add3A_33, %dma_start3A_52] : memref<2568x128xi32, #tpu.memory_space<hbm>> -> memref<1x128xi32, #tpu.memory_space<hbm>>
    %dma_start3A_54 = arith.constant 0 : i32
    %dma_start3A_55 = arith.constant 0 : i32
    %dma_start3A_56 = tpu.memref_slice %arg11[%dma_start3A_47, %dma_start3A_54, %dma_start3A_55] : memref<3x1x128xi32, #tpu.memory_space<vmem>> -> memref<1x1x128xi32, #tpu.memory_space<vmem>>
    %dma_start3A_57 = tpu.memref_squeeze %dma_start3A_56 : memref<1x1x128xi32, #tpu.memory_space<vmem>> -> memref<1x128xi32, #tpu.memory_space<vmem>>
    %dma_start3A_58 = arith.constant 0 : i32
    %dma_start3A_59 = tpu.memref_slice %arg4[%add3A_33, %dma_start3A_58] : memref<2568x128xi32, #tpu.memory_space<hbm>> -> memref<1x128xi32, #tpu.memory_space<hbm>>
    tpu.enqueue_dma source(%dma_start3A_59 : memref<1x128xi32, #tpu.memory_space<hbm>>) target(%dma_start3A_57 : memref<1x128xi32, #tpu.memory_space<vmem>>) target_semaphore(%arg15 : memref<!tpu.dma_semaphore, #tpu.memory_space<semaphore_mem>>)
    %add3A_60 = arith.constant 0 : i32
    %add3A_61 = arith.addi %mul3A_4, %add3A_60 : i32
    %dma_wait3A = arith.constant 0 : i32
    %dma_wait3A_62 = arith.constant 0 : i32
    %dma_wait3A_63 = arith.constant 0 : i32
    %dma_wait3A_64 = tpu.memref_slice %arg10[%dma_wait3A, %dma_wait3A_62, %dma_wait3A_63] : memref<3x1x128xi32, #tpu.memory_space<vmem>> -> memref<1x1x128xi32, #tpu.memory_space<vmem>>
    %dma_wait3A_65 = tpu.memref_squeeze %dma_wait3A_64 : memref<1x1x128xi32, #tpu.memory_space<vmem>> -> memref<1x128xi32, #tpu.memory_space<vmem>>
    %dma_wait3A_66 = arith.constant 0 : i32
    %dma_wait3A_67 = tpu.memref_slice %arg3[%add3A_61, %dma_wait3A_66] : memref<2568x128xi32, #tpu.memory_space<hbm>> -> memref<1x128xi32, #tpu.memory_space<hbm>>
    %dma_wait3A_68 = arith.constant 0 : i32
    %dma_wait3A_69 = arith.constant 0 : i32
    %dma_wait3A_70 = tpu.memref_slice %arg10[%dma_wait3A, %dma_wait3A_68, %dma_wait3A_69] : memref<3x1x128xi32, #tpu.memory_space<vmem>> -> memref<1x1x128xi32, #tpu.memory_space<vmem>>
    %dma_wait3A_71 = tpu.memref_squeeze %dma_wait3A_70 : memref<1x1x128xi32, #tpu.memory_space<vmem>> -> memref<1x128xi32, #tpu.memory_space<vmem>>
    %dma_wait3A_72 = arith.constant 0 : i32
    %dma_wait3A_73 = tpu.memref_slice %arg3[%add3A_61, %dma_wait3A_72] : memref<2568x128xi32, #tpu.memory_space<hbm>> -> memref<1x128xi32, #tpu.memory_space<hbm>>
    tpu.wait_dma2 semaphore(%arg15 : memref<!tpu.dma_semaphore, #tpu.memory_space<semaphore_mem>>) src(%dma_wait3A_73 : memref<1x128xi32, #tpu.memory_space<hbm>>) dst(%dma_wait3A_71 : memref<1x128xi32, #tpu.memory_space<vmem>>)
    %dma_wait3A_74 = arith.constant 0 : i32
    %dma_wait3A_75 = arith.constant 0 : i32
    %dma_wait3A_76 = arith.constant 0 : i32
    %dma_wait3A_77 = tpu.memref_slice %arg11[%dma_wait3A_74, %dma_wait3A_75, %dma_wait3A_76] : memref<3x1x128xi32, #tpu.memory_space<vmem>> -> memref<1x1x128xi32, #tpu.memory_space<vmem>>
    %dma_wait3A_78 = tpu.memref_squeeze %dma_wait3A_77 : memref<1x1x128xi32, #tpu.memory_space<vmem>> -> memref<1x128xi32, #tpu.memory_space<vmem>>
    %dma_wait3A_79 = arith.constant 0 : i32
    %dma_wait3A_80 = tpu.memref_slice %arg4[%add3A_61, %dma_wait3A_79] : memref<2568x128xi32, #tpu.memory_space<hbm>> -> memref<1x128xi32, #tpu.memory_space<hbm>>
    %dma_wait3A_81 = arith.constant 0 : i32
    %dma_wait3A_82 = arith.constant 0 : i32
    %dma_wait3A_83 = tpu.memref_slice %arg11[%dma_wait3A_74, %dma_wait3A_81, %dma_wait3A_82] : memref<3x1x128xi32, #tpu.memory_space<vmem>> -> memref<1x1x128xi32, #tpu.memory_space<vmem>>
    %dma_wait3A_84 = tpu.memref_squeeze %dma_wait3A_83 : memref<1x1x128xi32, #tpu.memory_space<vmem>> -> memref<1x128xi32, #tpu.memory_space<vmem>>
    %dma_wait3A_85 = arith.constant 0 : i32
    %dma_wait3A_86 = tpu.memref_slice %arg4[%add3A_61, %dma_wait3A_85] : memref<2568x128xi32, #tpu.memory_space<hbm>> -> memref<1x128xi32, #tpu.memory_space<hbm>>
    tpu.wait_dma2 semaphore(%arg15 : memref<!tpu.dma_semaphore, #tpu.memory_space<semaphore_mem>>) src(%dma_wait3A_86 : memref<1x128xi32, #tpu.memory_space<hbm>>) dst(%dma_wait3A_84 : memref<1x128xi32, #tpu.memory_space<vmem>>)
    %dma_start3A_87 = arith.constant 0 : i32
    %dma_start3A_88 = arith.constant 0 : i32
    %dma_start3A_89 = arith.constant 0 : i32
    %dma_start3A_90 = arith.constant 0 : i32
    %dma_start3A_91 = arith.constant 0 : i32
    %dma_start3A_92 = tpu.memref_slice %arg12[%dma_start3A_89, %dma_start3A_90, %dma_start3A_91] : memref<2x128x128xf32, #tpu.memory_space<vmem>> -> memref<1x128x128xf32, #tpu.memory_space<vmem>>
    %dma_start3A_93 = tpu.memref_squeeze %dma_start3A_92 : memref<1x128x128xf32, #tpu.memory_space<vmem>> -> memref<128x128xf32, #tpu.memory_space<vmem>>
    %dma_start3A_94 = arith.constant 0 : i32
    %dma_start3A_95 = tpu.memref_slice %arg10[%dma_start3A_87, %dma_start3A_88, %dma_start3A_94] : memref<3x1x128xi32, #tpu.memory_space<vmem>> -> memref<1x1x128xi32, #tpu.memory_space<vmem>>
    %dma_start3A_96 = tpu.memref_squeeze %dma_start3A_95 : memref<1x1x128xi32, #tpu.memory_space<vmem>> -> memref<128xi32, #tpu.memory_space<vmem>>
    %dma_start3A_97 = arith.constant 0 : i32
    %dma_start3A_98 = arith.constant 0 : i32
    %dma_start3A_99 = tpu.memref_slice %arg2[%dma_start3A_97, %dma_start3A_98] : memref<10000x128xf32, #tpu.memory_space<hbm>> -> memref<10000x128xf32, #tpu.memory_space<hbm>>
    tpu.enqueue_indirect_dma source(%dma_start3A_99 : memref<10000x128xf32, #tpu.memory_space<hbm>>) target(%dma_start3A_93 : memref<128x128xf32, #tpu.memory_space<vmem>>) offsets(%dma_start3A_96 : memref<128xi32, #tpu.memory_space<vmem>>) semaphore(%arg14 : memref<!tpu.dma_semaphore, #tpu.memory_space<semaphore_mem>>)
    %add3A_100 = arith.constant 2 : i32
    %add3A_101 = arith.addi %mul3A_4, %add3A_100 : i32
    %dma_start3A_102 = arith.constant 2 : i32
    %dma_start3A_103 = arith.constant 0 : i32
    %dma_start3A_104 = arith.constant 0 : i32
    %dma_start3A_105 = tpu.memref_slice %arg10[%dma_start3A_102, %dma_start3A_103, %dma_start3A_104] : memref<3x1x128xi32, #tpu.memory_space<vmem>> -> memref<1x1x128xi32, #tpu.memory_space<vmem>>
    %dma_start3A_106 = tpu.memref_squeeze %dma_start3A_105 : memref<1x1x128xi32, #tpu.memory_space<vmem>> -> memref<1x128xi32, #tpu.memory_space<vmem>>
    %dma_start3A_107 = arith.constant 0 : i32
    %dma_start3A_108 = tpu.memref_slice %arg3[%add3A_101, %dma_start3A_107] : memref<2568x128xi32, #tpu.memory_space<hbm>> -> memref<1x128xi32, #tpu.memory_space<hbm>>
    %dma_start3A_109 = arith.constant 0 : i32
    %dma_start3A_110 = arith.constant 0 : i32
    %dma_start3A_111 = tpu.memref_slice %arg10[%dma_start3A_102, %dma_start3A_109, %dma_start3A_110] : memref<3x1x128xi32, #tpu.memory_space<vmem>> -> memref<1x1x128xi32, #tpu.memory_space<vmem>>
    %dma_start3A_112 = tpu.memref_squeeze %dma_start3A_111 : memref<1x1x128xi32, #tpu.memory_space<vmem>> -> memref<1x128xi32, #tpu.memory_space<vmem>>
    %dma_start3A_113 = arith.constant 0 : i32
    %dma_start3A_114 = tpu.memref_slice %arg3[%add3A_101, %dma_start3A_113] : memref<2568x128xi32, #tpu.memory_space<hbm>> -> memref<1x128xi32, #tpu.memory_space<hbm>>
    tpu.enqueue_dma source(%dma_start3A_114 : memref<1x128xi32, #tpu.memory_space<hbm>>) target(%dma_start3A_112 : memref<1x128xi32, #tpu.memory_space<vmem>>) target_semaphore(%arg15 : memref<!tpu.dma_semaphore, #tpu.memory_space<semaphore_mem>>)
    %dma_start3A_115 = arith.constant 2 : i32
    %dma_start3A_116 = arith.constant 0 : i32
    %dma_start3A_117 = arith.constant 0 : i32
    %dma_start3A_118 = tpu.memref_slice %arg11[%dma_start3A_115, %dma_start3A_116, %dma_start3A_117] : memref<3x1x128xi32, #tpu.memory_space<vmem>> -> memref<1x1x128xi32, #tpu.memory_space<vmem>>
    %dma_start3A_119 = tpu.memref_squeeze %dma_start3A_118 : memref<1x1x128xi32, #tpu.memory_space<vmem>> -> memref<1x128xi32, #tpu.memory_space<vmem>>
    %dma_start3A_120 = arith.constant 0 : i32
    %dma_start3A_121 = tpu.memref_slice %arg4[%add3A_101, %dma_start3A_120] : memref<2568x128xi32, #tpu.memory_space<hbm>> -> memref<1x128xi32, #tpu.memory_space<hbm>>
    %dma_start3A_122 = arith.constant 0 : i32
    %dma_start3A_123 = arith.constant 0 : i32
    %dma_start3A_124 = tpu.memref_slice %arg11[%dma_start3A_115, %dma_start3A_122, %dma_start3A_123] : memref<3x1x128xi32, #tpu.memory_space<vmem>> -> memref<1x1x128xi32, #tpu.memory_space<vmem>>
    %dma_start3A_125 = tpu.memref_squeeze %dma_start3A_124 : memref<1x1x128xi32, #tpu.memory_space<vmem>> -> memref<1x128xi32, #tpu.memory_space<vmem>>
    %dma_start3A_126 = arith.constant 0 : i32
    %dma_start3A_127 = tpu.memref_slice %arg4[%add3A_101, %dma_start3A_126] : memref<2568x128xi32, #tpu.memory_space<hbm>> -> memref<1x128xi32, #tpu.memory_space<hbm>>
    tpu.enqueue_dma source(%dma_start3A_127 : memref<1x128xi32, #tpu.memory_space<hbm>>) target(%dma_start3A_125 : memref<1x128xi32, #tpu.memory_space<vmem>>) target_semaphore(%arg15 : memref<!tpu.dma_semaphore, #tpu.memory_space<semaphore_mem>>)
    %add3A_128 = arith.constant 1 : i32
    %add3A_129 = arith.addi %mul3A_4, %add3A_128 : i32
    %dma_wait3A_130 = arith.constant 1 : i32
    %dma_wait3A_131 = arith.constant 0 : i32
    %dma_wait3A_132 = arith.constant 0 : i32
    %dma_wait3A_133 = tpu.memref_slice %arg10[%dma_wait3A_130, %dma_wait3A_131, %dma_wait3A_132] : memref<3x1x128xi32, #tpu.memory_space<vmem>> -> memref<1x1x128xi32, #tpu.memory_space<vmem>>
    %dma_wait3A_134 = tpu.memref_squeeze %dma_wait3A_133 : memref<1x1x128xi32, #tpu.memory_space<vmem>> -> memref<1x128xi32, #tpu.memory_space<vmem>>
    %dma_wait3A_135 = arith.constant 0 : i32
    %dma_wait3A_136 = tpu.memref_slice %arg3[%add3A_129, %dma_wait3A_135] : memref<2568x128xi32, #tpu.memory_space<hbm>> -> memref<1x128xi32, #tpu.memory_space<hbm>>
    %dma_wait3A_137 = arith.constant 0 : i32
    %dma_wait3A_138 = arith.constant 0 : i32
    %dma_wait3A_139 = tpu.memref_slice %arg10[%dma_wait3A_130, %dma_wait3A_137, %dma_wait3A_138] : memref<3x1x128xi32, #tpu.memory_space<vmem>> -> memref<1x1x128xi32, #tpu.memory_space<vmem>>
    %dma_wait3A_140 = tpu.memref_squeeze %dma_wait3A_139 : memref<1x1x128xi32, #tpu.memory_space<vmem>> -> memref<1x128xi32, #tpu.memory_space<vmem>>
    %dma_wait3A_141 = arith.constant 0 : i32
    %dma_wait3A_142 = tpu.memref_slice %arg3[%add3A_129, %dma_wait3A_141] : memref<2568x128xi32, #tpu.memory_space<hbm>> -> memref<1x128xi32, #tpu.memory_space<hbm>>
    tpu.wait_dma2 semaphore(%arg15 : memref<!tpu.dma_semaphore, #tpu.memory_space<semaphore_mem>>) src(%dma_wait3A_142 : memref<1x128xi32, #tpu.memory_space<hbm>>) dst(%dma_wait3A_140 : memref<1x128xi32, #tpu.memory_space<vmem>>)
    %dma_wait3A_143 = arith.constant 1 : i32
    %dma_wait3A_144 = arith.constant 0 : i32
    %dma_wait3A_145 = arith.constant 0 : i32
    %dma_wait3A_146 = tpu.memref_slice %arg11[%dma_wait3A_143, %dma_wait3A_144, %dma_wait3A_145] : memref<3x1x128xi32, #tpu.memory_space<vmem>> -> memref<1x1x128xi32, #tpu.memory_space<vmem>>
    %dma_wait3A_147 = tpu.memref_squeeze %dma_wait3A_146 : memref<1x1x128xi32, #tpu.memory_space<vmem>> -> memref<1x128xi32, #tpu.memory_space<vmem>>
    %dma_wait3A_148 = arith.constant 0 : i32
    %dma_wait3A_149 = tpu.memref_slice %arg4[%add3A_129, %dma_wait3A_148] : memref<2568x128xi32, #tpu.memory_space<hbm>> -> memref<1x128xi32, #tpu.memory_space<hbm>>
    %dma_wait3A_150 = arith.constant 0 : i32
    %dma_wait3A_151 = arith.constant 0 : i32
    %dma_wait3A_152 = tpu.memref_slice %arg11[%dma_wait3A_143, %dma_wait3A_150, %dma_wait3A_151] : memref<3x1x128xi32, #tpu.memory_space<vmem>> -> memref<1x1x128xi32, #tpu.memory_space<vmem>>
    %dma_wait3A_153 = tpu.memref_squeeze %dma_wait3A_152 : memref<1x1x128xi32, #tpu.memory_space<vmem>> -> memref<1x128xi32, #tpu.memory_space<vmem>>
    %dma_wait3A_154 = arith.constant 0 : i32
    %dma_wait3A_155 = tpu.memref_slice %arg4[%add3A_129, %dma_wait3A_154] : memref<2568x128xi32, #tpu.memory_space<hbm>> -> memref<1x128xi32, #tpu.memory_space<hbm>>
    tpu.wait_dma2 semaphore(%arg15 : memref<!tpu.dma_semaphore, #tpu.memory_space<semaphore_mem>>) src(%dma_wait3A_155 : memref<1x128xi32, #tpu.memory_space<hbm>>) dst(%dma_wait3A_153 : memref<1x128xi32, #tpu.memory_space<vmem>>)
    %dma_start3A_156 = arith.constant 1 : i32
    %dma_start3A_157 = arith.constant 0 : i32
    %dma_start3A_158 = arith.constant 1 : i32
    %dma_start3A_159 = arith.constant 0 : i32
    %dma_start3A_160 = arith.constant 0 : i32
    %dma_start3A_161 = tpu.memref_slice %arg12[%dma_start3A_158, %dma_start3A_159, %dma_start3A_160] : memref<2x128x128xf32, #tpu.memory_space<vmem>> -> memref<1x128x128xf32, #tpu.memory_space<vmem>>
    %dma_start3A_162 = tpu.memref_squeeze %dma_start3A_161 : memref<1x128x128xf32, #tpu.memory_space<vmem>> -> memref<128x128xf32, #tpu.memory_space<vmem>>
    %dma_start3A_163 = arith.constant 0 : i32
    %dma_start3A_164 = tpu.memref_slice %arg10[%dma_start3A_156, %dma_start3A_157, %dma_start3A_163] : memref<3x1x128xi32, #tpu.memory_space<vmem>> -> memref<1x1x128xi32, #tpu.memory_space<vmem>>
    %dma_start3A_165 = tpu.memref_squeeze %dma_start3A_164 : memref<1x1x128xi32, #tpu.memory_space<vmem>> -> memref<128xi32, #tpu.memory_space<vmem>>
    %dma_start3A_166 = arith.constant 0 : i32
    %dma_start3A_167 = arith.constant 0 : i32
    %dma_start3A_168 = tpu.memref_slice %arg2[%dma_start3A_166, %dma_start3A_167] : memref<10000x128xf32, #tpu.memory_space<hbm>> -> memref<10000x128xf32, #tpu.memory_space<hbm>>
    tpu.enqueue_indirect_dma source(%dma_start3A_168 : memref<10000x128xf32, #tpu.memory_space<hbm>>) target(%dma_start3A_162 : memref<128x128xf32, #tpu.memory_space<vmem>>) offsets(%dma_start3A_165 : memref<128xi32, #tpu.memory_space<vmem>>) semaphore(%arg14 : memref<!tpu.dma_semaphore, #tpu.memory_space<semaphore_mem>>)
    %dma_wait3A_169 = arith.constant 0 : i32
    %dma_wait3A_170 = arith.constant 0 : i32
    %dma_wait3A_171 = arith.constant 0 : i32
    %dma_wait3A_172 = arith.constant 0 : i32
    %dma_wait3A_173 = arith.constant 0 : i32
    %dma_wait3A_174 = tpu.memref_slice %arg12[%dma_wait3A_171, %dma_wait3A_172, %dma_wait3A_173] : memref<2x128x128xf32, #tpu.memory_space<vmem>> -> memref<1x128x128xf32, #tpu.memory_space<vmem>>
    %dma_wait3A_175 = tpu.memref_squeeze %dma_wait3A_174 : memref<1x128x128xf32, #tpu.memory_space<vmem>> -> memref<128x128xf32, #tpu.memory_space<vmem>>
    %dma_wait3A_176 = arith.constant 0 : i32
    %dma_wait3A_177 = tpu.memref_slice %arg10[%dma_wait3A_169, %dma_wait3A_170, %dma_wait3A_176] : memref<3x1x128xi32, #tpu.memory_space<vmem>> -> memref<1x1x128xi32, #tpu.memory_space<vmem>>
    %dma_wait3A_178 = tpu.memref_squeeze %dma_wait3A_177 : memref<1x1x128xi32, #tpu.memory_space<vmem>> -> memref<128xi32, #tpu.memory_space<vmem>>
    %dma_wait3A_179 = arith.constant 0 : i32
    %dma_wait3A_180 = arith.constant 0 : i32
    %dma_wait3A_181 = tpu.memref_slice %arg2[%dma_wait3A_179, %dma_wait3A_180] : memref<10000x128xf32, #tpu.memory_space<hbm>> -> memref<10000x128xf32, #tpu.memory_space<hbm>>
    tpu.wait_indirect_dma semaphore(%arg14 : memref<!tpu.dma_semaphore, #tpu.memory_space<semaphore_mem>>) src(%dma_wait3A_181 : memref<10000x128xf32, #tpu.memory_space<hbm>>) dst(%dma_wait3A_175 : memref<128x128xf32, #tpu.memory_space<vmem>>)
    %dma_start3A_182 = arith.constant 0 : i32
    %dma_start3A_183 = arith.constant 0 : i32
    %dma_start3A_184 = arith.constant 0 : i32
    %dma_start3A_185 = arith.constant 0 : i32
    %dma_start3A_186 = arith.constant 0 : i32
    %dma_start3A_187 = tpu.memref_slice %arg12[%dma_start3A_182, %dma_start3A_185, %dma_start3A_186] : memref<2x128x128xf32, #tpu.memory_space<vmem>> -> memref<1x128x128xf32, #tpu.memory_space<vmem>>
    %dma_start3A_188 = tpu.memref_squeeze %dma_start3A_187 : memref<1x128x128xf32, #tpu.memory_space<vmem>> -> memref<128x128xf32, #tpu.memory_space<vmem>>
    %dma_start3A_189 = arith.constant 0 : i32
    %dma_start3A_190 = tpu.memref_slice %arg11[%dma_start3A_183, %dma_start3A_184, %dma_start3A_189] : memref<3x1x128xi32, #tpu.memory_space<vmem>> -> memref<1x1x128xi32, #tpu.memory_space<vmem>>
    %dma_start3A_191 = tpu.memref_squeeze %dma_start3A_190 : memref<1x1x128xi32, #tpu.memory_space<vmem>> -> memref<128xi32, #tpu.memory_space<vmem>>
    %dma_start3A_192 = arith.constant 0 : i32
    %dma_start3A_193 = arith.constant 0 : i32
    %dma_start3A_194 = tpu.memref_slice %arg13[%dma_start3A_192, %dma_start3A_193] : memref<10240x128xf32, #tpu.memory_space<vmem_shared>> -> memref<10240x128xf32, #tpu.memory_space<vmem_shared>>
    tpu.enqueue_indirect_dma source(%dma_start3A_188 : memref<128x128xf32, #tpu.memory_space<vmem>>) target(%dma_start3A_194 : memref<10240x128xf32, #tpu.memory_space<vmem_shared>>) offsets(%dma_start3A_191 : memref<128xi32, #tpu.memory_space<vmem>>) semaphore(%arg16 : memref<!tpu.dma_semaphore, #tpu.memory_space<semaphore_mem>>) {add = true}
    %dma_start3A_195 = arith.constant 0 : i32
    %dma_start3A_196 = arith.constant 0 : i32
    %dma_start3A_197 = arith.constant 0 : i32
    %dma_start3A_198 = tpu.memref_slice %arg11[%dma_start3A_195, %dma_start3A_196, %dma_start3A_197] : memref<3x1x128xi32, #tpu.memory_space<vmem>> -> memref<1x1x128xi32, #tpu.memory_space<vmem>>
    %dma_start3A_199 = tpu.memref_squeeze %dma_start3A_198 : memref<1x1x128xi32, #tpu.memory_space<vmem>> -> memref<128xi32, #tpu.memory_space<vmem>>
    %dma_start3A_200 = arith.constant 0 : i32
    %dma_start3A_201 = tpu.memref_slice %arg18[%dma_start3A_200] : memref<10240xf32, #tpu.memory_space<vmem_shared>> -> memref<10240xf32, #tpu.memory_space<vmem_shared>>
    tpu.enqueue_indirect_dma source(%arg17 : memref<128xf32, #tpu.memory_space<vmem>>) target(%dma_start3A_201 : memref<10240xf32, #tpu.memory_space<vmem_shared>>) offsets(%dma_start3A_199 : memref<128xi32, #tpu.memory_space<vmem>>) semaphore(%arg19 : memref<!tpu.dma_semaphore, #tpu.memory_space<semaphore_mem>>) {add = true}
    %scan3A = arith.constant 0 : i32
    %scan3A_202 = arith.constant 0 : i32
    %scan3A_203 = arith.constant 13 : i32
    %scan3A_204 = arith.addi %scan3A_202, %scan3A_203 : i32
    %scan3A_205 = arith.constant 1 : i32
    scf.for %scan3A_309 = %scan3A_202 to %scan3A_204 step %scan3A_205  : i32 {
      %mul3A_310 = arith.constant 6 : i32
      %mul3A_311 = arith.muli %scan3A_309, %mul3A_310 : i32
      %add3A_312 = arith.constant 1 : i32
      %add3A_313 = arith.addi %mul3A_311, %add3A_312 : i32
      %add3A_314 = arith.constant 0 : i32
      %add3A_315 = arith.addi %add3A_313, %add3A_314 : i32
      %dma_wait3A_316 = arith.constant 0 : i32
      %dma_wait3A_317 = arith.constant 0 : i32
      %dma_wait3A_318 = arith.constant 0 : i32
      %dma_wait3A_319 = arith.constant 0 : i32
      %dma_wait3A_320 = arith.constant 0 : i32
      %dma_wait3A_321 = tpu.memref_slice %arg12[%dma_wait3A_316, %dma_wait3A_319, %dma_wait3A_320] : memref<2x128x128xf32, #tpu.memory_space<vmem>> -> memref<1x128x128xf32, #tpu.memory_space<vmem>>
      %dma_wait3A_322 = tpu.memref_squeeze %dma_wait3A_321 : memref<1x128x128xf32, #tpu.memory_space<vmem>> -> memref<128x128xf32, #tpu.memory_space<vmem>>
      %dma_wait3A_323 = arith.constant 0 : i32
      %dma_wait3A_324 = tpu.memref_slice %arg11[%dma_wait3A_317, %dma_wait3A_318, %dma_wait3A_323] : memref<3x1x128xi32, #tpu.memory_space<vmem>> -> memref<1x1x128xi32, #tpu.memory_space<vmem>>
      %dma_wait3A_325 = tpu.memref_squeeze %dma_wait3A_324 : memref<1x1x128xi32, #tpu.memory_space<vmem>> -> memref<128xi32, #tpu.memory_space<vmem>>
      %dma_wait3A_326 = arith.constant 0 : i32
      %dma_wait3A_327 = arith.constant 0 : i32
      %dma_wait3A_328 = tpu.memref_slice %arg13[%dma_wait3A_326, %dma_wait3A_327] : memref<10240x128xf32, #tpu.memory_space<vmem_shared>> -> memref<10240x128xf32, #tpu.memory_space<vmem_shared>>
      tpu.wait_indirect_dma semaphore(%arg16 : memref<!tpu.dma_semaphore, #tpu.memory_space<semaphore_mem>>) src(%dma_wait3A_322 : memref<128x128xf32, #tpu.memory_space<vmem>>) dst(%dma_wait3A_328 : memref<10240x128xf32, #tpu.memory_space<vmem_shared>>)
      %dma_wait3A_329 = arith.constant 0 : i32
      %dma_wait3A_330 = arith.constant 0 : i32
      %dma_wait3A_331 = arith.constant 0 : i32
      %dma_wait3A_332 = tpu.memref_slice %arg11[%dma_wait3A_329, %dma_wait3A_330, %dma_wait3A_331] : memref<3x1x128xi32, #tpu.memory_space<vmem>> -> memref<1x1x128xi32, #tpu.memory_space<vmem>>
      %dma_wait3A_333 = tpu.memref_squeeze %dma_wait3A_332 : memref<1x1x128xi32, #tpu.memory_space<vmem>> -> memref<128xi32, #tpu.memory_space<vmem>>
      %dma_wait3A_334 = arith.constant 0 : i32
      %dma_wait3A_335 = tpu.memref_slice %arg18[%dma_wait3A_334] : memref<10240xf32, #tpu.memory_space<vmem_shared>> -> memref<10240xf32, #tpu.memory_space<vmem_shared>>
      tpu.wait_indirect_dma semaphore(%arg19 : memref<!tpu.dma_semaphore, #tpu.memory_space<semaphore_mem>>) src(%arg17 : memref<128xf32, #tpu.memory_space<vmem>>) dst(%dma_wait3A_335 : memref<10240xf32, #tpu.memory_space<vmem_shared>>)
      %add3A_336 = arith.constant 2 : i32
      %add3A_337 = arith.addi %add3A_315, %add3A_336 : i32
      %mul3A_338 = arith.constant 1 : i32
      %mul3A_339 = arith.muli %add3A_337, %mul3A_338 : i32
      %add3A_340 = arith.addi %mul3A_4, %mul3A_339 : i32
      %dma_start3A_341 = arith.constant 0 : i32
      %dma_start3A_342 = arith.constant 0 : i32
      %dma_start3A_343 = arith.constant 0 : i32
      %dma_start3A_344 = tpu.memref_slice %arg10[%dma_start3A_341, %dma_start3A_342, %dma_start3A_343] : memref<3x1x128xi32, #tpu.memory_space<vmem>> -> memref<1x1x128xi32, #tpu.memory_space<vmem>>
      %dma_start3A_345 = tpu.memref_squeeze %dma_start3A_344 : memref<1x1x128xi32, #tpu.memory_space<vmem>> -> memref<1x128xi32, #tpu.memory_space<vmem>>
      %dma_start3A_346 = arith.constant 0 : i32
      %dma_start3A_347 = tpu.memref_slice %arg3[%add3A_340, %dma_start3A_346] : memref<2568x128xi32, #tpu.memory_space<hbm>> -> memref<1x128xi32, #tpu.memory_space<hbm>>
      %dma_start3A_348 = arith.constant 0 : i32
      %dma_start3A_349 = arith.constant 0 : i32
      %dma_start3A_350 = tpu.memref_slice %arg10[%dma_start3A_341, %dma_start3A_348, %dma_start3A_349] : memref<3x1x128xi32, #tpu.memory_space<vmem>> -> memref<1x1x128xi32, #tpu.memory_space<vmem>>
      %dma_start3A_351 = tpu.memref_squeeze %dma_start3A_350 : memref<1x1x128xi32, #tpu.memory_space<vmem>> -> memref<1x128xi32, #tpu.memory_space<vmem>>
      %dma_start3A_352 = arith.constant 0 : i32
      %dma_start3A_353 = tpu.memref_slice %arg3[%add3A_340, %dma_start3A_352] : memref<2568x128xi32, #tpu.memory_space<hbm>> -> memref<1x128xi32, #tpu.memory_space<hbm>>
      tpu.enqueue_dma source(%dma_start3A_353 : memref<1x128xi32, #tpu.memory_space<hbm>>) target(%dma_start3A_351 : memref<1x128xi32, #tpu.memory_space<vmem>>) target_semaphore(%arg15 : memref<!tpu.dma_semaphore, #tpu.memory_space<semaphore_mem>>)
      %dma_start3A_354 = arith.constant 0 : i32
      %dma_start3A_355 = arith.constant 0 : i32
      %dma_start3A_356 = arith.constant 0 : i32
      %dma_start3A_357 = tpu.memref_slice %arg11[%dma_start3A_354, %dma_start3A_355, %dma_start3A_356] : memref<3x1x128xi32, #tpu.memory_space<vmem>> -> memref<1x1x128xi32, #tpu.memory_space<vmem>>
      %dma_start3A_358 = tpu.memref_squeeze %dma_start3A_357 : memref<1x1x128xi32, #tpu.memory_space<vmem>> -> memref<1x128xi32, #tpu.memory_space<vmem>>
      %dma_start3A_359 = arith.constant 0 : i32
      %dma_start3A_360 = tpu.memref_slice %arg4[%add3A_340, %dma_start3A_359] : memref<2568x128xi32, #tpu.memory_space<hbm>> -> memref<1x128xi32, #tpu.memory_space<hbm>>
      %dma_start3A_361 = arith.constant 0 : i32
      %dma_start3A_362 = arith.constant 0 : i32
      %dma_start3A_363 = tpu.memref_slice %arg11[%dma_start3A_354, %dma_start3A_361, %dma_start3A_362] : memref<3x1x128xi32, #tpu.memory_space<vmem>> -> memref<1x1x128xi32, #tpu.memory_space<vmem>>
      %dma_start3A_364 = tpu.memref_squeeze %dma_start3A_363 : memref<1x1x128xi32, #tpu.memory_space<vmem>> -> memref<1x128xi32, #tpu.memory_space<vmem>>
      %dma_start3A_365 = arith.constant 0 : i32
      %dma_start3A_366 = tpu.memref_slice %arg4[%add3A_340, %dma_start3A_365] : memref<2568x128xi32, #tpu.memory_space<hbm>> -> memref<1x128xi32, #tpu.memory_space<hbm>>
      tpu.enqueue_dma source(%dma_start3A_366 : memref<1x128xi32, #tpu.memory_space<hbm>>) target(%dma_start3A_364 : memref<1x128xi32, #tpu.memory_space<vmem>>) target_semaphore(%arg15 : memref<!tpu.dma_semaphore, #tpu.memory_space<semaphore_mem>>)
      %add3A_367 = arith.constant 1 : i32
      %add3A_368 = arith.addi %add3A_315, %add3A_367 : i32
      %mul3A_369 = arith.constant 1 : i32
      %mul3A_370 = arith.muli %add3A_368, %mul3A_369 : i32
      %add3A_371 = arith.addi %mul3A_4, %mul3A_370 : i32
      %dma_wait3A_372 = arith.constant 2 : i32
      %dma_wait3A_373 = arith.constant 0 : i32
      %dma_wait3A_374 = arith.constant 0 : i32
      %dma_wait3A_375 = tpu.memref_slice %arg10[%dma_wait3A_372, %dma_wait3A_373, %dma_wait3A_374] : memref<3x1x128xi32, #tpu.memory_space<vmem>> -> memref<1x1x128xi32, #tpu.memory_space<vmem>>
      %dma_wait3A_376 = tpu.memref_squeeze %dma_wait3A_375 : memref<1x1x128xi32, #tpu.memory_space<vmem>> -> memref<1x128xi32, #tpu.memory_space<vmem>>
      %dma_wait3A_377 = arith.constant 0 : i32
      %dma_wait3A_378 = tpu.memref_slice %arg3[%add3A_371, %dma_wait3A_377] : memref<2568x128xi32, #tpu.memory_space<hbm>> -> memref<1x128xi32, #tpu.memory_space<hbm>>
      %dma_wait3A_379 = arith.constant 0 : i32
      %dma_wait3A_380 = arith.constant 0 : i32
      %dma_wait3A_381 = tpu.memref_slice %arg10[%dma_wait3A_372, %dma_wait3A_379, %dma_wait3A_380] : memref<3x1x128xi32, #tpu.memory_space<vmem>> -> memref<1x1x128xi32, #tpu.memory_space<vmem>>
      %dma_wait3A_382 = tpu.memref_squeeze %dma_wait3A_381 : memref<1x1x128xi32, #tpu.memory_space<vmem>> -> memref<1x128xi32, #tpu.memory_space<vmem>>
      %dma_wait3A_383 = arith.constant 0 : i32
      %dma_wait3A_384 = tpu.memref_slice %arg3[%add3A_371, %dma_wait3A_383] : memref<2568x128xi32, #tpu.memory_space<hbm>> -> memref<1x128xi32, #tpu.memory_space<hbm>>
      tpu.wait_dma2 semaphore(%arg15 : memref<!tpu.dma_semaphore, #tpu.memory_space<semaphore_mem>>) src(%dma_wait3A_384 : memref<1x128xi32, #tpu.memory_space<hbm>>) dst(%dma_wait3A_382 : memref<1x128xi32, #tpu.memory_space<vmem>>)
      %dma_wait3A_385 = arith.constant 2 : i32
      %dma_wait3A_386 = arith.constant 0 : i32
      %dma_wait3A_387 = arith.constant 0 : i32
      %dma_wait3A_388 = tpu.memref_slice %arg11[%dma_wait3A_385, %dma_wait3A_386, %dma_wait3A_387] : memref<3x1x128xi32, #tpu.memory_space<vmem>> -> memref<1x1x128xi32, #tpu.memory_space<vmem>>
      %dma_wait3A_389 = tpu.memref_squeeze %dma_wait3A_388 : memref<1x1x128xi32, #tpu.memory_space<vmem>> -> memref<1x128xi32, #tpu.memory_space<vmem>>
      %dma_wait3A_390 = arith.constant 0 : i32
      %dma_wait3A_391 = tpu.memref_slice %arg4[%add3A_371, %dma_wait3A_390] : memref<2568x128xi32, #tpu.memory_space<hbm>> -> memref<1x128xi32, #tpu.memory_space<hbm>>
      %dma_wait3A_392 = arith.constant 0 : i32
      %dma_wait3A_393 = arith.constant 0 : i32
      %dma_wait3A_394 = tpu.memref_slice %arg11[%dma_wait3A_385, %dma_wait3A_392, %dma_wait3A_393] : memref<3x1x128xi32, #tpu.memory_space<vmem>> -> memref<1x1x128xi32, #tpu.memory_space<vmem>>
      %dma_wait3A_395 = tpu.memref_squeeze %dma_wait3A_394 : memref<1x1x128xi32, #tpu.memory_space<vmem>> -> memref<1x128xi32, #tpu.memory_space<vmem>>
      %dma_wait3A_396 = arith.constant 0 : i32
      %dma_wait3A_397 = tpu.memref_slice %arg4[%add3A_371, %dma_wait3A_396] : memref<2568x128xi32, #tpu.memory_space<hbm>> -> memref<1x128xi32, #tpu.memory_space<hbm>>
      tpu.wait_dma2 semaphore(%arg15 : memref<!tpu.dma_semaphore, #tpu.memory_space<semaphore_mem>>) src(%dma_wait3A_397 : memref<1x128xi32, #tpu.memory_space<hbm>>) dst(%dma_wait3A_395 : memref<1x128xi32, #tpu.memory_space<vmem>>)
      %dma_start3A_398 = arith.constant 2 : i32
      %dma_start3A_399 = arith.constant 0 : i32
      %dma_start3A_400 = arith.constant 0 : i32
      %dma_start3A_401 = arith.constant 0 : i32
      %dma_start3A_402 = arith.constant 0 : i32
      %dma_start3A_403 = tpu.memref_slice %arg12[%dma_start3A_400, %dma_start3A_401, %dma_start3A_402] : memref<2x128x128xf32, #tpu.memory_space<vmem>> -> memref<1x128x128xf32, #tpu.memory_space<vmem>>
      %dma_start3A_404 = tpu.memref_squeeze %dma_start3A_403 : memref<1x128x128xf32, #tpu.memory_space<vmem>> -> memref<128x128xf32, #tpu.memory_space<vmem>>
      %dma_start3A_405 = arith.constant 0 : i32
      %dma_start3A_406 = tpu.memref_slice %arg10[%dma_start3A_398, %dma_start3A_399, %dma_start3A_405] : memref<3x1x128xi32, #tpu.memory_space<vmem>> -> memref<1x1x128xi32, #tpu.memory_space<vmem>>
      %dma_start3A_407 = tpu.memref_squeeze %dma_start3A_406 : memref<1x1x128xi32, #tpu.memory_space<vmem>> -> memref<128xi32, #tpu.memory_space<vmem>>
      %dma_start3A_408 = arith.constant 0 : i32
      %dma_start3A_409 = arith.constant 0 : i32
      %dma_start3A_410 = tpu.memref_slice %arg2[%dma_start3A_408, %dma_start3A_409] : memref<10000x128xf32, #tpu.memory_space<hbm>> -> memref<10000x128xf32, #tpu.memory_space<hbm>>
      tpu.enqueue_indirect_dma source(%dma_start3A_410 : memref<10000x128xf32, #tpu.memory_space<hbm>>) target(%dma_start3A_404 : memref<128x128xf32, #tpu.memory_space<vmem>>) offsets(%dma_start3A_407 : memref<128xi32, #tpu.memory_space<vmem>>) semaphore(%arg14 : memref<!tpu.dma_semaphore, #tpu.memory_space<semaphore_mem>>)
      %dma_wait3A_411 = arith.constant 1 : i32
      %dma_wait3A_412 = arith.constant 0 : i32
      %dma_wait3A_413 = arith.constant 1 : i32
      %dma_wait3A_414 = arith.constant 0 : i32
      %dma_wait3A_415 = arith.constant 0 : i32
      %dma_wait3A_416 = tpu.memref_slice %arg12[%dma_wait3A_413, %dma_wait3A_414, %dma_wait3A_415] : memref<2x128x128xf32, #tpu.memory_space<vmem>> -> memref<1x128x128xf32, #tpu.memory_space<vmem>>
      %dma_wait3A_417 = tpu.memref_squeeze %dma_wait3A_416 : memref<1x128x128xf32, #tpu.memory_space<vmem>> -> memref<128x128xf32, #tpu.memory_space<vmem>>
      %dma_wait3A_418 = arith.constant 0 : i32
      %dma_wait3A_419 = tpu.memref_slice %arg10[%dma_wait3A_411, %dma_wait3A_412, %dma_wait3A_418] : memref<3x1x128xi32, #tpu.memory_space<vmem>> -> memref<1x1x128xi32, #tpu.memory_space<vmem>>
      %dma_wait3A_420 = tpu.memref_squeeze %dma_wait3A_419 : memref<1x1x128xi32, #tpu.memory_space<vmem>> -> memref<128xi32, #tpu.memory_space<vmem>>
      %dma_wait3A_421 = arith.constant 0 : i32
      %dma_wait3A_422 = arith.constant 0 : i32
      %dma_wait3A_423 = tpu.memref_slice %arg2[%dma_wait3A_421, %dma_wait3A_422] : memref<10000x128xf32, #tpu.memory_space<hbm>> -> memref<10000x128xf32, #tpu.memory_space<hbm>>
      tpu.wait_indirect_dma semaphore(%arg14 : memref<!tpu.dma_semaphore, #tpu.memory_space<semaphore_mem>>) src(%dma_wait3A_423 : memref<10000x128xf32, #tpu.memory_space<hbm>>) dst(%dma_wait3A_417 : memref<128x128xf32, #tpu.memory_space<vmem>>)
      %dma_start3A_424 = arith.constant 1 : i32
      %dma_start3A_425 = arith.constant 1 : i32
      %dma_start3A_426 = arith.constant 0 : i32
      %dma_start3A_427 = arith.constant 0 : i32
      %dma_start3A_428 = arith.constant 0 : i32
      %dma_start3A_429 = tpu.memref_slice %arg12[%dma_start3A_424, %dma_start3A_427, %dma_start3A_428] : memref<2x128x128xf32, #tpu.memory_space<vmem>> -> memref<1x128x128xf32, #tpu.memory_space<vmem>>
      %dma_start3A_430 = tpu.memref_squeeze %dma_start3A_429 : memref<1x128x128xf32, #tpu.memory_space<vmem>> -> memref<128x128xf32, #tpu.memory_space<vmem>>
      %dma_start3A_431 = arith.constant 0 : i32
      %dma_start3A_432 = tpu.memref_slice %arg11[%dma_start3A_425, %dma_start3A_426, %dma_start3A_431] : memref<3x1x128xi32, #tpu.memory_space<vmem>> -> memref<1x1x128xi32, #tpu.memory_space<vmem>>
      %dma_start3A_433 = tpu.memref_squeeze %dma_start3A_432 : memref<1x1x128xi32, #tpu.memory_space<vmem>> -> memref<128xi32, #tpu.memory_space<vmem>>
      %dma_start3A_434 = arith.constant 0 : i32
      %dma_start3A_435 = arith.constant 0 : i32
      %dma_start3A_436 = tpu.memref_slice %arg13[%dma_start3A_434, %dma_start3A_435] : memref<10240x128xf32, #tpu.memory_space<vmem_shared>> -> memref<10240x128xf32, #tpu.memory_space<vmem_shared>>
      tpu.enqueue_indirect_dma source(%dma_start3A_430 : memref<128x128xf32, #tpu.memory_space<vmem>>) target(%dma_start3A_436 : memref<10240x128xf32, #tpu.memory_space<vmem_shared>>) offsets(%dma_start3A_433 : memref<128xi32, #tpu.memory_space<vmem>>) semaphore(%arg16 : memref<!tpu.dma_semaphore, #tpu.memory_space<semaphore_mem>>) {add = true}
      %dma_start3A_437 = arith.constant 1 : i32
      %dma_start3A_438 = arith.constant 0 : i32
      %dma_start3A_439 = arith.constant 0 : i32
      %dma_start3A_440 = tpu.memref_slice %arg11[%dma_start3A_437, %dma_start3A_438, %dma_start3A_439] : memref<3x1x128xi32, #tpu.memory_space<vmem>> -> memref<1x1x128xi32, #tpu.memory_space<vmem>>
      %dma_start3A_441 = tpu.memref_squeeze %dma_start3A_440 : memref<1x1x128xi32, #tpu.memory_space<vmem>> -> memref<128xi32, #tpu.memory_space<vmem>>
      %dma_start3A_442 = arith.constant 0 : i32
      %dma_start3A_443 = tpu.memref_slice %arg18[%dma_start3A_442] : memref<10240xf32, #tpu.memory_space<vmem_shared>> -> memref<10240xf32, #tpu.memory_space<vmem_shared>>
      tpu.enqueue_indirect_dma source(%arg17 : memref<128xf32, #tpu.memory_space<vmem>>) target(%dma_start3A_443 : memref<10240xf32, #tpu.memory_space<vmem_shared>>) offsets(%dma_start3A_441 : memref<128xi32, #tpu.memory_space<vmem>>) semaphore(%arg19 : memref<!tpu.dma_semaphore, #tpu.memory_space<semaphore_mem>>) {add = true}
      %add3A_444 = arith.constant 1 : i32
      %add3A_445 = arith.addi %add3A_313, %add3A_444 : i32
      %dma_wait3A_446 = arith.constant 1 : i32
      %dma_wait3A_447 = arith.constant 1 : i32
      %dma_wait3A_448 = arith.constant 0 : i32
      %dma_wait3A_449 = arith.constant 0 : i32
      %dma_wait3A_450 = arith.constant 0 : i32
      %dma_wait3A_451 = tpu.memref_slice %arg12[%dma_wait3A_446, %dma_wait3A_449, %dma_wait3A_450] : memref<2x128x128xf32, #tpu.memory_space<vmem>> -> memref<1x128x128xf32, #tpu.memory_space<vmem>>
      %dma_wait3A_452 = tpu.memref_squeeze %dma_wait3A_451 : memref<1x128x128xf32, #tpu.memory_space<vmem>> -> memref<128x128xf32, #tpu.memory_space<vmem>>
      %dma_wait3A_453 = arith.constant 0 : i32
      %dma_wait3A_454 = tpu.memref_slice %arg11[%dma_wait3A_447, %dma_wait3A_448, %dma_wait3A_453] : memref<3x1x128xi32, #tpu.memory_space<vmem>> -> memref<1x1x128xi32, #tpu.memory_space<vmem>>
      %dma_wait3A_455 = tpu.memref_squeeze %dma_wait3A_454 : memref<1x1x128xi32, #tpu.memory_space<vmem>> -> memref<128xi32, #tpu.memory_space<vmem>>
      %dma_wait3A_456 = arith.constant 0 : i32
      %dma_wait3A_457 = arith.constant 0 : i32
      %dma_wait3A_458 = tpu.memref_slice %arg13[%dma_wait3A_456, %dma_wait3A_457] : memref<10240x128xf32, #tpu.memory_space<vmem_shared>> -> memref<10240x128xf32, #tpu.memory_space<vmem_shared>>
      tpu.wait_indirect_dma semaphore(%arg16 : memref<!tpu.dma_semaphore, #tpu.memory_space<semaphore_mem>>) src(%dma_wait3A_452 : memref<128x128xf32, #tpu.memory_space<vmem>>) dst(%dma_wait3A_458 : memref<10240x128xf32, #tpu.memory_space<vmem_shared>>)
      %dma_wait3A_459 = arith.constant 1 : i32
      %dma_wait3A_460 = arith.constant 0 : i32
      %dma_wait3A_461 = arith.constant 0 : i32
      %dma_wait3A_462 = tpu.memref_slice %arg11[%dma_wait3A_459, %dma_wait3A_460, %dma_wait3A_461] : memref<3x1x128xi32, #tpu.memory_space<vmem>> -> memref<1x1x128xi32, #tpu.memory_space<vmem>>
      %dma_wait3A_463 = tpu.memref_squeeze %dma_wait3A_462 : memref<1x1x128xi32, #tpu.memory_space<vmem>> -> memref<128xi32, #tpu.memory_space<vmem>>
      %dma_wait3A_464 = arith.constant 0 : i32
      %dma_wait3A_465 = tpu.memref_slice %arg18[%dma_wait3A_464] : memref<10240xf32, #tpu.memory_space<vmem_shared>> -> memref<10240xf32, #tpu.memory_space<vmem_shared>>
      tpu.wait_indirect_dma semaphore(%arg19 : memref<!tpu.dma_semaphore, #tpu.memory_space<semaphore_mem>>) src(%arg17 : memref<128xf32, #tpu.memory_space<vmem>>) dst(%dma_wait3A_465 : memref<10240xf32, #tpu.memory_space<vmem_shared>>)
      %add3A_466 = arith.constant 2 : i32
      %add3A_467 = arith.addi %add3A_445, %add3A_466 : i32
      %mul3A_468 = arith.constant 1 : i32
      %mul3A_469 = arith.muli %add3A_467, %mul3A_468 : i32
      %add3A_470 = arith.addi %mul3A_4, %mul3A_469 : i32
      %dma_start3A_471 = arith.constant 1 : i32
      %dma_start3A_472 = arith.constant 0 : i32
      %dma_start3A_473 = arith.constant 0 : i32
      %dma_start3A_474 = tpu.memref_slice %arg10[%dma_start3A_471, %dma_start3A_472, %dma_start3A_473] : memref<3x1x128xi32, #tpu.memory_space<vmem>> -> memref<1x1x128xi32, #tpu.memory_space<vmem>>
      %dma_start3A_475 = tpu.memref_squeeze %dma_start3A_474 : memref<1x1x128xi32, #tpu.memory_space<vmem>> -> memref<1x128xi32, #tpu.memory_space<vmem>>
      %dma_start3A_476 = arith.constant 0 : i32
      %dma_start3A_477 = tpu.memref_slice %arg3[%add3A_470, %dma_start3A_476] : memref<2568x128xi32, #tpu.memory_space<hbm>> -> memref<1x128xi32, #tpu.memory_space<hbm>>
      %dma_start3A_478 = arith.constant 0 : i32
      %dma_start3A_479 = arith.constant 0 : i32
      %dma_start3A_480 = tpu.memref_slice %arg10[%dma_start3A_471, %dma_start3A_478, %dma_start3A_479] : memref<3x1x128xi32, #tpu.memory_space<vmem>> -> memref<1x1x128xi32, #tpu.memory_space<vmem>>
      %dma_start3A_481 = tpu.memref_squeeze %dma_start3A_480 : memref<1x1x128xi32, #tpu.memory_space<vmem>> -> memref<1x128xi32, #tpu.memory_space<vmem>>
      %dma_start3A_482 = arith.constant 0 : i32
      %dma_start3A_483 = tpu.memref_slice %arg3[%add3A_470, %dma_start3A_482] : memref<2568x128xi32, #tpu.memory_space<hbm>> -> memref<1x128xi32, #tpu.memory_space<hbm>>
      tpu.enqueue_dma source(%dma_start3A_483 : memref<1x128xi32, #tpu.memory_space<hbm>>) target(%dma_start3A_481 : memref<1x128xi32, #tpu.memory_space<vmem>>) target_semaphore(%arg15 : memref<!tpu.dma_semaphore, #tpu.memory_space<semaphore_mem>>)
      %dma_start3A_484 = arith.constant 1 : i32
      %dma_start3A_485 = arith.constant 0 : i32
      %dma_start3A_486 = arith.constant 0 : i32
      %dma_start3A_487 = tpu.memref_slice %arg11[%dma_start3A_484, %dma_start3A_485, %dma_start3A_486] : memref<3x1x128xi32, #tpu.memory_space<vmem>> -> memref<1x1x128xi32, #tpu.memory_space<vmem>>
      %dma_start3A_488 = tpu.memref_squeeze %dma_start3A_487 : memref<1x1x128xi32, #tpu.memory_space<vmem>> -> memref<1x128xi32, #tpu.memory_space<vmem>>
      %dma_start3A_489 = arith.constant 0 : i32
      %dma_start3A_490 = tpu.memref_slice %arg4[%add3A_470, %dma_start3A_489] : memref<2568x128xi32, #tpu.memory_space<hbm>> -> memref<1x128xi32, #tpu.memory_space<hbm>>
      %dma_start3A_491 = arith.constant 0 : i32
      %dma_start3A_492 = arith.constant 0 : i32
      %dma_start3A_493 = tpu.memref_slice %arg11[%dma_start3A_484, %dma_start3A_491, %dma_start3A_492] : memref<3x1x128xi32, #tpu.memory_space<vmem>> -> memref<1x1x128xi32, #tpu.memory_space<vmem>>
      %dma_start3A_494 = tpu.memref_squeeze %dma_start3A_493 : memref<1x1x128xi32, #tpu.memory_space<vmem>> -> memref<1x128xi32, #tpu.memory_space<vmem>>
      %dma_start3A_495 = arith.constant 0 : i32
      %dma_start3A_496 = tpu.memref_slice %arg4[%add3A_470, %dma_start3A_495] : memref<2568x128xi32, #tpu.memory_space<hbm>> -> memref<1x128xi32, #tpu.memory_space<hbm>>
      tpu.enqueue_dma source(%dma_start3A_496 : memref<1x128xi32, #tpu.memory_space<hbm>>) target(%dma_start3A_494 : memref<1x128xi32, #tpu.memory_space<vmem>>) target_semaphore(%arg15 : memref<!tpu.dma_semaphore, #tpu.memory_space<semaphore_mem>>)
      %add3A_497 = arith.constant 1 : i32
      %add3A_498 = arith.addi %add3A_445, %add3A_497 : i32
      %mul3A_499 = arith.constant 1 : i32
      %mul3A_500 = arith.muli %add3A_498, %mul3A_499 : i32
      %add3A_501 = arith.addi %mul3A_4, %mul3A_500 : i32
      %dma_wait3A_502 = arith.constant 0 : i32
      %dma_wait3A_503 = arith.constant 0 : i32
      %dma_wait3A_504 = arith.constant 0 : i32
      %dma_wait3A_505 = tpu.memref_slice %arg10[%dma_wait3A_502, %dma_wait3A_503, %dma_wait3A_504] : memref<3x1x128xi32, #tpu.memory_space<vmem>> -> memref<1x1x128xi32, #tpu.memory_space<vmem>>
      %dma_wait3A_506 = tpu.memref_squeeze %dma_wait3A_505 : memref<1x1x128xi32, #tpu.memory_space<vmem>> -> memref<1x128xi32, #tpu.memory_space<vmem>>
      %dma_wait3A_507 = arith.constant 0 : i32
      %dma_wait3A_508 = tpu.memref_slice %arg3[%add3A_501, %dma_wait3A_507] : memref<2568x128xi32, #tpu.memory_space<hbm>> -> memref<1x128xi32, #tpu.memory_space<hbm>>
      %dma_wait3A_509 = arith.constant 0 : i32
      %dma_wait3A_510 = arith.constant 0 : i32
      %dma_wait3A_511 = tpu.memref_slice %arg10[%dma_wait3A_502, %dma_wait3A_509, %dma_wait3A_510] : memref<3x1x128xi32, #tpu.memory_space<vmem>> -> memref<1x1x128xi32, #tpu.memory_space<vmem>>
      %dma_wait3A_512 = tpu.memref_squeeze %dma_wait3A_511 : memref<1x1x128xi32, #tpu.memory_space<vmem>> -> memref<1x128xi32, #tpu.memory_space<vmem>>
      %dma_wait3A_513 = arith.constant 0 : i32
      %dma_wait3A_514 = tpu.memref_slice %arg3[%add3A_501, %dma_wait3A_513] : memref<2568x128xi32, #tpu.memory_space<hbm>> -> memref<1x128xi32, #tpu.memory_space<hbm>>
      tpu.wait_dma2 semaphore(%arg15 : memref<!tpu.dma_semaphore, #tpu.memory_space<semaphore_mem>>) src(%dma_wait3A_514 : memref<1x128xi32, #tpu.memory_space<hbm>>) dst(%dma_wait3A_512 : memref<1x128xi32, #tpu.memory_space<vmem>>)
      %dma_wait3A_515 = arith.constant 0 : i32
      %dma_wait3A_516 = arith.constant 0 : i32
      %dma_wait3A_517 = arith.constant 0 : i32
      %dma_wait3A_518 = tpu.memref_slice %arg11[%dma_wait3A_515, %dma_wait3A_516, %dma_wait3A_517] : memref<3x1x128xi32, #tpu.memory_space<vmem>> -> memref<1x1x128xi32, #tpu.memory_space<vmem>>
      %dma_wait3A_519 = tpu.memref_squeeze %dma_wait3A_518 : memref<1x1x128xi32, #tpu.memory_space<vmem>> -> memref<1x128xi32, #tpu.memory_space<vmem>>
      %dma_wait3A_520 = arith.constant 0 : i32
      %dma_wait3A_521 = tpu.memref_slice %arg4[%add3A_501, %dma_wait3A_520] : memref<2568x128xi32, #tpu.memory_space<hbm>> -> memref<1x128xi32, #tpu.memory_space<hbm>>
      %dma_wait3A_522 = arith.constant 0 : i32
      %dma_wait3A_523 = arith.constant 0 : i32
      %dma_wait3A_524 = tpu.memref_slice %arg11[%dma_wait3A_515, %dma_wait3A_522, %dma_wait3A_523] : memref<3x1x128xi32, #tpu.memory_space<vmem>> -> memref<1x1x128xi32, #tpu.memory_space<vmem>>
      %dma_wait3A_525 = tpu.memref_squeeze %dma_wait3A_524 : memref<1x1x128xi32, #tpu.memory_space<vmem>> -> memref<1x128xi32, #tpu.memory_space<vmem>>
      %dma_wait3A_526 = arith.constant 0 : i32
      %dma_wait3A_527 = tpu.memref_slice %arg4[%add3A_501, %dma_wait3A_526] : memref<2568x128xi32, #tpu.memory_space<hbm>> -> memref<1x128xi32, #tpu.memory_space<hbm>>
      tpu.wait_dma2 semaphore(%arg15 : memref<!tpu.dma_semaphore, #tpu.memory_space<semaphore_mem>>) src(%dma_wait3A_527 : memref<1x128xi32, #tpu.memory_space<hbm>>) dst(%dma_wait3A_525 : memref<1x128xi32, #tpu.memory_space<vmem>>)
      %dma_start3A_528 = arith.constant 0 : i32
      %dma_start3A_529 = arith.constant 0 : i32
      %dma_start3A_530 = arith.constant 1 : i32
      %dma_start3A_531 = arith.constant 0 : i32
      %dma_start3A_532 = arith.constant 0 : i32
      %dma_start3A_533 = tpu.memref_slice %arg12[%dma_start3A_530, %dma_start3A_531, %dma_start3A_532] : memref<2x128x128xf32, #tpu.memory_space<vmem>> -> memref<1x128x128xf32, #tpu.memory_space<vmem>>
      %dma_start3A_534 = tpu.memref_squeeze %dma_start3A_533 : memref<1x128x128xf32, #tpu.memory_space<vmem>> -> memref<128x128xf32, #tpu.memory_space<vmem>>
      %dma_start3A_535 = arith.constant 0 : i32
      %dma_start3A_536 = tpu.memref_slice %arg10[%dma_start3A_528, %dma_start3A_529, %dma_start3A_535] : memref<3x1x128xi32, #tpu.memory_space<vmem>> -> memref<1x1x128xi32, #tpu.memory_space<vmem>>
      %dma_start3A_537 = tpu.memref_squeeze %dma_start3A_536 : memref<1x1x128xi32, #tpu.memory_space<vmem>> -> memref<128xi32, #tpu.memory_space<vmem>>
      %dma_start3A_538 = arith.constant 0 : i32
      %dma_start3A_539 = arith.constant 0 : i32
      %dma_start3A_540 = tpu.memref_slice %arg2[%dma_start3A_538, %dma_start3A_539] : memref<10000x128xf32, #tpu.memory_space<hbm>> -> memref<10000x128xf32, #tpu.memory_space<hbm>>
      tpu.enqueue_indirect_dma source(%dma_start3A_540 : memref<10000x128xf32, #tpu.memory_space<hbm>>) target(%dma_start3A_534 : memref<128x128xf32, #tpu.memory_space<vmem>>) offsets(%dma_start3A_537 : memref<128xi32, #tpu.memory_space<vmem>>) semaphore(%arg14 : memref<!tpu.dma_semaphore, #tpu.memory_space<semaphore_mem>>)
      %dma_wait3A_541 = arith.constant 2 : i32
      %dma_wait3A_542 = arith.constant 0 : i32
      %dma_wait3A_543 = arith.constant 0 : i32
      %dma_wait3A_544 = arith.constant 0 : i32
      %dma_wait3A_545 = arith.constant 0 : i32
      %dma_wait3A_546 = tpu.memref_slice %arg12[%dma_wait3A_543, %dma_wait3A_544, %dma_wait3A_545] : memref<2x128x128xf32, #tpu.memory_space<vmem>> -> memref<1x128x128xf32, #tpu.memory_space<vmem>>
      %dma_wait3A_547 = tpu.memref_squeeze %dma_wait3A_546 : memref<1x128x128xf32, #tpu.memory_space<vmem>> -> memref<128x128xf32, #tpu.memory_space<vmem>>
      %dma_wait3A_548 = arith.constant 0 : i32
      %dma_wait3A_549 = tpu.memref_slice %arg10[%dma_wait3A_541, %dma_wait3A_542, %dma_wait3A_548] : memref<3x1x128xi32, #tpu.memory_space<vmem>> -> memref<1x1x128xi32, #tpu.memory_space<vmem>>
      %dma_wait3A_550 = tpu.memref_squeeze %dma_wait3A_549 : memref<1x1x128xi32, #tpu.memory_space<vmem>> -> memref<128xi32, #tpu.memory_space<vmem>>
      %dma_wait3A_551 = arith.constant 0 : i32
      %dma_wait3A_552 = arith.constant 0 : i32
      %dma_wait3A_553 = tpu.memref_slice %arg2[%dma_wait3A_551, %dma_wait3A_552] : memref<10000x128xf32, #tpu.memory_space<hbm>> -> memref<10000x128xf32, #tpu.memory_space<hbm>>
      tpu.wait_indirect_dma semaphore(%arg14 : memref<!tpu.dma_semaphore, #tpu.memory_space<semaphore_mem>>) src(%dma_wait3A_553 : memref<10000x128xf32, #tpu.memory_space<hbm>>) dst(%dma_wait3A_547 : memref<128x128xf32, #tpu.memory_space<vmem>>)
      %dma_start3A_554 = arith.constant 0 : i32
      %dma_start3A_555 = arith.constant 2 : i32
      %dma_start3A_556 = arith.constant 0 : i32
      %dma_start3A_557 = arith.constant 0 : i32
      %dma_start3A_558 = arith.constant 0 : i32
      %dma_start3A_559 = tpu.memref_slice %arg12[%dma_start3A_554, %dma_start3A_557, %dma_start3A_558] : memref<2x128x128xf32, #tpu.memory_space<vmem>> -> memref<1x128x128xf32, #tpu.memory_space<vmem>>
      %dma_start3A_560 = tpu.memref_squeeze %dma_start3A_559 : memref<1x128x128xf32, #tpu.memory_space<vmem>> -> memref<128x128xf32, #tpu.memory_space<vmem>>
      %dma_start3A_561 = arith.constant 0 : i32
      %dma_start3A_562 = tpu.memref_slice %arg11[%dma_start3A_555, %dma_start3A_556, %dma_start3A_561] : memref<3x1x128xi32, #tpu.memory_space<vmem>> -> memref<1x1x128xi32, #tpu.memory_space<vmem>>
      %dma_start3A_563 = tpu.memref_squeeze %dma_start3A_562 : memref<1x1x128xi32, #tpu.memory_space<vmem>> -> memref<128xi32, #tpu.memory_space<vmem>>
      %dma_start3A_564 = arith.constant 0 : i32
      %dma_start3A_565 = arith.constant 0 : i32
      %dma_start3A_566 = tpu.memref_slice %arg13[%dma_start3A_564, %dma_start3A_565] : memref<10240x128xf32, #tpu.memory_space<vmem_shared>> -> memref<10240x128xf32, #tpu.memory_space<vmem_shared>>
      tpu.enqueue_indirect_dma source(%dma_start3A_560 : memref<128x128xf32, #tpu.memory_space<vmem>>) target(%dma_start3A_566 : memref<10240x128xf32, #tpu.memory_space<vmem_shared>>) offsets(%dma_start3A_563 : memref<128xi32, #tpu.memory_space<vmem>>) semaphore(%arg16 : memref<!tpu.dma_semaphore, #tpu.memory_space<semaphore_mem>>) {add = true}
      %dma_start3A_567 = arith.constant 2 : i32
      %dma_start3A_568 = arith.constant 0 : i32
      %dma_start3A_569 = arith.constant 0 : i32
      %dma_start3A_570 = tpu.memref_slice %arg11[%dma_start3A_567, %dma_start3A_568, %dma_start3A_569] : memref<3x1x128xi32, #tpu.memory_space<vmem>> -> memref<1x1x128xi32, #tpu.memory_space<vmem>>
      %dma_start3A_571 = tpu.memref_squeeze %dma_start3A_570 : memref<1x1x128xi32, #tpu.memory_space<vmem>> -> memref<128xi32, #tpu.memory_space<vmem>>
      %dma_start3A_572 = arith.constant 0 : i32
      %dma_start3A_573 = tpu.memref_slice %arg18[%dma_start3A_572] : memref<10240xf32, #tpu.memory_space<vmem_shared>> -> memref<10240xf32, #tpu.memory_space<vmem_shared>>
      tpu.enqueue_indirect_dma source(%arg17 : memref<128xf32, #tpu.memory_space<vmem>>) target(%dma_start3A_573 : memref<10240xf32, #tpu.memory_space<vmem_shared>>) offsets(%dma_start3A_571 : memref<128xi32, #tpu.memory_space<vmem>>) semaphore(%arg19 : memref<!tpu.dma_semaphore, #tpu.memory_space<semaphore_mem>>) {add = true}
      %add3A_574 = arith.constant 2 : i32
      %add3A_575 = arith.addi %add3A_313, %add3A_574 : i32
      %dma_wait3A_576 = arith.constant 0 : i32
      %dma_wait3A_577 = arith.constant 2 : i32
      %dma_wait3A_578 = arith.constant 0 : i32
      %dma_wait3A_579 = arith.constant 0 : i32
      %dma_wait3A_580 = arith.constant 0 : i32
      %dma_wait3A_581 = tpu.memref_slice %arg12[%dma_wait3A_576, %dma_wait3A_579, %dma_wait3A_580] : memref<2x128x128xf32, #tpu.memory_space<vmem>> -> memref<1x128x128xf32, #tpu.memory_space<vmem>>
      %dma_wait3A_582 = tpu.memref_squeeze %dma_wait3A_581 : memref<1x128x128xf32, #tpu.memory_space<vmem>> -> memref<128x128xf32, #tpu.memory_space<vmem>>
      %dma_wait3A_583 = arith.constant 0 : i32
      %dma_wait3A_584 = tpu.memref_slice %arg11[%dma_wait3A_577, %dma_wait3A_578, %dma_wait3A_583] : memref<3x1x128xi32, #tpu.memory_space<vmem>> -> memref<1x1x128xi32, #tpu.memory_space<vmem>>
      %dma_wait3A_585 = tpu.memref_squeeze %dma_wait3A_584 : memref<1x1x128xi32, #tpu.memory_space<vmem>> -> memref<128xi32, #tpu.memory_space<vmem>>
      %dma_wait3A_586 = arith.constant 0 : i32
      %dma_wait3A_587 = arith.constant 0 : i32
      %dma_wait3A_588 = tpu.memref_slice %arg13[%dma_wait3A_586, %dma_wait3A_587] : memref<10240x128xf32, #tpu.memory_space<vmem_shared>> -> memref<10240x128xf32, #tpu.memory_space<vmem_shared>>
      tpu.wait_indirect_dma semaphore(%arg16 : memref<!tpu.dma_semaphore, #tpu.memory_space<semaphore_mem>>) src(%dma_wait3A_582 : memref<128x128xf32, #tpu.memory_space<vmem>>) dst(%dma_wait3A_588 : memref<10240x128xf32, #tpu.memory_space<vmem_shared>>)
      %dma_wait3A_589 = arith.constant 2 : i32
      %dma_wait3A_590 = arith.constant 0 : i32
      %dma_wait3A_591 = arith.constant 0 : i32
      %dma_wait3A_592 = tpu.memref_slice %arg11[%dma_wait3A_589, %dma_wait3A_590, %dma_wait3A_591] : memref<3x1x128xi32, #tpu.memory_space<vmem>> -> memref<1x1x128xi32, #tpu.memory_space<vmem>>
      %dma_wait3A_593 = tpu.memref_squeeze %dma_wait3A_592 : memref<1x1x128xi32, #tpu.memory_space<vmem>> -> memref<128xi32, #tpu.memory_space<vmem>>
      %dma_wait3A_594 = arith.constant 0 : i32
      %dma_wait3A_595 = tpu.memref_slice %arg18[%dma_wait3A_594] : memref<10240xf32, #tpu.memory_space<vmem_shared>> -> memref<10240xf32, #tpu.memory_space<vmem_shared>>
      tpu.wait_indirect_dma semaphore(%arg19 : memref<!tpu.dma_semaphore, #tpu.memory_space<semaphore_mem>>) src(%arg17 : memref<128xf32, #tpu.memory_space<vmem>>) dst(%dma_wait3A_595 : memref<10240xf32, #tpu.memory_space<vmem_shared>>)
      %add3A_596 = arith.constant 2 : i32
      %add3A_597 = arith.addi %add3A_575, %add3A_596 : i32
      %mul3A_598 = arith.constant 1 : i32
      %mul3A_599 = arith.muli %add3A_597, %mul3A_598 : i32
      %add3A_600 = arith.addi %mul3A_4, %mul3A_599 : i32
      %dma_start3A_601 = arith.constant 2 : i32
      %dma_start3A_602 = arith.constant 0 : i32
      %dma_start3A_603 = arith.constant 0 : i32
      %dma_start3A_604 = tpu.memref_slice %arg10[%dma_start3A_601, %dma_start3A_602, %dma_start3A_603] : memref<3x1x128xi32, #tpu.memory_space<vmem>> -> memref<1x1x128xi32, #tpu.memory_space<vmem>>
      %dma_start3A_605 = tpu.memref_squeeze %dma_start3A_604 : memref<1x1x128xi32, #tpu.memory_space<vmem>> -> memref<1x128xi32, #tpu.memory_space<vmem>>
      %dma_start3A_606 = arith.constant 0 : i32
      %dma_start3A_607 = tpu.memref_slice %arg3[%add3A_600, %dma_start3A_606] : memref<2568x128xi32, #tpu.memory_space<hbm>> -> memref<1x128xi32, #tpu.memory_space<hbm>>
      %dma_start3A_608 = arith.constant 0 : i32
      %dma_start3A_609 = arith.constant 0 : i32
      %dma_start3A_610 = tpu.memref_slice %arg10[%dma_start3A_601, %dma_start3A_608, %dma_start3A_609] : memref<3x1x128xi32, #tpu.memory_space<vmem>> -> memref<1x1x128xi32, #tpu.memory_space<vmem>>
      %dma_start3A_611 = tpu.memref_squeeze %dma_start3A_610 : memref<1x1x128xi32, #tpu.memory_space<vmem>> -> memref<1x128xi32, #tpu.memory_space<vmem>>
      %dma_start3A_612 = arith.constant 0 : i32
      %dma_start3A_613 = tpu.memref_slice %arg3[%add3A_600, %dma_start3A_612] : memref<2568x128xi32, #tpu.memory_space<hbm>> -> memref<1x128xi32, #tpu.memory_space<hbm>>
      tpu.enqueue_dma source(%dma_start3A_613 : memref<1x128xi32, #tpu.memory_space<hbm>>) target(%dma_start3A_611 : memref<1x128xi32, #tpu.memory_space<vmem>>) target_semaphore(%arg15 : memref<!tpu.dma_semaphore, #tpu.memory_space<semaphore_mem>>)
      %dma_start3A_614 = arith.constant 2 : i32
      %dma_start3A_615 = arith.constant 0 : i32
      %dma_start3A_616 = arith.constant 0 : i32
      %dma_start3A_617 = tpu.memref_slice %arg11[%dma_start3A_614, %dma_start3A_615, %dma_start3A_616] : memref<3x1x128xi32, #tpu.memory_space<vmem>> -> memref<1x1x128xi32, #tpu.memory_space<vmem>>
      %dma_start3A_618 = tpu.memref_squeeze %dma_start3A_617 : memref<1x1x128xi32, #tpu.memory_space<vmem>> -> memref<1x128xi32, #tpu.memory_space<vmem>>
      %dma_start3A_619 = arith.constant 0 : i32
      %dma_start3A_620 = tpu.memref_slice %arg4[%add3A_600, %dma_start3A_619] : memref<2568x128xi32, #tpu.memory_space<hbm>> -> memref<1x128xi32, #tpu.memory_space<hbm>>
      %dma_start3A_621 = arith.constant 0 : i32
      %dma_start3A_622 = arith.constant 0 : i32
      %dma_start3A_623 = tpu.memref_slice %arg11[%dma_start3A_614, %dma_start3A_621, %dma_start3A_622] : memref<3x1x128xi32, #tpu.memory_space<vmem>> -> memref<1x1x128xi32, #tpu.memory_space<vmem>>
      %dma_start3A_624 = tpu.memref_squeeze %dma_start3A_623 : memref<1x1x128xi32, #tpu.memory_space<vmem>> -> memref<1x128xi32, #tpu.memory_space<vmem>>
      %dma_start3A_625 = arith.constant 0 : i32
      %dma_start3A_626 = tpu.memref_slice %arg4[%add3A_600, %dma_start3A_625] : memref<2568x128xi32, #tpu.memory_space<hbm>> -> memref<1x128xi32, #tpu.memory_space<hbm>>
      tpu.enqueue_dma source(%dma_start3A_626 : memref<1x128xi32, #tpu.memory_space<hbm>>) target(%dma_start3A_624 : memref<1x128xi32, #tpu.memory_space<vmem>>) target_semaphore(%arg15 : memref<!tpu.dma_semaphore, #tpu.memory_space<semaphore_mem>>)
      %add3A_627 = arith.constant 1 : i32
      %add3A_628 = arith.addi %add3A_575, %add3A_627 : i32
      %mul3A_629 = arith.constant 1 : i32
      %mul3A_630 = arith.muli %add3A_628, %mul3A_629 : i32
      %add3A_631 = arith.addi %mul3A_4, %mul3A_630 : i32
      %dma_wait3A_632 = arith.constant 1 : i32
      %dma_wait3A_633 = arith.constant 0 : i32
      %dma_wait3A_634 = arith.constant 0 : i32
      %dma_wait3A_635 = tpu.memref_slice %arg10[%dma_wait3A_632, %dma_wait3A_633, %dma_wait3A_634] : memref<3x1x128xi32, #tpu.memory_space<vmem>> -> memref<1x1x128xi32, #tpu.memory_space<vmem>>
      %dma_wait3A_636 = tpu.memref_squeeze %dma_wait3A_635 : memref<1x1x128xi32, #tpu.memory_space<vmem>> -> memref<1x128xi32, #tpu.memory_space<vmem>>
      %dma_wait3A_637 = arith.constant 0 : i32
      %dma_wait3A_638 = tpu.memref_slice %arg3[%add3A_631, %dma_wait3A_637] : memref<2568x128xi32, #tpu.memory_space<hbm>> -> memref<1x128xi32, #tpu.memory_space<hbm>>
      %dma_wait3A_639 = arith.constant 0 : i32
      %dma_wait3A_640 = arith.constant 0 : i32
      %dma_wait3A_641 = tpu.memref_slice %arg10[%dma_wait3A_632, %dma_wait3A_639, %dma_wait3A_640] : memref<3x1x128xi32, #tpu.memory_space<vmem>> -> memref<1x1x128xi32, #tpu.memory_space<vmem>>
      %dma_wait3A_642 = tpu.memref_squeeze %dma_wait3A_641 : memref<1x1x128xi32, #tpu.memory_space<vmem>> -> memref<1x128xi32, #tpu.memory_space<vmem>>
      %dma_wait3A_643 = arith.constant 0 : i32
      %dma_wait3A_644 = tpu.memref_slice %arg3[%add3A_631, %dma_wait3A_643] : memref<2568x128xi32, #tpu.memory_space<hbm>> -> memref<1x128xi32, #tpu.memory_space<hbm>>
      tpu.wait_dma2 semaphore(%arg15 : memref<!tpu.dma_semaphore, #tpu.memory_space<semaphore_mem>>) src(%dma_wait3A_644 : memref<1x128xi32, #tpu.memory_space<hbm>>) dst(%dma_wait3A_642 : memref<1x128xi32, #tpu.memory_space<vmem>>)
      %dma_wait3A_645 = arith.constant 1 : i32
      %dma_wait3A_646 = arith.constant 0 : i32
      %dma_wait3A_647 = arith.constant 0 : i32
      %dma_wait3A_648 = tpu.memref_slice %arg11[%dma_wait3A_645, %dma_wait3A_646, %dma_wait3A_647] : memref<3x1x128xi32, #tpu.memory_space<vmem>> -> memref<1x1x128xi32, #tpu.memory_space<vmem>>
      %dma_wait3A_649 = tpu.memref_squeeze %dma_wait3A_648 : memref<1x1x128xi32, #tpu.memory_space<vmem>> -> memref<1x128xi32, #tpu.memory_space<vmem>>
      %dma_wait3A_650 = arith.constant 0 : i32
      %dma_wait3A_651 = tpu.memref_slice %arg4[%add3A_631, %dma_wait3A_650] : memref<2568x128xi32, #tpu.memory_space<hbm>> -> memref<1x128xi32, #tpu.memory_space<hbm>>
      %dma_wait3A_652 = arith.constant 0 : i32
      %dma_wait3A_653 = arith.constant 0 : i32
      %dma_wait3A_654 = tpu.memref_slice %arg11[%dma_wait3A_645, %dma_wait3A_652, %dma_wait3A_653] : memref<3x1x128xi32, #tpu.memory_space<vmem>> -> memref<1x1x128xi32, #tpu.memory_space<vmem>>
      %dma_wait3A_655 = tpu.memref_squeeze %dma_wait3A_654 : memref<1x1x128xi32, #tpu.memory_space<vmem>> -> memref<1x128xi32, #tpu.memory_space<vmem>>
      %dma_wait3A_656 = arith.constant 0 : i32
      %dma_wait3A_657 = tpu.memref_slice %arg4[%add3A_631, %dma_wait3A_656] : memref<2568x128xi32, #tpu.memory_space<hbm>> -> memref<1x128xi32, #tpu.memory_space<hbm>>
      tpu.wait_dma2 semaphore(%arg15 : memref<!tpu.dma_semaphore, #tpu.memory_space<semaphore_mem>>) src(%dma_wait3A_657 : memref<1x128xi32, #tpu.memory_space<hbm>>) dst(%dma_wait3A_655 : memref<1x128xi32, #tpu.memory_space<vmem>>)
      %dma_start3A_658 = arith.constant 1 : i32
      %dma_start3A_659 = arith.constant 0 : i32
      %dma_start3A_660 = arith.constant 0 : i32
      %dma_start3A_661 = arith.constant 0 : i32
      %dma_start3A_662 = arith.constant 0 : i32
      %dma_start3A_663 = tpu.memref_slice %arg12[%dma_start3A_660, %dma_start3A_661, %dma_start3A_662] : memref<2x128x128xf32, #tpu.memory_space<vmem>> -> memref<1x128x128xf32, #tpu.memory_space<vmem>>
      %dma_start3A_664 = tpu.memref_squeeze %dma_start3A_663 : memref<1x128x128xf32, #tpu.memory_space<vmem>> -> memref<128x128xf32, #tpu.memory_space<vmem>>
      %dma_start3A_665 = arith.constant 0 : i32
      %dma_start3A_666 = tpu.memref_slice %arg10[%dma_start3A_658, %dma_start3A_659, %dma_start3A_665] : memref<3x1x128xi32, #tpu.memory_space<vmem>> -> memref<1x1x128xi32, #tpu.memory_space<vmem>>
      %dma_start3A_667 = tpu.memref_squeeze %dma_start3A_666 : memref<1x1x128xi32, #tpu.memory_space<vmem>> -> memref<128xi32, #tpu.memory_space<vmem>>
      %dma_start3A_668 = arith.constant 0 : i32
      %dma_start3A_669 = arith.constant 0 : i32
      %dma_start3A_670 = tpu.memref_slice %arg2[%dma_start3A_668, %dma_start3A_669] : memref<10000x128xf32, #tpu.memory_space<hbm>> -> memref<10000x128xf32, #tpu.memory_space<hbm>>
      tpu.enqueue_indirect_dma source(%dma_start3A_670 : memref<10000x128xf32, #tpu.memory_space<hbm>>) target(%dma_start3A_664 : memref<128x128xf32, #tpu.memory_space<vmem>>) offsets(%dma_start3A_667 : memref<128xi32, #tpu.memory_space<vmem>>) semaphore(%arg14 : memref<!tpu.dma_semaphore, #tpu.memory_space<semaphore_mem>>)
      %dma_wait3A_671 = arith.constant 0 : i32
      %dma_wait3A_672 = arith.constant 0 : i32
      %dma_wait3A_673 = arith.constant 1 : i32
      %dma_wait3A_674 = arith.constant 0 : i32
      %dma_wait3A_675 = arith.constant 0 : i32
      %dma_wait3A_676 = tpu.memref_slice %arg12[%dma_wait3A_673, %dma_wait3A_674, %dma_wait3A_675] : memref<2x128x128xf32, #tpu.memory_space<vmem>> -> memref<1x128x128xf32, #tpu.memory_space<vmem>>
      %dma_wait3A_677 = tpu.memref_squeeze %dma_wait3A_676 : memref<1x128x128xf32, #tpu.memory_space<vmem>> -> memref<128x128xf32, #tpu.memory_space<vmem>>
      %dma_wait3A_678 = arith.constant 0 : i32
      %dma_wait3A_679 = tpu.memref_slice %arg10[%dma_wait3A_671, %dma_wait3A_672, %dma_wait3A_678] : memref<3x1x128xi32, #tpu.memory_space<vmem>> -> memref<1x1x128xi32, #tpu.memory_space<vmem>>
      %dma_wait3A_680 = tpu.memref_squeeze %dma_wait3A_679 : memref<1x1x128xi32, #tpu.memory_space<vmem>> -> memref<128xi32, #tpu.memory_space<vmem>>
      %dma_wait3A_681 = arith.constant 0 : i32
      %dma_wait3A_682 = arith.constant 0 : i32
      %dma_wait3A_683 = tpu.memref_slice %arg2[%dma_wait3A_681, %dma_wait3A_682] : memref<10000x128xf32, #tpu.memory_space<hbm>> -> memref<10000x128xf32, #tpu.memory_space<hbm>>
      tpu.wait_indirect_dma semaphore(%arg14 : memref<!tpu.dma_semaphore, #tpu.memory_space<semaphore_mem>>) src(%dma_wait3A_683 : memref<10000x128xf32, #tpu.memory_space<hbm>>) dst(%dma_wait3A_677 : memref<128x128xf32, #tpu.memory_space<vmem>>)
      %dma_start3A_684 = arith.constant 1 : i32
      %dma_start3A_685 = arith.constant 0 : i32
      %dma_start3A_686 = arith.constant 0 : i32
      %dma_start3A_687 = arith.constant 0 : i32
      %dma_start3A_688 = arith.constant 0 : i32
      %dma_start3A_689 = tpu.memref_slice %arg12[%dma_start3A_684, %dma_start3A_687, %dma_start3A_688] : memref<2x128x128xf32, #tpu.memory_space<vmem>> -> memref<1x128x128xf32, #tpu.memory_space<vmem>>
      %dma_start3A_690 = tpu.memref_squeeze %dma_start3A_689 : memref<1x128x128xf32, #tpu.memory_space<vmem>> -> memref<128x128xf32, #tpu.memory_space<vmem>>
      %dma_start3A_691 = arith.constant 0 : i32
      %dma_start3A_692 = tpu.memref_slice %arg11[%dma_start3A_685, %dma_start3A_686, %dma_start3A_691] : memref<3x1x128xi32, #tpu.memory_space<vmem>> -> memref<1x1x128xi32, #tpu.memory_space<vmem>>
      %dma_start3A_693 = tpu.memref_squeeze %dma_start3A_692 : memref<1x1x128xi32, #tpu.memory_space<vmem>> -> memref<128xi32, #tpu.memory_space<vmem>>
      %dma_start3A_694 = arith.constant 0 : i32
      %dma_start3A_695 = arith.constant 0 : i32
      %dma_start3A_696 = tpu.memref_slice %arg13[%dma_start3A_694, %dma_start3A_695] : memref<10240x128xf32, #tpu.memory_space<vmem_shared>> -> memref<10240x128xf32, #tpu.memory_space<vmem_shared>>
      tpu.enqueue_indirect_dma source(%dma_start3A_690 : memref<128x128xf32, #tpu.memory_space<vmem>>) target(%dma_start3A_696 : memref<10240x128xf32, #tpu.memory_space<vmem_shared>>) offsets(%dma_start3A_693 : memref<128xi32, #tpu.memory_space<vmem>>) semaphore(%arg16 : memref<!tpu.dma_semaphore, #tpu.memory_space<semaphore_mem>>) {add = true}
      %dma_start3A_697 = arith.constant 0 : i32
      %dma_start3A_698 = arith.constant 0 : i32
      %dma_start3A_699 = arith.constant 0 : i32
      %dma_start3A_700 = tpu.memref_slice %arg11[%dma_start3A_697, %dma_start3A_698, %dma_start3A_699] : memref<3x1x128xi32, #tpu.memory_space<vmem>> -> memref<1x1x128xi32, #tpu.memory_space<vmem>>
      %dma_start3A_701 = tpu.memref_squeeze %dma_start3A_700 : memref<1x1x128xi32, #tpu.memory_space<vmem>> -> memref<128xi32, #tpu.memory_space<vmem>>
      %dma_start3A_702 = arith.constant 0 : i32
      %dma_start3A_703 = tpu.memref_slice %arg18[%dma_start3A_702] : memref<10240xf32, #tpu.memory_space<vmem_shared>> -> memref<10240xf32, #tpu.memory_space<vmem_shared>>
      tpu.enqueue_indirect_dma source(%arg17 : memref<128xf32, #tpu.memory_space<vmem>>) target(%dma_start3A_703 : memref<10240xf32, #tpu.memory_space<vmem_shared>>) offsets(%dma_start3A_701 : memref<128xi32, #tpu.memory_space<vmem>>) semaphore(%arg19 : memref<!tpu.dma_semaphore, #tpu.memory_space<semaphore_mem>>) {add = true}
      %add3A_704 = arith.constant 3 : i32
      %add3A_705 = arith.addi %add3A_313, %add3A_704 : i32
      %dma_wait3A_706 = arith.constant 1 : i32
      %dma_wait3A_707 = arith.constant 0 : i32
      %dma_wait3A_708 = arith.constant 0 : i32
      %dma_wait3A_709 = arith.constant 0 : i32
      %dma_wait3A_710 = arith.constant 0 : i32
      %dma_wait3A_711 = tpu.memref_slice %arg12[%dma_wait3A_706, %dma_wait3A_709, %dma_wait3A_710] : memref<2x128x128xf32, #tpu.memory_space<vmem>> -> memref<1x128x128xf32, #tpu.memory_space<vmem>>
      %dma_wait3A_712 = tpu.memref_squeeze %dma_wait3A_711 : memref<1x128x128xf32, #tpu.memory_space<vmem>> -> memref<128x128xf32, #tpu.memory_space<vmem>>
      %dma_wait3A_713 = arith.constant 0 : i32
      %dma_wait3A_714 = tpu.memref_slice %arg11[%dma_wait3A_707, %dma_wait3A_708, %dma_wait3A_713] : memref<3x1x128xi32, #tpu.memory_space<vmem>> -> memref<1x1x128xi32, #tpu.memory_space<vmem>>
      %dma_wait3A_715 = tpu.memref_squeeze %dma_wait3A_714 : memref<1x1x128xi32, #tpu.memory_space<vmem>> -> memref<128xi32, #tpu.memory_space<vmem>>
      %dma_wait3A_716 = arith.constant 0 : i32
      %dma_wait3A_717 = arith.constant 0 : i32
      %dma_wait3A_718 = tpu.memref_slice %arg13[%dma_wait3A_716, %dma_wait3A_717] : memref<10240x128xf32, #tpu.memory_space<vmem_shared>> -> memref<10240x128xf32, #tpu.memory_space<vmem_shared>>
      tpu.wait_indirect_dma semaphore(%arg16 : memref<!tpu.dma_semaphore, #tpu.memory_space<semaphore_mem>>) src(%dma_wait3A_712 : memref<128x128xf32, #tpu.memory_space<vmem>>) dst(%dma_wait3A_718 : memref<10240x128xf32, #tpu.memory_space<vmem_shared>>)
      %dma_wait3A_719 = arith.constant 0 : i32
      %dma_wait3A_720 = arith.constant 0 : i32
      %dma_wait3A_721 = arith.constant 0 : i32
      %dma_wait3A_722 = tpu.memref_slice %arg11[%dma_wait3A_719, %dma_wait3A_720, %dma_wait3A_721] : memref<3x1x128xi32, #tpu.memory_space<vmem>> -> memref<1x1x128xi32, #tpu.memory_space<vmem>>
      %dma_wait3A_723 = tpu.memref_squeeze %dma_wait3A_722 : memref<1x1x128xi32, #tpu.memory_space<vmem>> -> memref<128xi32, #tpu.memory_space<vmem>>
      %dma_wait3A_724 = arith.constant 0 : i32
      %dma_wait3A_725 = tpu.memref_slice %arg18[%dma_wait3A_724] : memref<10240xf32, #tpu.memory_space<vmem_shared>> -> memref<10240xf32, #tpu.memory_space<vmem_shared>>
      tpu.wait_indirect_dma semaphore(%arg19 : memref<!tpu.dma_semaphore, #tpu.memory_space<semaphore_mem>>) src(%arg17 : memref<128xf32, #tpu.memory_space<vmem>>) dst(%dma_wait3A_725 : memref<10240xf32, #tpu.memory_space<vmem_shared>>)
      %add3A_726 = arith.constant 2 : i32
      %add3A_727 = arith.addi %add3A_705, %add3A_726 : i32
      %mul3A_728 = arith.constant 1 : i32
      %mul3A_729 = arith.muli %add3A_727, %mul3A_728 : i32
      %add3A_730 = arith.addi %mul3A_4, %mul3A_729 : i32
      %dma_start3A_731 = arith.constant 0 : i32
      %dma_start3A_732 = arith.constant 0 : i32
      %dma_start3A_733 = arith.constant 0 : i32
      %dma_start3A_734 = tpu.memref_slice %arg10[%dma_start3A_731, %dma_start3A_732, %dma_start3A_733] : memref<3x1x128xi32, #tpu.memory_space<vmem>> -> memref<1x1x128xi32, #tpu.memory_space<vmem>>
      %dma_start3A_735 = tpu.memref_squeeze %dma_start3A_734 : memref<1x1x128xi32, #tpu.memory_space<vmem>> -> memref<1x128xi32, #tpu.memory_space<vmem>>
      %dma_start3A_736 = arith.constant 0 : i32
      %dma_start3A_737 = tpu.memref_slice %arg3[%add3A_730, %dma_start3A_736] : memref<2568x128xi32, #tpu.memory_space<hbm>> -> memref<1x128xi32, #tpu.memory_space<hbm>>
      %dma_start3A_738 = arith.constant 0 : i32
      %dma_start3A_739 = arith.constant 0 : i32
      %dma_start3A_740 = tpu.memref_slice %arg10[%dma_start3A_731, %dma_start3A_738, %dma_start3A_739] : memref<3x1x128xi32, #tpu.memory_space<vmem>> -> memref<1x1x128xi32, #tpu.memory_space<vmem>>
      %dma_start3A_741 = tpu.memref_squeeze %dma_start3A_740 : memref<1x1x128xi32, #tpu.memory_space<vmem>> -> memref<1x128xi32, #tpu.memory_space<vmem>>
      %dma_start3A_742 = arith.constant 0 : i32
      %dma_start3A_743 = tpu.memref_slice %arg3[%add3A_730, %dma_start3A_742] : memref<2568x128xi32, #tpu.memory_space<hbm>> -> memref<1x128xi32, #tpu.memory_space<hbm>>
      tpu.enqueue_dma source(%dma_start3A_743 : memref<1x128xi32, #tpu.memory_space<hbm>>) target(%dma_start3A_741 : memref<1x128xi32, #tpu.memory_space<vmem>>) target_semaphore(%arg15 : memref<!tpu.dma_semaphore, #tpu.memory_space<semaphore_mem>>)
      %dma_start3A_744 = arith.constant 0 : i32
      %dma_start3A_745 = arith.constant 0 : i32
      %dma_start3A_746 = arith.constant 0 : i32
      %dma_start3A_747 = tpu.memref_slice %arg11[%dma_start3A_744, %dma_start3A_745, %dma_start3A_746] : memref<3x1x128xi32, #tpu.memory_space<vmem>> -> memref<1x1x128xi32, #tpu.memory_space<vmem>>
      %dma_start3A_748 = tpu.memref_squeeze %dma_start3A_747 : memref<1x1x128xi32, #tpu.memory_space<vmem>> -> memref<1x128xi32, #tpu.memory_space<vmem>>
      %dma_start3A_749 = arith.constant 0 : i32
      %dma_start3A_750 = tpu.memref_slice %arg4[%add3A_730, %dma_start3A_749] : memref<2568x128xi32, #tpu.memory_space<hbm>> -> memref<1x128xi32, #tpu.memory_space<hbm>>
      %dma_start3A_751 = arith.constant 0 : i32
      %dma_start3A_752 = arith.constant 0 : i32
      %dma_start3A_753 = tpu.memref_slice %arg11[%dma_start3A_744, %dma_start3A_751, %dma_start3A_752] : memref<3x1x128xi32, #tpu.memory_space<vmem>> -> memref<1x1x128xi32, #tpu.memory_space<vmem>>
      %dma_start3A_754 = tpu.memref_squeeze %dma_start3A_753 : memref<1x1x128xi32, #tpu.memory_space<vmem>> -> memref<1x128xi32, #tpu.memory_space<vmem>>
      %dma_start3A_755 = arith.constant 0 : i32
      %dma_start3A_756 = tpu.memref_slice %arg4[%add3A_730, %dma_start3A_755] : memref<2568x128xi32, #tpu.memory_space<hbm>> -> memref<1x128xi32, #tpu.memory_space<hbm>>
      tpu.enqueue_dma source(%dma_start3A_756 : memref<1x128xi32, #tpu.memory_space<hbm>>) target(%dma_start3A_754 : memref<1x128xi32, #tpu.memory_space<vmem>>) target_semaphore(%arg15 : memref<!tpu.dma_semaphore, #tpu.memory_space<semaphore_mem>>)
      %add3A_757 = arith.constant 1 : i32
      %add3A_758 = arith.addi %add3A_705, %add3A_757 : i32
      %mul3A_759 = arith.constant 1 : i32
      %mul3A_760 = arith.muli %add3A_758, %mul3A_759 : i32
      %add3A_761 = arith.addi %mul3A_4, %mul3A_760 : i32
      %dma_wait3A_762 = arith.constant 2 : i32
      %dma_wait3A_763 = arith.constant 0 : i32
      %dma_wait3A_764 = arith.constant 0 : i32
      %dma_wait3A_765 = tpu.memref_slice %arg10[%dma_wait3A_762, %dma_wait3A_763, %dma_wait3A_764] : memref<3x1x128xi32, #tpu.memory_space<vmem>> -> memref<1x1x128xi32, #tpu.memory_space<vmem>>
      %dma_wait3A_766 = tpu.memref_squeeze %dma_wait3A_765 : memref<1x1x128xi32, #tpu.memory_space<vmem>> -> memref<1x128xi32, #tpu.memory_space<vmem>>
      %dma_wait3A_767 = arith.constant 0 : i32
      %dma_wait3A_768 = tpu.memref_slice %arg3[%add3A_761, %dma_wait3A_767] : memref<2568x128xi32, #tpu.memory_space<hbm>> -> memref<1x128xi32, #tpu.memory_space<hbm>>
      %dma_wait3A_769 = arith.constant 0 : i32
      %dma_wait3A_770 = arith.constant 0 : i32
      %dma_wait3A_771 = tpu.memref_slice %arg10[%dma_wait3A_762, %dma_wait3A_769, %dma_wait3A_770] : memref<3x1x128xi32, #tpu.memory_space<vmem>> -> memref<1x1x128xi32, #tpu.memory_space<vmem>>
      %dma_wait3A_772 = tpu.memref_squeeze %dma_wait3A_771 : memref<1x1x128xi32, #tpu.memory_space<vmem>> -> memref<1x128xi32, #tpu.memory_space<vmem>>
      %dma_wait3A_773 = arith.constant 0 : i32
      %dma_wait3A_774 = tpu.memref_slice %arg3[%add3A_761, %dma_wait3A_773] : memref<2568x128xi32, #tpu.memory_space<hbm>> -> memref<1x128xi32, #tpu.memory_space<hbm>>
      tpu.wait_dma2 semaphore(%arg15 : memref<!tpu.dma_semaphore, #tpu.memory_space<semaphore_mem>>) src(%dma_wait3A_774 : memref<1x128xi32, #tpu.memory_space<hbm>>) dst(%dma_wait3A_772 : memref<1x128xi32, #tpu.memory_space<vmem>>)
      %dma_wait3A_775 = arith.constant 2 : i32
      %dma_wait3A_776 = arith.constant 0 : i32
      %dma_wait3A_777 = arith.constant 0 : i32
      %dma_wait3A_778 = tpu.memref_slice %arg11[%dma_wait3A_775, %dma_wait3A_776, %dma_wait3A_777] : memref<3x1x128xi32, #tpu.memory_space<vmem>> -> memref<1x1x128xi32, #tpu.memory_space<vmem>>
      %dma_wait3A_779 = tpu.memref_squeeze %dma_wait3A_778 : memref<1x1x128xi32, #tpu.memory_space<vmem>> -> memref<1x128xi32, #tpu.memory_space<vmem>>
      %dma_wait3A_780 = arith.constant 0 : i32
      %dma_wait3A_781 = tpu.memref_slice %arg4[%add3A_761, %dma_wait3A_780] : memref<2568x128xi32, #tpu.memory_space<hbm>> -> memref<1x128xi32, #tpu.memory_space<hbm>>
      %dma_wait3A_782 = arith.constant 0 : i32
      %dma_wait3A_783 = arith.constant 0 : i32
      %dma_wait3A_784 = tpu.memref_slice %arg11[%dma_wait3A_775, %dma_wait3A_782, %dma_wait3A_783] : memref<3x1x128xi32, #tpu.memory_space<vmem>> -> memref<1x1x128xi32, #tpu.memory_space<vmem>>
      %dma_wait3A_785 = tpu.memref_squeeze %dma_wait3A_784 : memref<1x1x128xi32, #tpu.memory_space<vmem>> -> memref<1x128xi32, #tpu.memory_space<vmem>>
      %dma_wait3A_786 = arith.constant 0 : i32
      %dma_wait3A_787 = tpu.memref_slice %arg4[%add3A_761, %dma_wait3A_786] : memref<2568x128xi32, #tpu.memory_space<hbm>> -> memref<1x128xi32, #tpu.memory_space<hbm>>
      tpu.wait_dma2 semaphore(%arg15 : memref<!tpu.dma_semaphore, #tpu.memory_space<semaphore_mem>>) src(%dma_wait3A_787 : memref<1x128xi32, #tpu.memory_space<hbm>>) dst(%dma_wait3A_785 : memref<1x128xi32, #tpu.memory_space<vmem>>)
      %dma_start3A_788 = arith.constant 2 : i32
      %dma_start3A_789 = arith.constant 0 : i32
      %dma_start3A_790 = arith.constant 1 : i32
      %dma_start3A_791 = arith.constant 0 : i32
      %dma_start3A_792 = arith.constant 0 : i32
      %dma_start3A_793 = tpu.memref_slice %arg12[%dma_start3A_790, %dma_start3A_791, %dma_start3A_792] : memref<2x128x128xf32, #tpu.memory_space<vmem>> -> memref<1x128x128xf32, #tpu.memory_space<vmem>>
      %dma_start3A_794 = tpu.memref_squeeze %dma_start3A_793 : memref<1x128x128xf32, #tpu.memory_space<vmem>> -> memref<128x128xf32, #tpu.memory_space<vmem>>
      %dma_start3A_795 = arith.constant 0 : i32
      %dma_start3A_796 = tpu.memref_slice %arg10[%dma_start3A_788, %dma_start3A_789, %dma_start3A_795] : memref<3x1x128xi32, #tpu.memory_space<vmem>> -> memref<1x1x128xi32, #tpu.memory_space<vmem>>
      %dma_start3A_797 = tpu.memref_squeeze %dma_start3A_796 : memref<1x1x128xi32, #tpu.memory_space<vmem>> -> memref<128xi32, #tpu.memory_space<vmem>>
      %dma_start3A_798 = arith.constant 0 : i32
      %dma_start3A_799 = arith.constant 0 : i32
      %dma_start3A_800 = tpu.memref_slice %arg2[%dma_start3A_798, %dma_start3A_799] : memref<10000x128xf32, #tpu.memory_space<hbm>> -> memref<10000x128xf32, #tpu.memory_space<hbm>>
      tpu.enqueue_indirect_dma source(%dma_start3A_800 : memref<10000x128xf32, #tpu.memory_space<hbm>>) target(%dma_start3A_794 : memref<128x128xf32, #tpu.memory_space<vmem>>) offsets(%dma_start3A_797 : memref<128xi32, #tpu.memory_space<vmem>>) semaphore(%arg14 : memref<!tpu.dma_semaphore, #tpu.memory_space<semaphore_mem>>)
      %dma_wait3A_801 = arith.constant 1 : i32
      %dma_wait3A_802 = arith.constant 0 : i32
      %dma_wait3A_803 = arith.constant 0 : i32
      %dma_wait3A_804 = arith.constant 0 : i32
      %dma_wait3A_805 = arith.constant 0 : i32
      %dma_wait3A_806 = tpu.memref_slice %arg12[%dma_wait3A_803, %dma_wait3A_804, %dma_wait3A_805] : memref<2x128x128xf32, #tpu.memory_space<vmem>> -> memref<1x128x128xf32, #tpu.memory_space<vmem>>
      %dma_wait3A_807 = tpu.memref_squeeze %dma_wait3A_806 : memref<1x128x128xf32, #tpu.memory_space<vmem>> -> memref<128x128xf32, #tpu.memory_space<vmem>>
      %dma_wait3A_808 = arith.constant 0 : i32
      %dma_wait3A_809 = tpu.memref_slice %arg10[%dma_wait3A_801, %dma_wait3A_802, %dma_wait3A_808] : memref<3x1x128xi32, #tpu.memory_space<vmem>> -> memref<1x1x128xi32, #tpu.memory_space<vmem>>
      %dma_wait3A_810 = tpu.memref_squeeze %dma_wait3A_809 : memref<1x1x128xi32, #tpu.memory_space<vmem>> -> memref<128xi32, #tpu.memory_space<vmem>>
      %dma_wait3A_811 = arith.constant 0 : i32
      %dma_wait3A_812 = arith.constant 0 : i32
      %dma_wait3A_813 = tpu.memref_slice %arg2[%dma_wait3A_811, %dma_wait3A_812] : memref<10000x128xf32, #tpu.memory_space<hbm>> -> memref<10000x128xf32, #tpu.memory_space<hbm>>
      tpu.wait_indirect_dma semaphore(%arg14 : memref<!tpu.dma_semaphore, #tpu.memory_space<semaphore_mem>>) src(%dma_wait3A_813 : memref<10000x128xf32, #tpu.memory_space<hbm>>) dst(%dma_wait3A_807 : memref<128x128xf32, #tpu.memory_space<vmem>>)
      %dma_start3A_814 = arith.constant 0 : i32
      %dma_start3A_815 = arith.constant 1 : i32
      %dma_start3A_816 = arith.constant 0 : i32
      %dma_start3A_817 = arith.constant 0 : i32
      %dma_start3A_818 = arith.constant 0 : i32
      %dma_start3A_819 = tpu.memref_slice %arg12[%dma_start3A_814, %dma_start3A_817, %dma_start3A_818] : memref<2x128x128xf32, #tpu.memory_space<vmem>> -> memref<1x128x128xf32, #tpu.memory_space<vmem>>
      %dma_start3A_820 = tpu.memref_squeeze %dma_start3A_819 : memref<1x128x128xf32, #tpu.memory_space<vmem>> -> memref<128x128xf32, #tpu.memory_space<vmem>>
      %dma_start3A_821 = arith.constant 0 : i32
      %dma_start3A_822 = tpu.memref_slice %arg11[%dma_start3A_815, %dma_start3A_816, %dma_start3A_821] : memref<3x1x128xi32, #tpu.memory_space<vmem>> -> memref<1x1x128xi32, #tpu.memory_space<vmem>>
      %dma_start3A_823 = tpu.memref_squeeze %dma_start3A_822 : memref<1x1x128xi32, #tpu.memory_space<vmem>> -> memref<128xi32, #tpu.memory_space<vmem>>
      %dma_start3A_824 = arith.constant 0 : i32
      %dma_start3A_825 = arith.constant 0 : i32
      %dma_start3A_826 = tpu.memref_slice %arg13[%dma_start3A_824, %dma_start3A_825] : memref<10240x128xf32, #tpu.memory_space<vmem_shared>> -> memref<10240x128xf32, #tpu.memory_space<vmem_shared>>
      tpu.enqueue_indirect_dma source(%dma_start3A_820 : memref<128x128xf32, #tpu.memory_space<vmem>>) target(%dma_start3A_826 : memref<10240x128xf32, #tpu.memory_space<vmem_shared>>) offsets(%dma_start3A_823 : memref<128xi32, #tpu.memory_space<vmem>>) semaphore(%arg16 : memref<!tpu.dma_semaphore, #tpu.memory_space<semaphore_mem>>) {add = true}
      %dma_start3A_827 = arith.constant 1 : i32
      %dma_start3A_828 = arith.constant 0 : i32
      %dma_start3A_829 = arith.constant 0 : i32
      %dma_start3A_830 = tpu.memref_slice %arg11[%dma_start3A_827, %dma_start3A_828, %dma_start3A_829] : memref<3x1x128xi32, #tpu.memory_space<vmem>> -> memref<1x1x128xi32, #tpu.memory_space<vmem>>
      %dma_start3A_831 = tpu.memref_squeeze %dma_start3A_830 : memref<1x1x128xi32, #tpu.memory_space<vmem>> -> memref<128xi32, #tpu.memory_space<vmem>>
      %dma_start3A_832 = arith.constant 0 : i32
      %dma_start3A_833 = tpu.memref_slice %arg18[%dma_start3A_832] : memref<10240xf32, #tpu.memory_space<vmem_shared>> -> memref<10240xf32, #tpu.memory_space<vmem_shared>>
      tpu.enqueue_indirect_dma source(%arg17 : memref<128xf32, #tpu.memory_space<vmem>>) target(%dma_start3A_833 : memref<10240xf32, #tpu.memory_space<vmem_shared>>) offsets(%dma_start3A_831 : memref<128xi32, #tpu.memory_space<vmem>>) semaphore(%arg19 : memref<!tpu.dma_semaphore, #tpu.memory_space<semaphore_mem>>) {add = true}
      %add3A_834 = arith.constant 4 : i32
      %add3A_835 = arith.addi %add3A_313, %add3A_834 : i32
      %dma_wait3A_836 = arith.constant 0 : i32
      %dma_wait3A_837 = arith.constant 1 : i32
      %dma_wait3A_838 = arith.constant 0 : i32
      %dma_wait3A_839 = arith.constant 0 : i32
      %dma_wait3A_840 = arith.constant 0 : i32
      %dma_wait3A_841 = tpu.memref_slice %arg12[%dma_wait3A_836, %dma_wait3A_839, %dma_wait3A_840] : memref<2x128x128xf32, #tpu.memory_space<vmem>> -> memref<1x128x128xf32, #tpu.memory_space<vmem>>
      %dma_wait3A_842 = tpu.memref_squeeze %dma_wait3A_841 : memref<1x128x128xf32, #tpu.memory_space<vmem>> -> memref<128x128xf32, #tpu.memory_space<vmem>>
      %dma_wait3A_843 = arith.constant 0 : i32
      %dma_wait3A_844 = tpu.memref_slice %arg11[%dma_wait3A_837, %dma_wait3A_838, %dma_wait3A_843] : memref<3x1x128xi32, #tpu.memory_space<vmem>> -> memref<1x1x128xi32, #tpu.memory_space<vmem>>
      %dma_wait3A_845 = tpu.memref_squeeze %dma_wait3A_844 : memref<1x1x128xi32, #tpu.memory_space<vmem>> -> memref<128xi32, #tpu.memory_space<vmem>>
      %dma_wait3A_846 = arith.constant 0 : i32
      %dma_wait3A_847 = arith.constant 0 : i32
      %dma_wait3A_848 = tpu.memref_slice %arg13[%dma_wait3A_846, %dma_wait3A_847] : memref<10240x128xf32, #tpu.memory_space<vmem_shared>> -> memref<10240x128xf32, #tpu.memory_space<vmem_shared>>
      tpu.wait_indirect_dma semaphore(%arg16 : memref<!tpu.dma_semaphore, #tpu.memory_space<semaphore_mem>>) src(%dma_wait3A_842 : memref<128x128xf32, #tpu.memory_space<vmem>>) dst(%dma_wait3A_848 : memref<10240x128xf32, #tpu.memory_space<vmem_shared>>)
      %dma_wait3A_849 = arith.constant 1 : i32
      %dma_wait3A_850 = arith.constant 0 : i32
      %dma_wait3A_851 = arith.constant 0 : i32
      %dma_wait3A_852 = tpu.memref_slice %arg11[%dma_wait3A_849, %dma_wait3A_850, %dma_wait3A_851] : memref<3x1x128xi32, #tpu.memory_space<vmem>> -> memref<1x1x128xi32, #tpu.memory_space<vmem>>
      %dma_wait3A_853 = tpu.memref_squeeze %dma_wait3A_852 : memref<1x1x128xi32, #tpu.memory_space<vmem>> -> memref<128xi32, #tpu.memory_space<vmem>>
      %dma_wait3A_854 = arith.constant 0 : i32
      %dma_wait3A_855 = tpu.memref_slice %arg18[%dma_wait3A_854] : memref<10240xf32, #tpu.memory_space<vmem_shared>> -> memref<10240xf32, #tpu.memory_space<vmem_shared>>
      tpu.wait_indirect_dma semaphore(%arg19 : memref<!tpu.dma_semaphore, #tpu.memory_space<semaphore_mem>>) src(%arg17 : memref<128xf32, #tpu.memory_space<vmem>>) dst(%dma_wait3A_855 : memref<10240xf32, #tpu.memory_space<vmem_shared>>)
      %add3A_856 = arith.constant 2 : i32
      %add3A_857 = arith.addi %add3A_835, %add3A_856 : i32
      %mul3A_858 = arith.constant 1 : i32
      %mul3A_859 = arith.muli %add3A_857, %mul3A_858 : i32
      %add3A_860 = arith.addi %mul3A_4, %mul3A_859 : i32
      %dma_start3A_861 = arith.constant 1 : i32
      %dma_start3A_862 = arith.constant 0 : i32
      %dma_start3A_863 = arith.constant 0 : i32
      %dma_start3A_864 = tpu.memref_slice %arg10[%dma_start3A_861, %dma_start3A_862, %dma_start3A_863] : memref<3x1x128xi32, #tpu.memory_space<vmem>> -> memref<1x1x128xi32, #tpu.memory_space<vmem>>
      %dma_start3A_865 = tpu.memref_squeeze %dma_start3A_864 : memref<1x1x128xi32, #tpu.memory_space<vmem>> -> memref<1x128xi32, #tpu.memory_space<vmem>>
      %dma_start3A_866 = arith.constant 0 : i32
      %dma_start3A_867 = tpu.memref_slice %arg3[%add3A_860, %dma_start3A_866] : memref<2568x128xi32, #tpu.memory_space<hbm>> -> memref<1x128xi32, #tpu.memory_space<hbm>>
      %dma_start3A_868 = arith.constant 0 : i32
      %dma_start3A_869 = arith.constant 0 : i32
      %dma_start3A_870 = tpu.memref_slice %arg10[%dma_start3A_861, %dma_start3A_868, %dma_start3A_869] : memref<3x1x128xi32, #tpu.memory_space<vmem>> -> memref<1x1x128xi32, #tpu.memory_space<vmem>>
      %dma_start3A_871 = tpu.memref_squeeze %dma_start3A_870 : memref<1x1x128xi32, #tpu.memory_space<vmem>> -> memref<1x128xi32, #tpu.memory_space<vmem>>
      %dma_start3A_872 = arith.constant 0 : i32
      %dma_start3A_873 = tpu.memref_slice %arg3[%add3A_860, %dma_start3A_872] : memref<2568x128xi32, #tpu.memory_space<hbm>> -> memref<1x128xi32, #tpu.memory_space<hbm>>
      tpu.enqueue_dma source(%dma_start3A_873 : memref<1x128xi32, #tpu.memory_space<hbm>>) target(%dma_start3A_871 : memref<1x128xi32, #tpu.memory_space<vmem>>) target_semaphore(%arg15 : memref<!tpu.dma_semaphore, #tpu.memory_space<semaphore_mem>>)
      %dma_start3A_874 = arith.constant 1 : i32
      %dma_start3A_875 = arith.constant 0 : i32
      %dma_start3A_876 = arith.constant 0 : i32
      %dma_start3A_877 = tpu.memref_slice %arg11[%dma_start3A_874, %dma_start3A_875, %dma_start3A_876] : memref<3x1x128xi32, #tpu.memory_space<vmem>> -> memref<1x1x128xi32, #tpu.memory_space<vmem>>
      %dma_start3A_878 = tpu.memref_squeeze %dma_start3A_877 : memref<1x1x128xi32, #tpu.memory_space<vmem>> -> memref<1x128xi32, #tpu.memory_space<vmem>>
      %dma_start3A_879 = arith.constant 0 : i32
      %dma_start3A_880 = tpu.memref_slice %arg4[%add3A_860, %dma_start3A_879] : memref<2568x128xi32, #tpu.memory_space<hbm>> -> memref<1x128xi32, #tpu.memory_space<hbm>>
      %dma_start3A_881 = arith.constant 0 : i32
      %dma_start3A_882 = arith.constant 0 : i32
      %dma_start3A_883 = tpu.memref_slice %arg11[%dma_start3A_874, %dma_start3A_881, %dma_start3A_882] : memref<3x1x128xi32, #tpu.memory_space<vmem>> -> memref<1x1x128xi32, #tpu.memory_space<vmem>>
      %dma_start3A_884 = tpu.memref_squeeze %dma_start3A_883 : memref<1x1x128xi32, #tpu.memory_space<vmem>> -> memref<1x128xi32, #tpu.memory_space<vmem>>
      %dma_start3A_885 = arith.constant 0 : i32
      %dma_start3A_886 = tpu.memref_slice %arg4[%add3A_860, %dma_start3A_885] : memref<2568x128xi32, #tpu.memory_space<hbm>> -> memref<1x128xi32, #tpu.memory_space<hbm>>
      tpu.enqueue_dma source(%dma_start3A_886 : memref<1x128xi32, #tpu.memory_space<hbm>>) target(%dma_start3A_884 : memref<1x128xi32, #tpu.memory_space<vmem>>) target_semaphore(%arg15 : memref<!tpu.dma_semaphore, #tpu.memory_space<semaphore_mem>>)
      %add3A_887 = arith.constant 1 : i32
      %add3A_888 = arith.addi %add3A_835, %add3A_887 : i32
      %mul3A_889 = arith.constant 1 : i32
      %mul3A_890 = arith.muli %add3A_888, %mul3A_889 : i32
      %add3A_891 = arith.addi %mul3A_4, %mul3A_890 : i32
      %dma_wait3A_892 = arith.constant 0 : i32
      %dma_wait3A_893 = arith.constant 0 : i32
      %dma_wait3A_894 = arith.constant 0 : i32
      %dma_wait3A_895 = tpu.memref_slice %arg10[%dma_wait3A_892, %dma_wait3A_893, %dma_wait3A_894] : memref<3x1x128xi32, #tpu.memory_space<vmem>> -> memref<1x1x128xi32, #tpu.memory_space<vmem>>
      %dma_wait3A_896 = tpu.memref_squeeze %dma_wait3A_895 : memref<1x1x128xi32, #tpu.memory_space<vmem>> -> memref<1x128xi32, #tpu.memory_space<vmem>>
      %dma_wait3A_897 = arith.constant 0 : i32
      %dma_wait3A_898 = tpu.memref_slice %arg3[%add3A_891, %dma_wait3A_897] : memref<2568x128xi32, #tpu.memory_space<hbm>> -> memref<1x128xi32, #tpu.memory_space<hbm>>
      %dma_wait3A_899 = arith.constant 0 : i32
      %dma_wait3A_900 = arith.constant 0 : i32
      %dma_wait3A_901 = tpu.memref_slice %arg10[%dma_wait3A_892, %dma_wait3A_899, %dma_wait3A_900] : memref<3x1x128xi32, #tpu.memory_space<vmem>> -> memref<1x1x128xi32, #tpu.memory_space<vmem>>
      %dma_wait3A_902 = tpu.memref_squeeze %dma_wait3A_901 : memref<1x1x128xi32, #tpu.memory_space<vmem>> -> memref<1x128xi32, #tpu.memory_space<vmem>>
      %dma_wait3A_903 = arith.constant 0 : i32
      %dma_wait3A_904 = tpu.memref_slice %arg3[%add3A_891, %dma_wait3A_903] : memref<2568x128xi32, #tpu.memory_space<hbm>> -> memref<1x128xi32, #tpu.memory_space<hbm>>
      tpu.wait_dma2 semaphore(%arg15 : memref<!tpu.dma_semaphore, #tpu.memory_space<semaphore_mem>>) src(%dma_wait3A_904 : memref<1x128xi32, #tpu.memory_space<hbm>>) dst(%dma_wait3A_902 : memref<1x128xi32, #tpu.memory_space<vmem>>)
      %dma_wait3A_905 = arith.constant 0 : i32
      %dma_wait3A_906 = arith.constant 0 : i32
      %dma_wait3A_907 = arith.constant 0 : i32
      %dma_wait3A_908 = tpu.memref_slice %arg11[%dma_wait3A_905, %dma_wait3A_906, %dma_wait3A_907] : memref<3x1x128xi32, #tpu.memory_space<vmem>> -> memref<1x1x128xi32, #tpu.memory_space<vmem>>
      %dma_wait3A_909 = tpu.memref_squeeze %dma_wait3A_908 : memref<1x1x128xi32, #tpu.memory_space<vmem>> -> memref<1x128xi32, #tpu.memory_space<vmem>>
      %dma_wait3A_910 = arith.constant 0 : i32
      %dma_wait3A_911 = tpu.memref_slice %arg4[%add3A_891, %dma_wait3A_910] : memref<2568x128xi32, #tpu.memory_space<hbm>> -> memref<1x128xi32, #tpu.memory_space<hbm>>
      %dma_wait3A_912 = arith.constant 0 : i32
      %dma_wait3A_913 = arith.constant 0 : i32
      %dma_wait3A_914 = tpu.memref_slice %arg11[%dma_wait3A_905, %dma_wait3A_912, %dma_wait3A_913] : memref<3x1x128xi32, #tpu.memory_space<vmem>> -> memref<1x1x128xi32, #tpu.memory_space<vmem>>
      %dma_wait3A_915 = tpu.memref_squeeze %dma_wait3A_914 : memref<1x1x128xi32, #tpu.memory_space<vmem>> -> memref<1x128xi32, #tpu.memory_space<vmem>>
      %dma_wait3A_916 = arith.constant 0 : i32
      %dma_wait3A_917 = tpu.memref_slice %arg4[%add3A_891, %dma_wait3A_916] : memref<2568x128xi32, #tpu.memory_space<hbm>> -> memref<1x128xi32, #tpu.memory_space<hbm>>
      tpu.wait_dma2 semaphore(%arg15 : memref<!tpu.dma_semaphore, #tpu.memory_space<semaphore_mem>>) src(%dma_wait3A_917 : memref<1x128xi32, #tpu.memory_space<hbm>>) dst(%dma_wait3A_915 : memref<1x128xi32, #tpu.memory_space<vmem>>)
      %dma_start3A_918 = arith.constant 0 : i32
      %dma_start3A_919 = arith.constant 0 : i32
      %dma_start3A_920 = arith.constant 0 : i32
      %dma_start3A_921 = arith.constant 0 : i32
      %dma_start3A_922 = arith.constant 0 : i32
      %dma_start3A_923 = tpu.memref_slice %arg12[%dma_start3A_920, %dma_start3A_921, %dma_start3A_922] : memref<2x128x128xf32, #tpu.memory_space<vmem>> -> memref<1x128x128xf32, #tpu.memory_space<vmem>>
      %dma_start3A_924 = tpu.memref_squeeze %dma_start3A_923 : memref<1x128x128xf32, #tpu.memory_space<vmem>> -> memref<128x128xf32, #tpu.memory_space<vmem>>
      %dma_start3A_925 = arith.constant 0 : i32
      %dma_start3A_926 = tpu.memref_slice %arg10[%dma_start3A_918, %dma_start3A_919, %dma_start3A_925] : memref<3x1x128xi32, #tpu.memory_space<vmem>> -> memref<1x1x128xi32, #tpu.memory_space<vmem>>
      %dma_start3A_927 = tpu.memref_squeeze %dma_start3A_926 : memref<1x1x128xi32, #tpu.memory_space<vmem>> -> memref<128xi32, #tpu.memory_space<vmem>>
      %dma_start3A_928 = arith.constant 0 : i32
      %dma_start3A_929 = arith.constant 0 : i32
      %dma_start3A_930 = tpu.memref_slice %arg2[%dma_start3A_928, %dma_start3A_929] : memref<10000x128xf32, #tpu.memory_space<hbm>> -> memref<10000x128xf32, #tpu.memory_space<hbm>>
      tpu.enqueue_indirect_dma source(%dma_start3A_930 : memref<10000x128xf32, #tpu.memory_space<hbm>>) target(%dma_start3A_924 : memref<128x128xf32, #tpu.memory_space<vmem>>) offsets(%dma_start3A_927 : memref<128xi32, #tpu.memory_space<vmem>>) semaphore(%arg14 : memref<!tpu.dma_semaphore, #tpu.memory_space<semaphore_mem>>)
      %dma_wait3A_931 = arith.constant 2 : i32
      %dma_wait3A_932 = arith.constant 0 : i32
      %dma_wait3A_933 = arith.constant 1 : i32
      %dma_wait3A_934 = arith.constant 0 : i32
      %dma_wait3A_935 = arith.constant 0 : i32
      %dma_wait3A_936 = tpu.memref_slice %arg12[%dma_wait3A_933, %dma_wait3A_934, %dma_wait3A_935] : memref<2x128x128xf32, #tpu.memory_space<vmem>> -> memref<1x128x128xf32, #tpu.memory_space<vmem>>
      %dma_wait3A_937 = tpu.memref_squeeze %dma_wait3A_936 : memref<1x128x128xf32, #tpu.memory_space<vmem>> -> memref<128x128xf32, #tpu.memory_space<vmem>>
      %dma_wait3A_938 = arith.constant 0 : i32
      %dma_wait3A_939 = tpu.memref_slice %arg10[%dma_wait3A_931, %dma_wait3A_932, %dma_wait3A_938] : memref<3x1x128xi32, #tpu.memory_space<vmem>> -> memref<1x1x128xi32, #tpu.memory_space<vmem>>
      %dma_wait3A_940 = tpu.memref_squeeze %dma_wait3A_939 : memref<1x1x128xi32, #tpu.memory_space<vmem>> -> memref<128xi32, #tpu.memory_space<vmem>>
      %dma_wait3A_941 = arith.constant 0 : i32
      %dma_wait3A_942 = arith.constant 0 : i32
      %dma_wait3A_943 = tpu.memref_slice %arg2[%dma_wait3A_941, %dma_wait3A_942] : memref<10000x128xf32, #tpu.memory_space<hbm>> -> memref<10000x128xf32, #tpu.memory_space<hbm>>
      tpu.wait_indirect_dma semaphore(%arg14 : memref<!tpu.dma_semaphore, #tpu.memory_space<semaphore_mem>>) src(%dma_wait3A_943 : memref<10000x128xf32, #tpu.memory_space<hbm>>) dst(%dma_wait3A_937 : memref<128x128xf32, #tpu.memory_space<vmem>>)
      %dma_start3A_944 = arith.constant 1 : i32
      %dma_start3A_945 = arith.constant 2 : i32
      %dma_start3A_946 = arith.constant 0 : i32
      %dma_start3A_947 = arith.constant 0 : i32
      %dma_start3A_948 = arith.constant 0 : i32
      %dma_start3A_949 = tpu.memref_slice %arg12[%dma_start3A_944, %dma_start3A_947, %dma_start3A_948] : memref<2x128x128xf32, #tpu.memory_space<vmem>> -> memref<1x128x128xf32, #tpu.memory_space<vmem>>
      %dma_start3A_950 = tpu.memref_squeeze %dma_start3A_949 : memref<1x128x128xf32, #tpu.memory_space<vmem>> -> memref<128x128xf32, #tpu.memory_space<vmem>>
      %dma_start3A_951 = arith.constant 0 : i32
      %dma_start3A_952 = tpu.memref_slice %arg11[%dma_start3A_945, %dma_start3A_946, %dma_start3A_951] : memref<3x1x128xi32, #tpu.memory_space<vmem>> -> memref<1x1x128xi32, #tpu.memory_space<vmem>>
      %dma_start3A_953 = tpu.memref_squeeze %dma_start3A_952 : memref<1x1x128xi32, #tpu.memory_space<vmem>> -> memref<128xi32, #tpu.memory_space<vmem>>
      %dma_start3A_954 = arith.constant 0 : i32
      %dma_start3A_955 = arith.constant 0 : i32
      %dma_start3A_956 = tpu.memref_slice %arg13[%dma_start3A_954, %dma_start3A_955] : memref<10240x128xf32, #tpu.memory_space<vmem_shared>> -> memref<10240x128xf32, #tpu.memory_space<vmem_shared>>
      tpu.enqueue_indirect_dma source(%dma_start3A_950 : memref<128x128xf32, #tpu.memory_space<vmem>>) target(%dma_start3A_956 : memref<10240x128xf32, #tpu.memory_space<vmem_shared>>) offsets(%dma_start3A_953 : memref<128xi32, #tpu.memory_space<vmem>>) semaphore(%arg16 : memref<!tpu.dma_semaphore, #tpu.memory_space<semaphore_mem>>) {add = true}
      %dma_start3A_957 = arith.constant 2 : i32
      %dma_start3A_958 = arith.constant 0 : i32
      %dma_start3A_959 = arith.constant 0 : i32
      %dma_start3A_960 = tpu.memref_slice %arg11[%dma_start3A_957, %dma_start3A_958, %dma_start3A_959] : memref<3x1x128xi32, #tpu.memory_space<vmem>> -> memref<1x1x128xi32, #tpu.memory_space<vmem>>
      %dma_start3A_961 = tpu.memref_squeeze %dma_start3A_960 : memref<1x1x128xi32, #tpu.memory_space<vmem>> -> memref<128xi32, #tpu.memory_space<vmem>>
      %dma_start3A_962 = arith.constant 0 : i32
      %dma_start3A_963 = tpu.memref_slice %arg18[%dma_start3A_962] : memref<10240xf32, #tpu.memory_space<vmem_shared>> -> memref<10240xf32, #tpu.memory_space<vmem_shared>>
      tpu.enqueue_indirect_dma source(%arg17 : memref<128xf32, #tpu.memory_space<vmem>>) target(%dma_start3A_963 : memref<10240xf32, #tpu.memory_space<vmem_shared>>) offsets(%dma_start3A_961 : memref<128xi32, #tpu.memory_space<vmem>>) semaphore(%arg19 : memref<!tpu.dma_semaphore, #tpu.memory_space<semaphore_mem>>) {add = true}
      %add3A_964 = arith.constant 5 : i32
      %add3A_965 = arith.addi %add3A_313, %add3A_964 : i32
      %dma_wait3A_966 = arith.constant 1 : i32
      %dma_wait3A_967 = arith.constant 2 : i32
      %dma_wait3A_968 = arith.constant 0 : i32
      %dma_wait3A_969 = arith.constant 0 : i32
      %dma_wait3A_970 = arith.constant 0 : i32
      %dma_wait3A_971 = tpu.memref_slice %arg12[%dma_wait3A_966, %dma_wait3A_969, %dma_wait3A_970] : memref<2x128x128xf32, #tpu.memory_space<vmem>> -> memref<1x128x128xf32, #tpu.memory_space<vmem>>
      %dma_wait3A_972 = tpu.memref_squeeze %dma_wait3A_971 : memref<1x128x128xf32, #tpu.memory_space<vmem>> -> memref<128x128xf32, #tpu.memory_space<vmem>>
      %dma_wait3A_973 = arith.constant 0 : i32
      %dma_wait3A_974 = tpu.memref_slice %arg11[%dma_wait3A_967, %dma_wait3A_968, %dma_wait3A_973] : memref<3x1x128xi32, #tpu.memory_space<vmem>> -> memref<1x1x128xi32, #tpu.memory_space<vmem>>
      %dma_wait3A_975 = tpu.memref_squeeze %dma_wait3A_974 : memref<1x1x128xi32, #tpu.memory_space<vmem>> -> memref<128xi32, #tpu.memory_space<vmem>>
      %dma_wait3A_976 = arith.constant 0 : i32
      %dma_wait3A_977 = arith.constant 0 : i32
      %dma_wait3A_978 = tpu.memref_slice %arg13[%dma_wait3A_976, %dma_wait3A_977] : memref<10240x128xf32, #tpu.memory_space<vmem_shared>> -> memref<10240x128xf32, #tpu.memory_space<vmem_shared>>
      tpu.wait_indirect_dma semaphore(%arg16 : memref<!tpu.dma_semaphore, #tpu.memory_space<semaphore_mem>>) src(%dma_wait3A_972 : memref<128x128xf32, #tpu.memory_space<vmem>>) dst(%dma_wait3A_978 : memref<10240x128xf32, #tpu.memory_space<vmem_shared>>)
      %dma_wait3A_979 = arith.constant 2 : i32
      %dma_wait3A_980 = arith.constant 0 : i32
      %dma_wait3A_981 = arith.constant 0 : i32
      %dma_wait3A_982 = tpu.memref_slice %arg11[%dma_wait3A_979, %dma_wait3A_980, %dma_wait3A_981] : memref<3x1x128xi32, #tpu.memory_space<vmem>> -> memref<1x1x128xi32, #tpu.memory_space<vmem>>
      %dma_wait3A_983 = tpu.memref_squeeze %dma_wait3A_982 : memref<1x1x128xi32, #tpu.memory_space<vmem>> -> memref<128xi32, #tpu.memory_space<vmem>>
      %dma_wait3A_984 = arith.constant 0 : i32
      %dma_wait3A_985 = tpu.memref_slice %arg18[%dma_wait3A_984] : memref<10240xf32, #tpu.memory_space<vmem_shared>> -> memref<10240xf32, #tpu.memory_space<vmem_shared>>
      tpu.wait_indirect_dma semaphore(%arg19 : memref<!tpu.dma_semaphore, #tpu.memory_space<semaphore_mem>>) src(%arg17 : memref<128xf32, #tpu.memory_space<vmem>>) dst(%dma_wait3A_985 : memref<10240xf32, #tpu.memory_space<vmem_shared>>)
      %add3A_986 = arith.constant 2 : i32
      %add3A_987 = arith.addi %add3A_965, %add3A_986 : i32
      %mul3A_988 = arith.constant 1 : i32
      %mul3A_989 = arith.muli %add3A_987, %mul3A_988 : i32
      %add3A_990 = arith.addi %mul3A_4, %mul3A_989 : i32
      %dma_start3A_991 = arith.constant 2 : i32
      %dma_start3A_992 = arith.constant 0 : i32
      %dma_start3A_993 = arith.constant 0 : i32
      %dma_start3A_994 = tpu.memref_slice %arg10[%dma_start3A_991, %dma_start3A_992, %dma_start3A_993] : memref<3x1x128xi32, #tpu.memory_space<vmem>> -> memref<1x1x128xi32, #tpu.memory_space<vmem>>
      %dma_start3A_995 = tpu.memref_squeeze %dma_start3A_994 : memref<1x1x128xi32, #tpu.memory_space<vmem>> -> memref<1x128xi32, #tpu.memory_space<vmem>>
      %dma_start3A_996 = arith.constant 0 : i32
      %dma_start3A_997 = tpu.memref_slice %arg3[%add3A_990, %dma_start3A_996] : memref<2568x128xi32, #tpu.memory_space<hbm>> -> memref<1x128xi32, #tpu.memory_space<hbm>>
      %dma_start3A_998 = arith.constant 0 : i32
      %dma_start3A_999 = arith.constant 0 : i32
      %dma_start3A_1000 = tpu.memref_slice %arg10[%dma_start3A_991, %dma_start3A_998, %dma_start3A_999] : memref<3x1x128xi32, #tpu.memory_space<vmem>> -> memref<1x1x128xi32, #tpu.memory_space<vmem>>
      %dma_start3A_1001 = tpu.memref_squeeze %dma_start3A_1000 : memref<1x1x128xi32, #tpu.memory_space<vmem>> -> memref<1x128xi32, #tpu.memory_space<vmem>>
      %dma_start3A_1002 = arith.constant 0 : i32
      %dma_start3A_1003 = tpu.memref_slice %arg3[%add3A_990, %dma_start3A_1002] : memref<2568x128xi32, #tpu.memory_space<hbm>> -> memref<1x128xi32, #tpu.memory_space<hbm>>
      tpu.enqueue_dma source(%dma_start3A_1003 : memref<1x128xi32, #tpu.memory_space<hbm>>) target(%dma_start3A_1001 : memref<1x128xi32, #tpu.memory_space<vmem>>) target_semaphore(%arg15 : memref<!tpu.dma_semaphore, #tpu.memory_space<semaphore_mem>>)
      %dma_start3A_1004 = arith.constant 2 : i32
      %dma_start3A_1005 = arith.constant 0 : i32
      %dma_start3A_1006 = arith.constant 0 : i32
      %dma_start3A_1007 = tpu.memref_slice %arg11[%dma_start3A_1004, %dma_start3A_1005, %dma_start3A_1006] : memref<3x1x128xi32, #tpu.memory_space<vmem>> -> memref<1x1x128xi32, #tpu.memory_space<vmem>>
      %dma_start3A_1008 = tpu.memref_squeeze %dma_start3A_1007 : memref<1x1x128xi32, #tpu.memory_space<vmem>> -> memref<1x128xi32, #tpu.memory_space<vmem>>
      %dma_start3A_1009 = arith.constant 0 : i32
      %dma_start3A_1010 = tpu.memref_slice %arg4[%add3A_990, %dma_start3A_1009] : memref<2568x128xi32, #tpu.memory_space<hbm>> -> memref<1x128xi32, #tpu.memory_space<hbm>>
      %dma_start3A_1011 = arith.constant 0 : i32
      %dma_start3A_1012 = arith.constant 0 : i32
      %dma_start3A_1013 = tpu.memref_slice %arg11[%dma_start3A_1004, %dma_start3A_1011, %dma_start3A_1012] : memref<3x1x128xi32, #tpu.memory_space<vmem>> -> memref<1x1x128xi32, #tpu.memory_space<vmem>>
      %dma_start3A_1014 = tpu.memref_squeeze %dma_start3A_1013 : memref<1x1x128xi32, #tpu.memory_space<vmem>> -> memref<1x128xi32, #tpu.memory_space<vmem>>
      %dma_start3A_1015 = arith.constant 0 : i32
      %dma_start3A_1016 = tpu.memref_slice %arg4[%add3A_990, %dma_start3A_1015] : memref<2568x128xi32, #tpu.memory_space<hbm>> -> memref<1x128xi32, #tpu.memory_space<hbm>>
      tpu.enqueue_dma source(%dma_start3A_1016 : memref<1x128xi32, #tpu.memory_space<hbm>>) target(%dma_start3A_1014 : memref<1x128xi32, #tpu.memory_space<vmem>>) target_semaphore(%arg15 : memref<!tpu.dma_semaphore, #tpu.memory_space<semaphore_mem>>)
      %add3A_1017 = arith.constant 1 : i32
      %add3A_1018 = arith.addi %add3A_965, %add3A_1017 : i32
      %mul3A_1019 = arith.constant 1 : i32
      %mul3A_1020 = arith.muli %add3A_1018, %mul3A_1019 : i32
      %add3A_1021 = arith.addi %mul3A_4, %mul3A_1020 : i32
      %dma_wait3A_1022 = arith.constant 1 : i32
      %dma_wait3A_1023 = arith.constant 0 : i32
      %dma_wait3A_1024 = arith.constant 0 : i32
      %dma_wait3A_1025 = tpu.memref_slice %arg10[%dma_wait3A_1022, %dma_wait3A_1023, %dma_wait3A_1024] : memref<3x1x128xi32, #tpu.memory_space<vmem>> -> memref<1x1x128xi32, #tpu.memory_space<vmem>>
      %dma_wait3A_1026 = tpu.memref_squeeze %dma_wait3A_1025 : memref<1x1x128xi32, #tpu.memory_space<vmem>> -> memref<1x128xi32, #tpu.memory_space<vmem>>
      %dma_wait3A_1027 = arith.constant 0 : i32
      %dma_wait3A_1028 = tpu.memref_slice %arg3[%add3A_1021, %dma_wait3A_1027] : memref<2568x128xi32, #tpu.memory_space<hbm>> -> memref<1x128xi32, #tpu.memory_space<hbm>>
      %dma_wait3A_1029 = arith.constant 0 : i32
      %dma_wait3A_1030 = arith.constant 0 : i32
      %dma_wait3A_1031 = tpu.memref_slice %arg10[%dma_wait3A_1022, %dma_wait3A_1029, %dma_wait3A_1030] : memref<3x1x128xi32, #tpu.memory_space<vmem>> -> memref<1x1x128xi32, #tpu.memory_space<vmem>>
      %dma_wait3A_1032 = tpu.memref_squeeze %dma_wait3A_1031 : memref<1x1x128xi32, #tpu.memory_space<vmem>> -> memref<1x128xi32, #tpu.memory_space<vmem>>
      %dma_wait3A_1033 = arith.constant 0 : i32
      %dma_wait3A_1034 = tpu.memref_slice %arg3[%add3A_1021, %dma_wait3A_1033] : memref<2568x128xi32, #tpu.memory_space<hbm>> -> memref<1x128xi32, #tpu.memory_space<hbm>>
      tpu.wait_dma2 semaphore(%arg15 : memref<!tpu.dma_semaphore, #tpu.memory_space<semaphore_mem>>) src(%dma_wait3A_1034 : memref<1x128xi32, #tpu.memory_space<hbm>>) dst(%dma_wait3A_1032 : memref<1x128xi32, #tpu.memory_space<vmem>>)
      %dma_wait3A_1035 = arith.constant 1 : i32
      %dma_wait3A_1036 = arith.constant 0 : i32
      %dma_wait3A_1037 = arith.constant 0 : i32
      %dma_wait3A_1038 = tpu.memref_slice %arg11[%dma_wait3A_1035, %dma_wait3A_1036, %dma_wait3A_1037] : memref<3x1x128xi32, #tpu.memory_space<vmem>> -> memref<1x1x128xi32, #tpu.memory_space<vmem>>
      %dma_wait3A_1039 = tpu.memref_squeeze %dma_wait3A_1038 : memref<1x1x128xi32, #tpu.memory_space<vmem>> -> memref<1x128xi32, #tpu.memory_space<vmem>>
      %dma_wait3A_1040 = arith.constant 0 : i32
      %dma_wait3A_1041 = tpu.memref_slice %arg4[%add3A_1021, %dma_wait3A_1040] : memref<2568x128xi32, #tpu.memory_space<hbm>> -> memref<1x128xi32, #tpu.memory_space<hbm>>
      %dma_wait3A_1042 = arith.constant 0 : i32
      %dma_wait3A_1043 = arith.constant 0 : i32
      %dma_wait3A_1044 = tpu.memref_slice %arg11[%dma_wait3A_1035, %dma_wait3A_1042, %dma_wait3A_1043] : memref<3x1x128xi32, #tpu.memory_space<vmem>> -> memref<1x1x128xi32, #tpu.memory_space<vmem>>
      %dma_wait3A_1045 = tpu.memref_squeeze %dma_wait3A_1044 : memref<1x1x128xi32, #tpu.memory_space<vmem>> -> memref<1x128xi32, #tpu.memory_space<vmem>>
      %dma_wait3A_1046 = arith.constant 0 : i32
      %dma_wait3A_1047 = tpu.memref_slice %arg4[%add3A_1021, %dma_wait3A_1046] : memref<2568x128xi32, #tpu.memory_space<hbm>> -> memref<1x128xi32, #tpu.memory_space<hbm>>
      tpu.wait_dma2 semaphore(%arg15 : memref<!tpu.dma_semaphore, #tpu.memory_space<semaphore_mem>>) src(%dma_wait3A_1047 : memref<1x128xi32, #tpu.memory_space<hbm>>) dst(%dma_wait3A_1045 : memref<1x128xi32, #tpu.memory_space<vmem>>)
      %dma_start3A_1048 = arith.constant 1 : i32
      %dma_start3A_1049 = arith.constant 0 : i32
      %dma_start3A_1050 = arith.constant 1 : i32
      %dma_start3A_1051 = arith.constant 0 : i32
      %dma_start3A_1052 = arith.constant 0 : i32
      %dma_start3A_1053 = tpu.memref_slice %arg12[%dma_start3A_1050, %dma_start3A_1051, %dma_start3A_1052] : memref<2x128x128xf32, #tpu.memory_space<vmem>> -> memref<1x128x128xf32, #tpu.memory_space<vmem>>
      %dma_start3A_1054 = tpu.memref_squeeze %dma_start3A_1053 : memref<1x128x128xf32, #tpu.memory_space<vmem>> -> memref<128x128xf32, #tpu.memory_space<vmem>>
      %dma_start3A_1055 = arith.constant 0 : i32
      %dma_start3A_1056 = tpu.memref_slice %arg10[%dma_start3A_1048, %dma_start3A_1049, %dma_start3A_1055] : memref<3x1x128xi32, #tpu.memory_space<vmem>> -> memref<1x1x128xi32, #tpu.memory_space<vmem>>
      %dma_start3A_1057 = tpu.memref_squeeze %dma_start3A_1056 : memref<1x1x128xi32, #tpu.memory_space<vmem>> -> memref<128xi32, #tpu.memory_space<vmem>>
      %dma_start3A_1058 = arith.constant 0 : i32
      %dma_start3A_1059 = arith.constant 0 : i32
      %dma_start3A_1060 = tpu.memref_slice %arg2[%dma_start3A_1058, %dma_start3A_1059] : memref<10000x128xf32, #tpu.memory_space<hbm>> -> memref<10000x128xf32, #tpu.memory_space<hbm>>
      tpu.enqueue_indirect_dma source(%dma_start3A_1060 : memref<10000x128xf32, #tpu.memory_space<hbm>>) target(%dma_start3A_1054 : memref<128x128xf32, #tpu.memory_space<vmem>>) offsets(%dma_start3A_1057 : memref<128xi32, #tpu.memory_space<vmem>>) semaphore(%arg14 : memref<!tpu.dma_semaphore, #tpu.memory_space<semaphore_mem>>)
      %dma_wait3A_1061 = arith.constant 0 : i32
      %dma_wait3A_1062 = arith.constant 0 : i32
      %dma_wait3A_1063 = arith.constant 0 : i32
      %dma_wait3A_1064 = arith.constant 0 : i32
      %dma_wait3A_1065 = arith.constant 0 : i32
      %dma_wait3A_1066 = tpu.memref_slice %arg12[%dma_wait3A_1063, %dma_wait3A_1064, %dma_wait3A_1065] : memref<2x128x128xf32, #tpu.memory_space<vmem>> -> memref<1x128x128xf32, #tpu.memory_space<vmem>>
      %dma_wait3A_1067 = tpu.memref_squeeze %dma_wait3A_1066 : memref<1x128x128xf32, #tpu.memory_space<vmem>> -> memref<128x128xf32, #tpu.memory_space<vmem>>
      %dma_wait3A_1068 = arith.constant 0 : i32
      %dma_wait3A_1069 = tpu.memref_slice %arg10[%dma_wait3A_1061, %dma_wait3A_1062, %dma_wait3A_1068] : memref<3x1x128xi32, #tpu.memory_space<vmem>> -> memref<1x1x128xi32, #tpu.memory_space<vmem>>
      %dma_wait3A_1070 = tpu.memref_squeeze %dma_wait3A_1069 : memref<1x1x128xi32, #tpu.memory_space<vmem>> -> memref<128xi32, #tpu.memory_space<vmem>>
      %dma_wait3A_1071 = arith.constant 0 : i32
      %dma_wait3A_1072 = arith.constant 0 : i32
      %dma_wait3A_1073 = tpu.memref_slice %arg2[%dma_wait3A_1071, %dma_wait3A_1072] : memref<10000x128xf32, #tpu.memory_space<hbm>> -> memref<10000x128xf32, #tpu.memory_space<hbm>>
      tpu.wait_indirect_dma semaphore(%arg14 : memref<!tpu.dma_semaphore, #tpu.memory_space<semaphore_mem>>) src(%dma_wait3A_1073 : memref<10000x128xf32, #tpu.memory_space<hbm>>) dst(%dma_wait3A_1067 : memref<128x128xf32, #tpu.memory_space<vmem>>)
      %dma_start3A_1074 = arith.constant 0 : i32
      %dma_start3A_1075 = arith.constant 0 : i32
      %dma_start3A_1076 = arith.constant 0 : i32
      %dma_start3A_1077 = arith.constant 0 : i32
      %dma_start3A_1078 = arith.constant 0 : i32
      %dma_start3A_1079 = tpu.memref_slice %arg12[%dma_start3A_1074, %dma_start3A_1077, %dma_start3A_1078] : memref<2x128x128xf32, #tpu.memory_space<vmem>> -> memref<1x128x128xf32, #tpu.memory_space<vmem>>
      %dma_start3A_1080 = tpu.memref_squeeze %dma_start3A_1079 : memref<1x128x128xf32, #tpu.memory_space<vmem>> -> memref<128x128xf32, #tpu.memory_space<vmem>>
      %dma_start3A_1081 = arith.constant 0 : i32
      %dma_start3A_1082 = tpu.memref_slice %arg11[%dma_start3A_1075, %dma_start3A_1076, %dma_start3A_1081] : memref<3x1x128xi32, #tpu.memory_space<vmem>> -> memref<1x1x128xi32, #tpu.memory_space<vmem>>
      %dma_start3A_1083 = tpu.memref_squeeze %dma_start3A_1082 : memref<1x1x128xi32, #tpu.memory_space<vmem>> -> memref<128xi32, #tpu.memory_space<vmem>>
      %dma_start3A_1084 = arith.constant 0 : i32
      %dma_start3A_1085 = arith.constant 0 : i32
      %dma_start3A_1086 = tpu.memref_slice %arg13[%dma_start3A_1084, %dma_start3A_1085] : memref<10240x128xf32, #tpu.memory_space<vmem_shared>> -> memref<10240x128xf32, #tpu.memory_space<vmem_shared>>
      tpu.enqueue_indirect_dma source(%dma_start3A_1080 : memref<128x128xf32, #tpu.memory_space<vmem>>) target(%dma_start3A_1086 : memref<10240x128xf32, #tpu.memory_space<vmem_shared>>) offsets(%dma_start3A_1083 : memref<128xi32, #tpu.memory_space<vmem>>) semaphore(%arg16 : memref<!tpu.dma_semaphore, #tpu.memory_space<semaphore_mem>>) {add = true}
      %dma_start3A_1087 = arith.constant 0 : i32
      %dma_start3A_1088 = arith.constant 0 : i32
      %dma_start3A_1089 = arith.constant 0 : i32
      %dma_start3A_1090 = tpu.memref_slice %arg11[%dma_start3A_1087, %dma_start3A_1088, %dma_start3A_1089] : memref<3x1x128xi32, #tpu.memory_space<vmem>> -> memref<1x1x128xi32, #tpu.memory_space<vmem>>
      %dma_start3A_1091 = tpu.memref_squeeze %dma_start3A_1090 : memref<1x1x128xi32, #tpu.memory_space<vmem>> -> memref<128xi32, #tpu.memory_space<vmem>>
      %dma_start3A_1092 = arith.constant 0 : i32
      %dma_start3A_1093 = tpu.memref_slice %arg18[%dma_start3A_1092] : memref<10240xf32, #tpu.memory_space<vmem_shared>> -> memref<10240xf32, #tpu.memory_space<vmem_shared>>
      tpu.enqueue_indirect_dma source(%arg17 : memref<128xf32, #tpu.memory_space<vmem>>) target(%dma_start3A_1093 : memref<10240xf32, #tpu.memory_space<vmem_shared>>) offsets(%dma_start3A_1091 : memref<128xi32, #tpu.memory_space<vmem>>) semaphore(%arg19 : memref<!tpu.dma_semaphore, #tpu.memory_space<semaphore_mem>>) {add = true}
    }
    %scan3A_206 = arith.constant 13 : i32
    %add3A_207 = arith.constant 80 : i32
    %add3A_208 = arith.addi %mul3A_4, %add3A_207 : i32
    %dma_wait3A_209 = arith.constant 2 : i32
    %dma_wait3A_210 = arith.constant 0 : i32
    %dma_wait3A_211 = arith.constant 0 : i32
    %dma_wait3A_212 = tpu.memref_slice %arg10[%dma_wait3A_209, %dma_wait3A_210, %dma_wait3A_211] : memref<3x1x128xi32, #tpu.memory_space<vmem>> -> memref<1x1x128xi32, #tpu.memory_space<vmem>>
    %dma_wait3A_213 = tpu.memref_squeeze %dma_wait3A_212 : memref<1x1x128xi32, #tpu.memory_space<vmem>> -> memref<1x128xi32, #tpu.memory_space<vmem>>
    %dma_wait3A_214 = arith.constant 0 : i32
    %dma_wait3A_215 = tpu.memref_slice %arg3[%add3A_208, %dma_wait3A_214] : memref<2568x128xi32, #tpu.memory_space<hbm>> -> memref<1x128xi32, #tpu.memory_space<hbm>>
    %dma_wait3A_216 = arith.constant 0 : i32
    %dma_wait3A_217 = arith.constant 0 : i32
    %dma_wait3A_218 = tpu.memref_slice %arg10[%dma_wait3A_209, %dma_wait3A_216, %dma_wait3A_217] : memref<3x1x128xi32, #tpu.memory_space<vmem>> -> memref<1x1x128xi32, #tpu.memory_space<vmem>>
    %dma_wait3A_219 = tpu.memref_squeeze %dma_wait3A_218 : memref<1x1x128xi32, #tpu.memory_space<vmem>> -> memref<1x128xi32, #tpu.memory_space<vmem>>
    %dma_wait3A_220 = arith.constant 0 : i32
    %dma_wait3A_221 = tpu.memref_slice %arg3[%add3A_208, %dma_wait3A_220] : memref<2568x128xi32, #tpu.memory_space<hbm>> -> memref<1x128xi32, #tpu.memory_space<hbm>>
    tpu.wait_dma2 semaphore(%arg15 : memref<!tpu.dma_semaphore, #tpu.memory_space<semaphore_mem>>) src(%dma_wait3A_221 : memref<1x128xi32, #tpu.memory_space<hbm>>) dst(%dma_wait3A_219 : memref<1x128xi32, #tpu.memory_space<vmem>>)
    %dma_wait3A_222 = arith.constant 2 : i32
    %dma_wait3A_223 = arith.constant 0 : i32
    %dma_wait3A_224 = arith.constant 0 : i32
    %dma_wait3A_225 = tpu.memref_slice %arg11[%dma_wait3A_222, %dma_wait3A_223, %dma_wait3A_224] : memref<3x1x128xi32, #tpu.memory_space<vmem>> -> memref<1x1x128xi32, #tpu.memory_space<vmem>>
    %dma_wait3A_226 = tpu.memref_squeeze %dma_wait3A_225 : memref<1x1x128xi32, #tpu.memory_space<vmem>> -> memref<1x128xi32, #tpu.memory_space<vmem>>
    %dma_wait3A_227 = arith.constant 0 : i32
    %dma_wait3A_228 = tpu.memref_slice %arg4[%add3A_208, %dma_wait3A_227] : memref<2568x128xi32, #tpu.memory_space<hbm>> -> memref<1x128xi32, #tpu.memory_space<hbm>>
    %dma_wait3A_229 = arith.constant 0 : i32
    %dma_wait3A_230 = arith.constant 0 : i32
    %dma_wait3A_231 = tpu.memref_slice %arg11[%dma_wait3A_222, %dma_wait3A_229, %dma_wait3A_230] : memref<3x1x128xi32, #tpu.memory_space<vmem>> -> memref<1x1x128xi32, #tpu.memory_space<vmem>>
    %dma_wait3A_232 = tpu.memref_squeeze %dma_wait3A_231 : memref<1x1x128xi32, #tpu.memory_space<vmem>> -> memref<1x128xi32, #tpu.memory_space<vmem>>
    %dma_wait3A_233 = arith.constant 0 : i32
    %dma_wait3A_234 = tpu.memref_slice %arg4[%add3A_208, %dma_wait3A_233] : memref<2568x128xi32, #tpu.memory_space<hbm>> -> memref<1x128xi32, #tpu.memory_space<hbm>>
    tpu.wait_dma2 semaphore(%arg15 : memref<!tpu.dma_semaphore, #tpu.memory_space<semaphore_mem>>) src(%dma_wait3A_234 : memref<1x128xi32, #tpu.memory_space<hbm>>) dst(%dma_wait3A_232 : memref<1x128xi32, #tpu.memory_space<vmem>>)
    %dma_wait3A_235 = arith.constant 0 : i32
    %dma_wait3A_236 = arith.constant 0 : i32
    %dma_wait3A_237 = arith.constant 0 : i32
    %dma_wait3A_238 = arith.constant 0 : i32
    %dma_wait3A_239 = arith.constant 0 : i32
    %dma_wait3A_240 = tpu.memref_slice %arg12[%dma_wait3A_235, %dma_wait3A_238, %dma_wait3A_239] : memref<2x128x128xf32, #tpu.memory_space<vmem>> -> memref<1x128x128xf32, #tpu.memory_space<vmem>>
    %dma_wait3A_241 = tpu.memref_squeeze %dma_wait3A_240 : memref<1x128x128xf32, #tpu.memory_space<vmem>> -> memref<128x128xf32, #tpu.memory_space<vmem>>
    %dma_wait3A_242 = arith.constant 0 : i32
    %dma_wait3A_243 = tpu.memref_slice %arg11[%dma_wait3A_236, %dma_wait3A_237, %dma_wait3A_242] : memref<3x1x128xi32, #tpu.memory_space<vmem>> -> memref<1x1x128xi32, #tpu.memory_space<vmem>>
    %dma_wait3A_244 = tpu.memref_squeeze %dma_wait3A_243 : memref<1x1x128xi32, #tpu.memory_space<vmem>> -> memref<128xi32, #tpu.memory_space<vmem>>
    %dma_wait3A_245 = arith.constant 0 : i32
    %dma_wait3A_246 = arith.constant 0 : i32
    %dma_wait3A_247 = tpu.memref_slice %arg13[%dma_wait3A_245, %dma_wait3A_246] : memref<10240x128xf32, #tpu.memory_space<vmem_shared>> -> memref<10240x128xf32, #tpu.memory_space<vmem_shared>>
    tpu.wait_indirect_dma semaphore(%arg16 : memref<!tpu.dma_semaphore, #tpu.memory_space<semaphore_mem>>) src(%dma_wait3A_241 : memref<128x128xf32, #tpu.memory_space<vmem>>) dst(%dma_wait3A_247 : memref<10240x128xf32, #tpu.memory_space<vmem_shared>>)
    %dma_wait3A_248 = arith.constant 0 : i32
    %dma_wait3A_249 = arith.constant 0 : i32
    %dma_wait3A_250 = arith.constant 0 : i32
    %dma_wait3A_251 = tpu.memref_slice %arg11[%dma_wait3A_248, %dma_wait3A_249, %dma_wait3A_250] : memref<3x1x128xi32, #tpu.memory_space<vmem>> -> memref<1x1x128xi32, #tpu.memory_space<vmem>>
    %dma_wait3A_252 = tpu.memref_squeeze %dma_wait3A_251 : memref<1x1x128xi32, #tpu.memory_space<vmem>> -> memref<128xi32, #tpu.memory_space<vmem>>
    %dma_wait3A_253 = arith.constant 0 : i32
    %dma_wait3A_254 = tpu.memref_slice %arg18[%dma_wait3A_253] : memref<10240xf32, #tpu.memory_space<vmem_shared>> -> memref<10240xf32, #tpu.memory_space<vmem_shared>>
    tpu.wait_indirect_dma semaphore(%arg19 : memref<!tpu.dma_semaphore, #tpu.memory_space<semaphore_mem>>) src(%arg17 : memref<128xf32, #tpu.memory_space<vmem>>) dst(%dma_wait3A_254 : memref<10240xf32, #tpu.memory_space<vmem_shared>>)
    %dma_wait3A_255 = arith.constant 1 : i32
    %dma_wait3A_256 = arith.constant 0 : i32
    %dma_wait3A_257 = arith.constant 1 : i32
    %dma_wait3A_258 = arith.constant 0 : i32
    %dma_wait3A_259 = arith.constant 0 : i32
    %dma_wait3A_260 = tpu.memref_slice %arg12[%dma_wait3A_257, %dma_wait3A_258, %dma_wait3A_259] : memref<2x128x128xf32, #tpu.memory_space<vmem>> -> memref<1x128x128xf32, #tpu.memory_space<vmem>>
    %dma_wait3A_261 = tpu.memref_squeeze %dma_wait3A_260 : memref<1x128x128xf32, #tpu.memory_space<vmem>> -> memref<128x128xf32, #tpu.memory_space<vmem>>
    %dma_wait3A_262 = arith.constant 0 : i32
    %dma_wait3A_263 = tpu.memref_slice %arg10[%dma_wait3A_255, %dma_wait3A_256, %dma_wait3A_262] : memref<3x1x128xi32, #tpu.memory_space<vmem>> -> memref<1x1x128xi32, #tpu.memory_space<vmem>>
    %dma_wait3A_264 = tpu.memref_squeeze %dma_wait3A_263 : memref<1x1x128xi32, #tpu.memory_space<vmem>> -> memref<128xi32, #tpu.memory_space<vmem>>
    %dma_wait3A_265 = arith.constant 0 : i32
    %dma_wait3A_266 = arith.constant 0 : i32
    %dma_wait3A_267 = tpu.memref_slice %arg2[%dma_wait3A_265, %dma_wait3A_266] : memref<10000x128xf32, #tpu.memory_space<hbm>> -> memref<10000x128xf32, #tpu.memory_space<hbm>>
    tpu.wait_indirect_dma semaphore(%arg14 : memref<!tpu.dma_semaphore, #tpu.memory_space<semaphore_mem>>) src(%dma_wait3A_267 : memref<10000x128xf32, #tpu.memory_space<hbm>>) dst(%dma_wait3A_261 : memref<128x128xf32, #tpu.memory_space<vmem>>)
    %dma_start3A_268 = arith.constant 1 : i32
    %dma_start3A_269 = arith.constant 1 : i32
    %dma_start3A_270 = arith.constant 0 : i32
    %dma_start3A_271 = arith.constant 0 : i32
    %dma_start3A_272 = arith.constant 0 : i32
    %dma_start3A_273 = tpu.memref_slice %arg12[%dma_start3A_268, %dma_start3A_271, %dma_start3A_272] : memref<2x128x128xf32, #tpu.memory_space<vmem>> -> memref<1x128x128xf32, #tpu.memory_space<vmem>>
    %dma_start3A_274 = tpu.memref_squeeze %dma_start3A_273 : memref<1x128x128xf32, #tpu.memory_space<vmem>> -> memref<128x128xf32, #tpu.memory_space<vmem>>
    %dma_start3A_275 = arith.constant 0 : i32
    %dma_start3A_276 = tpu.memref_slice %arg11[%dma_start3A_269, %dma_start3A_270, %dma_start3A_275] : memref<3x1x128xi32, #tpu.memory_space<vmem>> -> memref<1x1x128xi32, #tpu.memory_space<vmem>>
    %dma_start3A_277 = tpu.memref_squeeze %dma_start3A_276 : memref<1x1x128xi32, #tpu.memory_space<vmem>> -> memref<128xi32, #tpu.memory_space<vmem>>
    %dma_start3A_278 = arith.constant 0 : i32
    %dma_start3A_279 = arith.constant 0 : i32
    %dma_start3A_280 = tpu.memref_slice %arg13[%dma_start3A_278, %dma_start3A_279] : memref<10240x128xf32, #tpu.memory_space<vmem_shared>> -> memref<10240x128xf32, #tpu.memory_space<vmem_shared>>
    tpu.enqueue_indirect_dma source(%dma_start3A_274 : memref<128x128xf32, #tpu.memory_space<vmem>>) target(%dma_start3A_280 : memref<10240x128xf32, #tpu.memory_space<vmem_shared>>) offsets(%dma_start3A_277 : memref<128xi32, #tpu.memory_space<vmem>>) semaphore(%arg16 : memref<!tpu.dma_semaphore, #tpu.memory_space<semaphore_mem>>) {add = true}
    %dma_start3A_281 = arith.constant 1 : i32
    %dma_start3A_282 = arith.constant 0 : i32
    %dma_start3A_283 = arith.constant 0 : i32
    %dma_start3A_284 = tpu.memref_slice %arg11[%dma_start3A_281, %dma_start3A_282, %dma_start3A_283] : memref<3x1x128xi32, #tpu.memory_space<vmem>> -> memref<1x1x128xi32, #tpu.memory_space<vmem>>
    %dma_start3A_285 = tpu.memref_squeeze %dma_start3A_284 : memref<1x1x128xi32, #tpu.memory_space<vmem>> -> memref<128xi32, #tpu.memory_space<vmem>>
    %dma_start3A_286 = arith.constant 0 : i32
    %dma_start3A_287 = tpu.memref_slice %arg18[%dma_start3A_286] : memref<10240xf32, #tpu.memory_space<vmem_shared>> -> memref<10240xf32, #tpu.memory_space<vmem_shared>>
    tpu.enqueue_indirect_dma source(%arg17 : memref<128xf32, #tpu.memory_space<vmem>>) target(%dma_start3A_287 : memref<10240xf32, #tpu.memory_space<vmem_shared>>) offsets(%dma_start3A_285 : memref<128xi32, #tpu.memory_space<vmem>>) semaphore(%arg19 : memref<!tpu.dma_semaphore, #tpu.memory_space<semaphore_mem>>) {add = true}
    %dma_wait3A_288 = arith.constant 1 : i32
    %dma_wait3A_289 = arith.constant 1 : i32
    %dma_wait3A_290 = arith.constant 0 : i32
    %dma_wait3A_291 = arith.constant 0 : i32
    %dma_wait3A_292 = arith.constant 0 : i32
    %dma_wait3A_293 = tpu.memref_slice %arg12[%dma_wait3A_288, %dma_wait3A_291, %dma_wait3A_292] : memref<2x128x128xf32, #tpu.memory_space<vmem>> -> memref<1x128x128xf32, #tpu.memory_space<vmem>>
    %dma_wait3A_294 = tpu.memref_squeeze %dma_wait3A_293 : memref<1x128x128xf32, #tpu.memory_space<vmem>> -> memref<128x128xf32, #tpu.memory_space<vmem>>
    %dma_wait3A_295 = arith.constant 0 : i32
    %dma_wait3A_296 = tpu.memref_slice %arg11[%dma_wait3A_289, %dma_wait3A_290, %dma_wait3A_295] : memref<3x1x128xi32, #tpu.memory_space<vmem>> -> memref<1x1x128xi32, #tpu.memory_space<vmem>>
    %dma_wait3A_297 = tpu.memref_squeeze %dma_wait3A_296 : memref<1x1x128xi32, #tpu.memory_space<vmem>> -> memref<128xi32, #tpu.memory_space<vmem>>
    %dma_wait3A_298 = arith.constant 0 : i32
    %dma_wait3A_299 = arith.constant 0 : i32
    %dma_wait3A_300 = tpu.memref_slice %arg13[%dma_wait3A_298, %dma_wait3A_299] : memref<10240x128xf32, #tpu.memory_space<vmem_shared>> -> memref<10240x128xf32, #tpu.memory_space<vmem_shared>>
    tpu.wait_indirect_dma semaphore(%arg16 : memref<!tpu.dma_semaphore, #tpu.memory_space<semaphore_mem>>) src(%dma_wait3A_294 : memref<128x128xf32, #tpu.memory_space<vmem>>) dst(%dma_wait3A_300 : memref<10240x128xf32, #tpu.memory_space<vmem_shared>>)
    %dma_wait3A_301 = arith.constant 1 : i32
    %dma_wait3A_302 = arith.constant 0 : i32
    %dma_wait3A_303 = arith.constant 0 : i32
    %dma_wait3A_304 = tpu.memref_slice %arg11[%dma_wait3A_301, %dma_wait3A_302, %dma_wait3A_303] : memref<3x1x128xi32, #tpu.memory_space<vmem>> -> memref<1x1x128xi32, #tpu.memory_space<vmem>>
    %dma_wait3A_305 = tpu.memref_squeeze %dma_wait3A_304 : memref<1x1x128xi32, #tpu.memory_space<vmem>> -> memref<128xi32, #tpu.memory_space<vmem>>
    %dma_wait3A_306 = arith.constant 0 : i32
    %dma_wait3A_307 = tpu.memref_slice %arg18[%dma_wait3A_306] : memref<10240xf32, #tpu.memory_space<vmem_shared>> -> memref<10240xf32, #tpu.memory_space<vmem_shared>>
    tpu.wait_indirect_dma semaphore(%arg19 : memref<!tpu.dma_semaphore, #tpu.memory_space<semaphore_mem>>) src(%arg17 : memref<128xf32, #tpu.memory_space<vmem>>) dst(%dma_wait3A_307 : memref<10240xf32, #tpu.memory_space<vmem_shared>>)
    %barrier3A_308 = arith.constant 0 : index
    tpu.barrier barrier_id(%barrier3A_308)
    "tpu.region"() ({
      %run_scoped3A = tpu.sem_alloc : memref<!tpu.dma_semaphore, #tpu.memory_space<semaphore_mem>>
      %dma_start3A_309 = arith.constant 0 : i32
      %dma_start3A_310 = tpu.memref_slice %arg8[%arg0, %multiple_of3A, %dma_start3A_309] : memref<2x10240x128xf32, #tpu.memory_space<hbm>> -> memref<1x640x128xf32, #tpu.memory_space<hbm>>
      %dma_start3A_311 = tpu.memref_squeeze %dma_start3A_310 : memref<1x640x128xf32, #tpu.memory_space<hbm>> -> memref<640x128xf32, #tpu.memory_space<hbm>>
      %dma_start3A_312 = arith.constant 0 : i32
      %dma_start3A_313 = tpu.memref_slice %arg13[%multiple_of3A, %dma_start3A_312] : memref<10240x128xf32, #tpu.memory_space<vmem_shared>> -> memref<640x128xf32, #tpu.memory_space<vmem_shared>>
      tpu.enqueue_dma source(%dma_start3A_313 : memref<640x128xf32, #tpu.memory_space<vmem_shared>>) target(%dma_start3A_311 : memref<640x128xf32, #tpu.memory_space<hbm>>) target_semaphore(%run_scoped3A : memref<!tpu.dma_semaphore, #tpu.memory_space<semaphore_mem>>)
      %dma_wait3A_314 = arith.constant 0 : i32
      %dma_wait3A_315 = tpu.memref_slice %arg8[%arg0, %multiple_of3A, %dma_wait3A_314] : memref<2x10240x128xf32, #tpu.memory_space<hbm>> -> memref<1x640x128xf32, #tpu.memory_space<hbm>>
      %dma_wait3A_316 = tpu.memref_squeeze %dma_wait3A_315 : memref<1x640x128xf32, #tpu.memory_space<hbm>> -> memref<640x128xf32, #tpu.memory_space<hbm>>
      %dma_wait3A_317 = arith.constant 0 : i32
      %dma_wait3A_318 = tpu.memref_slice %arg13[%multiple_of3A, %dma_wait3A_317] : memref<10240x128xf32, #tpu.memory_space<vmem_shared>> -> memref<640x128xf32, #tpu.memory_space<vmem_shared>>
      tpu.wait_dma2 semaphore(%run_scoped3A : memref<!tpu.dma_semaphore, #tpu.memory_space<semaphore_mem>>) src(%dma_wait3A_318 : memref<640x128xf32, #tpu.memory_space<vmem_shared>>) dst(%dma_wait3A_316 : memref<640x128xf32, #tpu.memory_space<hbm>>)
      tpu.yield
    }) : () -> ()
    "tpu.region"() ({
      %run_scoped3A = tpu.sem_alloc : memref<!tpu.dma_semaphore, #tpu.memory_space<semaphore_mem>>
      %dma_start3A_309 = tpu.memref_slice %arg9[%arg0, %multiple_of3A] : memref<2x10240xf32, #tpu.memory_space<hbm>> -> memref<1x640xf32, #tpu.memory_space<hbm>>
      %dma_start3A_310 = tpu.memref_squeeze %dma_start3A_309 : memref<1x640xf32, #tpu.memory_space<hbm>> -> memref<640xf32, #tpu.memory_space<hbm>>
      %dma_start3A_311 = tpu.memref_slice %arg18[%multiple_of3A] : memref<10240xf32, #tpu.memory_space<vmem_shared>> -> memref<640xf32, #tpu.memory_space<vmem_shared>>
      tpu.enqueue_dma source(%dma_start3A_311 : memref<640xf32, #tpu.memory_space<vmem_shared>>) target(%dma_start3A_310 : memref<640xf32, #tpu.memory_space<hbm>>) target_semaphore(%run_scoped3A : memref<!tpu.dma_semaphore, #tpu.memory_space<semaphore_mem>>)
      %dma_wait3A_312 = tpu.memref_slice %arg9[%arg0, %multiple_of3A] : memref<2x10240xf32, #tpu.memory_space<hbm>> -> memref<1x640xf32, #tpu.memory_space<hbm>>
      %dma_wait3A_313 = tpu.memref_squeeze %dma_wait3A_312 : memref<1x640xf32, #tpu.memory_space<hbm>> -> memref<640xf32, #tpu.memory_space<hbm>>
      %dma_wait3A_314 = tpu.memref_slice %arg18[%multiple_of3A] : memref<10240xf32, #tpu.memory_space<vmem_shared>> -> memref<640xf32, #tpu.memory_space<vmem_shared>>
      tpu.wait_dma2 semaphore(%run_scoped3A : memref<!tpu.dma_semaphore, #tpu.memory_space<semaphore_mem>>) src(%dma_wait3A_314 : memref<640xf32, #tpu.memory_space<vmem_shared>>) dst(%dma_wait3A_313 : memref<640xf32, #tpu.memory_space<hbm>>)
      tpu.yield
    }) : () -> ()
    return
  }
}

module attributes {stable_mosaic.version = 14 : i64} {
  func.func @_tc1_body(%arg0: i32, %arg1: memref<1000x128xf32, #tpu.memory_space<vmem>>, %arg2: memref<1000x128xf32, #tpu.memory_space<vmem>>, %arg3: memref<1000x1xf32, #tpu.memory_space<vmem>>, %arg4: memref<1000x1xf32, #tpu.memory_space<vmem>>, %arg5: memref<1000x128xf32, #tpu.memory_space<vmem>>, %arg6: memref<128x128xf32, #tpu.memory_space<vmem>>, %arg7: memref<1x128xf32, #tpu.memory_space<vmem>>, %arg8: memref<128x128xf32, #tpu.memory_space<vmem>>, %arg9: memref<128x64xf32, #tpu.memory_space<vmem>>, %arg10: memref<128x64xf32, #tpu.memory_space<vmem>>, %arg11: memref<1000x64xf32, #tpu.memory_space<vmem>>, %arg12: memref<1000x64xf32, #tpu.memory_space<vmem>>) attributes {dimension_semantics = [#tpu.dimension_semantics<arbitrary>], iteration_bounds = array<i64: 10>, scalar_prefetch = 0 : i64, scratch_operands = 0 : i64, tpu.core_type = #tpu.core_type<tc>, window_params = [{transform_indices = @transform_0, window_bounds = array<i64: 1000, 128>}, {transform_indices = @transform_1, window_bounds = array<i64: 1000, 128>}, {transform_indices = @transform_2, window_bounds = array<i64: 1000, 1>}, {transform_indices = @transform_3, window_bounds = array<i64: 1000, 1>}, {transform_indices = @transform_4, window_bounds = array<i64: 1000, 128>}, {pipeline_mode = #tpu.pipeline_mode<synchronous>, transform_indices = @transform_5, window_bounds = array<i64: 128, 128>}, {pipeline_mode = #tpu.pipeline_mode<synchronous>, transform_indices = @transform_6, window_bounds = array<i64: 1, 128>}, {pipeline_mode = #tpu.pipeline_mode<synchronous>, transform_indices = @transform_7, window_bounds = array<i64: 128, 128>}, {pipeline_mode = #tpu.pipeline_mode<synchronous>, transform_indices = @transform_8, window_bounds = array<i64: 128, 64>}, {pipeline_mode = #tpu.pipeline_mode<synchronous>, transform_indices = @transform_9, window_bounds = array<i64: 128, 64>}, {transform_indices = @transform_10, window_bounds = array<i64: 1000, 64>}, {transform_indices = @transform_11, window_bounds = array<i64: 1000, 64>}]} {
    %get3A = arith.constant 0 : index
    %get3A_0 = arith.constant 0 : index
    %get3A_1 = vector.load %arg3[%get3A, %get3A_0] : memref<1000x1xf32, #tpu.memory_space<vmem>>, vector<1000x1xf32>
    %get3A_2 = arith.constant 0 : index
    %get3A_3 = arith.constant 0 : index
    %get3A_4 = vector.load %arg4[%get3A_2, %get3A_3] : memref<1000x1xf32, #tpu.memory_space<vmem>>, vector<1000x1xf32>
    %add3A = arith.addf %get3A_1, %get3A_4 : vector<1000x1xf32>
    %max3A = arith.constant 1.000000e+00 : f32
    %max3A_5 = vector.broadcast %max3A : f32 to vector<1000x1xf32>
    %max3A_6 = arith.maximumf %add3A, %max3A_5 : vector<1000x1xf32>
    %div3A = arith.constant 1.000000e+00 : f32
    %div3A_7 = vector.broadcast %div3A : f32 to vector<1000x1xf32>
    %div3A_8 = arith.divf %div3A_7, %max3A_6 : vector<1000x1xf32>
    %get3A_9 = arith.constant 0 : index
    %get3A_10 = arith.constant 0 : index
    %get3A_11 = vector.load %arg1[%get3A_9, %get3A_10] : memref<1000x128xf32, #tpu.memory_space<vmem>>, vector<1000x128xf32>
    %get3A_12 = arith.constant 0 : index
    %get3A_13 = arith.constant 0 : index
    %get3A_14 = vector.load %arg2[%get3A_12, %get3A_13] : memref<1000x128xf32, #tpu.memory_space<vmem>>, vector<1000x128xf32>
    %add3A_15 = arith.addf %get3A_11, %get3A_14 : vector<1000x128xf32>
    %mul3A = vector.broadcast %div3A_8 : vector<1000x1xf32> to vector<1000x128xf32>
    %mul3A_16 = arith.mulf %add3A_15, %mul3A : vector<1000x128xf32>
    %get3A_17 = arith.constant 0 : index
    %get3A_18 = arith.constant 0 : index
    %get3A_19 = vector.load %arg6[%get3A_17, %get3A_18] : memref<128x128xf32, #tpu.memory_space<vmem>>, vector<128x128xf32>
    %dot_general3A = arith.constant dense<0.000000e+00> : vector<1000x128xf32>
    %dot_general3A_20 = tpu.matmul %mul3A_16, %get3A_19, %dot_general3A {dimension_numbers = #tpu.dot_dimension_numbers<[1], [0], [0], [1], [0, 0, 1, 1], [], []>, transpose_lhs_hint = false} : vector<1000x128xf32>, vector<128x128xf32>, vector<1000x128xf32> -> vector<1000x128xf32>
    %get3A_21 = arith.constant 0 : index
    %get3A_22 = arith.constant 0 : index
    %get3A_23 = vector.load %arg7[%get3A_21, %get3A_22] : memref<1x128xf32, #tpu.memory_space<vmem>>, vector<1x128xf32>
    %add3A_24 = vector.broadcast %get3A_23 : vector<1x128xf32> to vector<1000x128xf32>
    %add3A_25 = arith.addf %dot_general3A_20, %add3A_24 : vector<1000x128xf32>
    %get3A_26 = arith.constant 0 : index
    %get3A_27 = arith.constant 0 : index
    %get3A_28 = vector.load %arg5[%get3A_26, %get3A_27] : memref<1000x128xf32, #tpu.memory_space<vmem>>, vector<1000x128xf32>
    %get3A_29 = arith.constant 0 : index
    %get3A_30 = arith.constant 0 : index
    %get3A_31 = vector.load %arg8[%get3A_29, %get3A_30] : memref<128x128xf32, #tpu.memory_space<vmem>>, vector<128x128xf32>
    %dot_general3A_32 = arith.constant dense<0.000000e+00> : vector<1000x128xf32>
    %dot_general3A_33 = tpu.matmul %get3A_28, %get3A_31, %dot_general3A_32 {dimension_numbers = #tpu.dot_dimension_numbers<[1], [0], [0], [1], [0, 0, 1, 1], [], []>, transpose_lhs_hint = false} : vector<1000x128xf32>, vector<128x128xf32>, vector<1000x128xf32> -> vector<1000x128xf32>
    %add3A_34 = arith.addf %add3A_25, %dot_general3A_33 : vector<1000x128xf32>
    %max3A_35 = arith.constant 0.000000e+00 : f32
    %max3A_36 = vector.broadcast %max3A_35 : f32 to vector<1000x128xf32>
    %max3A_37 = arith.maximumf %add3A_34, %max3A_36 : vector<1000x128xf32>
    %get3A_38 = arith.constant 0 : index
    %get3A_39 = arith.constant 0 : index
    %get3A_40 = vector.load %arg9[%get3A_38, %get3A_39] : memref<128x64xf32, #tpu.memory_space<vmem>>, vector<128x64xf32>
    %dot_general3A_41 = arith.constant dense<0.000000e+00> : vector<1000x64xf32>
    %dot_general3A_42 = tpu.matmul %max3A_37, %get3A_40, %dot_general3A_41 {dimension_numbers = #tpu.dot_dimension_numbers<[1], [0], [0], [1], [0, 0, 1, 1], [], []>, transpose_lhs_hint = false} : vector<1000x128xf32>, vector<128x64xf32>, vector<1000x64xf32> -> vector<1000x64xf32>
    %swap3A = arith.constant 0 : index
    %swap3A_43 = arith.constant 0 : index
    %swap3A_44 = vector.load %arg11[%swap3A, %swap3A_43] : memref<1000x64xf32, #tpu.memory_space<vmem>>, vector<1000x64xf32>
    tpu.vector_store %arg11[%swap3A, %swap3A_43], %dot_general3A_42 {strides = array<i32>} : memref<1000x64xf32, #tpu.memory_space<vmem>>, vector<1000x64xf32>,
    %get3A_45 = arith.constant 0 : index
    %get3A_46 = arith.constant 0 : index
    %get3A_47 = vector.load %arg10[%get3A_45, %get3A_46] : memref<128x64xf32, #tpu.memory_space<vmem>>, vector<128x64xf32>
    %dot_general3A_48 = arith.constant dense<0.000000e+00> : vector<1000x64xf32>
    %dot_general3A_49 = tpu.matmul %max3A_37, %get3A_47, %dot_general3A_48 {dimension_numbers = #tpu.dot_dimension_numbers<[1], [0], [0], [1], [0, 0, 1, 1], [], []>, transpose_lhs_hint = false} : vector<1000x128xf32>, vector<128x64xf32>, vector<1000x64xf32> -> vector<1000x64xf32>
    %swap3A_50 = arith.constant 0 : index
    %swap3A_51 = arith.constant 0 : index
    %swap3A_52 = vector.load %arg12[%swap3A_50, %swap3A_51] : memref<1000x64xf32, #tpu.memory_space<vmem>>, vector<1000x64xf32>
    tpu.vector_store %arg12[%swap3A_50, %swap3A_51], %dot_general3A_49 {strides = array<i32>} : memref<1000x64xf32, #tpu.memory_space<vmem>>, vector<1000x64xf32>,
    return
  }
  func.func @transform_0(%arg0: i32) -> (i32, i32) {
    %c0_i32 = arith.constant 0 : i32
    %c0_i32_0 = arith.constant 0 : i32
    return %arg0, %c0_i32 : i32, i32
  }
  func.func @transform_1(%arg0: i32) -> (i32, i32) {
    %c0_i32 = arith.constant 0 : i32
    %c0_i32_0 = arith.constant 0 : i32
    return %arg0, %c0_i32 : i32, i32
  }
  func.func @transform_2(%arg0: i32) -> (i32, i32) {
    %c0_i32 = arith.constant 0 : i32
    %c0_i32_0 = arith.constant 0 : i32
    return %arg0, %c0_i32 : i32, i32
  }
  func.func @transform_3(%arg0: i32) -> (i32, i32) {
    %c0_i32 = arith.constant 0 : i32
    %c0_i32_0 = arith.constant 0 : i32
    return %arg0, %c0_i32 : i32, i32
  }
  func.func @transform_4(%arg0: i32) -> (i32, i32) {
    %c0_i32 = arith.constant 0 : i32
    %c0_i32_0 = arith.constant 0 : i32
    return %arg0, %c0_i32 : i32, i32
  }
  func.func @transform_5(%arg0: i32) -> (i32, i32) {
    %c0_i32 = arith.constant 0 : i32
    %c0_i32_0 = arith.constant 0 : i32
    %c0_i32_1 = arith.constant 0 : i32
    return %c0_i32, %c0_i32_0 : i32, i32
  }
  func.func @transform_6(%arg0: i32) -> (i32, i32) {
    %c0_i32 = arith.constant 0 : i32
    %c0_i32_0 = arith.constant 0 : i32
    %c0_i32_1 = arith.constant 0 : i32
    return %c0_i32, %c0_i32_0 : i32, i32
  }
  func.func @transform_7(%arg0: i32) -> (i32, i32) {
    %c0_i32 = arith.constant 0 : i32
    %c0_i32_0 = arith.constant 0 : i32
    %c0_i32_1 = arith.constant 0 : i32
    return %c0_i32, %c0_i32_0 : i32, i32
  }
  func.func @transform_8(%arg0: i32) -> (i32, i32) {
    %c0_i32 = arith.constant 0 : i32
    %c0_i32_0 = arith.constant 0 : i32
    %c0_i32_1 = arith.constant 0 : i32
    return %c0_i32, %c0_i32_0 : i32, i32
  }
  func.func @transform_9(%arg0: i32) -> (i32, i32) {
    %c0_i32 = arith.constant 0 : i32
    %c0_i32_0 = arith.constant 0 : i32
    %c0_i32_1 = arith.constant 0 : i32
    return %c0_i32, %c0_i32_0 : i32, i32
  }
  func.func @transform_10(%arg0: i32) -> (i32, i32) {
    %c0_i32 = arith.constant 0 : i32
    %c0_i32_0 = arith.constant 0 : i32
    return %arg0, %c0_i32 : i32, i32
  }
  func.func @transform_11(%arg0: i32) -> (i32, i32) {
    %c0_i32 = arith.constant 0 : i32
    %c0_i32_0 = arith.constant 0 : i32
    return %arg0, %c0_i32 : i32, i32
  }
}

module attributes {stable_mosaic.version = 14 : i64} {
  func.func @_tc2_body(%arg0: i32, %arg1: memref<1000x64xf32, #tpu.memory_space<vmem>>, %arg2: memref<1000x64xf32, #tpu.memory_space<vmem>>, %arg3: memref<1000x1xf32, #tpu.memory_space<vmem>>, %arg4: memref<1000x1xf32, #tpu.memory_space<vmem>>, %arg5: memref<1000x64xf32, #tpu.memory_space<vmem>>, %arg6: memref<1x64xf32, #tpu.memory_space<vmem>>, %arg7: memref<1000x64xf32, #tpu.memory_space<vmem>>) attributes {dimension_semantics = [#tpu.dimension_semantics<arbitrary>], iteration_bounds = array<i64: 10>, scalar_prefetch = 0 : i64, scratch_operands = 0 : i64, tpu.core_type = #tpu.core_type<tc>, window_params = [{transform_indices = @transform_0, window_bounds = array<i64: 1000, 64>}, {transform_indices = @transform_1, window_bounds = array<i64: 1000, 64>}, {transform_indices = @transform_2, window_bounds = array<i64: 1000, 1>}, {transform_indices = @transform_3, window_bounds = array<i64: 1000, 1>}, {transform_indices = @transform_4, window_bounds = array<i64: 1000, 64>}, {pipeline_mode = #tpu.pipeline_mode<synchronous>, transform_indices = @transform_5, window_bounds = array<i64: 1, 64>}, {transform_indices = @transform_6, window_bounds = array<i64: 1000, 64>}]} {
    %get3A = arith.constant 0 : index
    %get3A_0 = arith.constant 0 : index
    %get3A_1 = vector.load %arg3[%get3A, %get3A_0] : memref<1000x1xf32, #tpu.memory_space<vmem>>, vector<1000x1xf32>
    %get3A_2 = arith.constant 0 : index
    %get3A_3 = arith.constant 0 : index
    %get3A_4 = vector.load %arg4[%get3A_2, %get3A_3] : memref<1000x1xf32, #tpu.memory_space<vmem>>, vector<1000x1xf32>
    %add3A = arith.addf %get3A_1, %get3A_4 : vector<1000x1xf32>
    %max3A = arith.constant 1.000000e+00 : f32
    %max3A_5 = vector.broadcast %max3A : f32 to vector<1000x1xf32>
    %max3A_6 = arith.maximumf %add3A, %max3A_5 : vector<1000x1xf32>
    %div3A = arith.constant 1.000000e+00 : f32
    %div3A_7 = vector.broadcast %div3A : f32 to vector<1000x1xf32>
    %div3A_8 = arith.divf %div3A_7, %max3A_6 : vector<1000x1xf32>
    %get3A_9 = arith.constant 0 : index
    %get3A_10 = arith.constant 0 : index
    %get3A_11 = vector.load %arg1[%get3A_9, %get3A_10] : memref<1000x64xf32, #tpu.memory_space<vmem>>, vector<1000x64xf32>
    %get3A_12 = arith.constant 0 : index
    %get3A_13 = arith.constant 0 : index
    %get3A_14 = vector.load %arg2[%get3A_12, %get3A_13] : memref<1000x64xf32, #tpu.memory_space<vmem>>, vector<1000x64xf32>
    %add3A_15 = arith.addf %get3A_11, %get3A_14 : vector<1000x64xf32>
    %mul3A = vector.broadcast %div3A_8 : vector<1000x1xf32> to vector<1000x64xf32>
    %mul3A_16 = arith.mulf %add3A_15, %mul3A : vector<1000x64xf32>
    %get3A_17 = arith.constant 0 : index
    %get3A_18 = arith.constant 0 : index
    %get3A_19 = vector.load %arg6[%get3A_17, %get3A_18] : memref<1x64xf32, #tpu.memory_space<vmem>>, vector<1x64xf32>
    %add3A_20 = vector.broadcast %get3A_19 : vector<1x64xf32> to vector<1000x64xf32>
    %add3A_21 = arith.addf %mul3A_16, %add3A_20 : vector<1000x64xf32>
    %get3A_22 = arith.constant 0 : index
    %get3A_23 = arith.constant 0 : index
    %get3A_24 = vector.load %arg5[%get3A_22, %get3A_23] : memref<1000x64xf32, #tpu.memory_space<vmem>>, vector<1000x64xf32>
    %add3A_25 = arith.addf %add3A_21, %get3A_24 : vector<1000x64xf32>
    %max3A_26 = arith.constant 0.000000e+00 : f32
    %max3A_27 = vector.broadcast %max3A_26 : f32 to vector<1000x64xf32>
    %max3A_28 = arith.maximumf %add3A_25, %max3A_27 : vector<1000x64xf32>
    %swap3A = arith.constant 0 : index
    %swap3A_29 = arith.constant 0 : index
    %swap3A_30 = vector.load %arg7[%swap3A, %swap3A_29] : memref<1000x64xf32, #tpu.memory_space<vmem>>, vector<1000x64xf32>
    tpu.vector_store %arg7[%swap3A, %swap3A_29], %max3A_28 {strides = array<i32>} : memref<1000x64xf32, #tpu.memory_space<vmem>>, vector<1000x64xf32>,
    return
  }
  func.func @transform_0(%arg0: i32) -> (i32, i32) {
    %c0_i32 = arith.constant 0 : i32
    %c0_i32_0 = arith.constant 0 : i32
    return %arg0, %c0_i32 : i32, i32
  }
  func.func @transform_1(%arg0: i32) -> (i32, i32) {
    %c0_i32 = arith.constant 0 : i32
    %c0_i32_0 = arith.constant 0 : i32
    return %arg0, %c0_i32 : i32, i32
  }
  func.func @transform_2(%arg0: i32) -> (i32, i32) {
    %c0_i32 = arith.constant 0 : i32
    %c0_i32_0 = arith.constant 0 : i32
    return %arg0, %c0_i32 : i32, i32
  }
  func.func @transform_3(%arg0: i32) -> (i32, i32) {
    %c0_i32 = arith.constant 0 : i32
    %c0_i32_0 = arith.constant 0 : i32
    return %arg0, %c0_i32 : i32, i32
  }
  func.func @transform_4(%arg0: i32) -> (i32, i32) {
    %c0_i32 = arith.constant 0 : i32
    %c0_i32_0 = arith.constant 0 : i32
    return %arg0, %c0_i32 : i32, i32
  }
  func.func @transform_5(%arg0: i32) -> (i32, i32) {
    %c0_i32 = arith.constant 0 : i32
    %c0_i32_0 = arith.constant 0 : i32
    %c0_i32_1 = arith.constant 0 : i32
    return %c0_i32, %c0_i32_0 : i32, i32
  }
  func.func @transform_6(%arg0: i32) -> (i32, i32) {
    %c0_i32 = arith.constant 0 : i32
    %c0_i32_0 = arith.constant 0 : i32
    return %arg0, %c0_i32 : i32, i32
  }
}

</mosaic_0001>

<sc_bundles>
// kernel: kernel.6.cloned.1.call-start
scs
__scs_entry_jumppad:
0x0: {  	(pc) =	sbr.rel $0x88, $3  }
0x1: {  	(tag) =	ssettag $0x0;
	lr =	simm.s32 $0x1  }
0x2: {  	[smem:$0x3F99] =	sst lr;
	_ =	strace $0xD0000000  }
0x3: {  	_ = 	snop  }
0x4: {  	_ = 	snop  }
0x5: {  	_ = 	snop  }
0x6: {  	_ = 	snop  }
0x7: {  	_ = 	snop  }
__scs_overlays_trampoline_lowered:
0x8: {  	[smem:$0x3FA8] =	sst s0  }
0x9: {  	[smem:$0x3FA9] =	sst s1  }
0xa: {  	[smem:$0x3FAA] =	sst s2  }
0xb: {  	[smem:$0x3FAB] =	sst s3  }
0xc: {  	[smem:$0x3FAC] =	sst s4  }
0xd: {  	[smem:$0x3FAD] =	sst s5  }
0xe: {  	[smem:$0x3FAE] =	sst s6  }
0xf: {  	[smem:$0x3FAF] =	sst s7  }
0x10: {  	[smem:$0x3FB0] =	sst s8  }
0x11: {  	[smem:$0x3FB1] =	sst s9;
	s0 =	simm.s32 @!p0 $0x0  }
0x12: {  	s1 =	sld [smem:$0x3F97];
	s0 =	simm.s32 @p0 $0x1  }
0x13: {  	[smem:$0x3FB2] =	sst s0;
	s0 =	simm.s32 @!p1 $0x0  }
0x14: {  	s2 =	sld [smem:$0x3F96];
	s0 =	simm.s32 @p1 $0x1  }
0x15: {  	[smem:$0x3FB3] =	sst s0;
	s0 =	simm.s32 @!p2 $0x0  }
0x16: {  	s3 =	sld [smem:$0x3FDB];
	s0 =	simm.s32 @p2 $0x1  }
0x17: {  	s4 =	simm.s32 $0x1BF5;
	[smem:$0x3FB5] =	sst s0  }
0x18: {  	s0 =	sld [smem:$0x3F98];
	_ =	swait.ge [sflag:s4], $0x0  }
0x19: {  	s7 =	sld [smem:$0x3F99]  }
0x1a: {  	s8 =	sadd.s32 $0xFFFFE003, lr  }
0x1b: {  	s9 =	sadd.s32 $0xFFFFFEF7, lr;
	s5 =	simm.s32 $0xFFFFFFFF;
	p2 =	slt.u32 s8, $0xFFFFF086  }
0x1c: {  	p1 =	slt.u32 s9, $0xF7A;
	s5 =	simm.s32 @!p2 $0x0  }
0x1d: {  	s5 =	simm.s32 @p1 $0x1;
	p0 =	seq.s32 s7, s2  }
0x1e: {  	s7 =	smul.u32 @!p0 $0xF7A, s2;
	p2 =	seq.s32 @!p0 s5, $0x0  }
0x1f: {  	s9 =	smul.u32 $0xF7A, s1;
	s8 =	simm.s32 @!p0 $0x1BF5;
	p2 =	por !p2, p0  }
0x20: {  	[sflag:s8] =	ssyncset.s32 @!p0 $0xFFFFF086;
	s6 =	sadd.s32 @!p0 s3, s7;
	s7 =	simm.s32 @!p0 $0x108  }
0x21: {  	s3 =	sadd.s32 s3, s9;
	s6 =	sadd.s32 @!p0 $0x88, s6;
	s7 =	simm.s32 @p2 $0x1082  }
0x22: {  	[simem:s7], [sflag:s8] =	dma.local @!p0 [hbm:s6], $0xF7A  }
0x23: {  	s9 =	sor.u32 $0xD0000000, s2;
	s6 =	simm.s32 $0x108;
	_ =	swait.ge @!p0 [sflag:s8], $0x0  }
0x24: {  	s3 =	sadd.s32 $0x88, s3;
	s6 =	simm.s32 @!p1 $0x1082;
	[sflag:s4] =	ssyncset.s32 $0xFFFFF086  }
0x25: {  	[simem:s6], [sflag:s4] =	dma.local [hbm:s3], $0xF7A  }
0x26: {  	[smem:$0x3F99] =	sst s1;
	(tag) =	ssettag s2;
	_ =	strace s9  }
0x27: {  	s1 =	sld [smem:$0x3FA9]  }
0x28: {  	s2 =	sld [smem:$0x3FAA]  }
0x29: {  	s4 =	sld [smem:$0x3FAC]  }
0x2a: {  	p0 =	seq.s32 s5, $0x0;
	s5 =	sld [smem:$0x3FAD]  }
0x2b: {  	s6 =	sld [smem:$0x3FAE]  }
0x2c: {  	s7 =	sld [smem:$0x3FAF]  }
0x2d: {  	s3 =	simm.s32 $0x108;
	s8 =	sld [smem:$0x3FB0]  }
0x2e: {  	s3 =	simm.s32 @!p0 $0x1082;
	s9 =	sld [smem:$0x3FB1]  }
0x2f: {  	lr =	sadd.s32 s0, s3;
	s0 =	sld [smem:$0x3FA8]  }
0x30: {  	s3 =	sld [smem:$0x3FAB]  }
0x31: {  	[smem:$0x3FB4] =	sst s10  }
0x32: {  	s10 =	sld [smem:$0x3FB2];
	_ =	sdelay $0x3  }
0x33: {  	p0 =	seq.s32 s10, $0x1;
	s10 =	sld [smem:$0x3FB4];
	_ =	sdelay $0x3  }
0x34: {  	[smem:$0x3FB4] =	sst s10  }
0x35: {  	s10 =	sld [smem:$0x3FB3];
	_ =	sdelay $0x3  }
0x36: {  	p1 =	seq.s32 s10, $0x1;
	s10 =	sld [smem:$0x3FB4];
	_ =	sdelay $0x3  }
0x37: {  	[smem:$0x3FB4] =	sst s10  }
0x38: {  	s10 =	sld [smem:$0x3FB5]  }
0x39: {  	_ = 	snop;
	(pc) =	sbr.ind lr, $3  }
0x3a: {  	_ = 	snop  }
0x3b: {  	_ = 	snop  }
0x3c: {  	p2 =	seq.s32 s10, $0x1;
	s10 =	sld [smem:$0x3FB4]  }
0x3d: {  	_ =	shalt  }
0x3e: {  	_ =	shalt  }
0x3f: {  	_ =	shalt  }
0x40: {  	_ =	shalt  }
0x41: {  	_ =	shalt  }
0x42: {  	_ =	shalt  }
0x43: {  	_ =	shalt  }
0x44: {  	_ =	shalt  }
0x45: {  	_ =	shalt  }
0x46: {  	_ =	shalt  }
0x47: {  	_ =	shalt  }
0x48: {  	_ =	shalt  }
0x49: {  	_ =	shalt  }
0x4a: {  	_ =	shalt  }
0x4b: {  	_ =	shalt  }
0x4c: {  	_ =	shalt  }
0x4d: {  	_ =	shalt  }
0x4e: {  	_ =	shalt  }
0x4f: {  	_ =	shalt  }
0x50: {  	_ =	shalt  }
0x51: {  	_ =	shalt  }
0x52: {  	_ =	shalt  }
0x53: {  	_ =	shalt  }
0x54: {  	_ =	shalt  }
0x55: {  	_ =	shalt  }
0x56: {  	_ =	shalt  }
0x57: {  	_ =	shalt  }
0x58: {  	_ =	shalt  }
0x59: {  	_ =	shalt  }
0x5a: {  	_ =	shalt  }
0x5b: {  	_ =	shalt  }
0x5c: {  	_ =	shalt  }
0x5d: {  	_ =	shalt  }
0x5e: {  	_ =	shalt  }
0x5f: {  	_ =	shalt  }
0x60: {  	_ =	shalt  }
0x61: {  	_ =	shalt  }
0x62: {  	_ =	shalt  }
0x63: {  	_ =	shalt  }
0x64: {  	_ =	shalt  }
0x65: {  	_ =	shalt  }
0x66: {  	_ =	shalt  }
0x67: {  	_ =	shalt  }
0x68: {  	_ =	shalt  }
0x69: {  	_ =	shalt  }
0x6a: {  	_ =	shalt  }
0x6b: {  	_ =	shalt  }
0x6c: {  	_ =	shalt  }
0x6d: {  	_ =	shalt  }
0x6e: {  	_ =	shalt  }
0x6f: {  	_ =	shalt  }
0x70: {  	_ =	shalt  }
0x71: {  	_ =	shalt  }
0x72: {  	_ =	shalt  }
0x73: {  	_ =	shalt  }
0x74: {  	_ =	shalt  }
0x75: {  	_ =	shalt  }
0x76: {  	_ =	shalt  }
0x77: {  	_ =	shalt  }
0x78: {  	_ =	shalt  }
0x79: {  	_ =	shalt  }
0x7a: {  	_ =	shalt  }
0x7b: {  	_ =	shalt  }
0x7c: {  	_ =	shalt  }
0x7d: {  	_ =	shalt  }
0x7e: {  	_ =	shalt  }
0x7f: {  	_ =	shalt  }
0x80: {  	_ =	shalt  }
0x81: {  	_ =	shalt  }
0x82: {  	_ =	shalt  }
0x83: {  	_ =	shalt  }
0x84: {  	_ =	shalt  }
0x85: {  	_ =	shalt  }
0x86: {  	_ =	shalt  }
0x87: {  	_ =	shalt  }
.Lfunc_end0:
.L_simem_size_0:
called_computation_lowered:
.L_overlay_start_0:
0x88: {  	s2 =	sld [smem:$0x3FD9]  }
0x89: {  	s3 =	sld [smem:$0x3FFE];
	_ =	sdelay $0x1  }
0x8a: {  	s1 =	srdreg.scid  }
0x8b: {  	s0 =	sand.u32 $0x1, s1  }
0x8c: {  	s17 =	sshll.u32 s0, $0xA;
	s2 =	sadd.s32 s3, s2  }
0x8d: {  	s2 =	sadd.s32 s2, s17  }
0x8e: {  	[smem:$0x3FC0] =	sst s2  }
0x8f: {  	_ = 	snop  }
0x90: {  	s2 =	sld [smem:$0x3FC9]  }
0x91: {  	s18 =	sld [smem:$0x3FD0];
	(tm) =	ssettm $0x1  }
0x92: {  	s4 =	sld [smem:$0x3FFB];
	_ =	sdelay $0x3  }
0x93: {  	_ =	strace s4  }
0x94: {  	s4 =	sld [smem:$0x3FFC];
	_ =	sdelay $0x3  }
0x95: {  	_ =	strace s4  }
0x96: {  	s4 =	sld [smem:$0x3FFD];
	_ =	sdelay $0x3  }
0x97: {  	_ =	strace s4  }
0x98: {  	_ =	strace $0x8FFFFFFF  }
0x99: {  	s19 =	sld [smem:$0x3FDB];
	_ =	sdelay $0x1  }
0x9a: {  	s5 =	simm.s32 $_scs_section_size  }
0x9b: {  	s6 =	simm.s32 $_size__tile_overlayer_lowered;
	s7 =	simm.s32 $_tile_overlayer_lowered  }
0x9c: {  	s22 =	simm.s32 $0x1BFF;
	s21 =	sshll.u32 s7, $0x1;
	s4 =	sadd.s32 s5, s19  }
0x9d: {  	s8 =	simm.s32 $0x0;
	s20 =	sshll.u32 s6, $0x1;
	s6 =	sadd.s32 s21, s4  }
0x9e: {  	[timem:s8], [sflag:s22] =	dma.local [hbm:s6], s20  }
0x9f: {  	_ =	swait.ge [sflag:s22], s20  }
0xa0: {  	s5 =	ssub.s32 $0x0, s20;
	[sflag:s22] =	ssyncset.done $0x0  }
0xa1: {  	[sflag:s22] =	ssyncadd.s32 s5;
	_ =	sdelay $0x1  }
0xa2: {  	s23 =	simm.s32 $0x1B8B  }
0xa3: {  	_ =	swait.ge [sflag:s23], $0x1  }
0xa4: {  	[sflag:s23] =	ssyncset.done $0x0  }
0xa5: {  	s25 =	simm.s32 $0x1B8E;
	s24 =	sld [smem:$0x3FFE];
	[sflag:s23] =	ssyncadd.s32 $0xFFFFFFFF  }
0xa6: {  	s26 =	simm.s32 $execute0_lowered;
	[smem:$0x3FD2] =	sst s25  }
0xa7: {  	s6 =	sshll.u32 s26, $0x1;
	_ =	strace $0x80000046;
	[dreg:$0x1] =	wrdreg $0xFFFFFFFF  }
0xa8: {  	s28 =	simm.s32 $_size_execute0_lowered;
	s4 =	sadd.s32 s4, s6;
	[dreg:$0x0] =	wrdreg $0x0  }
0xa9: {  	s6 =	sshll.u32 s28, $0x1;
	[dreg:$0x2] =	wrdreg s4  }
0xaa: {  	[dreg:$0x3] =	wrdreg s6  }
0xab: {  	[dreg:$0x4] =	wrdreg $0xC0  }
0xac: {  	_ =	task [dreg:s8], $0x5FFFF  }
0xad: {  	[dreg:$0x1] =	wrdreg $0xFFFFFFFF  }
0xae: {  	[dreg:$0x0] =	wrdreg $0x60  }
0xaf: {  	[dreg:$0x2] =	wrdreg s2  }
0xb0: {  	[dreg:$0x3] =	wrdreg s24  }
0xb1: {  	[dreg:$0x4] =	wrdreg s18  }
0xb2: {  	[dreg:$0x5] =	wrdreg $0x83000  }
0xb3: {  	[dreg:$0x6] =	wrdreg $0x1C3800  }
0xb4: {  	[dreg:$0x7] =	wrdreg $0x9  }
0xb5: {  	_ =	task.clear_ibuf [dreg:s8], $0x8FFFF;
	_ =	strace $0x90000046  }
0xb6: {  	s29 =	simm.s32 $0x9;
	_ =	strace $0x80000048  }
0xb7: {  	_ =	swait.ge [sflag:s29], $0x1  }
0xb8: {  	[sflag:s29] =	ssyncadd.s32 $0xFFFFFFFF  }
0xb9: {  	_ =	strace $0x90000048  }
0xba: {  	_ =	sfence  }
0xbb: {  	s30 =	sld [smem:$0x0];
	_ =	sdelay $0x2  }
0xbc: {  	s31 =	sshll.u32 s1, $0xD;
	s1 =	sshrl.u32 s1, $0x2  }
0xbd: {  	s3 =	sand.u32 $0x4000, s31;
	s1 =	sadd.s32 s1, s30  }
0xbe: {  	s0 =	sor.u32 s3, s0;
	s1 =	sshll.u32 s1, $0x11  }
0xbf: {  	s0 =	sor.u32 s1, s0  }
0xc0: {  	s0 =	sadd.s32 $0x8F2B, s0  }
0xc1: {  	[sflag:s0] =	ssyncadd.remote.s32 $0x1  }
0xc2: {  	_ =	sfence.sel $0xFFFF  }
0xc3: {  	[dreg:$0x0] =	wrdreg $0xFFFFFFFF;
	(pc) =	sbr.abs _section_cstart, $3  }
0xc4: {  	[dreg:$0x1] =	wrdreg $0xFFFFFFFF  }
0xc5: {  	_ =	task.clear_ibuf [dreg:s8], $0x2FFFF;
	_ =	strace $0x9FFFFFFF  }
0xc6: {  	(tm) =	ssettm $0x7FFFFFFF  }
0xc7: {  	_ =	shalt  }
tec
execute0_lowered:
.L_overlay_start_1:
0x0: {  	(tag) =	ssettag $0x1  }
0x1: {  	s1 =	rddreg [dreg:$0x0]  }
0x2: {  	s0 =	rddreg [dreg:$0x1]  }
0x3: {  	s2 =	srdreg.scid;
	s4 =	rddreg [dreg:$0x3]  }
0x4: {  	s15 =	stileid.u32;
	s5 =	rddreg [dreg:$0x4];
	s6 =	simm.s32 $0x0  }
0x5: {  	s28 =	simm.s32 $0x2;
	s29 =	simm.s32 $0x300;
	s30 =	simm.s32 $0x100  }
0x6: {  	s31 =	simm.s32 $0x280;
	s2 =	sand.u32 $0x1, s2;
	s3 =	smul.u32 $0x14000, s15  }
0x7: {  	s8 =	smul.u32 $0x280, s15;
	[smem:$0x7FF] =	sst s6;
	s11 =	sadd.s32 $0xC600, s0  }
0x8: {  	s12 =	sadd.s32 $0x2400, s0;
	s10 =	sadd.s32 $0x16A00, s0;
	s14 =	smul.u32 $0x50, s15  }
0x9: {  	s19 =	sadd.s32 $0x16800, s0;
	s22 =	sshll.u32 s15, $0x6;
	s7 =	smul.u32 $0x140000, s2  }
0xa: {  	s9 =	smul.u32 $0x2800, s2;
	_ =	strace $0x80000047;
	[dreg:$0xd] =	wrdreg s10  }
0xb: {  	[dreg:$0xe] =	wrdreg s19;
	s20 =	ssub.s32 $0x2, s2;
	s21 =	sshll.u32 s2, $0x4  }
0xc: {  	s2 =	smul.u32 $0x500, s2;
	s13 =	sshrl.u32 s20, $0x1;
	s10 =	sor.u32 s15, s21  }
0xd: {  	s24 =	sadd.s32 s8, s5;
	s7 =	sadd.s32 s3, s7;
	s9 =	sadd.s32 s8, s9  }
0xe: {  	s23 =	smul.u32 $0x500, s10;
	s3 =	sadd.s32 s3, s4;
	s10 =	sor.u32 $0x1C05, s22  }
0xf: {  	s2 =	sadd.s32 s14, s2;
	[dreg:$0x10] =	wrdreg s24;
	s7 =	sshrl.u32 s7, $0x3  }
0x10: {  	s9 =	sshrl.u32 s9, $0x3;
	[dreg:$0xf] =	wrdreg s3;
	s2 =	sshll.u32 s2, $0x4  }
0x11: {  	s7 =	sadd.s32 s7, s0;
	s0 =	sadd.s32 s9, s0;
	s9 =	ssub.s32 s20, s13  }
0x12: {  	s25 =	sadd.s32 s11, s23;
	s26 =	sadd.s32 s12, s23;
	s8 =	sor.u32 $0x10, s23  }
0x13: {  	s14 =	sor.u32 $0x80, s2;
	s18 =	sor.u32 $0x20, s23;
	[dreg:$0x11] =	wrdreg s25  }
0x14: {  	s21 =	sadd.s32 s2, s11;
	s22 =	sadd.s32 s2, s12;
	[dreg:$0x12] =	wrdreg s26  }
0x15: {  	s23 =	sor.u32 $0x60, s2;
	s2 =	sor.u32 $0x40, s2;
	[dreg:$0x8] =	wrdreg s21  }
0x16: {  	s16 =	sadd.s32 s11, s8;
	s3 =	sadd.s32 s12, s8;
	[dreg:$0x9] =	wrdreg s22  }
0x17: {  	s17 =	sadd.s32 s14, s11;
	s19 =	sadd.s32 s14, s12;
	[dreg:$0x13] =	wrdreg s16  }
0x18: {  	s20 =	sadd.s32 s11, s18;
	s13 =	sadd.s32 s12, s18;
	[dreg:$0x14] =	wrdreg s3  }
0x19: {  	s24 =	sadd.s32 s23, s11;
	s25 =	sadd.s32 s23, s12;
	[dreg:$0x6] =	wrdreg s17  }
0x1a: {  	s18 =	sadd.s32 $0x16C00, s7;
	s26 =	sadd.s32 s2, s11;
	[dreg:$0x15] =	wrdreg s20  }
0x1b: {  	s21 =	sadd.s32 s2, s12;
	s22 =	simm.s32 $0x5;
	[dreg:$0x7] =	wrdreg s19  }
0x1c: {  	s23 =	simm.s32 $0x1C300;
	s2 =	simm.s32 $0x3;
	[dreg:$0x16] =	wrdreg s13  }
0x1d: {  	s7 =	simm.s32 $0x4;
	s8 =	simm.s32 $0x0;
	[dreg:$0xa] =	wrdreg s24  }
0x1e: {  	[dreg:$0xb] =	wrdreg s25;
	s19 =	sadd.s32 $0x66C00, s0;
	s20 =	smax.u32 s9, $0x1  }
0x1f: {  	[dreg:$0xc] =	wrdreg s26;
	s24 =	simm.s32 $0x180;
	s25 =	simm.s32 $0x80  }
0x20: {  	s26 =	simm.s32 $0x200;
	s3 =	simm.s32 $0x4300;
	s0 =	simm.s32 $0x1  }
.LBB2_1:
0x21: {  	s9 =	rddreg [dreg:$0xf]  }
0x22: {  	s11 =	rddreg [dreg:$0x2];
	s9 =	sshrl.u32 s9, $0x3  }
0x23: {  	[spmem:s9], [sflag:s10] =	dma.local [hbm:s11], $0x2800  }
0x24: {  	_ =	swait.ge [sflag:s22], $0x2800  }
0x25: {  	[sflag:s22] =	ssyncset.done $0x0;
	s13 =	rddreg [dreg:$0x10]  }
0x26: {  	s12 =	rddreg [dreg:$0xd];
	[sflag:s22] =	ssyncadd.s32 $0xFFFFD800;
	s11 =	sshrl.u32 s13, $0x3  }
0x27: {  	[spmem:s11], [sflag:s10] =	dma.local [hbm:s12], $0x50  }
0x28: {  	_ =	swait.ge [sflag:s22], $0x50  }
0x29: {  	[sflag:s22] =	ssyncset.done $0x0  }
0x2a: {  	s14 =	rddreg [dreg:$0xe];
	[sflag:s22] =	ssyncadd.s32 $0xFFFFFFB0  }
0x2b: {  	[tilespmem:s23], [sflag:$0x5] =	stream.linear.gather [hbm4b:s14+s6], $0x80, $0x38;
	[tilespmem:$0x1C600] =	vst v63  }
0x2c: {  	_ =	swait.ge [sflag:s22], $0x80  }
0x2d: {  	[sflag:s22] =	ssyncset.done $0x0  }
0x2e: {  	[sflag:s22] =	ssyncadd.s32 $0xFFFFFF80  }
0x2f: {  	[bflag:$0x0] =	sbarrier.arrive $0xFFFF  }
0x30: {  	s15 =	rddreg [dreg:$0x11]  }
0x31: {  	[tilespmem:s6], [sflag:$0x2] =	stream.linear.gather [hbm4b:s15+s6], $0x80, $0x38;
	[tilespmem:$0x1C600] =	vst v63  }
0x32: {  	s16 =	rddreg [dreg:$0x12]  }
0x33: {  	[tilespmem:s24], [sflag:$0x2] =	stream.linear.gather [hbm4b:s16+s6], $0x80, $0x38;
	[tilespmem:$0x1C600] =	vst v63  }
0x34: {  	s17 =	rddreg [dreg:$0x13]  }
0x35: {  	[tilespmem:s25], [sflag:$0x2] =	stream.linear.gather [hbm4b:s17+s6], $0x80, $0x38;
	[tilespmem:$0x1C600] =	vst v63  }
0x36: {  	s13 =	rddreg [dreg:$0x14]  }
0x37: {  	[tilespmem:s26], [sflag:$0x2] =	stream.linear.gather [hbm4b:s13+s6], $0x80, $0x38;
	[tilespmem:$0x1C600] =	vst v63  }
0x38: {  	_ =	swait.ge [sflag:s28], $0x80  }
0x39: {  	[sflag:s28] =	ssyncset.done $0x0  }
0x3a: {  	[sflag:s28] =	ssyncadd.s32 $0xFFFFFF80  }
0x3b: {  	_ =	swait.ge [sflag:s28], $0x80  }
0x3c: {  	[sflag:s28] =	ssyncset.done $0x0  }
0x3d: {  	[sflag:s28] =	ssyncadd.s32 $0xFFFFFF80  }
0x3e: {  	[tilespmem:s29], [sflag:$0x1] =	stream.indirect.gather [hbm4b:s1+s25], $0x80, s6, s25, $0xb8;
	[tilespmem:$0x1C600] =	vst v63  }
0x3f: {  	s14 =	rddreg [dreg:$0x15]  }
0x40: {  	[tilespmem:s30], [sflag:$0x2] =	stream.linear.gather [hbm4b:s14+s6], $0x80, $0x38;
	[tilespmem:$0x1C600] =	vst v63  }
0x41: {  	s15 =	rddreg [dreg:$0x16]  }
0x42: {  	[tilespmem:s31], [sflag:$0x2] =	stream.linear.gather [hbm4b:s15+s6], $0x80, $0x38;
	[tilespmem:$0x1C600] =	vst v63  }
0x43: {  	_ =	swait.ge [sflag:s28], $0x80  }
0x44: {  	[sflag:s28] =	ssyncset.done $0x0  }
0x45: {  	[sflag:s28] =	ssyncadd.s32 $0xFFFFFF80  }
0x46: {  	_ =	swait.ge [sflag:s28], $0x80  }
0x47: {  	[sflag:s28] =	ssyncset.done $0x0  }
0x48: {  	[sflag:s28] =	ssyncadd.s32 $0xFFFFFF80  }
0x49: {  	[tilespmem:s3], [sflag:$0x1] =	stream.indirect.gather [hbm4b:s1+s25], $0x80, s25, s25, $0xb8;
	[tilespmem:$0x1C600] =	vst v63  }
0x4a: {  	_ =	swait.ge [sflag:s0], $0x4000  }
0x4b: {  	[sflag:s0] =	ssyncset.done $0x0  }
0x4c: {  	[sflag:s0] =	ssyncadd.s32 $0xFFFFC000  }
0x4d: {  	[spmem:s4] =	stream.indirect.scatter.add.f32 [tilespmem:s29], [sflag:$0x3], $0x80, s24, s25, $0xb8;
	[tilespmem:$0x1C600] =	vst v63  }
0x4e: {  	_ = 	snop  }
0x4f: {  	[spmem:s5] =	stream.indirect.scatter.add.f32 [tilespmem:s23], [sflag:$0x4], $0x1, s24, s25, $0xb8;
	[tilespmem:$0x1C600] =	vst v63  }
0x50: {  	_ =	swait.ge [sflag:s2], $0x4000  }
0x51: {  	[sflag:s2] =	ssyncset.done $0x0  }
0x52: {  	[sflag:s2] =	ssyncadd.s32 $0xFFFFC000  }
0x53: {  	_ =	swait.ge [sflag:s7], $0x80  }
0x54: {  	s16 =	rddreg [dreg:$0x8]  }
0x55: {  	s13 =	rddreg [dreg:$0x9];
	[sflag:s7] =	ssyncset.done $0x0;
	s12 =	sadd.s32 $0x0, s16  }
0x56: {  	[sflag:s7] =	ssyncadd.s32 $0xFFFFFF80;
	s13 =	sadd.s32 $0x0, s13;
	s14 =	sadd.s32 $0x30, s12  }
0x57: {  	[tilespmem:s6], [sflag:$0x2] =	stream.linear.gather [hbm4b:s14+s6], $0x80, $0x38;
	[tilespmem:$0x1C600] =	vst v63  }
0x58: {  	s17 =	sadd.s32 $0x30, s13  }
0x59: {  	[tilespmem:s24], [sflag:$0x2] =	stream.linear.gather [hbm4b:s17+s6], $0x80, $0x38;
	[tilespmem:$0x1C600] =	vst v63  }
0x5a: {  	_ =	swait.ge [sflag:s28], $0x80  }
0x5b: {  	[sflag:s28] =	ssyncset.done $0x0  }
0x5c: {  	[sflag:s28] =	ssyncadd.s32 $0xFFFFFF80  }
0x5d: {  	_ =	swait.ge [sflag:s28], $0x80  }
0x5e: {  	[sflag:s28] =	ssyncset.done $0x0  }
0x5f: {  	[sflag:s28] =	ssyncadd.s32 $0xFFFFFF80  }
0x60: {  	[tilespmem:s29], [sflag:$0x1] =	stream.indirect.gather [hbm4b:s1+s25], $0x80, s30, s25, $0xb8;
	[tilespmem:$0x1C600] =	vst v63  }
0x61: {  	_ =	swait.ge [sflag:s0], $0x4000  }
0x62: {  	[sflag:s0] =	ssyncset.done $0x0  }
0x63: {  	[sflag:s0] =	ssyncadd.s32 $0xFFFFC000  }
0x64: {  	[spmem:s4] =	stream.indirect.scatter.add.f32 [tilespmem:s3], [sflag:$0x3], $0x80, s26, s25, $0xb8;
	[tilespmem:$0x1C600] =	vst v63  }
0x65: {  	_ = 	snop  }
0x66: {  	[spmem:s5] =	stream.indirect.scatter.add.f32 [tilespmem:s23], [sflag:$0x4], $0x1, s26, s25, $0xb8;
	[tilespmem:$0x1C600] =	vst v63  }
0x67: {  	_ =	swait.ge [sflag:s2], $0x4000  }
0x68: {  	[sflag:s2] =	ssyncset.done $0x0  }
0x69: {  	[sflag:s2] =	ssyncadd.s32 $0xFFFFC000  }
0x6a: {  	_ =	swait.ge [sflag:s7], $0x80  }
0x6b: {  	s15 =	rddreg [dreg:$0xc];
	[sflag:s7] =	ssyncset.done $0x0  }
0x6c: {  	[sflag:s7] =	ssyncadd.s32 $0xFFFFFF80;
	s14 =	sadd.s32 $0x0, s15  }
0x6d: {  	[tilespmem:s25], [sflag:$0x2] =	stream.linear.gather [hbm4b:s14+s6], $0x80, $0x38;
	[tilespmem:$0x1C600] =	vst v63  }
0x6e: {  	s16 =	sadd.s32 $0x0, s21  }
0x6f: {  	[tilespmem:s26], [sflag:$0x2] =	stream.linear.gather [hbm4b:s16+s6], $0x80, $0x38;
	[tilespmem:$0x1C600] =	vst v63  }
0x70: {  	_ =	swait.ge [sflag:s28], $0x80  }
0x71: {  	[sflag:s28] =	ssyncset.done $0x0  }
0x72: {  	[sflag:s28] =	ssyncadd.s32 $0xFFFFFF80  }
0x73: {  	_ =	swait.ge [sflag:s28], $0x80  }
0x74: {  	[sflag:s28] =	ssyncset.done $0x0  }
0x75: {  	[sflag:s28] =	ssyncadd.s32 $0xFFFFFF80  }
0x76: {  	[tilespmem:s3], [sflag:$0x1] =	stream.indirect.gather [hbm4b:s1+s25], $0x80, s6, s25, $0xb8;
	[tilespmem:$0x1C600] =	vst v63  }
0x77: {  	_ =	swait.ge [sflag:s0], $0x4000  }
0x78: {  	[sflag:s0] =	ssyncset.done $0x0  }
0x79: {  	[sflag:s0] =	ssyncadd.s32 $0xFFFFC000  }
0x7a: {  	[spmem:s4] =	stream.indirect.scatter.add.f32 [tilespmem:s29], [sflag:$0x3], $0x80, s31, s25, $0xb8;
	[tilespmem:$0x1C600] =	vst v63  }
0x7b: {  	_ = 	snop  }
0x7c: {  	[spmem:s5] =	stream.indirect.scatter.add.f32 [tilespmem:s23], [sflag:$0x4], $0x1, s31, s25, $0xb8;
	[tilespmem:$0x1C600] =	vst v63  }
0x7d: {  	_ =	swait.ge [sflag:s2], $0x4000  }
0x7e: {  	[sflag:s2] =	ssyncset.done $0x0  }
0x7f: {  	[sflag:s2] =	ssyncadd.s32 $0xFFFFC000  }
0x80: {  	_ =	swait.ge [sflag:s7], $0x80  }
0x81: {  	[sflag:s7] =	ssyncset.done $0x0  }
0x82: {  	s17 =	sadd.s32 $0x50, s12;
	[sflag:s7] =	ssyncadd.s32 $0xFFFFFF80  }
0x83: {  	[tilespmem:s30], [sflag:$0x2] =	stream.linear.gather [hbm4b:s17+s6], $0x80, $0x38;
	[tilespmem:$0x1C600] =	vst v63  }
0x84: {  	s15 =	sadd.s32 $0x50, s13  }
0x85: {  	[tilespmem:s31], [sflag:$0x2] =	stream.linear.gather [hbm4b:s15+s6], $0x80, $0x38;
	[tilespmem:$0x1C600] =	vst v63  }
0x86: {  	_ =	swait.ge [sflag:s28], $0x80  }
0x87: {  	[sflag:s28] =	ssyncset.done $0x0  }
0x88: {  	[sflag:s28] =	ssyncadd.s32 $0xFFFFFF80  }
0x89: {  	_ =	swait.ge [sflag:s28], $0x80  }
0x8a: {  	[sflag:s28] =	ssyncset.done $0x0  }
0x8b: {  	[sflag:s28] =	ssyncadd.s32 $0xFFFFFF80  }
0x8c: {  	[tilespmem:s29], [sflag:$0x1] =	stream.indirect.gather [hbm4b:s1+s25], $0x80, s25, s25, $0xb8;
	[tilespmem:$0x1C600] =	vst v63  }
0x8d: {  	_ =	swait.ge [sflag:s0], $0x4000  }
0x8e: {  	[sflag:s0] =	ssyncset.done $0x0  }
0x8f: {  	[sflag:s0] =	ssyncadd.s32 $0xFFFFC000  }
0x90: {  	[spmem:s4] =	stream.indirect.scatter.add.f32 [tilespmem:s3], [sflag:$0x3], $0x80, s24, s25, $0xb8;
	[tilespmem:$0x1C600] =	vst v63  }
0x91: {  	_ = 	snop  }
0x92: {  	[spmem:s5] =	stream.indirect.scatter.add.f32 [tilespmem:s23], [sflag:$0x4], $0x1, s24, s25, $0xb8;
	[tilespmem:$0x1C600] =	vst v63  }
0x93: {  	_ =	swait.ge [sflag:s2], $0x4000  }
0x94: {  	[sflag:s2] =	ssyncset.done $0x0  }
0x95: {  	[sflag:s2] =	ssyncadd.s32 $0xFFFFC000  }
0x96: {  	_ =	swait.ge [sflag:s7], $0x80  }
0x97: {  	s16 =	rddreg [dreg:$0xa];
	[sflag:s7] =	ssyncset.done $0x0  }
0x98: {  	s15 =	rddreg [dreg:$0xb];
	[sflag:s7] =	ssyncadd.s32 $0xFFFFFF80;
	s14 =	sadd.s32 $0x0, s16  }
0x99: {  	[tilespmem:s6], [sflag:$0x2] =	stream.linear.gather [hbm4b:s14+s6], $0x80, $0x38;
	[tilespmem:$0x1C600] =	vst v63  }
0x9a: {  	s17 =	sadd.s32 $0x0, s15  }
0x9b: {  	[tilespmem:s24], [sflag:$0x2] =	stream.linear.gather [hbm4b:s17+s6], $0x80, $0x38;
	[tilespmem:$0x1C600] =	vst v63  }
0x9c: {  	_ =	swait.ge [sflag:s28], $0x80  }
0x9d: {  	[sflag:s28] =	ssyncset.done $0x0  }
0x9e: {  	[sflag:s28] =	ssyncadd.s32 $0xFFFFFF80  }
0x9f: {  	_ =	swait.ge [sflag:s28], $0x80  }
0xa0: {  	[sflag:s28] =	ssyncset.done $0x0  }
0xa1: {  	[sflag:s28] =	ssyncadd.s32 $0xFFFFFF80  }
0xa2: {  	[tilespmem:s3], [sflag:$0x1] =	stream.indirect.gather [hbm4b:s1+s25], $0x80, s30, s25, $0xb8;
	[tilespmem:$0x1C600] =	vst v63  }
0xa3: {  	_ =	swait.ge [sflag:s0], $0x4000  }
0xa4: {  	[sflag:s0] =	ssyncset.done $0x0  }
0xa5: {  	[sflag:s0] =	ssyncadd.s32 $0xFFFFC000  }
0xa6: {  	[spmem:s4] =	stream.indirect.scatter.add.f32 [tilespmem:s29], [sflag:$0x3], $0x80, s26, s25, $0xb8;
	[tilespmem:$0x1C600] =	vst v63  }
0xa7: {  	_ = 	snop  }
0xa8: {  	[spmem:s5] =	stream.indirect.scatter.add.f32 [tilespmem:s23], [sflag:$0x4], $0x1, s26, s25, $0xb8;
	[tilespmem:$0x1C600] =	vst v63  }
0xa9: {  	_ =	swait.ge [sflag:s2], $0x4000  }
0xaa: {  	[sflag:s2] =	ssyncset.done $0x0  }
0xab: {  	[sflag:s2] =	ssyncadd.s32 $0xFFFFC000  }
0xac: {  	_ =	swait.ge [sflag:s7], $0x80  }
0xad: {  	[sflag:s7] =	ssyncset.done $0x0  }
0xae: {  	s12 =	sadd.s32 $0x70, s12;
	[sflag:s7] =	ssyncadd.s32 $0xFFFFFF80  }
0xaf: {  	[tilespmem:s25], [sflag:$0x2] =	stream.linear.gather [hbm4b:s12+s6], $0x80, $0x38;
	[tilespmem:$0x1C600] =	vst v63  }
0xb0: {  	s14 =	sadd.s32 $0x70, s13  }
0xb1: {  	[tilespmem:s26], [sflag:$0x2] =	stream.linear.gather [hbm4b:s14+s6], $0x80, $0x38;
	[tilespmem:$0x1C600] =	vst v63  }
0xb2: {  	_ =	swait.ge [sflag:s28], $0x80  }
0xb3: {  	[sflag:s28] =	ssyncset.done $0x0  }
0xb4: {  	[sflag:s28] =	ssyncadd.s32 $0xFFFFFF80  }
0xb5: {  	_ =	swait.ge [sflag:s28], $0x80  }
0xb6: {  	[sflag:s28] =	ssyncset.done $0x0  }
0xb7: {  	[sflag:s28] =	ssyncadd.s32 $0xFFFFFF80  }
0xb8: {  	[tilespmem:s29], [sflag:$0x1] =	stream.indirect.gather [hbm4b:s1+s25], $0x80, s6, s25, $0xb8;
	[tilespmem:$0x1C600] =	vst v63  }
0xb9: {  	_ =	swait.ge [sflag:s0], $0x4000  }
0xba: {  	[sflag:s0] =	ssyncset.done $0x0  }
0xbb: {  	[sflag:s0] =	ssyncadd.s32 $0xFFFFC000  }
0xbc: {  	[spmem:s4] =	stream.indirect.scatter.add.f32 [tilespmem:s3], [sflag:$0x3], $0x80, s31, s25, $0xb8;
	[tilespmem:$0x1C600] =	vst v63  }
0xbd: {  	_ = 	snop  }
0xbe: {  	[spmem:s5] =	stream.indirect.scatter.add.f32 [tilespmem:s23], [sflag:$0x4], $0x1, s31, s25, $0xb8;
	[tilespmem:$0x1C600] =	vst v63  }
0xbf: {  	_ =	swait.ge [sflag:s2], $0x4000  }
0xc0: {  	[sflag:s2] =	ssyncset.done $0x0  }
0xc1: {  	[sflag:s2] =	ssyncadd.s32 $0xFFFFC000  }
0xc2: {  	_ =	swait.ge [sflag:s7], $0x80  }
0xc3: {  	s15 =	rddreg [dreg:$0x6];
	[sflag:s7] =	ssyncset.done $0x0  }
0xc4: {  	s16 =	rddreg [dreg:$0x7];
	[sflag:s7] =	ssyncadd.s32 $0xFFFFFF80;
	s12 =	sadd.s32 $0x0, s15  }
0xc5: {  	[tilespmem:s30], [sflag:$0x2] =	stream.linear.gather [hbm4b:s12+s6], $0x80, $0x38;
	[tilespmem:$0x1C600] =	vst v63  }
0xc6: {  	s17 =	sadd.s32 $0x0, s16  }
0xc7: {  	[tilespmem:s31], [sflag:$0x2] =	stream.linear.gather [hbm4b:s17+s6], $0x80, $0x38;
	[tilespmem:$0x1C600] =	vst v63  }
0xc8: {  	_ =	swait.ge [sflag:s28], $0x80  }
0xc9: {  	[sflag:s28] =	ssyncset.done $0x0  }
0xca: {  	[sflag:s28] =	ssyncadd.s32 $0xFFFFFF80  }
0xcb: {  	_ =	swait.ge [sflag:s28], $0x80  }
0xcc: {  	[sflag:s28] =	ssyncset.done $0x0  }
0xcd: {  	[sflag:s28] =	ssyncadd.s32 $0xFFFFFF80  }
0xce: {  	[tilespmem:s3], [sflag:$0x1] =	stream.indirect.gather [hbm4b:s1+s25], $0x80, s25, s25, $0xb8;
	[tilespmem:$0x1C600] =	vst v63  }
0xcf: {  	_ =	swait.ge [sflag:s0], $0x4000  }
0xd0: {  	[sflag:s0] =	ssyncset.done $0x0  }
0xd1: {  	s12 =	simm.s32 $0x60;
	[sflag:s0] =	ssyncadd.s32 $0xFFFFC000  }
0xd2: {  	[spmem:s4] =	stream.indirect.scatter.add.f32 [tilespmem:s29], [sflag:$0x3], $0x80, s24, s25, $0xb8;
	[tilespmem:$0x1C600] =	vst v63  }
.LBB2_2:
0xd3: {  	[spmem:s5] =	stream.indirect.scatter.add.f32 [tilespmem:s23], [sflag:$0x4], $0x1, s24, s25, $0xb8;
	[tilespmem:$0x1C600] =	vst v63  }
0xd4: {  	_ =	swait.ge [sflag:s2], $0x4000  }
0xd5: {  	[sflag:s2] =	ssyncset.done $0x0  }
0xd6: {  	[sflag:s2] =	ssyncadd.s32 $0xFFFFC000  }
0xd7: {  	_ =	swait.ge [sflag:s7], $0x80  }
0xd8: {  	s13 =	smov.u32 s12;
	s14 =	rddreg [dreg:$0x8]  }
0xd9: {  	s15 =	rddreg [dreg:$0x9];
	[sflag:s7] =	ssyncset.done $0x0;
	s14 =	sadd.s32 s13, s14  }
0xda: {  	[sflag:s7] =	ssyncadd.s32 $0xFFFFFF80;
	s15 =	sadd.s32 s13, s15;
	s16 =	sadd.s32 $0x30, s14  }
0xdb: {  	[tilespmem:s6], [sflag:$0x2] =	stream.linear.gather [hbm4b:s16+s6], $0x80, $0x38;
	[tilespmem:$0x1C600] =	vst v63  }
0xdc: {  	s17 =	sadd.s32 $0x30, s15  }
0xdd: {  	[tilespmem:s24], [sflag:$0x2] =	stream.linear.gather [hbm4b:s17+s6], $0x80, $0x38;
	[tilespmem:$0x1C600] =	vst v63  }
0xde: {  	_ =	swait.ge [sflag:s28], $0x80  }
0xdf: {  	[sflag:s28] =	ssyncset.done $0x0  }
0xe0: {  	[sflag:s28] =	ssyncadd.s32 $0xFFFFFF80  }
0xe1: {  	_ =	swait.ge [sflag:s28], $0x80  }
0xe2: {  	[sflag:s28] =	ssyncset.done $0x0  }
0xe3: {  	[sflag:s28] =	ssyncadd.s32 $0xFFFFFF80  }
0xe4: {  	[tilespmem:s29], [sflag:$0x1] =	stream.indirect.gather [hbm4b:s1+s25], $0x80, s30, s25, $0xb8;
	[tilespmem:$0x1C600] =	vst v63  }
0xe5: {  	_ =	swait.ge [sflag:s0], $0x4000  }
0xe6: {  	[sflag:s0] =	ssyncset.done $0x0  }
0xe7: {  	[sflag:s0] =	ssyncadd.s32 $0xFFFFC000  }
0xe8: {  	[spmem:s4] =	stream.indirect.scatter.add.f32 [tilespmem:s3], [sflag:$0x3], $0x80, s26, s25, $0xb8;
	[tilespmem:$0x1C600] =	vst v63  }
0xe9: {  	_ = 	snop  }
0xea: {  	[spmem:s5] =	stream.indirect.scatter.add.f32 [tilespmem:s23], [sflag:$0x4], $0x1, s26, s25, $0xb8;
	[tilespmem:$0x1C600] =	vst v63  }
0xeb: {  	_ =	swait.ge [sflag:s2], $0x4000  }
0xec: {  	[sflag:s2] =	ssyncset.done $0x0  }
0xed: {  	[sflag:s2] =	ssyncadd.s32 $0xFFFFC000  }
0xee: {  	_ =	swait.ge [sflag:s7], $0x80  }
0xef: {  	s17 =	rddreg [dreg:$0xc];
	[sflag:s7] =	ssyncset.done $0x0  }
0xf0: {  	[sflag:s7] =	ssyncadd.s32 $0xFFFFFF80;
	s16 =	sadd.s32 s13, s17  }
0xf1: {  	[tilespmem:s25], [sflag:$0x2] =	stream.linear.gather [hbm4b:s16+s6], $0x80, $0x38;
	[tilespmem:$0x1C600] =	vst v63  }
0xf2: {  	s17 =	sadd.s32 s13, s21  }
0xf3: {  	[tilespmem:s26], [sflag:$0x2] =	stream.linear.gather [hbm4b:s17+s6], $0x80, $0x38;
	[tilespmem:$0x1C600] =	vst v63  }
0xf4: {  	_ =	swait.ge [sflag:s28], $0x80  }
0xf5: {  	[sflag:s28] =	ssyncset.done $0x0  }
0xf6: {  	[sflag:s28] =	ssyncadd.s32 $0xFFFFFF80  }
0xf7: {  	_ =	swait.ge [sflag:s28], $0x80  }
0xf8: {  	[sflag:s28] =	ssyncset.done $0x0  }
0xf9: {  	[sflag:s28] =	ssyncadd.s32 $0xFFFFFF80  }
0xfa: {  	[tilespmem:s3], [sflag:$0x1] =	stream.indirect.gather [hbm4b:s1+s25], $0x80, s6, s25, $0xb8;
	[tilespmem:$0x1C600] =	vst v63  }
0xfb: {  	_ =	swait.ge [sflag:s0], $0x4000  }
0xfc: {  	[sflag:s0] =	ssyncset.done $0x0  }
0xfd: {  	[sflag:s0] =	ssyncadd.s32 $0xFFFFC000  }
0xfe: {  	[spmem:s4] =	stream.indirect.scatter.add.f32 [tilespmem:s29], [sflag:$0x3], $0x80, s31, s25, $0xb8;
	[tilespmem:$0x1C600] =	vst v63  }
0xff: {  	_ = 	snop  }
0x100: {  	[spmem:s5] =	stream.indirect.scatter.add.f32 [tilespmem:s23], [sflag:$0x4], $0x1, s31, s25, $0xb8;
	[tilespmem:$0x1C600] =	vst v63  }
0x101: {  	_ =	swait.ge [sflag:s2], $0x4000  }
0x102: {  	[sflag:s2] =	ssyncset.done $0x0  }
0x103: {  	[sflag:s2] =	ssyncadd.s32 $0xFFFFC000  }
0x104: {  	_ =	swait.ge [sflag:s7], $0x80  }
0x105: {  	[sflag:s7] =	ssyncset.done $0x0  }
0x106: {  	s16 =	sadd.s32 $0x50, s14;
	[sflag:s7] =	ssyncadd.s32 $0xFFFFFF80  }
0x107: {  	[tilespmem:s30], [sflag:$0x2] =	stream.linear.gather [hbm4b:s16+s6], $0x80, $0x38;
	[tilespmem:$0x1C600] =	vst v63  }
0x108: {  	s17 =	sadd.s32 $0x50, s15  }
0x109: {  	[tilespmem:s31], [sflag:$0x2] =	stream.linear.gather [hbm4b:s17+s6], $0x80, $0x38;
	[tilespmem:$0x1C600] =	vst v63  }
0x10a: {  	_ =	swait.ge [sflag:s28], $0x80  }
0x10b: {  	[sflag:s28] =	ssyncset.done $0x0  }
0x10c: {  	[sflag:s28] =	ssyncadd.s32 $0xFFFFFF80  }
0x10d: {  	_ =	swait.ge [sflag:s28], $0x80  }
0x10e: {  	[sflag:s28] =	ssyncset.done $0x0  }
0x10f: {  	[sflag:s28] =	ssyncadd.s32 $0xFFFFFF80  }
0x110: {  	[tilespmem:s29], [sflag:$0x1] =	stream.indirect.gather [hbm4b:s1+s25], $0x80, s25, s25, $0xb8;
	[tilespmem:$0x1C600] =	vst v63  }
0x111: {  	_ =	swait.ge [sflag:s0], $0x4000  }
0x112: {  	[sflag:s0] =	ssyncset.done $0x0  }
0x113: {  	[sflag:s0] =	ssyncadd.s32 $0xFFFFC000  }
0x114: {  	[spmem:s4] =	stream.indirect.scatter.add.f32 [tilespmem:s3], [sflag:$0x3], $0x80, s24, s25, $0xb8;
	[tilespmem:$0x1C600] =	vst v63  }
0x115: {  	_ = 	snop  }
0x116: {  	[spmem:s5] =	stream.indirect.scatter.add.f32 [tilespmem:s23], [sflag:$0x4], $0x1, s24, s25, $0xb8;
	[tilespmem:$0x1C600] =	vst v63  }
0x117: {  	_ =	swait.ge [sflag:s2], $0x4000  }
0x118: {  	[sflag:s2] =	ssyncset.done $0x0  }
0x119: {  	[sflag:s2] =	ssyncadd.s32 $0xFFFFC000  }
0x11a: {  	_ =	swait.ge [sflag:s7], $0x80  }
0x11b: {  	s16 =	rddreg [dreg:$0xa];
	[sflag:s7] =	ssyncset.done $0x0  }
0x11c: {  	s17 =	rddreg [dreg:$0xb];
	[sflag:s7] =	ssyncadd.s32 $0xFFFFFF80;
	s16 =	sadd.s32 s13, s16  }
0x11d: {  	[tilespmem:s6], [sflag:$0x2] =	stream.linear.gather [hbm4b:s16+s6], $0x80, $0x38;
	[tilespmem:$0x1C600] =	vst v63  }
0x11e: {  	s17 =	sadd.s32 s13, s17  }
0x11f: {  	[tilespmem:s24], [sflag:$0x2] =	stream.linear.gather [hbm4b:s17+s6], $0x80, $0x38;
	[tilespmem:$0x1C600] =	vst v63  }
0x120: {  	_ =	swait.ge [sflag:s28], $0x80  }
0x121: {  	[sflag:s28] =	ssyncset.done $0x0  }
0x122: {  	[sflag:s28] =	ssyncadd.s32 $0xFFFFFF80  }
0x123: {  	_ =	swait.ge [sflag:s28], $0x80  }
0x124: {  	[sflag:s28] =	ssyncset.done $0x0  }
0x125: {  	[sflag:s28] =	ssyncadd.s32 $0xFFFFFF80  }
0x126: {  	[tilespmem:s3], [sflag:$0x1] =	stream.indirect.gather [hbm4b:s1+s25], $0x80, s30, s25, $0xb8;
	[tilespmem:$0x1C600] =	vst v63  }
0x127: {  	_ =	swait.ge [sflag:s0], $0x4000  }
0x128: {  	[sflag:s0] =	ssyncset.done $0x0  }
0x129: {  	[sflag:s0] =	ssyncadd.s32 $0xFFFFC000  }
0x12a: {  	[spmem:s4] =	stream.indirect.scatter.add.f32 [tilespmem:s29], [sflag:$0x3], $0x80, s26, s25, $0xb8;
	[tilespmem:$0x1C600] =	vst v63  }
0x12b: {  	_ = 	snop  }
0x12c: {  	[spmem:s5] =	stream.indirect.scatter.add.f32 [tilespmem:s23], [sflag:$0x4], $0x1, s26, s25, $0xb8;
	[tilespmem:$0x1C600] =	vst v63  }
0x12d: {  	_ =	swait.ge [sflag:s2], $0x4000  }
0x12e: {  	[sflag:s2] =	ssyncset.done $0x0  }
0x12f: {  	[sflag:s2] =	ssyncadd.s32 $0xFFFFC000  }
0x130: {  	_ =	swait.ge [sflag:s7], $0x80  }
0x131: {  	[sflag:s7] =	ssyncset.done $0x0  }
0x132: {  	s14 =	sadd.s32 $0x70, s14;
	[sflag:s7] =	ssyncadd.s32 $0xFFFFFF80  }
0x133: {  	[tilespmem:s25], [sflag:$0x2] =	stream.linear.gather [hbm4b:s14+s6], $0x80, $0x38;
	[tilespmem:$0x1C600] =	vst v63  }
0x134: {  	s15 =	sadd.s32 $0x70, s15  }
0x135: {  	[tilespmem:s26], [sflag:$0x2] =	stream.linear.gather [hbm4b:s15+s6], $0x80, $0x38;
	[tilespmem:$0x1C600] =	vst v63  }
0x136: {  	_ =	swait.ge [sflag:s28], $0x80  }
0x137: {  	[sflag:s28] =	ssyncset.done $0x0  }
0x138: {  	[sflag:s28] =	ssyncadd.s32 $0xFFFFFF80  }
0x139: {  	_ =	swait.ge [sflag:s28], $0x80  }
0x13a: {  	[sflag:s28] =	ssyncset.done $0x0  }
0x13b: {  	[sflag:s28] =	ssyncadd.s32 $0xFFFFFF80  }
0x13c: {  	[tilespmem:s29], [sflag:$0x1] =	stream.indirect.gather [hbm4b:s1+s25], $0x80, s6, s25, $0xb8;
	[tilespmem:$0x1C600] =	vst v63  }
0x13d: {  	_ =	swait.ge [sflag:s0], $0x4000  }
0x13e: {  	[sflag:s0] =	ssyncset.done $0x0  }
0x13f: {  	[sflag:s0] =	ssyncadd.s32 $0xFFFFC000  }
0x140: {  	[spmem:s4] =	stream.indirect.scatter.add.f32 [tilespmem:s3], [sflag:$0x3], $0x80, s31, s25, $0xb8;
	[tilespmem:$0x1C600] =	vst v63  }
0x141: {  	_ = 	snop  }
0x142: {  	[spmem:s5] =	stream.indirect.scatter.add.f32 [tilespmem:s23], [sflag:$0x4], $0x1, s31, s25, $0xb8;
	[tilespmem:$0x1C600] =	vst v63  }
0x143: {  	_ =	swait.ge [sflag:s2], $0x4000  }
0x144: {  	[sflag:s2] =	ssyncset.done $0x0  }
0x145: {  	[sflag:s2] =	ssyncadd.s32 $0xFFFFC000  }
0x146: {  	_ =	swait.ge [sflag:s7], $0x80  }
0x147: {  	s16 =	rddreg [dreg:$0x6];
	[sflag:s7] =	ssyncset.done $0x0  }
0x148: {  	s17 =	rddreg [dreg:$0x7];
	[sflag:s7] =	ssyncadd.s32 $0xFFFFFF80;
	s14 =	sadd.s32 s13, s16  }
0x149: {  	[tilespmem:s30], [sflag:$0x2] =	stream.linear.gather [hbm4b:s14+s6], $0x80, $0x38;
	[tilespmem:$0x1C600] =	vst v63  }
0x14a: {  	s13 =	sadd.s32 s13, s17  }
0x14b: {  	[tilespmem:s31], [sflag:$0x2] =	stream.linear.gather [hbm4b:s13+s6], $0x80, $0x38;
	[tilespmem:$0x1C600] =	vst v63  }
0x14c: {  	_ =	swait.ge [sflag:s28], $0x80  }
0x14d: {  	[sflag:s28] =	ssyncset.done $0x0  }
0x14e: {  	[sflag:s28] =	ssyncadd.s32 $0xFFFFFF80  }
0x14f: {  	_ =	swait.ge [sflag:s28], $0x80  }
0x150: {  	[sflag:s28] =	ssyncset.done $0x0  }
0x151: {  	p0 =	sne.s32 s12, $0x480;
	[sflag:s28] =	ssyncadd.s32 $0xFFFFFF80  }
0x152: {  	[tilespmem:s3], [sflag:$0x1] =	stream.indirect.gather [hbm4b:s1+s25], $0x80, s25, s25, $0xb8;
	[tilespmem:$0x1C600] =	vst v63  }
.Ltmp0:
0x153: {  	_ = 	snop;
	(pc) =	sbr.rel @p0 .LBB2_2-.Ltmp0, $4  }
0x154: {  	_ =	swait.ge [sflag:s0], $0x4000  }
0x155: {  	[sflag:s0] =	ssyncset.done $0x0  }
0x156: {  	s12 =	sadd.s32 $0x60, s12;
	[sflag:s0] =	ssyncadd.s32 $0xFFFFC000  }
0x157: {  	[spmem:s4] =	stream.indirect.scatter.add.f32 [tilespmem:s29], [sflag:$0x3], $0x80, s24, s25, $0xb8;
	[tilespmem:$0x1C600] =	vst v63  }
0x158: {  	[spmem:s5] =	stream.indirect.scatter.add.f32 [tilespmem:s23], [sflag:$0x4], $0x1, s24, s25, $0xb8;
	[tilespmem:$0x1C600] =	vst v63  }
0x159: {  	_ =	swait.ge [sflag:s28], $0x80  }
0x15a: {  	[sflag:s28] =	ssyncset.done $0x0  }
0x15b: {  	[sflag:s28] =	ssyncadd.s32 $0xFFFFFF80  }
0x15c: {  	_ =	swait.ge [sflag:s28], $0x80  }
0x15d: {  	[sflag:s28] =	ssyncset.done $0x0  }
0x15e: {  	[sflag:s28] =	ssyncadd.s32 $0xFFFFFF80  }
0x15f: {  	_ =	swait.ge [sflag:s2], $0x4000  }
0x160: {  	[sflag:s2] =	ssyncset.done $0x0  }
0x161: {  	[sflag:s2] =	ssyncadd.s32 $0xFFFFC000  }
0x162: {  	_ =	swait.ge [sflag:s7], $0x80  }
0x163: {  	[sflag:s7] =	ssyncset.done $0x0  }
0x164: {  	[sflag:s7] =	ssyncadd.s32 $0xFFFFFF80  }
0x165: {  	_ =	swait.ge [sflag:s0], $0x4000  }
0x166: {  	[sflag:s0] =	ssyncset.done $0x0  }
0x167: {  	[sflag:s0] =	ssyncadd.s32 $0xFFFFC000  }
0x168: {  	[spmem:s4] =	stream.indirect.scatter.add.f32 [tilespmem:s3], [sflag:$0x3], $0x80, s26, s25, $0xb8;
	[tilespmem:$0x1C600] =	vst v63  }
0x169: {  	_ = 	snop  }
0x16a: {  	[spmem:s5] =	stream.indirect.scatter.add.f32 [tilespmem:s23], [sflag:$0x4], $0x1, s26, s25, $0xb8;
	[tilespmem:$0x1C600] =	vst v63  }
0x16b: {  	_ =	swait.ge [sflag:s2], $0x4000  }
0x16c: {  	[sflag:s2] =	ssyncset.done $0x0  }
0x16d: {  	[sflag:s2] =	ssyncadd.s32 $0xFFFFC000  }
0x16e: {  	_ =	swait.ge [sflag:s7], $0x80  }
0x16f: {  	[sflag:s7] =	ssyncset.done $0x0  }
0x170: {  	[sflag:s7] =	ssyncadd.s32 $0xFFFFFF80  }
0x171: {  	[bflag:$0x0] =	sbarrier.arrive $0xFFFF  }
0x172: {  	[hbm:s18], [sflag:s10] =	dma.local [spmem:s9], $0x2800  }
0x173: {  	s8 =	sadd.s32 $0x1, s8;
	_ =	swait.ge [sflag:s22], $0x2800  }
0x174: {  	p0 =	sne.s32 s8, s20;
	[sflag:s22] =	ssyncset.done $0x0  }
.Ltmp1:
0x175: {  	[sflag:s22] =	ssyncadd.s32 $0xFFFFD800;
	(pc) =	sbr.rel @p0 .LBB2_1-.Ltmp1, $4  }
0x176: {  	[hbm:s19], [sflag:s10] =	dma.local [spmem:s11], $0x50  }
0x177: {  	_ =	swait.ge [sflag:s22], $0x50  }
0x178: {  	[sflag:s22] =	ssyncset.done $0x0  }
0x179: {  	[sflag:s22] =	ssyncadd.s32 $0xFFFFFFB0  }
0x17a: {  	_ =	sfence.sel $0x180000  }
0x17b: {  	[bflag:$0x0] =	sbarrier.arrive $0xFFFF  }
0x17c: {  	_ =	strace $0x90000047  }
0x17d: {  	s0 =	stileid.u32;
	[bflag:$0x2] =	sbarrier.arrive $0xFFFF  }
0x17e: {  	p0 =	sne.s32 s0, $0x0;
	s0 =	rddreg [dreg:$0x5]  }
0x17f: {  	s0 =	sadd.s32 @!p0 $0x100000, s0  }
0x180: {  	[sflag:s0] =	ssyncadd.tile.s32 @!p0 $0x1;
	_ =	shalt  }
.Lfunc_end2:
_tile_overlayer_lowered:
.L_overlay_start_2:
0x181: {  	(tag) =	ssettag $0x2  }
0x182: {  	s0 =	rddreg [dreg:$0x0];
	s2 =	stileid.u32  }
0x183: {  	s1 =	rddreg [dreg:$0x1];
	p0 =	sne.s32 s2, $0x0  }
0x184: {  	s3 =	rddreg [dreg:$0x2];
	[bflag:$0x3] =	sbarrier.arrive $0xFFFF;
	s2 =	simm.s32 @!p0 $0x1C05  }
0x185: {  	[timem:s3], [sflag:s2] =	dma.local @!p0 [hbm:s0], s1  }
0x186: {  	s0 =	simm.s32 @!p0 $0x5  }
0x187: {  	_ =	swait.ge @!p0 [sflag:s0], s1  }
0x188: {  	s1 =	ssub.s32 @!p0 $0x0, s1;
	[sflag:s0] =	ssyncset.done @!p0 $0x0  }
0x189: {  	[sflag:s0] =	ssyncadd.s32 @!p0 s1  }
0x18a: {  	[bflag:$0x3] =	sbarrier.arrive $0xFFFF  }
0x18b: {  	_ =	shalt  }

// kernel: kernel.9.cloned.1.call-start
scs
__scs_entry_jumppad:
0x0: {  	(pc) =	sbr.rel $0x88, $3  }
0x1: {  	(tag) =	ssettag $0x0;
	lr =	simm.s32 $0x1  }
0x2: {  	[smem:$0x3F99] =	sst lr;
	_ =	strace $0xD0000000  }
0x3: {  	_ = 	snop  }
0x4: {  	_ = 	snop  }
0x5: {  	_ = 	snop  }
0x6: {  	_ = 	snop  }
0x7: {  	_ = 	snop  }
__scs_overlays_trampoline_lowered:
0x8: {  	[smem:$0x3FA8] =	sst s0  }
0x9: {  	[smem:$0x3FA9] =	sst s1  }
0xa: {  	[smem:$0x3FAA] =	sst s2  }
0xb: {  	[smem:$0x3FAB] =	sst s3  }
0xc: {  	[smem:$0x3FAC] =	sst s4  }
0xd: {  	[smem:$0x3FAD] =	sst s5  }
0xe: {  	[smem:$0x3FAE] =	sst s6  }
0xf: {  	[smem:$0x3FAF] =	sst s7  }
0x10: {  	[smem:$0x3FB0] =	sst s8  }
0x11: {  	[smem:$0x3FB1] =	sst s9;
	s0 =	simm.s32 @!p0 $0x0  }
0x12: {  	s1 =	sld [smem:$0x3F97];
	s0 =	simm.s32 @p0 $0x1  }
0x13: {  	[smem:$0x3FB2] =	sst s0;
	s0 =	simm.s32 @!p1 $0x0  }
0x14: {  	s2 =	sld [smem:$0x3F96];
	s0 =	simm.s32 @p1 $0x1  }
0x15: {  	[smem:$0x3FB3] =	sst s0;
	s0 =	simm.s32 @!p2 $0x0  }
0x16: {  	s3 =	sld [smem:$0x3FDB];
	s0 =	simm.s32 @p2 $0x1  }
0x17: {  	s4 =	simm.s32 $0x1BF5;
	[smem:$0x3FB5] =	sst s0  }
0x18: {  	s0 =	sld [smem:$0x3F98];
	_ =	swait.ge [sflag:s4], $0x0  }
0x19: {  	s7 =	sld [smem:$0x3F99]  }
0x1a: {  	s8 =	sadd.s32 $0xFFFFE003, lr  }
0x1b: {  	s9 =	sadd.s32 $0xFFFFFEF7, lr;
	s5 =	simm.s32 $0xFFFFFFFF;
	p2 =	slt.u32 s8, $0xFFFFF086  }
0x1c: {  	p1 =	slt.u32 s9, $0xF7A;
	s5 =	simm.s32 @!p2 $0x0  }
0x1d: {  	s5 =	simm.s32 @p1 $0x1;
	p0 =	seq.s32 s7, s2  }
0x1e: {  	s7 =	smul.u32 @!p0 $0xF7A, s2;
	p2 =	seq.s32 @!p0 s5, $0x0  }
0x1f: {  	s9 =	smul.u32 $0xF7A, s1;
	s8 =	simm.s32 @!p0 $0x1BF5;
	p2 =	por !p2, p0  }
0x20: {  	[sflag:s8] =	ssyncset.s32 @!p0 $0xFFFFF086;
	s6 =	sadd.s32 @!p0 s3, s7;
	s7 =	simm.s32 @!p0 $0x108  }
0x21: {  	s3 =	sadd.s32 s3, s9;
	s6 =	sadd.s32 @!p0 $0x88, s6;
	s7 =	simm.s32 @p2 $0x1082  }
0x22: {  	[simem:s7], [sflag:s8] =	dma.local @!p0 [hbm:s6], $0xF7A  }
0x23: {  	s9 =	sor.u32 $0xD0000000, s2;
	s6 =	simm.s32 $0x108;
	_ =	swait.ge @!p0 [sflag:s8], $0x0  }
0x24: {  	s3 =	sadd.s32 $0x88, s3;
	s6 =	simm.s32 @!p1 $0x1082;
	[sflag:s4] =	ssyncset.s32 $0xFFFFF086  }
0x25: {  	[simem:s6], [sflag:s4] =	dma.local [hbm:s3], $0xF7A  }
0x26: {  	[smem:$0x3F99] =	sst s1;
	(tag) =	ssettag s2;
	_ =	strace s9  }
0x27: {  	s1 =	sld [smem:$0x3FA9]  }
0x28: {  	s2 =	sld [smem:$0x3FAA]  }
0x29: {  	s4 =	sld [smem:$0x3FAC]  }
0x2a: {  	p0 =	seq.s32 s5, $0x0;
	s5 =	sld [smem:$0x3FAD]  }
0x2b: {  	s6 =	sld [smem:$0x3FAE]  }
0x2c: {  	s7 =	sld [smem:$0x3FAF]  }
0x2d: {  	s3 =	simm.s32 $0x108;
	s8 =	sld [smem:$0x3FB0]  }
0x2e: {  	s3 =	simm.s32 @!p0 $0x1082;
	s9 =	sld [smem:$0x3FB1]  }
0x2f: {  	lr =	sadd.s32 s0, s3;
	s0 =	sld [smem:$0x3FA8]  }
0x30: {  	s3 =	sld [smem:$0x3FAB]  }
0x31: {  	[smem:$0x3FB4] =	sst s10  }
0x32: {  	s10 =	sld [smem:$0x3FB2];
	_ =	sdelay $0x3  }
0x33: {  	p0 =	seq.s32 s10, $0x1;
	s10 =	sld [smem:$0x3FB4];
	_ =	sdelay $0x3  }
0x34: {  	[smem:$0x3FB4] =	sst s10  }
0x35: {  	s10 =	sld [smem:$0x3FB3];
	_ =	sdelay $0x3  }
0x36: {  	p1 =	seq.s32 s10, $0x1;
	s10 =	sld [smem:$0x3FB4];
	_ =	sdelay $0x3  }
0x37: {  	[smem:$0x3FB4] =	sst s10  }
0x38: {  	s10 =	sld [smem:$0x3FB5]  }
0x39: {  	_ = 	snop;
	(pc) =	sbr.ind lr, $3  }
0x3a: {  	_ = 	snop  }
0x3b: {  	_ = 	snop  }
0x3c: {  	p2 =	seq.s32 s10, $0x1;
	s10 =	sld [smem:$0x3FB4]  }
0x3d: {  	_ =	shalt  }
0x3e: {  	_ =	shalt  }
0x3f: {  	_ =	shalt  }
0x40: {  	_ =	shalt  }
0x41: {  	_ =	shalt  }
0x42: {  	_ =	shalt  }
0x43: {  	_ =	shalt  }
0x44: {  	_ =	shalt  }
0x45: {  	_ =	shalt  }
0x46: {  	_ =	shalt  }
0x47: {  	_ =	shalt  }
0x48: {  	_ =	shalt  }
0x49: {  	_ =	shalt  }
0x4a: {  	_ =	shalt  }
0x4b: {  	_ =	shalt  }
0x4c: {  	_ =	shalt  }
0x4d: {  	_ =	shalt  }
0x4e: {  	_ =	shalt  }
0x4f: {  	_ =	shalt  }
0x50: {  	_ =	shalt  }
0x51: {  	_ =	shalt  }
0x52: {  	_ =	shalt  }
0x53: {  	_ =	shalt  }
0x54: {  	_ =	shalt  }
0x55: {  	_ =	shalt  }
0x56: {  	_ =	shalt  }
0x57: {  	_ =	shalt  }
0x58: {  	_ =	shalt  }
0x59: {  	_ =	shalt  }
0x5a: {  	_ =	shalt  }
0x5b: {  	_ =	shalt  }
0x5c: {  	_ =	shalt  }
0x5d: {  	_ =	shalt  }
0x5e: {  	_ =	shalt  }
0x5f: {  	_ =	shalt  }
0x60: {  	_ =	shalt  }
0x61: {  	_ =	shalt  }
0x62: {  	_ =	shalt  }
0x63: {  	_ =	shalt  }
0x64: {  	_ =	shalt  }
0x65: {  	_ =	shalt  }
0x66: {  	_ =	shalt  }
0x67: {  	_ =	shalt  }
0x68: {  	_ =	shalt  }
0x69: {  	_ =	shalt  }
0x6a: {  	_ =	shalt  }
0x6b: {  	_ =	shalt  }
0x6c: {  	_ =	shalt  }
0x6d: {  	_ =	shalt  }
0x6e: {  	_ =	shalt  }
0x6f: {  	_ =	shalt  }
0x70: {  	_ =	shalt  }
0x71: {  	_ =	shalt  }
0x72: {  	_ =	shalt  }
0x73: {  	_ =	shalt  }
0x74: {  	_ =	shalt  }
0x75: {  	_ =	shalt  }
0x76: {  	_ =	shalt  }
0x77: {  	_ =	shalt  }
0x78: {  	_ =	shalt  }
0x79: {  	_ =	shalt  }
0x7a: {  	_ =	shalt  }
0x7b: {  	_ =	shalt  }
0x7c: {  	_ =	shalt  }
0x7d: {  	_ =	shalt  }
0x7e: {  	_ =	shalt  }
0x7f: {  	_ =	shalt  }
0x80: {  	_ =	shalt  }
0x81: {  	_ =	shalt  }
0x82: {  	_ =	shalt  }
0x83: {  	_ =	shalt  }
0x84: {  	_ =	shalt  }
0x85: {  	_ =	shalt  }
0x86: {  	_ =	shalt  }
0x87: {  	_ =	shalt  }
.Lfunc_end0:
.L_simem_size_0:
called_computation.1_lowered:
.L_overlay_start_0:
0x88: {  	s2 =	sld [smem:$0x3FD9]  }
0x89: {  	s3 =	sld [smem:$0x3FFE];
	_ =	sdelay $0x1  }
0x8a: {  	s1 =	srdreg.scid  }
0x8b: {  	s0 =	sand.u32 $0x1, s1  }
0x8c: {  	s17 =	sshll.u32 s0, $0xA;
	s2 =	sadd.s32 s3, s2  }
0x8d: {  	s2 =	sadd.s32 s2, s17  }
0x8e: {  	[smem:$0x3FC0] =	sst s2  }
0x8f: {  	_ = 	snop  }
0x90: {  	s2 =	sld [smem:$0x3FD0];
	(tm) =	ssettm $0x1  }
0x91: {  	s18 =	sld [smem:$0x3FFB];
	_ =	sdelay $0x3  }
0x92: {  	_ =	strace s18  }
0x93: {  	s3 =	sld [smem:$0x3FFC];
	_ =	sdelay $0x3  }
0x94: {  	_ =	strace s3  }
0x95: {  	s3 =	sld [smem:$0x3FFD];
	_ =	sdelay $0x3  }
0x96: {  	_ =	strace s3  }
0x97: {  	_ =	strace $0x8FFFFFFF  }
0x98: {  	s19 =	sld [smem:$0x3FDB];
	_ =	sdelay $0x1  }
0x99: {  	s4 =	simm.s32 $_scs_section_size  }
0x9a: {  	s5 =	simm.s32 $_size__tile_overlayer_lowered;
	s6 =	simm.s32 $_tile_overlayer_lowered  }
0x9b: {  	s22 =	simm.s32 $0x1BFF;
	s21 =	sshll.u32 s6, $0x1;
	s3 =	sadd.s32 s4, s19  }
0x9c: {  	s7 =	simm.s32 $0x0;
	s20 =	sshll.u32 s5, $0x1;
	s5 =	sadd.s32 s21, s3  }
0x9d: {  	[timem:s7], [sflag:s22] =	dma.local [hbm:s5], s20  }
0x9e: {  	_ =	swait.ge [sflag:s22], s20  }
0x9f: {  	s4 =	ssub.s32 $0x0, s20;
	[sflag:s22] =	ssyncset.done $0x0  }
0xa0: {  	[sflag:s22] =	ssyncadd.s32 s4;
	_ =	sdelay $0x1  }
0xa1: {  	s23 =	simm.s32 $0x1B8B  }
0xa2: {  	_ =	swait.ge [sflag:s23], $0x1  }
0xa3: {  	[sflag:s23] =	ssyncset.done $0x0  }
0xa4: {  	s25 =	simm.s32 $0x1B8E;
	s24 =	sld [smem:$0x3FFE];
	[sflag:s23] =	ssyncadd.s32 $0xFFFFFFFF  }
0xa5: {  	s26 =	simm.s32 $execute0_lowered;
	[smem:$0x3FD2] =	sst s25  }
0xa6: {  	s5 =	sshll.u32 s26, $0x1;
	_ =	strace $0x80000049;
	[dreg:$0x1] =	wrdreg $0xFFFFFFFF  }
0xa7: {  	s28 =	simm.s32 $_size_execute0_lowered;
	s3 =	sadd.s32 s3, s5;
	[dreg:$0x0] =	wrdreg $0x0  }
0xa8: {  	s5 =	sshll.u32 s28, $0x1;
	[dreg:$0x2] =	wrdreg s3  }
0xa9: {  	[dreg:$0x3] =	wrdreg s5  }
0xaa: {  	[dreg:$0x4] =	wrdreg $0xC0  }
0xab: {  	_ =	task [dreg:s7], $0x5FFFF  }
0xac: {  	[dreg:$0x1] =	wrdreg $0xFFFFFFFF  }
0xad: {  	[dreg:$0x0] =	wrdreg $0x60  }
0xae: {  	[dreg:$0x2] =	wrdreg s2  }
0xaf: {  	[dreg:$0x3] =	wrdreg s24  }
0xb0: {  	[dreg:$0x4] =	wrdreg $0x10C000  }
0xb1: {  	[dreg:$0x5] =	wrdreg $0x9  }
0xb2: {  	_ =	task.clear_ibuf [dreg:s7], $0x6FFFF;
	_ =	strace $0x90000049  }
0xb3: {  	s29 =	simm.s32 $0x9;
	_ =	strace $0x8000004B  }
0xb4: {  	_ =	swait.ge [sflag:s29], $0x1  }
0xb5: {  	[sflag:s29] =	ssyncadd.s32 $0xFFFFFFFF  }
0xb6: {  	_ =	strace $0x9000004B  }
0xb7: {  	_ =	sfence  }
0xb8: {  	s30 =	sld [smem:$0x0];
	_ =	sdelay $0x2  }
0xb9: {  	s31 =	sshll.u32 s1, $0xD;
	s1 =	sshrl.u32 s1, $0x2  }
0xba: {  	s3 =	sand.u32 $0x4000, s31;
	s1 =	sadd.s32 s1, s30  }
0xbb: {  	s0 =	sor.u32 s3, s0;
	s1 =	sshll.u32 s1, $0x11  }
0xbc: {  	s0 =	sor.u32 s1, s0  }
0xbd: {  	s0 =	sadd.s32 $0x8F2B, s0  }
0xbe: {  	[sflag:s0] =	ssyncadd.remote.s32 $0x1  }
0xbf: {  	_ =	sfence.sel $0xFFFF  }
0xc0: {  	[dreg:$0x0] =	wrdreg $0xFFFFFFFF;
	(pc) =	sbr.abs _section_cstart, $3  }
0xc1: {  	[dreg:$0x1] =	wrdreg $0xFFFFFFFF  }
0xc2: {  	_ =	task.clear_ibuf [dreg:s7], $0x2FFFF;
	_ =	strace $0x9FFFFFFF  }
0xc3: {  	(tm) =	ssettm $0x7FFFFFFF  }
tec
execute0_lowered:
.L_overlay_start_1:
0x0: {  	(tag) =	ssettag $0x1  }
0x1: {  	s1 =	rddreg [dreg:$0x0]  }
0x2: {  	s0 =	rddreg [dreg:$0x1]  }
0x3: {  	s3 =	rddreg [dreg:$0x2];
	s2 =	srdreg.scid  }
0x4: {  	s12 =	stileid.u32;
	s4 =	simm.s32 $0x0;
	s30 =	simm.s32 $0xA00  }
0x5: {  	s2 =	sand.u32 $0x1, s2;
	s5 =	smul.u32 $0xA000, s12;
	[smem:$0x7FF] =	sst s4  }
0x6: {  	s7 =	sadd.s32 $0xC600, s0;
	s8 =	sadd.s32 $0x2400, s0;
	s11 =	smul.u32 $0x50, s12  }
0x7: {  	s9 =	sadd.s32 $0x8C200, s0;
	s22 =	sshll.u32 s12, $0x6;
	s6 =	smul.u32 $0xA0000, s2  }
0x8: {  	s20 =	smul.u32 $0x500, s2;
	s10 =	ssub.s32 $0x2, s2;
	s2 =	sshll.u32 s2, $0x4  }
0x9: {  	_ =	strace $0x8000004A;
	[dreg:$0x10] =	wrdreg s9;
	s2 =	sor.u32 s12, s2  }
0xa: {  	s12 =	sor.u32 $0x1C04, s22;
	s6 =	sadd.s32 s5, s6;
	s2 =	smul.u32 $0x500, s2  }
0xb: {  	s9 =	sadd.s32 s11, s20;
	s5 =	sadd.s32 s5, s3;
	[dreg:$0x12] =	wrdreg s12  }
0xc: {  	s9 =	sshll.u32 s9, $0x4;
	[dreg:$0x11] =	wrdreg s5;
	s24 =	sadd.s32 s7, s2  }
0xd: {  	s23 =	sadd.s32 $0x200, s9;
	s25 =	sadd.s32 s8, s2;
	[dreg:$0x13] =	wrdreg s24  }
0xe: {  	s21 =	sshrl.u32 s10, $0x1;
	[dreg:$0x14] =	wrdreg s25;
	s26 =	sadd.s32 s23, s7  }
0xf: {  	s29 =	sadd.s32 $0x1C0, s9;
	s5 =	sadd.s32 s23, s8;
	[dreg:$0x4] =	wrdreg s26  }
0x10: {  	s6 =	sshrl.u32 s6, $0x3;
	s13 =	sadd.s32 s29, s7;
	[dreg:$0x5] =	wrdreg s5  }
0x11: {  	s15 =	sadd.s32 $0x180, s9;
	s14 =	sadd.s32 s29, s8;
	[dreg:$0x6] =	wrdreg s13  }
0x12: {  	s31 =	sor.u32 $0x40, s2;
	s16 =	sadd.s32 s15, s7;
	[dreg:$0x7] =	wrdreg s14  }
0x13: {  	s0 =	sadd.s32 s6, s0;
	s11 =	sadd.s32 s8, s31;
	[dreg:$0x8] =	wrdreg s16  }
0x14: {  	s18 =	sadd.s32 $0x140, s9;
	s17 =	sadd.s32 s15, s8;
	[dreg:$0x16] =	wrdreg s11  }
0x15: {  	s6 =	ssub.s32 s10, s21;
	s19 =	sadd.s32 s18, s7;
	[dreg:$0x9] =	wrdreg s17  }
0x16: {  	s21 =	sadd.s32 $0x100, s9;
	s20 =	sadd.s32 s18, s8;
	[dreg:$0xa] =	wrdreg s19  }
0x17: {  	s2 =	sor.u32 $0x80, s2;
	s22 =	sadd.s32 s21, s7;
	[dreg:$0xb] =	wrdreg s20  }
0x18: {  	s28 =	simm.s32 $0x700;
	s24 =	sadd.s32 s7, s2;
	[dreg:$0xc] =	wrdreg s22  }
0x19: {  	s9 =	sor.u32 $0xC0, s9;
	s23 =	sadd.s32 s21, s8;
	[dreg:$0x17] =	wrdreg s24  }
0x1a: {  	s10 =	simm.s32 $0x1;
	s2 =	sadd.s32 s8, s2;
	[dreg:$0xd] =	wrdreg s23  }
0x1b: {  	s25 =	sadd.s32 s9, s7;
	s0 =	sadd.s32 $0x8D600, s0;
	[dreg:$0x18] =	wrdreg s2  }
0x1c: {  	s29 =	smax.u32 s6, $0x1;
	s18 =	simm.s32 $0x200;
	[dreg:$0xe] =	wrdreg s25  }
0x1d: {  	s21 =	simm.s32 $0x80;
	s15 =	simm.s32 $0x100;
	[dreg:$0x19] =	wrdreg s0  }
0x1e: {  	s13 =	sadd.s32 s7, s31;
	s26 =	sadd.s32 s9, s8;
	[dreg:$0x1a] =	wrdreg s29  }
0x1f: {  	s17 =	simm.s32 $0x600;
	s20 =	simm.s32 $0x2;
	s22 =	simm.s32 $0xC00  }
0x20: {  	s23 =	simm.s32 $0x2C00;
	s25 =	simm.s32 $0x4C00;
	s16 =	simm.s32 $0x180  }
0x21: {  	s19 =	simm.s32 $0x400;
	s24 =	simm.s32 $0x280;
	s0 =	simm.s32 $0x300  }
0x22: {  	s5 =	simm.s32 $0x380;
	s8 =	simm.s32 $0x680;
	[dreg:$0x15] =	wrdreg s13  }
0x23: {  	s14 =	simm.s32 $0x3;
	s31 =	simm.s32 $0x0;
	[dreg:$0xf] =	wrdreg s26  }
0x24: {  	s13 =	simm.s32 $0x4;
	s26 =	simm.s32 $0x480;
	[dreg:$0x1b] =	wrdreg s31  }
.LBB2_1:
0x25: {  	s7 =	rddreg [dreg:$0x11]  }
0x26: {  	s31 =	rddreg [dreg:$0x10];
	s11 =	sshrl.u32 s7, $0x3  }
0x27: {  	[dreg:$0x1c] =	wrdreg s11  }
0x28: {  	[spmem:s11], [sflag:s12] =	dma.local [hbm:s31], $0x1400  }
0x29: {  	_ =	swait.ge [sflag:s13], $0x1400  }
0x2a: {  	[sflag:s13] =	ssyncset.done $0x0  }
0x2b: {  	[sflag:s13] =	ssyncadd.s32 $0xFFFFEC00  }
0x2c: {  	[bflag:$0x0] =	sbarrier.arrive $0xFFFF  }
0x2d: {  	s2 =	rddreg [dreg:$0x13]  }
0x2e: {  	[tilespmem:s4], [sflag:$0x2] =	stream.linear.gather [hbm4b:s2+s4], $0x200, $0x38;
	[tilespmem:$0x1AC00] =	vst v63  }
0x2f: {  	s6 =	rddreg [dreg:$0x14]  }
0x30: {  	[tilespmem:s17], [sflag:$0x2] =	stream.linear.gather [hbm4b:s6+s4], $0x200, $0x38;
	[tilespmem:$0x1AC00] =	vst v63  }
0x31: {  	s9 =	rddreg [dreg:$0x15]  }
0x32: {  	[tilespmem:s18], [sflag:$0x2] =	stream.linear.gather [hbm4b:s9+s4], $0x200, $0x38;
	[tilespmem:$0x1AC00] =	vst v63  }
0x33: {  	s11 =	rddreg [dreg:$0x16];
	s2 =	simm.s32 $0x800  }
0x34: {  	[tilespmem:s2], [sflag:$0x2] =	stream.linear.gather [hbm4b:s11+s4], $0x200, $0x38;
	[tilespmem:$0x1AC00] =	vst v63  }
0x35: {  	_ =	swait.ge [sflag:s20], $0x200  }
0x36: {  	[sflag:s20] =	ssyncset.done $0x0  }
0x37: {  	[sflag:s20] =	ssyncadd.s32 $0xFFFFFE00  }
0x38: {  	_ =	swait.ge [sflag:s20], $0x200  }
0x39: {  	[sflag:s20] =	ssyncset.done $0x0  }
0x3a: {  	[sflag:s20] =	ssyncadd.s32 $0xFFFFFE00  }
0x3b: {  	[tilespmem:s22], [sflag:$0x1] =	stream.indirect.gather [hbm4b:s1+s21], $0x40, s4, s21, $0xb8;
	[tilespmem:$0x1AC00] =	vst v63  }
0x3c: {  	_ = 	snop  }
0x3d: {  	[tilespmem:s23], [sflag:$0x1] =	stream.indirect.gather [hbm4b:s1+s21], $0x40, s21, s21, $0xb8;
	[tilespmem:$0x1AC00] =	vst v63  }
0x3e: {  	_ = 	snop  }
0x3f: {  	[tilespmem:s25], [sflag:$0x1] =	stream.indirect.gather [hbm4b:s1+s21], $0x40, s15, s21, $0xb8;
	[tilespmem:$0x1AC00] =	vst v63  }
0x40: {  	s31 =	simm.s32 $0x6C00  }
0x41: {  	[tilespmem:s31], [sflag:$0x1] =	stream.indirect.gather [hbm4b:s1+s21], $0x40, s16, s21, $0xb8;
	[tilespmem:$0x1AC00] =	vst v63  }
0x42: {  	s12 =	rddreg [dreg:$0x17]  }
0x43: {  	[tilespmem:s19], [sflag:$0x2] =	stream.linear.gather [hbm4b:s12+s4], $0x200, $0x38;
	[tilespmem:$0x1AC00] =	vst v63  }
0x44: {  	s13 =	rddreg [dreg:$0x18]  }
0x45: {  	[tilespmem:s30], [sflag:$0x2] =	stream.linear.gather [hbm4b:s13+s4], $0x200, $0x38;
	[tilespmem:$0x1AC00] =	vst v63  }
0x46: {  	_ =	swait.ge [sflag:s20], $0x200  }
0x47: {  	[sflag:s20] =	ssyncset.done $0x0  }
0x48: {  	[sflag:s20] =	ssyncadd.s32 $0xFFFFFE00  }
0x49: {  	_ =	swait.ge [sflag:s20], $0x200  }
0x4a: {  	[sflag:s20] =	ssyncset.done $0x0  }
0x4b: {  	s11 =	simm.s32 $0x8C00;
	[sflag:s20] =	ssyncadd.s32 $0xFFFFFE00  }
0x4c: {  	[tilespmem:s11], [sflag:$0x1] =	stream.indirect.gather [hbm4b:s1+s21], $0x40, s18, s21, $0xb8;
	[tilespmem:$0x1AC00] =	vst v63  }
0x4d: {  	s29 =	simm.s32 $0xAC00  }
0x4e: {  	[tilespmem:s29], [sflag:$0x1] =	stream.indirect.gather [hbm4b:s1+s21], $0x40, s24, s21, $0xb8;
	[tilespmem:$0x1AC00] =	vst v63  }
0x4f: {  	s9 =	simm.s32 $0xCC00  }
0x50: {  	[tilespmem:s9], [sflag:$0x1] =	stream.indirect.gather [hbm4b:s1+s21], $0x40, s0, s21, $0xb8;
	[tilespmem:$0x1AC00] =	vst v63  }
0x51: {  	s7 =	simm.s32 $0xEC00  }
0x52: {  	[tilespmem:s7], [sflag:$0x1] =	stream.indirect.gather [hbm4b:s1+s21], $0x40, s5, s21, $0xb8;
	[tilespmem:$0x1AC00] =	vst v63  }
0x53: {  	_ =	swait.ge [sflag:s10], $0x2000  }
0x54: {  	[sflag:s10] =	ssyncset.done $0x0  }
0x55: {  	[sflag:s10] =	ssyncadd.s32 $0xFFFFE000  }
0x56: {  	_ =	swait.ge [sflag:s10], $0x2000  }
0x57: {  	[sflag:s10] =	ssyncset.done $0x0  }
0x58: {  	[sflag:s10] =	ssyncadd.s32 $0xFFFFE000  }
0x59: {  	_ =	swait.ge [sflag:s10], $0x2000  }
0x5a: {  	[sflag:s10] =	ssyncset.done $0x0  }
0x5b: {  	[sflag:s10] =	ssyncadd.s32 $0xFFFFE000  }
0x5c: {  	_ =	swait.ge [sflag:s10], $0x2000  }
0x5d: {  	[sflag:s10] =	ssyncset.done $0x0  }
0x5e: {  	[sflag:s10] =	ssyncadd.s32 $0xFFFFE000  }
0x5f: {  	[spmem:s3] =	stream.indirect.scatter.add.f32 [tilespmem:s22], [sflag:$0x3], $0x40, s17, s21, $0xb8;
	[tilespmem:$0x1AC00] =	vst v63  }
0x60: {  	_ = 	snop  }
0x61: {  	[spmem:s3] =	stream.indirect.scatter.add.f32 [tilespmem:s23], [sflag:$0x3], $0x40, s8, s21, $0xb8;
	[tilespmem:$0x1AC00] =	vst v63  }
0x62: {  	_ = 	snop  }
0x63: {  	[spmem:s3] =	stream.indirect.scatter.add.f32 [tilespmem:s25], [sflag:$0x3], $0x40, s28, s21, $0xb8;
	[tilespmem:$0x1AC00] =	vst v63  }
0x64: {  	s28 =	simm.s32 $0x780  }
0x65: {  	[spmem:s3] =	stream.indirect.scatter.add.f32 [tilespmem:s31], [sflag:$0x3], $0x40, s28, s21, $0xb8;
	[tilespmem:$0x1AC00] =	vst v63  }
0x66: {  	_ =	swait.ge [sflag:s14], $0x2000  }
0x67: {  	[sflag:s14] =	ssyncset.done $0x0  }
0x68: {  	[sflag:s14] =	ssyncadd.s32 $0xFFFFE000  }
0x69: {  	_ =	swait.ge [sflag:s14], $0x2000  }
0x6a: {  	[sflag:s14] =	ssyncset.done $0x0  }
0x6b: {  	[sflag:s14] =	ssyncadd.s32 $0xFFFFE000  }
0x6c: {  	_ =	swait.ge [sflag:s14], $0x2000  }
0x6d: {  	[sflag:s14] =	ssyncset.done $0x0  }
0x6e: {  	[sflag:s14] =	ssyncadd.s32 $0xFFFFE000  }
0x6f: {  	_ =	swait.ge [sflag:s14], $0x2000  }
0x70: {  	s2 =	rddreg [dreg:$0xe];
	[sflag:s14] =	ssyncset.done $0x0  }
0x71: {  	s6 =	rddreg [dreg:$0xf];
	[sflag:s14] =	ssyncadd.s32 $0xFFFFE000;
	s12 =	sadd.s32 $0x0, s2  }
0x72: {  	[tilespmem:s4], [sflag:$0x2] =	stream.linear.gather [hbm4b:s12+s4], $0x200, $0x38;
	[tilespmem:$0x1AC00] =	vst v63  }
0x73: {  	s8 =	sadd.s32 $0x0, s6  }
0x74: {  	[tilespmem:s17], [sflag:$0x2] =	stream.linear.gather [hbm4b:s8+s4], $0x200, $0x38;
	[tilespmem:$0x1AC00] =	vst v63  }
0x75: {  	_ =	swait.ge [sflag:s20], $0x200  }
0x76: {  	[sflag:s20] =	ssyncset.done $0x0  }
0x77: {  	[sflag:s20] =	ssyncadd.s32 $0xFFFFFE00  }
0x78: {  	_ =	swait.ge [sflag:s20], $0x200  }
0x79: {  	[sflag:s20] =	ssyncset.done $0x0  }
0x7a: {  	[sflag:s20] =	ssyncadd.s32 $0xFFFFFE00  }
0x7b: {  	[tilespmem:s22], [sflag:$0x1] =	stream.indirect.gather [hbm4b:s1+s21], $0x40, s19, s21, $0xb8;
	[tilespmem:$0x1AC00] =	vst v63  }
0x7c: {  	_ = 	snop  }
0x7d: {  	[tilespmem:s23], [sflag:$0x1] =	stream.indirect.gather [hbm4b:s1+s21], $0x40, s26, s21, $0xb8;
	[tilespmem:$0x1AC00] =	vst v63  }
0x7e: {  	s12 =	simm.s32 $0x500  }
0x7f: {  	[tilespmem:s25], [sflag:$0x1] =	stream.indirect.gather [hbm4b:s1+s21], $0x40, s12, s21, $0xb8;
	[tilespmem:$0x1AC00] =	vst v63  }
0x80: {  	s13 =	simm.s32 $0x580  }
0x81: {  	[tilespmem:s31], [sflag:$0x1] =	stream.indirect.gather [hbm4b:s1+s21], $0x40, s13, s21, $0xb8;
	[tilespmem:$0x1AC00] =	vst v63  }
0x82: {  	_ =	swait.ge [sflag:s10], $0x2000  }
0x83: {  	[sflag:s10] =	ssyncset.done $0x0  }
0x84: {  	[sflag:s10] =	ssyncadd.s32 $0xFFFFE000  }
0x85: {  	_ =	swait.ge [sflag:s10], $0x2000  }
0x86: {  	[sflag:s10] =	ssyncset.done $0x0  }
0x87: {  	[sflag:s10] =	ssyncadd.s32 $0xFFFFE000  }
0x88: {  	_ =	swait.ge [sflag:s10], $0x2000  }
0x89: {  	[sflag:s10] =	ssyncset.done $0x0  }
0x8a: {  	[sflag:s10] =	ssyncadd.s32 $0xFFFFE000  }
0x8b: {  	_ =	swait.ge [sflag:s10], $0x2000  }
0x8c: {  	[sflag:s10] =	ssyncset.done $0x0  }
0x8d: {  	s2 =	simm.s32 $0x800;
	[sflag:s10] =	ssyncadd.s32 $0xFFFFE000  }
0x8e: {  	[spmem:s3] =	stream.indirect.scatter.add.f32 [tilespmem:s11], [sflag:$0x3], $0x40, s2, s21, $0xb8;
	[tilespmem:$0x1AC00] =	vst v63  }
0x8f: {  	s6 =	simm.s32 $0x880  }
0x90: {  	[spmem:s3] =	stream.indirect.scatter.add.f32 [tilespmem:s29], [sflag:$0x3], $0x40, s6, s21, $0xb8;
	[tilespmem:$0x1AC00] =	vst v63  }
0x91: {  	s17 =	simm.s32 $0x900  }
0x92: {  	[spmem:s3] =	stream.indirect.scatter.add.f32 [tilespmem:s9], [sflag:$0x3], $0x40, s17, s21, $0xb8;
	[tilespmem:$0x1AC00] =	vst v63  }
0x93: {  	s19 =	simm.s32 $0x980  }
0x94: {  	[spmem:s3] =	stream.indirect.scatter.add.f32 [tilespmem:s7], [sflag:$0x3], $0x40, s19, s21, $0xb8;
	[tilespmem:$0x1AC00] =	vst v63  }
0x95: {  	_ =	swait.ge [sflag:s14], $0x2000  }
0x96: {  	[sflag:s14] =	ssyncset.done $0x0  }
0x97: {  	[sflag:s14] =	ssyncadd.s32 $0xFFFFE000  }
0x98: {  	_ =	swait.ge [sflag:s14], $0x2000  }
0x99: {  	[sflag:s14] =	ssyncset.done $0x0  }
0x9a: {  	[sflag:s14] =	ssyncadd.s32 $0xFFFFE000  }
0x9b: {  	_ =	swait.ge [sflag:s14], $0x2000  }
0x9c: {  	[sflag:s14] =	ssyncset.done $0x0  }
0x9d: {  	[sflag:s14] =	ssyncadd.s32 $0xFFFFE000  }
0x9e: {  	_ =	swait.ge [sflag:s14], $0x2000  }
0x9f: {  	s28 =	rddreg [dreg:$0xc];
	[sflag:s14] =	ssyncset.done $0x0  }
0xa0: {  	s6 =	rddreg [dreg:$0xd];
	[sflag:s14] =	ssyncadd.s32 $0xFFFFE000;
	s12 =	sadd.s32 $0x0, s28  }
0xa1: {  	[tilespmem:s18], [sflag:$0x2] =	stream.linear.gather [hbm4b:s12+s4], $0x200, $0x38;
	[tilespmem:$0x1AC00] =	vst v63  }
0xa2: {  	s8 =	sadd.s32 $0x0, s6  }
0xa3: {  	[tilespmem:s2], [sflag:$0x2] =	stream.linear.gather [hbm4b:s8+s4], $0x200, $0x38;
	[tilespmem:$0x1AC00] =	vst v63  }
0xa4: {  	_ =	swait.ge [sflag:s20], $0x200  }
0xa5: {  	[sflag:s20] =	ssyncset.done $0x0  }
0xa6: {  	[sflag:s20] =	ssyncadd.s32 $0xFFFFFE00  }
0xa7: {  	_ =	swait.ge [sflag:s20], $0x200  }
0xa8: {  	[sflag:s20] =	ssyncset.done $0x0  }
0xa9: {  	[sflag:s20] =	ssyncadd.s32 $0xFFFFFE00  }
0xaa: {  	[tilespmem:s11], [sflag:$0x1] =	stream.indirect.gather [hbm4b:s1+s21], $0x40, s4, s21, $0xb8;
	[tilespmem:$0x1AC00] =	vst v63  }
0xab: {  	_ = 	snop  }
0xac: {  	[tilespmem:s29], [sflag:$0x1] =	stream.indirect.gather [hbm4b:s1+s21], $0x40, s21, s21, $0xb8;
	[tilespmem:$0x1AC00] =	vst v63  }
0xad: {  	_ = 	snop  }
0xae: {  	[tilespmem:s9], [sflag:$0x1] =	stream.indirect.gather [hbm4b:s1+s21], $0x40, s15, s21, $0xb8;
	[tilespmem:$0x1AC00] =	vst v63  }
0xaf: {  	_ = 	snop  }
0xb0: {  	[tilespmem:s7], [sflag:$0x1] =	stream.indirect.gather [hbm4b:s1+s21], $0x40, s16, s21, $0xb8;
	[tilespmem:$0x1AC00] =	vst v63  }
0xb1: {  	_ =	swait.ge [sflag:s10], $0x2000  }
0xb2: {  	[sflag:s10] =	ssyncset.done $0x0  }
0xb3: {  	[sflag:s10] =	ssyncadd.s32 $0xFFFFE000  }
0xb4: {  	_ =	swait.ge [sflag:s10], $0x2000  }
0xb5: {  	[sflag:s10] =	ssyncset.done $0x0  }
0xb6: {  	[sflag:s10] =	ssyncadd.s32 $0xFFFFE000  }
0xb7: {  	_ =	swait.ge [sflag:s10], $0x2000  }
0xb8: {  	[sflag:s10] =	ssyncset.done $0x0  }
0xb9: {  	[sflag:s10] =	ssyncadd.s32 $0xFFFFE000  }
0xba: {  	_ =	swait.ge [sflag:s10], $0x2000  }
0xbb: {  	[sflag:s10] =	ssyncset.done $0x0  }
0xbc: {  	[sflag:s10] =	ssyncadd.s32 $0xFFFFE000  }
0xbd: {  	[spmem:s3] =	stream.indirect.scatter.add.f32 [tilespmem:s22], [sflag:$0x3], $0x40, s30, s21, $0xb8;
	[tilespmem:$0x1AC00] =	vst v63  }
0xbe: {  	s12 =	simm.s32 $0xA80  }
0xbf: {  	[spmem:s3] =	stream.indirect.scatter.add.f32 [tilespmem:s23], [sflag:$0x3], $0x40, s12, s21, $0xb8;
	[tilespmem:$0x1AC00] =	vst v63  }
0xc0: {  	s19 =	simm.s32 $0xB00  }
0xc1: {  	[spmem:s3] =	stream.indirect.scatter.add.f32 [tilespmem:s25], [sflag:$0x3], $0x40, s19, s21, $0xb8;
	[tilespmem:$0x1AC00] =	vst v63  }
0xc2: {  	s23 =	simm.s32 $0xB80  }
0xc3: {  	[spmem:s3] =	stream.indirect.scatter.add.f32 [tilespmem:s31], [sflag:$0x3], $0x40, s23, s21, $0xb8;
	[tilespmem:$0x1AC00] =	vst v63  }
0xc4: {  	_ =	swait.ge [sflag:s14], $0x2000  }
0xc5: {  	[sflag:s14] =	ssyncset.done $0x0  }
0xc6: {  	[sflag:s14] =	ssyncadd.s32 $0xFFFFE000  }
0xc7: {  	_ =	swait.ge [sflag:s14], $0x2000  }
0xc8: {  	[sflag:s14] =	ssyncset.done $0x0  }
0xc9: {  	[sflag:s14] =	ssyncadd.s32 $0xFFFFE000  }
0xca: {  	_ =	swait.ge [sflag:s14], $0x2000  }
0xcb: {  	[sflag:s14] =	ssyncset.done $0x0  }
0xcc: {  	[sflag:s14] =	ssyncadd.s32 $0xFFFFE000  }
0xcd: {  	_ =	swait.ge [sflag:s14], $0x2000  }
0xce: {  	s30 =	simm.s32 $0x400;
	s12 =	rddreg [dreg:$0xa];
	[sflag:s14] =	ssyncset.done $0x0  }
0xcf: {  	s13 =	rddreg [dreg:$0xb];
	[sflag:s14] =	ssyncadd.s32 $0xFFFFE000;
	s12 =	sadd.s32 $0x0, s12  }
0xd0: {  	[tilespmem:s30], [sflag:$0x2] =	stream.linear.gather [hbm4b:s12+s4], $0x200, $0x38;
	[tilespmem:$0x1AC00] =	vst v63  }
0xd1: {  	s22 =	simm.s32 $0xA00;
	s13 =	sadd.s32 $0x0, s13  }
0xd2: {  	[tilespmem:s22], [sflag:$0x2] =	stream.linear.gather [hbm4b:s13+s4], $0x200, $0x38;
	[tilespmem:$0x1AC00] =	vst v63  }
0xd3: {  	_ =	swait.ge [sflag:s20], $0x200  }
0xd4: {  	[sflag:s20] =	ssyncset.done $0x0  }
0xd5: {  	[sflag:s20] =	ssyncadd.s32 $0xFFFFFE00  }
0xd6: {  	_ =	swait.ge [sflag:s20], $0x200  }
0xd7: {  	[sflag:s20] =	ssyncset.done $0x0  }
0xd8: {  	s8 =	simm.s32 $0x200;
	s22 =	simm.s32 $0xC00;
	[sflag:s20] =	ssyncadd.s32 $0xFFFFFE00  }
0xd9: {  	[tilespmem:s22], [sflag:$0x1] =	stream.indirect.gather [hbm4b:s1+s21], $0x40, s8, s21, $0xb8;
	[tilespmem:$0x1AC00] =	vst v63  }
0xda: {  	s25 =	simm.s32 $0x2C00  }
0xdb: {  	[tilespmem:s25], [sflag:$0x1] =	stream.indirect.gather [hbm4b:s1+s21], $0x40, s24, s21, $0xb8;
	[tilespmem:$0x1AC00] =	vst v63  }
0xdc: {  	s28 =	simm.s32 $0x4C00  }
0xdd: {  	[tilespmem:s28], [sflag:$0x1] =	stream.indirect.gather [hbm4b:s1+s21], $0x40, s0, s21, $0xb8;
	[tilespmem:$0x1AC00] =	vst v63  }
0xde: {  	_ = 	snop  }
0xdf: {  	[tilespmem:s31], [sflag:$0x1] =	stream.indirect.gather [hbm4b:s1+s21], $0x40, s5, s21, $0xb8;
	[tilespmem:$0x1AC00] =	vst v63  }
0xe0: {  	_ =	swait.ge [sflag:s10], $0x2000  }
0xe1: {  	[sflag:s10] =	ssyncset.done $0x0  }
0xe2: {  	[sflag:s10] =	ssyncadd.s32 $0xFFFFE000  }
0xe3: {  	_ =	swait.ge [sflag:s10], $0x2000  }
0xe4: {  	[sflag:s10] =	ssyncset.done $0x0  }
0xe5: {  	[sflag:s10] =	ssyncadd.s32 $0xFFFFE000  }
0xe6: {  	_ =	swait.ge [sflag:s10], $0x2000  }
0xe7: {  	[sflag:s10] =	ssyncset.done $0x0  }
0xe8: {  	[sflag:s10] =	ssyncadd.s32 $0xFFFFE000  }
0xe9: {  	_ =	swait.ge [sflag:s10], $0x2000  }
0xea: {  	[sflag:s10] =	ssyncset.done $0x0  }
0xeb: {  	s18 =	simm.s32 $0x600;
	[sflag:s10] =	ssyncadd.s32 $0xFFFFE000  }
0xec: {  	[spmem:s3] =	stream.indirect.scatter.add.f32 [tilespmem:s11], [sflag:$0x3], $0x40, s18, s21, $0xb8;
	[tilespmem:$0x1AC00] =	vst v63  }
0xed: {  	s6 =	simm.s32 $0x680  }
0xee: {  	[spmem:s3] =	stream.indirect.scatter.add.f32 [tilespmem:s29], [sflag:$0x3], $0x40, s6, s21, $0xb8;
	[tilespmem:$0x1AC00] =	vst v63  }
0xef: {  	s2 =	simm.s32 $0x700  }
0xf0: {  	[spmem:s3] =	stream.indirect.scatter.add.f32 [tilespmem:s9], [sflag:$0x3], $0x40, s2, s21, $0xb8;
	[tilespmem:$0x1AC00] =	vst v63  }
0xf1: {  	s12 =	simm.s32 $0x780  }
0xf2: {  	[spmem:s3] =	stream.indirect.scatter.add.f32 [tilespmem:s7], [sflag:$0x3], $0x40, s12, s21, $0xb8;
	[tilespmem:$0x1AC00] =	vst v63  }
0xf3: {  	_ =	swait.ge [sflag:s14], $0x2000  }
0xf4: {  	[sflag:s14] =	ssyncset.done $0x0  }
0xf5: {  	[sflag:s14] =	ssyncadd.s32 $0xFFFFE000  }
0xf6: {  	_ =	swait.ge [sflag:s14], $0x2000  }
0xf7: {  	[sflag:s14] =	ssyncset.done $0x0  }
0xf8: {  	[sflag:s14] =	ssyncadd.s32 $0xFFFFE000  }
0xf9: {  	_ =	swait.ge [sflag:s14], $0x2000  }
0xfa: {  	[sflag:s14] =	ssyncset.done $0x0  }
0xfb: {  	[sflag:s14] =	ssyncadd.s32 $0xFFFFE000  }
0xfc: {  	_ =	swait.ge [sflag:s14], $0x2000  }
0xfd: {  	s13 =	rddreg [dreg:$0x8];
	[sflag:s14] =	ssyncset.done $0x0  }
0xfe: {  	s6 =	rddreg [dreg:$0x9];
	[sflag:s14] =	ssyncadd.s32 $0xFFFFE000;
	s12 =	sadd.s32 $0x0, s13  }
0xff: {  	[tilespmem:s4], [sflag:$0x2] =	stream.linear.gather [hbm4b:s12+s4], $0x200, $0x38;
	[tilespmem:$0x1AC00] =	vst v63  }
0x100: {  	s6 =	sadd.s32 $0x0, s6  }
0x101: {  	[tilespmem:s18], [sflag:$0x2] =	stream.linear.gather [hbm4b:s6+s4], $0x200, $0x38;
	[tilespmem:$0x1AC00] =	vst v63  }
0x102: {  	_ =	swait.ge [sflag:s20], $0x200  }
0x103: {  	[sflag:s20] =	ssyncset.done $0x0  }
0x104: {  	[sflag:s20] =	ssyncadd.s32 $0xFFFFFE00  }
0x105: {  	_ =	swait.ge [sflag:s20], $0x200  }
0x106: {  	[sflag:s20] =	ssyncset.done $0x0  }
0x107: {  	[sflag:s20] =	ssyncadd.s32 $0xFFFFFE00  }
0x108: {  	[tilespmem:s11], [sflag:$0x1] =	stream.indirect.gather [hbm4b:s1+s21], $0x40, s30, s21, $0xb8;
	[tilespmem:$0x1AC00] =	vst v63  }
0x109: {  	_ = 	snop  }
0x10a: {  	[tilespmem:s29], [sflag:$0x1] =	stream.indirect.gather [hbm4b:s1+s21], $0x40, s26, s21, $0xb8;
	[tilespmem:$0x1AC00] =	vst v63  }
0x10b: {  	s13 =	simm.s32 $0x500  }
0x10c: {  	[tilespmem:s9], [sflag:$0x1] =	stream.indirect.gather [hbm4b:s1+s21], $0x40, s13, s21, $0xb8;
	[tilespmem:$0x1AC00] =	vst v63  }
0x10d: {  	s26 =	simm.s32 $0x580  }
0x10e: {  	[tilespmem:s7], [sflag:$0x1] =	stream.indirect.gather [hbm4b:s1+s21], $0x40, s26, s21, $0xb8;
	[tilespmem:$0x1AC00] =	vst v63  }
0x10f: {  	_ =	swait.ge [sflag:s10], $0x2000  }
0x110: {  	[sflag:s10] =	ssyncset.done $0x0  }
0x111: {  	[sflag:s10] =	ssyncadd.s32 $0xFFFFE000  }
0x112: {  	_ =	swait.ge [sflag:s10], $0x2000  }
0x113: {  	[sflag:s10] =	ssyncset.done $0x0  }
0x114: {  	[sflag:s10] =	ssyncadd.s32 $0xFFFFE000  }
0x115: {  	_ =	swait.ge [sflag:s10], $0x2000  }
0x116: {  	[sflag:s10] =	ssyncset.done $0x0  }
0x117: {  	[sflag:s10] =	ssyncadd.s32 $0xFFFFE000  }
0x118: {  	_ =	swait.ge [sflag:s10], $0x2000  }
0x119: {  	[sflag:s10] =	ssyncset.done $0x0  }
0x11a: {  	s17 =	simm.s32 $0x800;
	[sflag:s10] =	ssyncadd.s32 $0xFFFFE000  }
0x11b: {  	[spmem:s3] =	stream.indirect.scatter.add.f32 [tilespmem:s22], [sflag:$0x3], $0x40, s17, s21, $0xb8;
	[tilespmem:$0x1AC00] =	vst v63  }
0x11c: {  	s12 =	simm.s32 $0x880  }
0x11d: {  	[spmem:s3] =	stream.indirect.scatter.add.f32 [tilespmem:s25], [sflag:$0x3], $0x40, s12, s21, $0xb8;
	[tilespmem:$0x1AC00] =	vst v63  }
0x11e: {  	s13 =	simm.s32 $0x900  }
0x11f: {  	[spmem:s3] =	stream.indirect.scatter.add.f32 [tilespmem:s28], [sflag:$0x3], $0x40, s13, s21, $0xb8;
	[tilespmem:$0x1AC00] =	vst v63  }
0x120: {  	s26 =	simm.s32 $0x980  }
0x121: {  	[spmem:s3] =	stream.indirect.scatter.add.f32 [tilespmem:s31], [sflag:$0x3], $0x40, s26, s21, $0xb8;
	[tilespmem:$0x1AC00] =	vst v63  }
0x122: {  	_ =	swait.ge [sflag:s14], $0x2000  }
0x123: {  	[sflag:s14] =	ssyncset.done $0x0  }
0x124: {  	[sflag:s14] =	ssyncadd.s32 $0xFFFFE000  }
0x125: {  	_ =	swait.ge [sflag:s14], $0x2000  }
0x126: {  	[sflag:s14] =	ssyncset.done $0x0  }
0x127: {  	[sflag:s14] =	ssyncadd.s32 $0xFFFFE000  }
0x128: {  	_ =	swait.ge [sflag:s14], $0x2000  }
0x129: {  	[sflag:s14] =	ssyncset.done $0x0  }
0x12a: {  	[sflag:s14] =	ssyncadd.s32 $0xFFFFE000  }
0x12b: {  	_ =	swait.ge [sflag:s14], $0x2000  }
0x12c: {  	s18 =	simm.s32 $0x200;
	s28 =	rddreg [dreg:$0x6];
	[sflag:s14] =	ssyncset.done $0x0  }
0x12d: {  	s6 =	rddreg [dreg:$0x7];
	[sflag:s14] =	ssyncadd.s32 $0xFFFFE000;
	s12 =	sadd.s32 $0x0, s28  }
0x12e: {  	[tilespmem:s18], [sflag:$0x2] =	stream.linear.gather [hbm4b:s12+s4], $0x200, $0x38;
	[tilespmem:$0x1AC00] =	vst v63  }
0x12f: {  	s13 =	sadd.s32 $0x0, s6  }
0x130: {  	[tilespmem:s17], [sflag:$0x2] =	stream.linear.gather [hbm4b:s13+s4], $0x200, $0x38;
	[tilespmem:$0x1AC00] =	vst v63  }
0x131: {  	_ =	swait.ge [sflag:s20], $0x200  }
0x132: {  	[sflag:s20] =	ssyncset.done $0x0  }
0x133: {  	[sflag:s20] =	ssyncadd.s32 $0xFFFFFE00  }
0x134: {  	_ =	swait.ge [sflag:s20], $0x200  }
0x135: {  	[sflag:s20] =	ssyncset.done $0x0  }
0x136: {  	[sflag:s20] =	ssyncadd.s32 $0xFFFFFE00  }
0x137: {  	[tilespmem:s22], [sflag:$0x1] =	stream.indirect.gather [hbm4b:s1+s21], $0x40, s4, s21, $0xb8;
	[tilespmem:$0x1AC00] =	vst v63  }
0x138: {  	_ = 	snop  }
0x139: {  	[tilespmem:s25], [sflag:$0x1] =	stream.indirect.gather [hbm4b:s1+s21], $0x40, s21, s21, $0xb8;
	[tilespmem:$0x1AC00] =	vst v63  }
0x13a: {  	s25 =	simm.s32 $0x4C00  }
0x13b: {  	[tilespmem:s25], [sflag:$0x1] =	stream.indirect.gather [hbm4b:s1+s21], $0x40, s15, s21, $0xb8;
	[tilespmem:$0x1AC00] =	vst v63  }
0x13c: {  	_ = 	snop  }
0x13d: {  	[tilespmem:s31], [sflag:$0x1] =	stream.indirect.gather [hbm4b:s1+s21], $0x40, s16, s21, $0xb8;
	[tilespmem:$0x1AC00] =	vst v63  }
0x13e: {  	_ =	swait.ge [sflag:s10], $0x2000  }
0x13f: {  	[sflag:s10] =	ssyncset.done $0x0  }
0x140: {  	[sflag:s10] =	ssyncadd.s32 $0xFFFFE000  }
0x141: {  	_ =	swait.ge [sflag:s10], $0x2000  }
0x142: {  	[sflag:s10] =	ssyncset.done $0x0  }
0x143: {  	[sflag:s10] =	ssyncadd.s32 $0xFFFFE000  }
0x144: {  	_ =	swait.ge [sflag:s10], $0x2000  }
0x145: {  	[sflag:s10] =	ssyncset.done $0x0  }
0x146: {  	[sflag:s10] =	ssyncadd.s32 $0xFFFFE000  }
0x147: {  	_ =	swait.ge [sflag:s10], $0x2000  }
0x148: {  	[sflag:s10] =	ssyncset.done $0x0  }
0x149: {  	s30 =	simm.s32 $0xA00;
	[sflag:s10] =	ssyncadd.s32 $0xFFFFE000  }
0x14a: {  	[spmem:s3] =	stream.indirect.scatter.add.f32 [tilespmem:s11], [sflag:$0x3], $0x40, s30, s21, $0xb8;
	[tilespmem:$0x1AC00] =	vst v63  }
0x14b: {  	s17 =	simm.s32 $0xA80  }
0x14c: {  	[spmem:s3] =	stream.indirect.scatter.add.f32 [tilespmem:s29], [sflag:$0x3], $0x40, s17, s21, $0xb8;
	[tilespmem:$0x1AC00] =	vst v63  }
0x14d: {  	_ = 	snop  }
0x14e: {  	[spmem:s3] =	stream.indirect.scatter.add.f32 [tilespmem:s9], [sflag:$0x3], $0x40, s19, s21, $0xb8;
	[tilespmem:$0x1AC00] =	vst v63  }
0x14f: {  	_ = 	snop  }
0x150: {  	[spmem:s3] =	stream.indirect.scatter.add.f32 [tilespmem:s7], [sflag:$0x3], $0x40, s23, s21, $0xb8;
	[tilespmem:$0x1AC00] =	vst v63  }
0x151: {  	_ =	swait.ge [sflag:s14], $0x2000  }
0x152: {  	[sflag:s14] =	ssyncset.done $0x0  }
0x153: {  	[sflag:s14] =	ssyncadd.s32 $0xFFFFE000  }
0x154: {  	_ =	swait.ge [sflag:s14], $0x2000  }
0x155: {  	[sflag:s14] =	ssyncset.done $0x0  }
0x156: {  	[sflag:s14] =	ssyncadd.s32 $0xFFFFE000  }
0x157: {  	_ =	swait.ge [sflag:s14], $0x2000  }
0x158: {  	[sflag:s14] =	ssyncset.done $0x0  }
0x159: {  	[sflag:s14] =	ssyncadd.s32 $0xFFFFE000  }
0x15a: {  	_ =	swait.ge [sflag:s14], $0x2000  }
0x15b: {  	s19 =	simm.s32 $0x400;
	s26 =	rddreg [dreg:$0x4];
	[sflag:s14] =	ssyncset.done $0x0  }
0x15c: {  	s28 =	rddreg [dreg:$0x5];
	[sflag:s14] =	ssyncadd.s32 $0xFFFFE000;
	s12 =	sadd.s32 $0x0, s26  }
0x15d: {  	[tilespmem:s19], [sflag:$0x2] =	stream.linear.gather [hbm4b:s12+s4], $0x200, $0x38;
	[tilespmem:$0x1AC00] =	vst v63  }
0x15e: {  	s31 =	sadd.s32 $0x0, s28  }
0x15f: {  	[tilespmem:s30], [sflag:$0x2] =	stream.linear.gather [hbm4b:s31+s4], $0x200, $0x38;
	[tilespmem:$0x1AC00] =	vst v63  }
0x160: {  	_ =	swait.ge [sflag:s20], $0x200  }
0x161: {  	[sflag:s20] =	ssyncset.done $0x0  }
0x162: {  	[sflag:s20] =	ssyncadd.s32 $0xFFFFFE00  }
0x163: {  	_ =	swait.ge [sflag:s20], $0x200  }
0x164: {  	[sflag:s20] =	ssyncset.done $0x0  }
0x165: {  	[sflag:s20] =	ssyncadd.s32 $0xFFFFFE00  }
0x166: {  	[tilespmem:s11], [sflag:$0x1] =	stream.indirect.gather [hbm4b:s1+s21], $0x40, s18, s21, $0xb8;
	[tilespmem:$0x1AC00] =	vst v63  }
0x167: {  	_ = 	snop  }
0x168: {  	[tilespmem:s29], [sflag:$0x1] =	stream.indirect.gather [hbm4b:s1+s21], $0x40, s24, s21, $0xb8;
	[tilespmem:$0x1AC00] =	vst v63  }
0x169: {  	_ = 	snop  }
0x16a: {  	[tilespmem:s9], [sflag:$0x1] =	stream.indirect.gather [hbm4b:s1+s21], $0x40, s0, s21, $0xb8;
	[tilespmem:$0x1AC00] =	vst v63  }
0x16b: {  	_ = 	snop  }
0x16c: {  	[tilespmem:s7], [sflag:$0x1] =	stream.indirect.gather [hbm4b:s1+s21], $0x40, s5, s21, $0xb8;
	[tilespmem:$0x1AC00] =	vst v63  }
0x16d: {  	_ =	swait.ge [sflag:s10], $0x2000  }
0x16e: {  	[sflag:s10] =	ssyncset.done $0x0  }
0x16f: {  	[sflag:s10] =	ssyncadd.s32 $0xFFFFE000  }
0x170: {  	_ =	swait.ge [sflag:s10], $0x2000  }
0x171: {  	[sflag:s10] =	ssyncset.done $0x0  }
0x172: {  	[sflag:s10] =	ssyncadd.s32 $0xFFFFE000  }
0x173: {  	_ =	swait.ge [sflag:s10], $0x2000  }
0x174: {  	[sflag:s10] =	ssyncset.done $0x0  }
0x175: {  	[sflag:s10] =	ssyncadd.s32 $0xFFFFE000  }
0x176: {  	_ =	swait.ge [sflag:s10], $0x2000  }
0x177: {  	[sflag:s10] =	ssyncset.done $0x0  }
0x178: {  	s17 =	simm.s32 $0x600;
	[sflag:s10] =	ssyncadd.s32 $0xFFFFE000  }
0x179: {  	[spmem:s3] =	stream.indirect.scatter.add.f32 [tilespmem:s22], [sflag:$0x3], $0x40, s17, s21, $0xb8;
	[tilespmem:$0x1AC00] =	vst v63  }
0x17a: {  	s8 =	simm.s32 $0x680;
	s23 =	simm.s32 $0x2C00  }
0x17b: {  	[spmem:s3] =	stream.indirect.scatter.add.f32 [tilespmem:s23], [sflag:$0x3], $0x40, s8, s21, $0xb8;
	[tilespmem:$0x1AC00] =	vst v63  }
0x17c: {  	s2 =	simm.s32 $0x700;
	s12 =	simm.s32 $0x180  }
0x17d: {  	[spmem:s3] =	stream.indirect.scatter.add.f32 [tilespmem:s25], [sflag:$0x3], $0x40, s2, s21, $0xb8;
	[tilespmem:$0x1AC00] =	vst v63  }
.LBB2_2:
0x17e: {  	s0 =	simm.s32 $0x780;
	s31 =	simm.s32 $0x6C00  }
0x17f: {  	[spmem:s3] =	stream.indirect.scatter.add.f32 [tilespmem:s31], [sflag:$0x3], $0x40, s0, s21, $0xb8;
	[tilespmem:$0x1AC00] =	vst v63  }
0x180: {  	_ =	swait.ge [sflag:s14], $0x2000  }
0x181: {  	[sflag:s14] =	ssyncset.done $0x0  }
0x182: {  	[sflag:s14] =	ssyncadd.s32 $0xFFFFE000  }
0x183: {  	_ =	swait.ge [sflag:s14], $0x2000  }
0x184: {  	[sflag:s14] =	ssyncset.done $0x0  }
0x185: {  	[sflag:s14] =	ssyncadd.s32 $0xFFFFE000  }
0x186: {  	_ =	swait.ge [sflag:s14], $0x2000  }
0x187: {  	[sflag:s14] =	ssyncset.done $0x0  }
0x188: {  	[sflag:s14] =	ssyncadd.s32 $0xFFFFE000  }
0x189: {  	_ =	swait.ge [sflag:s14], $0x2000  }
0x18a: {  	s13 =	smov.u32 s12;
	s15 =	rddreg [dreg:$0xe];
	[sflag:s14] =	ssyncset.done $0x0  }
0x18b: {  	s7 =	rddreg [dreg:$0xf];
	[sflag:s14] =	ssyncadd.s32 $0xFFFFE000;
	s15 =	sadd.s32 s13, s15  }
0x18c: {  	[tilespmem:s4], [sflag:$0x2] =	stream.linear.gather [hbm4b:s15+s4], $0x200, $0x38;
	[tilespmem:$0x1AC00] =	vst v63  }
0x18d: {  	s7 =	sadd.s32 s13, s7  }
0x18e: {  	[tilespmem:s17], [sflag:$0x2] =	stream.linear.gather [hbm4b:s7+s4], $0x200, $0x38;
	[tilespmem:$0x1AC00] =	vst v63  }
0x18f: {  	_ =	swait.ge [sflag:s20], $0x200  }
0x190: {  	[sflag:s20] =	ssyncset.done $0x0  }
0x191: {  	[sflag:s20] =	ssyncadd.s32 $0xFFFFFE00  }
0x192: {  	_ =	swait.ge [sflag:s20], $0x200  }
0x193: {  	[sflag:s20] =	ssyncset.done $0x0  }
0x194: {  	[sflag:s20] =	ssyncadd.s32 $0xFFFFFE00  }
0x195: {  	[tilespmem:s22], [sflag:$0x1] =	stream.indirect.gather [hbm4b:s1+s21], $0x40, s19, s21, $0xb8;
	[tilespmem:$0x1AC00] =	vst v63  }
0x196: {  	s11 =	simm.s32 $0x480  }
0x197: {  	[tilespmem:s23], [sflag:$0x1] =	stream.indirect.gather [hbm4b:s1+s21], $0x40, s11, s21, $0xb8;
	[tilespmem:$0x1AC00] =	vst v63  }
0x198: {  	s11 =	simm.s32 $0x500  }
0x199: {  	[tilespmem:s25], [sflag:$0x1] =	stream.indirect.gather [hbm4b:s1+s21], $0x40, s11, s21, $0xb8;
	[tilespmem:$0x1AC00] =	vst v63  }
0x19a: {  	s16 =	simm.s32 $0x580  }
0x19b: {  	[tilespmem:s31], [sflag:$0x1] =	stream.indirect.gather [hbm4b:s1+s21], $0x40, s16, s21, $0xb8;
	[tilespmem:$0x1AC00] =	vst v63  }
0x19c: {  	_ =	swait.ge [sflag:s10], $0x2000  }
0x19d: {  	[sflag:s10] =	ssyncset.done $0x0  }
0x19e: {  	[sflag:s10] =	ssyncadd.s32 $0xFFFFE000  }
0x19f: {  	_ =	swait.ge [sflag:s10], $0x2000  }
0x1a0: {  	[sflag:s10] =	ssyncset.done $0x0  }
0x1a1: {  	[sflag:s10] =	ssyncadd.s32 $0xFFFFE000  }
0x1a2: {  	_ =	swait.ge [sflag:s10], $0x2000  }
0x1a3: {  	[sflag:s10] =	ssyncset.done $0x0  }
0x1a4: {  	[sflag:s10] =	ssyncadd.s32 $0xFFFFE000  }
0x1a5: {  	_ =	swait.ge [sflag:s10], $0x2000  }
0x1a6: {  	[sflag:s10] =	ssyncset.done $0x0  }
0x1a7: {  	s29 =	simm.s32 $0x800;
	s2 =	simm.s32 $0x8C00;
	[sflag:s10] =	ssyncadd.s32 $0xFFFFE000  }
0x1a8: {  	[spmem:s3] =	stream.indirect.scatter.add.f32 [tilespmem:s2], [sflag:$0x3], $0x40, s29, s21, $0xb8;
	[tilespmem:$0x1AC00] =	vst v63  }
0x1a9: {  	s26 =	simm.s32 $0x880;
	s6 =	simm.s32 $0xAC00  }
0x1aa: {  	[spmem:s3] =	stream.indirect.scatter.add.f32 [tilespmem:s6], [sflag:$0x3], $0x40, s26, s21, $0xb8;
	[tilespmem:$0x1AC00] =	vst v63  }
0x1ab: {  	s5 =	simm.s32 $0x900;
	s9 =	simm.s32 $0xCC00  }
0x1ac: {  	[spmem:s3] =	stream.indirect.scatter.add.f32 [tilespmem:s9], [sflag:$0x3], $0x40, s5, s21, $0xb8;
	[tilespmem:$0x1AC00] =	vst v63  }
0x1ad: {  	s8 =	simm.s32 $0x980;
	s0 =	simm.s32 $0xEC00  }
0x1ae: {  	[spmem:s3] =	stream.indirect.scatter.add.f32 [tilespmem:s0], [sflag:$0x3], $0x40, s8, s21, $0xb8;
	[tilespmem:$0x1AC00] =	vst v63  }
0x1af: {  	_ =	swait.ge [sflag:s14], $0x2000  }
0x1b0: {  	[sflag:s14] =	ssyncset.done $0x0  }
0x1b1: {  	[sflag:s14] =	ssyncadd.s32 $0xFFFFE000  }
0x1b2: {  	_ =	swait.ge [sflag:s14], $0x2000  }
0x1b3: {  	[sflag:s14] =	ssyncset.done $0x0  }
0x1b4: {  	[sflag:s14] =	ssyncadd.s32 $0xFFFFE000  }
0x1b5: {  	_ =	swait.ge [sflag:s14], $0x2000  }
0x1b6: {  	[sflag:s14] =	ssyncset.done $0x0  }
0x1b7: {  	[sflag:s14] =	ssyncadd.s32 $0xFFFFE000  }
0x1b8: {  	_ =	swait.ge [sflag:s14], $0x2000  }
0x1b9: {  	s15 =	rddreg [dreg:$0xc];
	[sflag:s14] =	ssyncset.done $0x0  }
0x1ba: {  	s17 =	rddreg [dreg:$0xd];
	[sflag:s14] =	ssyncadd.s32 $0xFFFFE000;
	s7 =	sadd.s32 s13, s15  }
0x1bb: {  	[tilespmem:s18], [sflag:$0x2] =	stream.linear.gather [hbm4b:s7+s4], $0x200, $0x38;
	[tilespmem:$0x1AC00] =	vst v63  }
0x1bc: {  	s19 =	sadd.s32 s13, s17  }
0x1bd: {  	[tilespmem:s29], [sflag:$0x2] =	stream.linear.gather [hbm4b:s19+s4], $0x200, $0x38;
	[tilespmem:$0x1AC00] =	vst v63  }
0x1be: {  	_ =	swait.ge [sflag:s20], $0x200  }
0x1bf: {  	[sflag:s20] =	ssyncset.done $0x0  }
0x1c0: {  	[sflag:s20] =	ssyncadd.s32 $0xFFFFFE00  }
0x1c1: {  	_ =	swait.ge [sflag:s20], $0x200  }
0x1c2: {  	[sflag:s20] =	ssyncset.done $0x0  }
0x1c3: {  	[sflag:s20] =	ssyncadd.s32 $0xFFFFFE00  }
0x1c4: {  	[tilespmem:s2], [sflag:$0x1] =	stream.indirect.gather [hbm4b:s1+s21], $0x40, s4, s21, $0xb8;
	[tilespmem:$0x1AC00] =	vst v63  }
0x1c5: {  	_ = 	snop  }
0x1c6: {  	[tilespmem:s6], [sflag:$0x1] =	stream.indirect.gather [hbm4b:s1+s21], $0x40, s21, s21, $0xb8;
	[tilespmem:$0x1AC00] =	vst v63  }
0x1c7: {  	s24 =	simm.s32 $0x100  }
0x1c8: {  	[tilespmem:s9], [sflag:$0x1] =	stream.indirect.gather [hbm4b:s1+s21], $0x40, s24, s21, $0xb8;
	[tilespmem:$0x1AC00] =	vst v63  }
0x1c9: {  	s28 =	simm.s32 $0x180  }
0x1ca: {  	[tilespmem:s0], [sflag:$0x1] =	stream.indirect.gather [hbm4b:s1+s21], $0x40, s28, s21, $0xb8;
	[tilespmem:$0x1AC00] =	vst v63  }
0x1cb: {  	_ =	swait.ge [sflag:s10], $0x2000  }
0x1cc: {  	[sflag:s10] =	ssyncset.done $0x0  }
0x1cd: {  	[sflag:s10] =	ssyncadd.s32 $0xFFFFE000  }
0x1ce: {  	_ =	swait.ge [sflag:s10], $0x2000  }
0x1cf: {  	[sflag:s10] =	ssyncset.done $0x0  }
0x1d0: {  	[sflag:s10] =	ssyncadd.s32 $0xFFFFE000  }
0x1d1: {  	_ =	swait.ge [sflag:s10], $0x2000  }
0x1d2: {  	[sflag:s10] =	ssyncset.done $0x0  }
0x1d3: {  	[sflag:s10] =	ssyncadd.s32 $0xFFFFE000  }
0x1d4: {  	_ =	swait.ge [sflag:s10], $0x2000  }
0x1d5: {  	[sflag:s10] =	ssyncset.done $0x0  }
0x1d6: {  	[sflag:s10] =	ssyncadd.s32 $0xFFFFE000  }
0x1d7: {  	[spmem:s3] =	stream.indirect.scatter.add.f32 [tilespmem:s22], [sflag:$0x3], $0x40, s30, s21, $0xb8;
	[tilespmem:$0x1AC00] =	vst v63  }
0x1d8: {  	s17 =	simm.s32 $0xA80  }
0x1d9: {  	[spmem:s3] =	stream.indirect.scatter.add.f32 [tilespmem:s23], [sflag:$0x3], $0x40, s17, s21, $0xb8;
	[tilespmem:$0x1AC00] =	vst v63  }
0x1da: {  	s19 =	simm.s32 $0xB00  }
0x1db: {  	[spmem:s3] =	stream.indirect.scatter.add.f32 [tilespmem:s25], [sflag:$0x3], $0x40, s19, s21, $0xb8;
	[tilespmem:$0x1AC00] =	vst v63  }
0x1dc: {  	s23 =	simm.s32 $0xB80  }
0x1dd: {  	[spmem:s3] =	stream.indirect.scatter.add.f32 [tilespmem:s31], [sflag:$0x3], $0x40, s23, s21, $0xb8;
	[tilespmem:$0x1AC00] =	vst v63  }
0x1de: {  	_ =	swait.ge [sflag:s14], $0x2000  }
0x1df: {  	[sflag:s14] =	ssyncset.done $0x0  }
0x1e0: {  	[sflag:s14] =	ssyncadd.s32 $0xFFFFE000  }
0x1e1: {  	_ =	swait.ge [sflag:s14], $0x2000  }
0x1e2: {  	[sflag:s14] =	ssyncset.done $0x0  }
0x1e3: {  	[sflag:s14] =	ssyncadd.s32 $0xFFFFE000  }
0x1e4: {  	_ =	swait.ge [sflag:s14], $0x2000  }
0x1e5: {  	[sflag:s14] =	ssyncset.done $0x0  }
0x1e6: {  	[sflag:s14] =	ssyncadd.s32 $0xFFFFE000  }
0x1e7: {  	_ =	swait.ge [sflag:s14], $0x2000  }
0x1e8: {  	s30 =	simm.s32 $0x400;
	s7 =	rddreg [dreg:$0xa];
	[sflag:s14] =	ssyncset.done $0x0  }
0x1e9: {  	s15 =	rddreg [dreg:$0xb];
	[sflag:s14] =	ssyncadd.s32 $0xFFFFE000;
	s7 =	sadd.s32 s13, s7  }
0x1ea: {  	[tilespmem:s30], [sflag:$0x2] =	stream.linear.gather [hbm4b:s7+s4], $0x200, $0x38;
	[tilespmem:$0x1AC00] =	vst v63  }
0x1eb: {  	s22 =	simm.s32 $0xA00;
	s15 =	sadd.s32 s13, s15  }
0x1ec: {  	[tilespmem:s22], [sflag:$0x2] =	stream.linear.gather [hbm4b:s15+s4], $0x200, $0x38;
	[tilespmem:$0x1AC00] =	vst v63  }
0x1ed: {  	_ =	swait.ge [sflag:s20], $0x200  }
0x1ee: {  	[sflag:s20] =	ssyncset.done $0x0  }
0x1ef: {  	[sflag:s20] =	ssyncadd.s32 $0xFFFFFE00  }
0x1f0: {  	_ =	swait.ge [sflag:s20], $0x200  }
0x1f1: {  	[sflag:s20] =	ssyncset.done $0x0  }
0x1f2: {  	s24 =	simm.s32 $0x200;
	s22 =	simm.s32 $0xC00;
	[sflag:s20] =	ssyncadd.s32 $0xFFFFFE00  }
0x1f3: {  	[tilespmem:s22], [sflag:$0x1] =	stream.indirect.gather [hbm4b:s1+s21], $0x40, s24, s21, $0xb8;
	[tilespmem:$0x1AC00] =	vst v63  }
0x1f4: {  	s25 =	simm.s32 $0x2C00;
	s24 =	simm.s32 $0x280  }
0x1f5: {  	[tilespmem:s25], [sflag:$0x1] =	stream.indirect.gather [hbm4b:s1+s21], $0x40, s24, s21, $0xb8;
	[tilespmem:$0x1AC00] =	vst v63  }
0x1f6: {  	s28 =	simm.s32 $0x4C00;
	s24 =	simm.s32 $0x300  }
0x1f7: {  	[tilespmem:s28], [sflag:$0x1] =	stream.indirect.gather [hbm4b:s1+s21], $0x40, s24, s21, $0xb8;
	[tilespmem:$0x1AC00] =	vst v63  }
0x1f8: {  	s15 =	simm.s32 $0x380  }
0x1f9: {  	[tilespmem:s31], [sflag:$0x1] =	stream.indirect.gather [hbm4b:s1+s21], $0x40, s15, s21, $0xb8;
	[tilespmem:$0x1AC00] =	vst v63  }
0x1fa: {  	_ =	swait.ge [sflag:s10], $0x2000  }
0x1fb: {  	[sflag:s10] =	ssyncset.done $0x0  }
0x1fc: {  	[sflag:s10] =	ssyncadd.s32 $0xFFFFE000  }
0x1fd: {  	_ =	swait.ge [sflag:s10], $0x2000  }
0x1fe: {  	[sflag:s10] =	ssyncset.done $0x0  }
0x1ff: {  	[sflag:s10] =	ssyncadd.s32 $0xFFFFE000  }
0x200: {  	_ =	swait.ge [sflag:s10], $0x2000  }
0x201: {  	[sflag:s10] =	ssyncset.done $0x0  }
0x202: {  	[sflag:s10] =	ssyncadd.s32 $0xFFFFE000  }
0x203: {  	_ =	swait.ge [sflag:s10], $0x2000  }
0x204: {  	[sflag:s10] =	ssyncset.done $0x0  }
0x205: {  	s18 =	simm.s32 $0x600;
	[sflag:s10] =	ssyncadd.s32 $0xFFFFE000  }
0x206: {  	[spmem:s3] =	stream.indirect.scatter.add.f32 [tilespmem:s2], [sflag:$0x3], $0x40, s18, s21, $0xb8;
	[tilespmem:$0x1AC00] =	vst v63  }
0x207: {  	s15 =	simm.s32 $0x680  }
0x208: {  	[spmem:s3] =	stream.indirect.scatter.add.f32 [tilespmem:s6], [sflag:$0x3], $0x40, s15, s21, $0xb8;
	[tilespmem:$0x1AC00] =	vst v63  }
0x209: {  	s15 =	simm.s32 $0x700  }
0x20a: {  	[spmem:s3] =	stream.indirect.scatter.add.f32 [tilespmem:s9], [sflag:$0x3], $0x40, s15, s21, $0xb8;
	[tilespmem:$0x1AC00] =	vst v63  }
0x20b: {  	s15 =	simm.s32 $0x780  }
0x20c: {  	[spmem:s3] =	stream.indirect.scatter.add.f32 [tilespmem:s0], [sflag:$0x3], $0x40, s15, s21, $0xb8;
	[tilespmem:$0x1AC00] =	vst v63  }
0x20d: {  	_ =	swait.ge [sflag:s14], $0x2000  }
0x20e: {  	[sflag:s14] =	ssyncset.done $0x0  }
0x20f: {  	[sflag:s14] =	ssyncadd.s32 $0xFFFFE000  }
0x210: {  	_ =	swait.ge [sflag:s14], $0x2000  }
0x211: {  	[sflag:s14] =	ssyncset.done $0x0  }
0x212: {  	[sflag:s14] =	ssyncadd.s32 $0xFFFFE000  }
0x213: {  	_ =	swait.ge [sflag:s14], $0x2000  }
0x214: {  	[sflag:s14] =	ssyncset.done $0x0  }
0x215: {  	[sflag:s14] =	ssyncadd.s32 $0xFFFFE000  }
0x216: {  	_ =	swait.ge [sflag:s14], $0x2000  }
0x217: {  	s7 =	rddreg [dreg:$0x8];
	[sflag:s14] =	ssyncset.done $0x0  }
0x218: {  	s15 =	rddreg [dreg:$0x9];
	[sflag:s14] =	ssyncadd.s32 $0xFFFFE000;
	s7 =	sadd.s32 s13, s7  }
0x219: {  	[tilespmem:s4], [sflag:$0x2] =	stream.linear.gather [hbm4b:s7+s4], $0x200, $0x38;
	[tilespmem:$0x1AC00] =	vst v63  }
0x21a: {  	s15 =	sadd.s32 s13, s15  }
0x21b: {  	[tilespmem:s18], [sflag:$0x2] =	stream.linear.gather [hbm4b:s15+s4], $0x200, $0x38;
	[tilespmem:$0x1AC00] =	vst v63  }
0x21c: {  	_ =	swait.ge [sflag:s20], $0x200  }
0x21d: {  	[sflag:s20] =	ssyncset.done $0x0  }
0x21e: {  	[sflag:s20] =	ssyncadd.s32 $0xFFFFFE00  }
0x21f: {  	_ =	swait.ge [sflag:s20], $0x200  }
0x220: {  	[sflag:s20] =	ssyncset.done $0x0  }
0x221: {  	[sflag:s20] =	ssyncadd.s32 $0xFFFFFE00  }
0x222: {  	[tilespmem:s2], [sflag:$0x1] =	stream.indirect.gather [hbm4b:s1+s21], $0x40, s30, s21, $0xb8;
	[tilespmem:$0x1AC00] =	vst v63  }
0x223: {  	s15 =	simm.s32 $0x480  }
0x224: {  	[tilespmem:s6], [sflag:$0x1] =	stream.indirect.gather [hbm4b:s1+s21], $0x40, s15, s21, $0xb8;
	[tilespmem:$0x1AC00] =	vst v63  }
0x225: {  	_ = 	snop  }
0x226: {  	[tilespmem:s9], [sflag:$0x1] =	stream.indirect.gather [hbm4b:s1+s21], $0x40, s11, s21, $0xb8;
	[tilespmem:$0x1AC00] =	vst v63  }
0x227: {  	_ = 	snop  }
0x228: {  	[tilespmem:s0], [sflag:$0x1] =	stream.indirect.gather [hbm4b:s1+s21], $0x40, s16, s21, $0xb8;
	[tilespmem:$0x1AC00] =	vst v63  }
0x229: {  	_ =	swait.ge [sflag:s10], $0x2000  }
0x22a: {  	[sflag:s10] =	ssyncset.done $0x0  }
0x22b: {  	[sflag:s10] =	ssyncadd.s32 $0xFFFFE000  }
0x22c: {  	_ =	swait.ge [sflag:s10], $0x2000  }
0x22d: {  	[sflag:s10] =	ssyncset.done $0x0  }
0x22e: {  	[sflag:s10] =	ssyncadd.s32 $0xFFFFE000  }
0x22f: {  	_ =	swait.ge [sflag:s10], $0x2000  }
0x230: {  	[sflag:s10] =	ssyncset.done $0x0  }
0x231: {  	[sflag:s10] =	ssyncadd.s32 $0xFFFFE000  }
0x232: {  	_ =	swait.ge [sflag:s10], $0x2000  }
0x233: {  	[sflag:s10] =	ssyncset.done $0x0  }
0x234: {  	[sflag:s10] =	ssyncadd.s32 $0xFFFFE000  }
0x235: {  	[spmem:s3] =	stream.indirect.scatter.add.f32 [tilespmem:s22], [sflag:$0x3], $0x40, s29, s21, $0xb8;
	[tilespmem:$0x1AC00] =	vst v63  }
0x236: {  	_ = 	snop  }
0x237: {  	[spmem:s3] =	stream.indirect.scatter.add.f32 [tilespmem:s25], [sflag:$0x3], $0x40, s26, s21, $0xb8;
	[tilespmem:$0x1AC00] =	vst v63  }
0x238: {  	_ = 	snop  }
0x239: {  	[spmem:s3] =	stream.indirect.scatter.add.f32 [tilespmem:s28], [sflag:$0x3], $0x40, s5, s21, $0xb8;
	[tilespmem:$0x1AC00] =	vst v63  }
0x23a: {  	_ = 	snop  }
0x23b: {  	[spmem:s3] =	stream.indirect.scatter.add.f32 [tilespmem:s31], [sflag:$0x3], $0x40, s8, s21, $0xb8;
	[tilespmem:$0x1AC00] =	vst v63  }
0x23c: {  	_ =	swait.ge [sflag:s14], $0x2000  }
0x23d: {  	[sflag:s14] =	ssyncset.done $0x0  }
0x23e: {  	[sflag:s14] =	ssyncadd.s32 $0xFFFFE000  }
0x23f: {  	_ =	swait.ge [sflag:s14], $0x2000  }
0x240: {  	[sflag:s14] =	ssyncset.done $0x0  }
0x241: {  	[sflag:s14] =	ssyncadd.s32 $0xFFFFE000  }
0x242: {  	_ =	swait.ge [sflag:s14], $0x2000  }
0x243: {  	[sflag:s14] =	ssyncset.done $0x0  }
0x244: {  	[sflag:s14] =	ssyncadd.s32 $0xFFFFE000  }
0x245: {  	_ =	swait.ge [sflag:s14], $0x2000  }
0x246: {  	s18 =	simm.s32 $0x200;
	s28 =	rddreg [dreg:$0x6];
	[sflag:s14] =	ssyncset.done $0x0  }
0x247: {  	s8 =	rddreg [dreg:$0x7];
	[sflag:s14] =	ssyncadd.s32 $0xFFFFE000;
	s7 =	sadd.s32 s13, s28  }
0x248: {  	[tilespmem:s18], [sflag:$0x2] =	stream.linear.gather [hbm4b:s7+s4], $0x200, $0x38;
	[tilespmem:$0x1AC00] =	vst v63  }
0x249: {  	s11 =	sadd.s32 s13, s8  }
0x24a: {  	[tilespmem:s29], [sflag:$0x2] =	stream.linear.gather [hbm4b:s11+s4], $0x200, $0x38;
	[tilespmem:$0x1AC00] =	vst v63  }
0x24b: {  	_ =	swait.ge [sflag:s20], $0x200  }
0x24c: {  	[sflag:s20] =	ssyncset.done $0x0  }
0x24d: {  	[sflag:s20] =	ssyncadd.s32 $0xFFFFFE00  }
0x24e: {  	_ =	swait.ge [sflag:s20], $0x200  }
0x24f: {  	[sflag:s20] =	ssyncset.done $0x0  }
0x250: {  	[sflag:s20] =	ssyncadd.s32 $0xFFFFFE00  }
0x251: {  	[tilespmem:s22], [sflag:$0x1] =	stream.indirect.gather [hbm4b:s1+s21], $0x40, s4, s21, $0xb8;
	[tilespmem:$0x1AC00] =	vst v63  }
0x252: {  	_ = 	snop  }
0x253: {  	[tilespmem:s25], [sflag:$0x1] =	stream.indirect.gather [hbm4b:s1+s21], $0x40, s21, s21, $0xb8;
	[tilespmem:$0x1AC00] =	vst v63  }
0x254: {  	s15 =	simm.s32 $0x100;
	s25 =	simm.s32 $0x4C00  }
0x255: {  	[tilespmem:s25], [sflag:$0x1] =	stream.indirect.gather [hbm4b:s1+s21], $0x40, s15, s21, $0xb8;
	[tilespmem:$0x1AC00] =	vst v63  }
0x256: {  	s28 =	simm.s32 $0x180  }
0x257: {  	[tilespmem:s31], [sflag:$0x1] =	stream.indirect.gather [hbm4b:s1+s21], $0x40, s28, s21, $0xb8;
	[tilespmem:$0x1AC00] =	vst v63  }
0x258: {  	_ =	swait.ge [sflag:s10], $0x2000  }
0x259: {  	[sflag:s10] =	ssyncset.done $0x0  }
0x25a: {  	[sflag:s10] =	ssyncadd.s32 $0xFFFFE000  }
0x25b: {  	_ =	swait.ge [sflag:s10], $0x2000  }
0x25c: {  	[sflag:s10] =	ssyncset.done $0x0  }
0x25d: {  	[sflag:s10] =	ssyncadd.s32 $0xFFFFE000  }
0x25e: {  	_ =	swait.ge [sflag:s10], $0x2000  }
0x25f: {  	[sflag:s10] =	ssyncset.done $0x0  }
0x260: {  	[sflag:s10] =	ssyncadd.s32 $0xFFFFE000  }
0x261: {  	_ =	swait.ge [sflag:s10], $0x2000  }
0x262: {  	[sflag:s10] =	ssyncset.done $0x0  }
0x263: {  	s30 =	simm.s32 $0xA00;
	[sflag:s10] =	ssyncadd.s32 $0xFFFFE000  }
0x264: {  	[spmem:s3] =	stream.indirect.scatter.add.f32 [tilespmem:s2], [sflag:$0x3], $0x40, s30, s21, $0xb8;
	[tilespmem:$0x1AC00] =	vst v63  }
0x265: {  	_ = 	snop  }
0x266: {  	[spmem:s3] =	stream.indirect.scatter.add.f32 [tilespmem:s6], [sflag:$0x3], $0x40, s17, s21, $0xb8;
	[tilespmem:$0x1AC00] =	vst v63  }
0x267: {  	_ = 	snop  }
0x268: {  	[spmem:s3] =	stream.indirect.scatter.add.f32 [tilespmem:s9], [sflag:$0x3], $0x40, s19, s21, $0xb8;
	[tilespmem:$0x1AC00] =	vst v63  }
0x269: {  	_ = 	snop  }
0x26a: {  	[spmem:s3] =	stream.indirect.scatter.add.f32 [tilespmem:s0], [sflag:$0x3], $0x40, s23, s21, $0xb8;
	[tilespmem:$0x1AC00] =	vst v63  }
0x26b: {  	_ =	swait.ge [sflag:s14], $0x2000  }
0x26c: {  	[sflag:s14] =	ssyncset.done $0x0  }
0x26d: {  	[sflag:s14] =	ssyncadd.s32 $0xFFFFE000  }
0x26e: {  	_ =	swait.ge [sflag:s14], $0x2000  }
0x26f: {  	[sflag:s14] =	ssyncset.done $0x0  }
0x270: {  	[sflag:s14] =	ssyncadd.s32 $0xFFFFE000  }
0x271: {  	_ =	swait.ge [sflag:s14], $0x2000  }
0x272: {  	[sflag:s14] =	ssyncset.done $0x0  }
0x273: {  	[sflag:s14] =	ssyncadd.s32 $0xFFFFE000  }
0x274: {  	_ =	swait.ge [sflag:s14], $0x2000  }
0x275: {  	s19 =	simm.s32 $0x400;
	s29 =	rddreg [dreg:$0x4];
	[sflag:s14] =	ssyncset.done $0x0  }
0x276: {  	s31 =	rddreg [dreg:$0x5];
	[sflag:s14] =	ssyncadd.s32 $0xFFFFE000;
	s7 =	sadd.s32 s13, s29  }
0x277: {  	[tilespmem:s19], [sflag:$0x2] =	stream.linear.gather [hbm4b:s7+s4], $0x200, $0x38;
	[tilespmem:$0x1AC00] =	vst v63  }
0x278: {  	s13 =	sadd.s32 s13, s31  }
0x279: {  	[tilespmem:s30], [sflag:$0x2] =	stream.linear.gather [hbm4b:s13+s4], $0x200, $0x38;
	[tilespmem:$0x1AC00] =	vst v63  }
0x27a: {  	_ =	swait.ge [sflag:s20], $0x200  }
0x27b: {  	[sflag:s20] =	ssyncset.done $0x0  }
0x27c: {  	[sflag:s20] =	ssyncadd.s32 $0xFFFFFE00  }
0x27d: {  	_ =	swait.ge [sflag:s20], $0x200  }
0x27e: {  	[sflag:s20] =	ssyncset.done $0x0  }
0x27f: {  	[sflag:s20] =	ssyncadd.s32 $0xFFFFFE00  }
0x280: {  	[tilespmem:s2], [sflag:$0x1] =	stream.indirect.gather [hbm4b:s1+s21], $0x40, s18, s21, $0xb8;
	[tilespmem:$0x1AC00] =	vst v63  }
0x281: {  	s15 =	simm.s32 $0x280  }
0x282: {  	[tilespmem:s6], [sflag:$0x1] =	stream.indirect.gather [hbm4b:s1+s21], $0x40, s15, s21, $0xb8;
	[tilespmem:$0x1AC00] =	vst v63  }
0x283: {  	_ = 	snop  }
0x284: {  	[tilespmem:s9], [sflag:$0x1] =	stream.indirect.gather [hbm4b:s1+s21], $0x40, s24, s21, $0xb8;
	[tilespmem:$0x1AC00] =	vst v63  }
0x285: {  	s28 =	simm.s32 $0x380  }
0x286: {  	[tilespmem:s0], [sflag:$0x1] =	stream.indirect.gather [hbm4b:s1+s21], $0x40, s28, s21, $0xb8;
	[tilespmem:$0x1AC00] =	vst v63  }
0x287: {  	_ =	swait.ge [sflag:s10], $0x2000  }
0x288: {  	[sflag:s10] =	ssyncset.done $0x0  }
0x289: {  	[sflag:s10] =	ssyncadd.s32 $0xFFFFE000  }
0x28a: {  	_ =	swait.ge [sflag:s10], $0x2000  }
0x28b: {  	[sflag:s10] =	ssyncset.done $0x0  }
0x28c: {  	[sflag:s10] =	ssyncadd.s32 $0xFFFFE000  }
0x28d: {  	_ =	swait.ge [sflag:s10], $0x2000  }
0x28e: {  	[sflag:s10] =	ssyncset.done $0x0  }
0x28f: {  	p0 =	sne.s32 s12, $0x300;
	[sflag:s10] =	ssyncadd.s32 $0xFFFFE000  }
0x290: {  	s12 =	sadd.s32 $0x180, s12;
	s16 =	simm.s32 $0x880;
	_ =	swait.ge [sflag:s10], $0x2000  }
0x291: {  	s26 =	simm.s32 $0x900;
	s5 =	simm.s32 $0x980;
	[sflag:s10] =	ssyncset.done $0x0  }
0x292: {  	s8 =	simm.s32 $0x800;
	s17 =	simm.s32 $0x600;
	[sflag:s10] =	ssyncadd.s32 $0xFFFFE000  }
0x293: {  	[spmem:s3] =	stream.indirect.scatter.add.f32 [tilespmem:s22], [sflag:$0x3], $0x40, s17, s21, $0xb8;
	[tilespmem:$0x1AC00] =	vst v63  }
.Ltmp0:
0x294: {  	s11 =	simm.s32 $0x6C00;
	s23 =	simm.s32 $0x2C00;
	(pc) =	sbr.rel @p0 .LBB2_2-.Ltmp0, $4  }
0x295: {  	s29 =	simm.s32 $0x680;
	s31 =	simm.s32 $0x700;
	s7 =	simm.s32 $0x8C00  }
0x296: {  	[spmem:s3] =	stream.indirect.scatter.add.f32 [tilespmem:s23], [sflag:$0x3], $0x40, s29, s21, $0xb8;
	[tilespmem:$0x1AC00] =	vst v63  }
0x297: {  	s2 =	simm.s32 $0xAC00;
	s6 =	simm.s32 $0xCC00;
	s9 =	simm.s32 $0xEC00  }
0x298: {  	[spmem:s3] =	stream.indirect.scatter.add.f32 [tilespmem:s25], [sflag:$0x3], $0x40, s31, s21, $0xb8;
	[tilespmem:$0x1AC00] =	vst v63  }
0x299: {  	s0 =	simm.s32 $0x780  }
0x29a: {  	[spmem:s3] =	stream.indirect.scatter.add.f32 [tilespmem:s11], [sflag:$0x3], $0x40, s0, s21, $0xb8;
	[tilespmem:$0x1AC00] =	vst v63  }
0x29b: {  	_ =	swait.ge [sflag:s20], $0x200  }
0x29c: {  	[sflag:s20] =	ssyncset.done $0x0  }
0x29d: {  	[sflag:s20] =	ssyncadd.s32 $0xFFFFFE00  }
0x29e: {  	_ =	swait.ge [sflag:s20], $0x200  }
0x29f: {  	[sflag:s20] =	ssyncset.done $0x0  }
0x2a0: {  	[sflag:s20] =	ssyncadd.s32 $0xFFFFFE00  }
0x2a1: {  	_ =	swait.ge [sflag:s14], $0x2000  }
0x2a2: {  	[sflag:s14] =	ssyncset.done $0x0  }
0x2a3: {  	[sflag:s14] =	ssyncadd.s32 $0xFFFFE000  }
0x2a4: {  	_ =	swait.ge [sflag:s14], $0x2000  }
0x2a5: {  	[sflag:s14] =	ssyncset.done $0x0  }
0x2a6: {  	[sflag:s14] =	ssyncadd.s32 $0xFFFFE000  }
0x2a7: {  	_ =	swait.ge [sflag:s14], $0x2000  }
0x2a8: {  	[sflag:s14] =	ssyncset.done $0x0  }
0x2a9: {  	[sflag:s14] =	ssyncadd.s32 $0xFFFFE000  }
0x2aa: {  	_ =	swait.ge [sflag:s14], $0x2000  }
0x2ab: {  	[sflag:s14] =	ssyncset.done $0x0  }
0x2ac: {  	[sflag:s14] =	ssyncadd.s32 $0xFFFFE000  }
0x2ad: {  	_ =	swait.ge [sflag:s10], $0x2000  }
0x2ae: {  	[sflag:s10] =	ssyncset.done $0x0  }
0x2af: {  	[sflag:s10] =	ssyncadd.s32 $0xFFFFE000  }
0x2b0: {  	_ =	swait.ge [sflag:s10], $0x2000  }
0x2b1: {  	[sflag:s10] =	ssyncset.done $0x0  }
0x2b2: {  	[sflag:s10] =	ssyncadd.s32 $0xFFFFE000  }
0x2b3: {  	_ =	swait.ge [sflag:s10], $0x2000  }
0x2b4: {  	[sflag:s10] =	ssyncset.done $0x0  }
0x2b5: {  	[sflag:s10] =	ssyncadd.s32 $0xFFFFE000  }
0x2b6: {  	_ =	swait.ge [sflag:s10], $0x2000  }
0x2b7: {  	[sflag:s10] =	ssyncset.done $0x0  }
0x2b8: {  	[sflag:s10] =	ssyncadd.s32 $0xFFFFE000  }
0x2b9: {  	[spmem:s3] =	stream.indirect.scatter.add.f32 [tilespmem:s7], [sflag:$0x3], $0x40, s8, s21, $0xb8;
	[tilespmem:$0x1AC00] =	vst v63  }
0x2ba: {  	_ = 	snop  }
0x2bb: {  	[spmem:s3] =	stream.indirect.scatter.add.f32 [tilespmem:s2], [sflag:$0x3], $0x40, s16, s21, $0xb8;
	[tilespmem:$0x1AC00] =	vst v63  }
0x2bc: {  	_ = 	snop  }
0x2bd: {  	[spmem:s3] =	stream.indirect.scatter.add.f32 [tilespmem:s6], [sflag:$0x3], $0x40, s26, s21, $0xb8;
	[tilespmem:$0x1AC00] =	vst v63  }
0x2be: {  	_ = 	snop  }
0x2bf: {  	[spmem:s3] =	stream.indirect.scatter.add.f32 [tilespmem:s9], [sflag:$0x3], $0x40, s5, s21, $0xb8;
	[tilespmem:$0x1AC00] =	vst v63  }
0x2c0: {  	_ =	swait.ge [sflag:s14], $0x2000  }
0x2c1: {  	[sflag:s14] =	ssyncset.done $0x0  }
0x2c2: {  	[sflag:s14] =	ssyncadd.s32 $0xFFFFE000  }
0x2c3: {  	_ =	swait.ge [sflag:s14], $0x2000  }
0x2c4: {  	[sflag:s14] =	ssyncset.done $0x0  }
0x2c5: {  	[sflag:s14] =	ssyncadd.s32 $0xFFFFE000  }
0x2c6: {  	_ =	swait.ge [sflag:s14], $0x2000  }
0x2c7: {  	[sflag:s14] =	ssyncset.done $0x0  }
0x2c8: {  	[sflag:s14] =	ssyncadd.s32 $0xFFFFE000  }
0x2c9: {  	_ =	swait.ge [sflag:s14], $0x2000  }
0x2ca: {  	[sflag:s14] =	ssyncset.done $0x0  }
0x2cb: {  	[sflag:s14] =	ssyncadd.s32 $0xFFFFE000  }
0x2cc: {  	[bflag:$0x0] =	sbarrier.arrive $0xFFFF  }
0x2cd: {  	s12 =	rddreg [dreg:$0x12]  }
0x2ce: {  	s24 =	rddreg [dreg:$0x19]  }
0x2cf: {  	s13 =	simm.s32 $0x4;
	s26 =	rddreg [dreg:$0x1c]  }
0x2d0: {  	[hbm:s24], [sflag:s12] =	dma.local [spmem:s26], $0x1400  }
0x2d1: {  	_ =	swait.ge [sflag:s13], $0x1400  }
0x2d2: {  	s29 =	rddreg [dreg:$0x1b]  }
0x2d3: {  	s31 =	rddreg [dreg:$0x1a];
	s0 =	sadd.s32 $0x1, s29  }
0x2d4: {  	p0 =	sne.s32 s0, s31  }
.Ltmp1:
0x2d5: {  	_ = 	snop;
	(pc) =	sbr.rel @p0 .LBB2_1-.Ltmp1, $4  }
0x2d6: {  	s15 =	simm.s32 $0x100;
	s28 =	simm.s32 $0x700  }
0x2d7: {  	s8 =	simm.s32 $0x680;
	s16 =	simm.s32 $0x180;
	s5 =	simm.s32 $0x380  }
0x2d8: {  	s24 =	simm.s32 $0x280;
	s26 =	simm.s32 $0x480;
	[sflag:s13] =	ssyncset.done $0x0  }
0x2d9: {  	[sflag:s13] =	ssyncadd.s32 $0xFFFFEC00;
	[dreg:$0x1b] =	wrdreg s0;
	s0 =	simm.s32 $0x300  }
0x2da: {  	_ =	sfence.sel $0x180000  }
0x2db: {  	[bflag:$0x0] =	sbarrier.arrive $0xFFFF  }
0x2dc: {  	_ =	strace $0x9000004A  }
0x2dd: {  	s0 =	stileid.u32;
	[bflag:$0x2] =	sbarrier.arrive $0xFFFF  }
0x2de: {  	p0 =	sne.s32 s0, $0x0;
	s0 =	rddreg [dreg:$0x3]  }
0x2df: {  	s0 =	sadd.s32 @!p0 $0x100000, s0  }
0x2e0: {  	[sflag:s0] =	ssyncadd.tile.s32 @!p0 $0x1;
	_ =	shalt  }
.Lfunc_end2:
_tile_overlayer_lowered:
.L_overlay_start_2:
0x2e1: {  	(tag) =	ssettag $0x2  }
0x2e2: {  	s0 =	rddreg [dreg:$0x0];
	s2 =	stileid.u32  }
0x2e3: {  	s1 =	rddreg [dreg:$0x1];
	p0 =	sne.s32 s2, $0x0  }
0x2e4: {  	s3 =	rddreg [dreg:$0x2];
	[bflag:$0x3] =	sbarrier.arrive $0xFFFF;
	s2 =	simm.s32 @!p0 $0x1C04  }
0x2e5: {  	[timem:s3], [sflag:s2] =	dma.local @!p0 [hbm:s0], s1  }
0x2e6: {  	s0 =	simm.s32 @!p0 $0x4  }
0x2e7: {  	_ =	swait.ge @!p0 [sflag:s0], s1  }
0x2e8: {  	s1 =	ssub.s32 @!p0 $0x0, s1;
	[sflag:s0] =	ssyncset.done @!p0 $0x0  }
0x2e9: {  	[sflag:s0] =	ssyncadd.s32 @!p0 s1  }
0x2ea: {  	[bflag:$0x3] =	sbarrier.arrive $0xFFFF  }
0x2eb: {  	_ =	shalt  }

</sc_bundles>
